<compile_context>
chip_gen: v7x
topology: tpu7x:2x2x1
jax: 0.10.2.dev20260603
libtpu: 0.0.44.dev20260713+nightly
codegen_flags: <defaults>
</compile_context>

<pallas_src>
import functools

import jax
import jax.numpy as jnp
from jax import lax
from jax.experimental import pallas as pl
from jax.experimental.pallas import tpu as pltpu
from jax.experimental.pallas import tpu_sc as plsc

N = 10000
E = 320000
NC = 2
NS = 16
NW = NC * NS
B = 80
STEPS = 125
PAIRS = (STEPS - 1) // 2
NA = 10112
RPT = NA // NS
_CHUNKS = [B] * (RPT // B) + ([RPT % B] if RPT % B else [])

_MESH = plsc.VectorSubcoreMesh(core_axis_name="c", subcore_axis_name="s")
_SC_PARAMS = pltpu.CompilerParams(use_tc_tiling_on_sc=False)



@functools.partial(
    pl.kernel,
    out_type=jax.ShapeDtypeStruct((NC, N), jnp.float32),
    mesh=_MESH,
    scratch_types=[
        pltpu.VMEM((B,), jnp.float32),
        pltpu.VMEM((STEPS, B), jnp.int32),
        pltpu.VMEM((640,), jnp.float32),
        pltpu.VMEM_SHARED((NA,), jnp.float32),
    ],
    compiler_params=_SC_PARAMS,
)
def _deg(e_hbm, deg_hbm, ones_v, idx_v, zbuf, acc):
    c = lax.axis_index("c")
    s = lax.axis_index("s")
    wid = c * NS + s
    one = jnp.ones((16,), jnp.float32)
    zero = jnp.zeros((16,), jnp.float32)
    for k in range(B // 16):
        ones_v[pl.ds(16 * k, 16)] = one

    @pl.when(s == 0)
    def _zero_acc():
        for k in range(40):
            zbuf[pl.ds(16 * k, 16)] = zero
        for k in range(NA // 640):
            pltpu.sync_copy(zbuf, acc.at[pl.ds(640 * k, 640)])
        rem = NA % 640
        if rem:
            pltpu.sync_copy(zbuf.at[pl.ds(0, rem)],
                            acc.at[pl.ds(NA - rem, rem)])

    pltpu.sync_copy(e_hbm.at[1, wid], idx_v)
    plsc.subcore_barrier()

    def step(i, carry):
        pltpu.sync_copy(ones_v, acc.at[idx_v.at[i]], add=True)
        return carry

    lax.fori_loop(0, STEPS, step, 0)
    plsc.subcore_barrier()

    @pl.when(s == 0)
    def _copy_out():
        pltpu.sync_copy(acc.at[pl.ds(0, N)], deg_hbm.at[c])



def _make_agg(D):
    @functools.partial(
        pl.kernel,
        out_type=jax.ShapeDtypeStruct((NC, NA, D), jnp.float32),
        mesh=_MESH,
        scratch_types=[
            pltpu.VMEM((STEPS, B), jnp.int32),
            pltpu.VMEM((STEPS, B), jnp.int32),
            pltpu.VMEM((B, D), jnp.float32),
            pltpu.VMEM((B, D), jnp.float32),
            pltpu.VMEM_SHARED((NA, D), jnp.float32),
            pltpu.SemaphoreType.DMA,
            pltpu.SemaphoreType.DMA,
            pltpu.SemaphoreType.DMA,
            pltpu.SemaphoreType.DMA,
        ],
        compiler_params=_SC_PARAMS,
    )
    def agg(h_hbm, e_hbm, out_hbm, sidx, didx, rows0, rows1, acc,
            gsem0, gsem1, ssem0, ssem1):
        c = lax.axis_index("c")
        s = lax.axis_index("s")
        wid = c * NS + s
        zero = jnp.zeros((16,), jnp.float32)

        def zrow(r, carry):
            def zcol(k, carry2):
                rows0[r, pl.ds(k * 16, 16)] = zero
                return carry2
            return lax.fori_loop(0, D // 16, zcol, carry)

        lax.fori_loop(0, B, zrow, 0)
        base = s * RPT
        off = 0
        for n in _CHUNKS:
            pltpu.sync_copy(rows0.at[pl.ds(0, n)],
                            acc.at[pl.ds(base + off, n)])
            off += n
        pltpu.sync_copy(e_hbm.at[0, wid], sidx)
        pltpu.sync_copy(e_hbm.at[1, wid], didx)
        plsc.subcore_barrier()

        pltpu.async_copy(h_hbm.at[sidx.at[0]], rows0, gsem0)
        pltpu.async_copy(h_hbm.at[sidx.at[1]], rows1, gsem1)

        def pair(p, carry):
            i0 = 2 * p
            pltpu.make_async_copy(h_hbm.at[sidx.at[i0]], rows0, gsem0).wait()
            pltpu.async_copy(rows0, acc.at[didx.at[i0]], ssem0, add=True)
            pltpu.make_async_copy(h_hbm.at[sidx.at[i0 + 1]], rows1,
                                  gsem1).wait()
            pltpu.async_copy(rows1, acc.at[didx.at[i0 + 1]], ssem1, add=True)

            @pl.when(p < PAIRS - 1)
            def _prefetch():
                pltpu.make_async_copy(rows0, acc.at[didx.at[i0]],
                                      ssem0).wait()
                pltpu.async_copy(h_hbm.at[sidx.at[i0 + 2]], rows0, gsem0)
                pltpu.make_async_copy(rows1, acc.at[didx.at[i0 + 1]],
                                      ssem1).wait()
                pltpu.async_copy(h_hbm.at[sidx.at[i0 + 3]], rows1, gsem1)

            return carry

        lax.fori_loop(0, PAIRS, pair, 0)
        pltpu.make_async_copy(rows0, acc.at[didx.at[STEPS - 3]], ssem0).wait()
        pltpu.async_copy(h_hbm.at[sidx.at[STEPS - 1]], rows0, gsem0)
        pltpu.make_async_copy(rows1, acc.at[didx.at[STEPS - 2]], ssem1).wait()
        pltpu.make_async_copy(h_hbm.at[sidx.at[STEPS - 1]], rows0,
                              gsem0).wait()
        pltpu.async_copy(rows0, acc.at[didx.at[STEPS - 1]], ssem0, add=True)
        pltpu.make_async_copy(rows0, acc.at[didx.at[STEPS - 1]], ssem0).wait()
        plsc.subcore_barrier()
        off = 0
        for n in _CHUNKS:
            pltpu.sync_copy(acc.at[pl.ds(base + off, n)],
                            out_hbm.at[c, pl.ds(base + off, n)])
            off += n

    return agg


_agg128 = _make_agg(128)
_agg64 = _make_agg(64)



GB = 2000
GRID = N // GB
_DOT = dict(preferred_element_type=jnp.float32, precision=lax.Precision.HIGHEST)


def _mm_scale_body(deg_ref, x_ref, w_ref, o_ref):
    dinv = lax.rsqrt(1.0 + deg_ref[0] + deg_ref[1])
    o_ref[...] = lax.dot_general(x_ref[...] * dinv, w_ref[...],
                                 (((1,), (0,)), ((), ())), **_DOT)


def _fused_body(agg_ref, h_ref, deg_ref, b_ref, w_ref, o_ref):
    dinv = lax.rsqrt(1.0 + deg_ref[0] + deg_ref[1])
    t = jnp.maximum(dinv * (agg_ref[0] + agg_ref[1] + h_ref[...]) + b_ref[...],
                    0.0)
    o_ref[...] = lax.dot_general(t * dinv, w_ref[...],
                                 (((1,), (0,)), ((), ())), **_DOT)


def _final_body(agg_ref, h_ref, deg_ref, b_ref, o_ref):
    dinv = lax.rsqrt(1.0 + deg_ref[0] + deg_ref[1])
    o_ref[...] = dinv * (agg_ref[0] + agg_ref[1] + h_ref[...]) + b_ref[...]


def _row_spec(d):
    return pl.BlockSpec((GB, d), lambda i: (i, 0))


_DEG_SPEC = pl.BlockSpec((NC, GB, 1), lambda i: (0, i, 0))


def _agg_spec(d):
    return pl.BlockSpec((NC, GB, d), lambda i: (0, i, 0))


def _w_spec(din, dout):
    return pl.BlockSpec((din, dout), lambda i: (0, 0))


def _b_spec(d):
    return pl.BlockSpec((1, d), lambda i: (0, 0))


_mm_scale = pl.pallas_call(
    _mm_scale_body, grid=(GRID,),
    in_specs=[_DEG_SPEC, _row_spec(128), _w_spec(128, 128)],
    out_specs=_row_spec(128),
    out_shape=jax.ShapeDtypeStruct((N, 128), jnp.float32),
)


def _make_fused(dout):
    return pl.pallas_call(
        _fused_body, grid=(GRID,),
        in_specs=[_agg_spec(128), _row_spec(128), _DEG_SPEC, _b_spec(128),
                  _w_spec(128, dout)],
        out_specs=_row_spec(dout),
        out_shape=jax.ShapeDtypeStruct((N, dout), jnp.float32),
    )


_fused128 = _make_fused(128)
_fused64 = _make_fused(64)

_final = pl.pallas_call(
    _final_body, grid=(GRID,),
    in_specs=[_agg_spec(64), _row_spec(64), _DEG_SPEC, _b_spec(64)],
    out_specs=_row_spec(64),
    out_shape=jax.ShapeDtypeStruct((N, 64), jnp.float32),
)


def kernel(x, edge_index, W1, b1, W2, b2, W3, b3):
    e4 = edge_index.astype(jnp.int32).reshape(2, NW, STEPS, B)
    deg2 = _deg(e4)[:, :, None]
    h1p = _mm_scale(deg2, x, W1)
    agg1 = _agg128(h1p, e4)
    h2p = _fused128(agg1, h1p, deg2, b1.reshape(1, -1), W2)
    agg2 = _agg128(h2p, e4)
    h3p = _fused64(agg2, h2p, deg2, b2.reshape(1, -1), W3)
    agg3 = _agg64(h3p, e4)
    return _final(agg3, h3p, deg2, b3.reshape(1, -1))

# --- scband reference (transcript-rebuilt; emitter-appended) ---
"""Pipeline reference for scband-node-gcn-3985729651396 (READ-ONLY COPY).

The authoritative reference and input builder live on the scoring server;
editing this copy changes nothing except your own understanding.
"""

import jax, jax.numpy as jnp
import numpy as np

N_NODES = 10000
N_EDGES = 320000
D_IN = 128
D_HID = 128
D_OUT = 64


def _glorot(key, shape):
    fan_in, fan_out = shape[0], shape[1]
    limit = float(np.sqrt(6.0 / (fan_in + fan_out)))
    return jax.random.uniform(key, shape, dtype=jnp.float32, minval=-limit, maxval=limit)


def setup_inputs(seed: int = 0) -> dict:
    key = jax.random.key(seed)
    ks = jax.random.split(key, 8)
    x = jax.random.normal(ks[0], (N_NODES, D_IN), dtype=jnp.float32)
    edge_index = jax.random.randint(ks[1], (2, N_EDGES), 0, N_NODES, dtype=jnp.int64)
    W1 = _glorot(ks[2], (D_IN, D_HID))
    b1 = jnp.zeros((D_HID,), dtype=jnp.float32)
    W2 = _glorot(ks[3], (D_HID, D_HID))
    b2 = jnp.zeros((D_HID,), dtype=jnp.float32)
    W3 = _glorot(ks[4], (D_HID, D_OUT))
    b3 = jnp.zeros((D_OUT,), dtype=jnp.float32)
    return {"x": x, "edge_index": edge_index, "W1": W1, "b1": b1, "W2": W2, "b2": b2, "W3": W3, "b3": b3}


def _gcn_conv(x, src, dst, n, W, b):
    # PyG GCNConv: linear transform, symmetric normalization with self-loops,
    # scatter-add aggregation over destination nodes, then bias.
    h = x @ W
    ones = jnp.ones((src.shape[0],), dtype=h.dtype)
    deg = jnp.zeros((n,), dtype=h.dtype).at[dst].add(ones)
    dinv = jnp.where(deg > 0, deg ** -0.5, 0.0)
    norm = dinv[src] * dinv[dst]
    msgs = h[src] * norm[:, None]
    out = jnp.zeros((n, h.shape[1]), dtype=h.dtype).at[dst].add(msgs)
    return out + b


def reference(x, edge_index, W1, b1, W2, b2, W3, b3):
    n = x.shape[0]
    loop = jnp.arange(n, dtype=edge_index.dtype)
    src = jnp.concatenate([edge_index[0], loop])
    dst = jnp.concatenate([edge_index[1], loop])
    h = jax.nn.relu(_gcn_conv(x, src, dst, n, W1, b1))
    # dropout p=0.0 is a no-op
    h = jax.nn.relu(_gcn_conv(h, src, dst, n, W2, b2))
    out = _gcn_conv(h, src, dst, n, W3, b3)
    return out

if __name__ == "__main__":
    import jax
    _d = setup_inputs()
    print(jax.jit(kernel)(*tuple(_d.values())))

</pallas_src>

<mosaic_0001>
#map = affine_map<(d0, d1) -> (0, 0, 0, 0)>
#map1 = affine_map<(d0, d1) -> (0, 0)>
module attributes {stable_mosaic.version = 14 : i64} {
  func.func @_deg(%arg0: i32, %arg1: i32, %arg2: memref<2x32x125x80xi32, #tpu.memory_space<hbm>>, %arg3: memref<2x10000xf32, #tpu.memory_space<hbm>>, %arg4: memref<80xf32, #tpu.memory_space<vmem>>, %arg5: memref<125x80xi32, #tpu.memory_space<vmem>>, %arg6: memref<640xf32, #tpu.memory_space<vmem>>, %arg7: memref<10112xf32, #tpu.memory_space<vmem_shared>>) attributes {dimension_semantics = [#tpu.dimension_semantics<core_parallel>, #tpu.dimension_semantics<subcore_parallel>], iteration_bounds = array<i64: 2, 16>, scalar_prefetch = 0 : i64, scratch_operands = 4 : i64, tpu.core_type = #tpu.core_type<sc_vector_subcore>, window_params = [{transform_indices = #map}, {transform_indices = #map1}]} {
    %mul3A = arith.constant 16 : i32
    %mul3A_0 = arith.muli %arg0, %mul3A : i32
    %add3A = arith.addi %mul3A_0, %arg1 : i32
    %broadcast_in_dim3A = arith.constant 1.000000e+00 : f32
    %broadcast_in_dim3A_1 = vector.broadcast %broadcast_in_dim3A : f32 to vector<16xf32>
    %broadcast_in_dim3A_2 = arith.constant 0.000000e+00 : f32
    %broadcast_in_dim3A_3 = vector.broadcast %broadcast_in_dim3A_2 : f32 to vector<16xf32>
    %swap3A = arith.constant 0 : index
    %swap3A_4 = tpu.vector_load %arg4[%swap3A] {strides = array<i32>} : memref<80xf32, #tpu.memory_space<vmem>>, vector<16xf32>,
    %swap3A_5 = vector.shape_cast %swap3A_4 : vector<16xf32> to vector<16xf32>
    %swap3A_6 = vector.shape_cast %broadcast_in_dim3A_1 : vector<16xf32> to vector<16xf32>
    tpu.vector_store %arg4[%swap3A], %swap3A_6 {strides = array<i32>} : memref<80xf32, #tpu.memory_space<vmem>>, vector<16xf32>,
    %swap3A_7 = arith.constant 16 : index
    %swap3A_8 = tpu.vector_load %arg4[%swap3A_7] {strides = array<i32>} : memref<80xf32, #tpu.memory_space<vmem>>, vector<16xf32>,
    %swap3A_9 = vector.shape_cast %swap3A_8 : vector<16xf32> to vector<16xf32>
    %swap3A_10 = vector.shape_cast %broadcast_in_dim3A_1 : vector<16xf32> to vector<16xf32>
    tpu.vector_store %arg4[%swap3A_7], %swap3A_10 {strides = array<i32>} : memref<80xf32, #tpu.memory_space<vmem>>, vector<16xf32>,
    %swap3A_11 = arith.constant 32 : index
    %swap3A_12 = tpu.vector_load %arg4[%swap3A_11] {strides = array<i32>} : memref<80xf32, #tpu.memory_space<vmem>>, vector<16xf32>,
    %swap3A_13 = vector.shape_cast %swap3A_12 : vector<16xf32> to vector<16xf32>
    %swap3A_14 = vector.shape_cast %broadcast_in_dim3A_1 : vector<16xf32> to vector<16xf32>
    tpu.vector_store %arg4[%swap3A_11], %swap3A_14 {strides = array<i32>} : memref<80xf32, #tpu.memory_space<vmem>>, vector<16xf32>,
    %swap3A_15 = arith.constant 48 : index
    %swap3A_16 = tpu.vector_load %arg4[%swap3A_15] {strides = array<i32>} : memref<80xf32, #tpu.memory_space<vmem>>, vector<16xf32>,
    %swap3A_17 = vector.shape_cast %swap3A_16 : vector<16xf32> to vector<16xf32>
    %swap3A_18 = vector.shape_cast %broadcast_in_dim3A_1 : vector<16xf32> to vector<16xf32>
    tpu.vector_store %arg4[%swap3A_15], %swap3A_18 {strides = array<i32>} : memref<80xf32, #tpu.memory_space<vmem>>, vector<16xf32>,
    %swap3A_19 = arith.constant 64 : index
    %swap3A_20 = tpu.vector_load %arg4[%swap3A_19] {strides = array<i32>} : memref<80xf32, #tpu.memory_space<vmem>>, vector<16xf32>,
    %swap3A_21 = vector.shape_cast %swap3A_20 : vector<16xf32> to vector<16xf32>
    %swap3A_22 = vector.shape_cast %broadcast_in_dim3A_1 : vector<16xf32> to vector<16xf32>
    tpu.vector_store %arg4[%swap3A_19], %swap3A_22 {strides = array<i32>} : memref<80xf32, #tpu.memory_space<vmem>>, vector<16xf32>,
    %eq3A = arith.constant 0 : i32
    %eq3A_23 = arith.cmpi eq, %arg1, %eq3A : i32
    %convert_element_type3A = arith.extui %eq3A_23 : i1 to i32
    %cond3A = arith.constant 0 : i32
    %cond3A_24 = arith.cmpi ne, %convert_element_type3A, %cond3A : i32
    scf.if %cond3A_24 {
      %swap3A_36 = arith.constant 0 : index
      %swap3A_37 = tpu.vector_load %arg6[%swap3A_36] {strides = array<i32>} : memref<640xf32, #tpu.memory_space<vmem>>, vector<16xf32>,
      %swap3A_38 = vector.shape_cast %swap3A_37 : vector<16xf32> to vector<16xf32>
      %swap3A_39 = vector.shape_cast %broadcast_in_dim3A_3 : vector<16xf32> to vector<16xf32>
      tpu.vector_store %arg6[%swap3A_36], %swap3A_39 {strides = array<i32>} : memref<640xf32, #tpu.memory_space<vmem>>, vector<16xf32>,
      %swap3A_40 = arith.constant 16 : index
      %swap3A_41 = tpu.vector_load %arg6[%swap3A_40] {strides = array<i32>} : memref<640xf32, #tpu.memory_space<vmem>>, vector<16xf32>,
      %swap3A_42 = vector.shape_cast %swap3A_41 : vector<16xf32> to vector<16xf32>
      %swap3A_43 = vector.shape_cast %broadcast_in_dim3A_3 : vector<16xf32> to vector<16xf32>
      tpu.vector_store %arg6[%swap3A_40], %swap3A_43 {strides = array<i32>} : memref<640xf32, #tpu.memory_space<vmem>>, vector<16xf32>,
      %swap3A_44 = arith.constant 32 : index
      %swap3A_45 = tpu.vector_load %arg6[%swap3A_44] {strides = array<i32>} : memref<640xf32, #tpu.memory_space<vmem>>, vector<16xf32>,
      %swap3A_46 = vector.shape_cast %swap3A_45 : vector<16xf32> to vector<16xf32>
      %swap3A_47 = vector.shape_cast %broadcast_in_dim3A_3 : vector<16xf32> to vector<16xf32>
      tpu.vector_store %arg6[%swap3A_44], %swap3A_47 {strides = array<i32>} : memref<640xf32, #tpu.memory_space<vmem>>, vector<16xf32>,
      %swap3A_48 = arith.constant 48 : index
      %swap3A_49 = tpu.vector_load %arg6[%swap3A_48] {strides = array<i32>} : memref<640xf32, #tpu.memory_space<vmem>>, vector<16xf32>,
      %swap3A_50 = vector.shape_cast %swap3A_49 : vector<16xf32> to vector<16xf32>
      %swap3A_51 = vector.shape_cast %broadcast_in_dim3A_3 : vector<16xf32> to vector<16xf32>
      tpu.vector_store %arg6[%swap3A_48], %swap3A_51 {strides = array<i32>} : memref<640xf32, #tpu.memory_space<vmem>>, vector<16xf32>,
      %swap3A_52 = arith.constant 64 : index
      %swap3A_53 = tpu.vector_load %arg6[%swap3A_52] {strides = array<i32>} : memref<640xf32, #tpu.memory_space<vmem>>, vector<16xf32>,
      %swap3A_54 = vector.shape_cast %swap3A_53 : vector<16xf32> to vector<16xf32>
      %swap3A_55 = vector.shape_cast %broadcast_in_dim3A_3 : vector<16xf32> to vector<16xf32>
      tpu.vector_store %arg6[%swap3A_52], %swap3A_55 {strides = array<i32>} : memref<640xf32, #tpu.memory_space<vmem>>, vector<16xf32>,
      %swap3A_56 = arith.constant 80 : index
      %swap3A_57 = tpu.vector_load %arg6[%swap3A_56] {strides = array<i32>} : memref<640xf32, #tpu.memory_space<vmem>>, vector<16xf32>,
      %swap3A_58 = vector.shape_cast %swap3A_57 : vector<16xf32> to vector<16xf32>
      %swap3A_59 = vector.shape_cast %broadcast_in_dim3A_3 : vector<16xf32> to vector<16xf32>
      tpu.vector_store %arg6[%swap3A_56], %swap3A_59 {strides = array<i32>} : memref<640xf32, #tpu.memory_space<vmem>>, vector<16xf32>,
      %swap3A_60 = arith.constant 96 : index
      %swap3A_61 = tpu.vector_load %arg6[%swap3A_60] {strides = array<i32>} : memref<640xf32, #tpu.memory_space<vmem>>, vector<16xf32>,
      %swap3A_62 = vector.shape_cast %swap3A_61 : vector<16xf32> to vector<16xf32>
      %swap3A_63 = vector.shape_cast %broadcast_in_dim3A_3 : vector<16xf32> to vector<16xf32>
      tpu.vector_store %arg6[%swap3A_60], %swap3A_63 {strides = array<i32>} : memref<640xf32, #tpu.memory_space<vmem>>, vector<16xf32>,
      %swap3A_64 = arith.constant 112 : index
      %swap3A_65 = tpu.vector_load %arg6[%swap3A_64] {strides = array<i32>} : memref<640xf32, #tpu.memory_space<vmem>>, vector<16xf32>,
      %swap3A_66 = vector.shape_cast %swap3A_65 : vector<16xf32> to vector<16xf32>
      %swap3A_67 = vector.shape_cast %broadcast_in_dim3A_3 : vector<16xf32> to vector<16xf32>
      tpu.vector_store %arg6[%swap3A_64], %swap3A_67 {strides = array<i32>} : memref<640xf32, #tpu.memory_space<vmem>>, vector<16xf32>,
      %swap3A_68 = arith.constant 128 : index
      %swap3A_69 = tpu.vector_load %arg6[%swap3A_68] {strides = array<i32>} : memref<640xf32, #tpu.memory_space<vmem>>, vector<16xf32>,
      %swap3A_70 = vector.shape_cast %swap3A_69 : vector<16xf32> to vector<16xf32>
      %swap3A_71 = vector.shape_cast %broadcast_in_dim3A_3 : vector<16xf32> to vector<16xf32>
      tpu.vector_store %arg6[%swap3A_68], %swap3A_71 {strides = array<i32>} : memref<640xf32, #tpu.memory_space<vmem>>, vector<16xf32>,
      %swap3A_72 = arith.constant 144 : index
      %swap3A_73 = tpu.vector_load %arg6[%swap3A_72] {strides = array<i32>} : memref<640xf32, #tpu.memory_space<vmem>>, vector<16xf32>,
      %swap3A_74 = vector.shape_cast %swap3A_73 : vector<16xf32> to vector<16xf32>
      %swap3A_75 = vector.shape_cast %broadcast_in_dim3A_3 : vector<16xf32> to vector<16xf32>
      tpu.vector_store %arg6[%swap3A_72], %swap3A_75 {strides = array<i32>} : memref<640xf32, #tpu.memory_space<vmem>>, vector<16xf32>,
      %swap3A_76 = arith.constant 160 : index
      %swap3A_77 = tpu.vector_load %arg6[%swap3A_76] {strides = array<i32>} : memref<640xf32, #tpu.memory_space<vmem>>, vector<16xf32>,
      %swap3A_78 = vector.shape_cast %swap3A_77 : vector<16xf32> to vector<16xf32>
      %swap3A_79 = vector.shape_cast %broadcast_in_dim3A_3 : vector<16xf32> to vector<16xf32>
      tpu.vector_store %arg6[%swap3A_76], %swap3A_79 {strides = array<i32>} : memref<640xf32, #tpu.memory_space<vmem>>, vector<16xf32>,
      %swap3A_80 = arith.constant 176 : index
      %swap3A_81 = tpu.vector_load %arg6[%swap3A_80] {strides = array<i32>} : memref<640xf32, #tpu.memory_space<vmem>>, vector<16xf32>,
      %swap3A_82 = vector.shape_cast %swap3A_81 : vector<16xf32> to vector<16xf32>
      %swap3A_83 = vector.shape_cast %broadcast_in_dim3A_3 : vector<16xf32> to vector<16xf32>
      tpu.vector_store %arg6[%swap3A_80], %swap3A_83 {strides = array<i32>} : memref<640xf32, #tpu.memory_space<vmem>>, vector<16xf32>,
      %swap3A_84 = arith.constant 192 : index
      %swap3A_85 = tpu.vector_load %arg6[%swap3A_84] {strides = array<i32>} : memref<640xf32, #tpu.memory_space<vmem>>, vector<16xf32>,
      %swap3A_86 = vector.shape_cast %swap3A_85 : vector<16xf32> to vector<16xf32>
      %swap3A_87 = vector.shape_cast %broadcast_in_dim3A_3 : vector<16xf32> to vector<16xf32>
      tpu.vector_store %arg6[%swap3A_84], %swap3A_87 {strides = array<i32>} : memref<640xf32, #tpu.memory_space<vmem>>, vector<16xf32>,
      %swap3A_88 = arith.constant 208 : index
      %swap3A_89 = tpu.vector_load %arg6[%swap3A_88] {strides = array<i32>} : memref<640xf32, #tpu.memory_space<vmem>>, vector<16xf32>,
      %swap3A_90 = vector.shape_cast %swap3A_89 : vector<16xf32> to vector<16xf32>
      %swap3A_91 = vector.shape_cast %broadcast_in_dim3A_3 : vector<16xf32> to vector<16xf32>
      tpu.vector_store %arg6[%swap3A_88], %swap3A_91 {strides = array<i32>} : memref<640xf32, #tpu.memory_space<vmem>>, vector<16xf32>,
      %swap3A_92 = arith.constant 224 : index
      %swap3A_93 = tpu.vector_load %arg6[%swap3A_92] {strides = array<i32>} : memref<640xf32, #tpu.memory_space<vmem>>, vector<16xf32>,
      %swap3A_94 = vector.shape_cast %swap3A_93 : vector<16xf32> to vector<16xf32>
      %swap3A_95 = vector.shape_cast %broadcast_in_dim3A_3 : vector<16xf32> to vector<16xf32>
      tpu.vector_store %arg6[%swap3A_92], %swap3A_95 {strides = array<i32>} : memref<640xf32, #tpu.memory_space<vmem>>, vector<16xf32>,
      %swap3A_96 = arith.constant 240 : index
      %swap3A_97 = tpu.vector_load %arg6[%swap3A_96] {strides = array<i32>} : memref<640xf32, #tpu.memory_space<vmem>>, vector<16xf32>,
      %swap3A_98 = vector.shape_cast %swap3A_97 : vector<16xf32> to vector<16xf32>
      %swap3A_99 = vector.shape_cast %broadcast_in_dim3A_3 : vector<16xf32> to vector<16xf32>
      tpu.vector_store %arg6[%swap3A_96], %swap3A_99 {strides = array<i32>} : memref<640xf32, #tpu.memory_space<vmem>>, vector<16xf32>,
      %swap3A_100 = arith.constant 256 : index
      %swap3A_101 = tpu.vector_load %arg6[%swap3A_100] {strides = array<i32>} : memref<640xf32, #tpu.memory_space<vmem>>, vector<16xf32>,
      %swap3A_102 = vector.shape_cast %swap3A_101 : vector<16xf32> to vector<16xf32>
      %swap3A_103 = vector.shape_cast %broadcast_in_dim3A_3 : vector<16xf32> to vector<16xf32>
      tpu.vector_store %arg6[%swap3A_100], %swap3A_103 {strides = array<i32>} : memref<640xf32, #tpu.memory_space<vmem>>, vector<16xf32>,
      %swap3A_104 = arith.constant 272 : index
      %swap3A_105 = tpu.vector_load %arg6[%swap3A_104] {strides = array<i32>} : memref<640xf32, #tpu.memory_space<vmem>>, vector<16xf32>,
      %swap3A_106 = vector.shape_cast %swap3A_105 : vector<16xf32> to vector<16xf32>
      %swap3A_107 = vector.shape_cast %broadcast_in_dim3A_3 : vector<16xf32> to vector<16xf32>
      tpu.vector_store %arg6[%swap3A_104], %swap3A_107 {strides = array<i32>} : memref<640xf32, #tpu.memory_space<vmem>>, vector<16xf32>,
      %swap3A_108 = arith.constant 288 : index
      %swap3A_109 = tpu.vector_load %arg6[%swap3A_108] {strides = array<i32>} : memref<640xf32, #tpu.memory_space<vmem>>, vector<16xf32>,
      %swap3A_110 = vector.shape_cast %swap3A_109 : vector<16xf32> to vector<16xf32>
      %swap3A_111 = vector.shape_cast %broadcast_in_dim3A_3 : vector<16xf32> to vector<16xf32>
      tpu.vector_store %arg6[%swap3A_108], %swap3A_111 {strides = array<i32>} : memref<640xf32, #tpu.memory_space<vmem>>, vector<16xf32>,
      %swap3A_112 = arith.constant 304 : index
      %swap3A_113 = tpu.vector_load %arg6[%swap3A_112] {strides = array<i32>} : memref<640xf32, #tpu.memory_space<vmem>>, vector<16xf32>,
      %swap3A_114 = vector.shape_cast %swap3A_113 : vector<16xf32> to vector<16xf32>
      %swap3A_115 = vector.shape_cast %broadcast_in_dim3A_3 : vector<16xf32> to vector<16xf32>
      tpu.vector_store %arg6[%swap3A_112], %swap3A_115 {strides = array<i32>} : memref<640xf32, #tpu.memory_space<vmem>>, vector<16xf32>,
      %swap3A_116 = arith.constant 320 : index
      %swap3A_117 = tpu.vector_load %arg6[%swap3A_116] {strides = array<i32>} : memref<640xf32, #tpu.memory_space<vmem>>, vector<16xf32>,
      %swap3A_118 = vector.shape_cast %swap3A_117 : vector<16xf32> to vector<16xf32>
      %swap3A_119 = vector.shape_cast %broadcast_in_dim3A_3 : vector<16xf32> to vector<16xf32>
      tpu.vector_store %arg6[%swap3A_116], %swap3A_119 {strides = array<i32>} : memref<640xf32, #tpu.memory_space<vmem>>, vector<16xf32>,
      %swap3A_120 = arith.constant 336 : index
      %swap3A_121 = tpu.vector_load %arg6[%swap3A_120] {strides = array<i32>} : memref<640xf32, #tpu.memory_space<vmem>>, vector<16xf32>,
      %swap3A_122 = vector.shape_cast %swap3A_121 : vector<16xf32> to vector<16xf32>
      %swap3A_123 = vector.shape_cast %broadcast_in_dim3A_3 : vector<16xf32> to vector<16xf32>
      tpu.vector_store %arg6[%swap3A_120], %swap3A_123 {strides = array<i32>} : memref<640xf32, #tpu.memory_space<vmem>>, vector<16xf32>,
      %swap3A_124 = arith.constant 352 : index
      %swap3A_125 = tpu.vector_load %arg6[%swap3A_124] {strides = array<i32>} : memref<640xf32, #tpu.memory_space<vmem>>, vector<16xf32>,
      %swap3A_126 = vector.shape_cast %swap3A_125 : vector<16xf32> to vector<16xf32>
      %swap3A_127 = vector.shape_cast %broadcast_in_dim3A_3 : vector<16xf32> to vector<16xf32>
      tpu.vector_store %arg6[%swap3A_124], %swap3A_127 {strides = array<i32>} : memref<640xf32, #tpu.memory_space<vmem>>, vector<16xf32>,
      %swap3A_128 = arith.constant 368 : index
      %swap3A_129 = tpu.vector_load %arg6[%swap3A_128] {strides = array<i32>} : memref<640xf32, #tpu.memory_space<vmem>>, vector<16xf32>,
      %swap3A_130 = vector.shape_cast %swap3A_129 : vector<16xf32> to vector<16xf32>
      %swap3A_131 = vector.shape_cast %broadcast_in_dim3A_3 : vector<16xf32> to vector<16xf32>
      tpu.vector_store %arg6[%swap3A_128], %swap3A_131 {strides = array<i32>} : memref<640xf32, #tpu.memory_space<vmem>>, vector<16xf32>,
      %swap3A_132 = arith.constant 384 : index
      %swap3A_133 = tpu.vector_load %arg6[%swap3A_132] {strides = array<i32>} : memref<640xf32, #tpu.memory_space<vmem>>, vector<16xf32>,
      %swap3A_134 = vector.shape_cast %swap3A_133 : vector<16xf32> to vector<16xf32>
      %swap3A_135 = vector.shape_cast %broadcast_in_dim3A_3 : vector<16xf32> to vector<16xf32>
      tpu.vector_store %arg6[%swap3A_132], %swap3A_135 {strides = array<i32>} : memref<640xf32, #tpu.memory_space<vmem>>, vector<16xf32>,
      %swap3A_136 = arith.constant 400 : index
      %swap3A_137 = tpu.vector_load %arg6[%swap3A_136] {strides = array<i32>} : memref<640xf32, #tpu.memory_space<vmem>>, vector<16xf32>,
      %swap3A_138 = vector.shape_cast %swap3A_137 : vector<16xf32> to vector<16xf32>
      %swap3A_139 = vector.shape_cast %broadcast_in_dim3A_3 : vector<16xf32> to vector<16xf32>
      tpu.vector_store %arg6[%swap3A_136], %swap3A_139 {strides = array<i32>} : memref<640xf32, #tpu.memory_space<vmem>>, vector<16xf32>,
      %swap3A_140 = arith.constant 416 : index
      %swap3A_141 = tpu.vector_load %arg6[%swap3A_140] {strides = array<i32>} : memref<640xf32, #tpu.memory_space<vmem>>, vector<16xf32>,
      %swap3A_142 = vector.shape_cast %swap3A_141 : vector<16xf32> to vector<16xf32>
      %swap3A_143 = vector.shape_cast %broadcast_in_dim3A_3 : vector<16xf32> to vector<16xf32>
      tpu.vector_store %arg6[%swap3A_140], %swap3A_143 {strides = array<i32>} : memref<640xf32, #tpu.memory_space<vmem>>, vector<16xf32>,
      %swap3A_144 = arith.constant 432 : index
      %swap3A_145 = tpu.vector_load %arg6[%swap3A_144] {strides = array<i32>} : memref<640xf32, #tpu.memory_space<vmem>>, vector<16xf32>,
      %swap3A_146 = vector.shape_cast %swap3A_145 : vector<16xf32> to vector<16xf32>
      %swap3A_147 = vector.shape_cast %broadcast_in_dim3A_3 : vector<16xf32> to vector<16xf32>
      tpu.vector_store %arg6[%swap3A_144], %swap3A_147 {strides = array<i32>} : memref<640xf32, #tpu.memory_space<vmem>>, vector<16xf32>,
      %swap3A_148 = arith.constant 448 : index
      %swap3A_149 = tpu.vector_load %arg6[%swap3A_148] {strides = array<i32>} : memref<640xf32, #tpu.memory_space<vmem>>, vector<16xf32>,
      %swap3A_150 = vector.shape_cast %swap3A_149 : vector<16xf32> to vector<16xf32>
      %swap3A_151 = vector.shape_cast %broadcast_in_dim3A_3 : vector<16xf32> to vector<16xf32>
      tpu.vector_store %arg6[%swap3A_148], %swap3A_151 {strides = array<i32>} : memref<640xf32, #tpu.memory_space<vmem>>, vector<16xf32>,
      %swap3A_152 = arith.constant 464 : index
      %swap3A_153 = tpu.vector_load %arg6[%swap3A_152] {strides = array<i32>} : memref<640xf32, #tpu.memory_space<vmem>>, vector<16xf32>,
      %swap3A_154 = vector.shape_cast %swap3A_153 : vector<16xf32> to vector<16xf32>
      %swap3A_155 = vector.shape_cast %broadcast_in_dim3A_3 : vector<16xf32> to vector<16xf32>
      tpu.vector_store %arg6[%swap3A_152], %swap3A_155 {strides = array<i32>} : memref<640xf32, #tpu.memory_space<vmem>>, vector<16xf32>,
      %swap3A_156 = arith.constant 480 : index
      %swap3A_157 = tpu.vector_load %arg6[%swap3A_156] {strides = array<i32>} : memref<640xf32, #tpu.memory_space<vmem>>, vector<16xf32>,
      %swap3A_158 = vector.shape_cast %swap3A_157 : vector<16xf32> to vector<16xf32>
      %swap3A_159 = vector.shape_cast %broadcast_in_dim3A_3 : vector<16xf32> to vector<16xf32>
      tpu.vector_store %arg6[%swap3A_156], %swap3A_159 {strides = array<i32>} : memref<640xf32, #tpu.memory_space<vmem>>, vector<16xf32>,
      %swap3A_160 = arith.constant 496 : index
      %swap3A_161 = tpu.vector_load %arg6[%swap3A_160] {strides = array<i32>} : memref<640xf32, #tpu.memory_space<vmem>>, vector<16xf32>,
      %swap3A_162 = vector.shape_cast %swap3A_161 : vector<16xf32> to vector<16xf32>
      %swap3A_163 = vector.shape_cast %broadcast_in_dim3A_3 : vector<16xf32> to vector<16xf32>
      tpu.vector_store %arg6[%swap3A_160], %swap3A_163 {strides = array<i32>} : memref<640xf32, #tpu.memory_space<vmem>>, vector<16xf32>,
      %swap3A_164 = arith.constant 512 : index
      %swap3A_165 = tpu.vector_load %arg6[%swap3A_164] {strides = array<i32>} : memref<640xf32, #tpu.memory_space<vmem>>, vector<16xf32>,
      %swap3A_166 = vector.shape_cast %swap3A_165 : vector<16xf32> to vector<16xf32>
      %swap3A_167 = vector.shape_cast %broadcast_in_dim3A_3 : vector<16xf32> to vector<16xf32>
      tpu.vector_store %arg6[%swap3A_164], %swap3A_167 {strides = array<i32>} : memref<640xf32, #tpu.memory_space<vmem>>, vector<16xf32>,
      %swap3A_168 = arith.constant 528 : index
      %swap3A_169 = tpu.vector_load %arg6[%swap3A_168] {strides = array<i32>} : memref<640xf32, #tpu.memory_space<vmem>>, vector<16xf32>,
      %swap3A_170 = vector.shape_cast %swap3A_169 : vector<16xf32> to vector<16xf32>
      %swap3A_171 = vector.shape_cast %broadcast_in_dim3A_3 : vector<16xf32> to vector<16xf32>
      tpu.vector_store %arg6[%swap3A_168], %swap3A_171 {strides = array<i32>} : memref<640xf32, #tpu.memory_space<vmem>>, vector<16xf32>,
      %swap3A_172 = arith.constant 544 : index
      %swap3A_173 = tpu.vector_load %arg6[%swap3A_172] {strides = array<i32>} : memref<640xf32, #tpu.memory_space<vmem>>, vector<16xf32>,
      %swap3A_174 = vector.shape_cast %swap3A_173 : vector<16xf32> to vector<16xf32>
      %swap3A_175 = vector.shape_cast %broadcast_in_dim3A_3 : vector<16xf32> to vector<16xf32>
      tpu.vector_store %arg6[%swap3A_172], %swap3A_175 {strides = array<i32>} : memref<640xf32, #tpu.memory_space<vmem>>, vector<16xf32>,
      %swap3A_176 = arith.constant 560 : index
      %swap3A_177 = tpu.vector_load %arg6[%swap3A_176] {strides = array<i32>} : memref<640xf32, #tpu.memory_space<vmem>>, vector<16xf32>,
      %swap3A_178 = vector.shape_cast %swap3A_177 : vector<16xf32> to vector<16xf32>
      %swap3A_179 = vector.shape_cast %broadcast_in_dim3A_3 : vector<16xf32> to vector<16xf32>
      tpu.vector_store %arg6[%swap3A_176], %swap3A_179 {strides = array<i32>} : memref<640xf32, #tpu.memory_space<vmem>>, vector<16xf32>,
      %swap3A_180 = arith.constant 576 : index
      %swap3A_181 = tpu.vector_load %arg6[%swap3A_180] {strides = array<i32>} : memref<640xf32, #tpu.memory_space<vmem>>, vector<16xf32>,
      %swap3A_182 = vector.shape_cast %swap3A_181 : vector<16xf32> to vector<16xf32>
      %swap3A_183 = vector.shape_cast %broadcast_in_dim3A_3 : vector<16xf32> to vector<16xf32>
      tpu.vector_store %arg6[%swap3A_180], %swap3A_183 {strides = array<i32>} : memref<640xf32, #tpu.memory_space<vmem>>, vector<16xf32>,
      %swap3A_184 = arith.constant 592 : index
      %swap3A_185 = tpu.vector_load %arg6[%swap3A_184] {strides = array<i32>} : memref<640xf32, #tpu.memory_space<vmem>>, vector<16xf32>,
      %swap3A_186 = vector.shape_cast %swap3A_185 : vector<16xf32> to vector<16xf32>
      %swap3A_187 = vector.shape_cast %broadcast_in_dim3A_3 : vector<16xf32> to vector<16xf32>
      tpu.vector_store %arg6[%swap3A_184], %swap3A_187 {strides = array<i32>} : memref<640xf32, #tpu.memory_space<vmem>>, vector<16xf32>,
      %swap3A_188 = arith.constant 608 : index
      %swap3A_189 = tpu.vector_load %arg6[%swap3A_188] {strides = array<i32>} : memref<640xf32, #tpu.memory_space<vmem>>, vector<16xf32>,
      %swap3A_190 = vector.shape_cast %swap3A_189 : vector<16xf32> to vector<16xf32>
      %swap3A_191 = vector.shape_cast %broadcast_in_dim3A_3 : vector<16xf32> to vector<16xf32>
      tpu.vector_store %arg6[%swap3A_188], %swap3A_191 {strides = array<i32>} : memref<640xf32, #tpu.memory_space<vmem>>, vector<16xf32>,
      %swap3A_192 = arith.constant 624 : index
      %swap3A_193 = tpu.vector_load %arg6[%swap3A_192] {strides = array<i32>} : memref<640xf32, #tpu.memory_space<vmem>>, vector<16xf32>,
      %swap3A_194 = vector.shape_cast %swap3A_193 : vector<16xf32> to vector<16xf32>
      %swap3A_195 = vector.shape_cast %broadcast_in_dim3A_3 : vector<16xf32> to vector<16xf32>
      tpu.vector_store %arg6[%swap3A_192], %swap3A_195 {strides = array<i32>} : memref<640xf32, #tpu.memory_space<vmem>>, vector<16xf32>,
      "tpu.region"() ({
        %run_scoped3A_196 = tpu.sem_alloc : memref<!tpu.dma_semaphore, #tpu.memory_space<semaphore_mem>>
        %dma_start3A = arith.constant 0 : i32
        %dma_start3A_197 = tpu.memref_slice %arg7[%dma_start3A] : memref<10112xf32, #tpu.memory_space<vmem_shared>> -> memref<640xf32, #tpu.memory_space<vmem_shared>>
        %dma_start3A_198 = arith.constant 0 : i32
        %dma_start3A_199 = tpu.memref_slice %arg7[%dma_start3A_198] : memref<10112xf32, #tpu.memory_space<vmem_shared>> -> memref<640xf32, #tpu.memory_space<vmem_shared>>
        tpu.enqueue_dma source(%arg6 : memref<640xf32, #tpu.memory_space<vmem>>) target(%dma_start3A_199 : memref<640xf32, #tpu.memory_space<vmem_shared>>) target_semaphore(%run_scoped3A_196 : memref<!tpu.dma_semaphore, #tpu.memory_space<semaphore_mem>>)
        %dma_wait3A = arith.constant 0 : i32
        %dma_wait3A_200 = tpu.memref_slice %arg7[%dma_wait3A] : memref<10112xf32, #tpu.memory_space<vmem_shared>> -> memref<640xf32, #tpu.memory_space<vmem_shared>>
        %dma_wait3A_201 = arith.constant 0 : i32
        %dma_wait3A_202 = tpu.memref_slice %arg7[%dma_wait3A_201] : memref<10112xf32, #tpu.memory_space<vmem_shared>> -> memref<640xf32, #tpu.memory_space<vmem_shared>>
        tpu.wait_dma2 semaphore(%run_scoped3A_196 : memref<!tpu.dma_semaphore, #tpu.memory_space<semaphore_mem>>) src(%arg6 : memref<640xf32, #tpu.memory_space<vmem>>) dst(%dma_wait3A_202 : memref<640xf32, #tpu.memory_space<vmem_shared>>)
        tpu.yield
      }) : () -> ()
      "tpu.region"() ({
        %run_scoped3A_196 = tpu.sem_alloc : memref<!tpu.dma_semaphore, #tpu.memory_space<semaphore_mem>>
        %dma_start3A = arith.constant 640 : i32
        %dma_start3A_197 = tpu.memref_slice %arg7[%dma_start3A] : memref<10112xf32, #tpu.memory_space<vmem_shared>> -> memref<640xf32, #tpu.memory_space<vmem_shared>>
        %dma_start3A_198 = arith.constant 640 : i32
        %dma_start3A_199 = tpu.memref_slice %arg7[%dma_start3A_198] : memref<10112xf32, #tpu.memory_space<vmem_shared>> -> memref<640xf32, #tpu.memory_space<vmem_shared>>
        tpu.enqueue_dma source(%arg6 : memref<640xf32, #tpu.memory_space<vmem>>) target(%dma_start3A_199 : memref<640xf32, #tpu.memory_space<vmem_shared>>) target_semaphore(%run_scoped3A_196 : memref<!tpu.dma_semaphore, #tpu.memory_space<semaphore_mem>>)
        %dma_wait3A = arith.constant 640 : i32
        %dma_wait3A_200 = tpu.memref_slice %arg7[%dma_wait3A] : memref<10112xf32, #tpu.memory_space<vmem_shared>> -> memref<640xf32, #tpu.memory_space<vmem_shared>>
        %dma_wait3A_201 = arith.constant 640 : i32
        %dma_wait3A_202 = tpu.memref_slice %arg7[%dma_wait3A_201] : memref<10112xf32, #tpu.memory_space<vmem_shared>> -> memref<640xf32, #tpu.memory_space<vmem_shared>>
        tpu.wait_dma2 semaphore(%run_scoped3A_196 : memref<!tpu.dma_semaphore, #tpu.memory_space<semaphore_mem>>) src(%arg6 : memref<640xf32, #tpu.memory_space<vmem>>) dst(%dma_wait3A_202 : memref<640xf32, #tpu.memory_space<vmem_shared>>)
        tpu.yield
      }) : () -> ()
      "tpu.region"() ({
        %run_scoped3A_196 = tpu.sem_alloc : memref<!tpu.dma_semaphore, #tpu.memory_space<semaphore_mem>>
        %dma_start3A = arith.constant 1280 : i32
        %dma_start3A_197 = tpu.memref_slice %arg7[%dma_start3A] : memref<10112xf32, #tpu.memory_space<vmem_shared>> -> memref<640xf32, #tpu.memory_space<vmem_shared>>
        %dma_start3A_198 = arith.constant 1280 : i32
        %dma_start3A_199 = tpu.memref_slice %arg7[%dma_start3A_198] : memref<10112xf32, #tpu.memory_space<vmem_shared>> -> memref<640xf32, #tpu.memory_space<vmem_shared>>
        tpu.enqueue_dma source(%arg6 : memref<640xf32, #tpu.memory_space<vmem>>) target(%dma_start3A_199 : memref<640xf32, #tpu.memory_space<vmem_shared>>) target_semaphore(%run_scoped3A_196 : memref<!tpu.dma_semaphore, #tpu.memory_space<semaphore_mem>>)
        %dma_wait3A = arith.constant 1280 : i32
        %dma_wait3A_200 = tpu.memref_slice %arg7[%dma_wait3A] : memref<10112xf32, #tpu.memory_space<vmem_shared>> -> memref<640xf32, #tpu.memory_space<vmem_shared>>
        %dma_wait3A_201 = arith.constant 1280 : i32
        %dma_wait3A_202 = tpu.memref_slice %arg7[%dma_wait3A_201] : memref<10112xf32, #tpu.memory_space<vmem_shared>> -> memref<640xf32, #tpu.memory_space<vmem_shared>>
        tpu.wait_dma2 semaphore(%run_scoped3A_196 : memref<!tpu.dma_semaphore, #tpu.memory_space<semaphore_mem>>) src(%arg6 : memref<640xf32, #tpu.memory_space<vmem>>) dst(%dma_wait3A_202 : memref<640xf32, #tpu.memory_space<vmem_shared>>)
        tpu.yield
      }) : () -> ()
      "tpu.region"() ({
        %run_scoped3A_196 = tpu.sem_alloc : memref<!tpu.dma_semaphore, #tpu.memory_space<semaphore_mem>>
        %dma_start3A = arith.constant 1920 : i32
        %dma_start3A_197 = tpu.memref_slice %arg7[%dma_start3A] : memref<10112xf32, #tpu.memory_space<vmem_shared>> -> memref<640xf32, #tpu.memory_space<vmem_shared>>
        %dma_start3A_198 = arith.constant 1920 : i32
        %dma_start3A_199 = tpu.memref_slice %arg7[%dma_start3A_198] : memref<10112xf32, #tpu.memory_space<vmem_shared>> -> memref<640xf32, #tpu.memory_space<vmem_shared>>
        tpu.enqueue_dma source(%arg6 : memref<640xf32, #tpu.memory_space<vmem>>) target(%dma_start3A_199 : memref<640xf32, #tpu.memory_space<vmem_shared>>) target_semaphore(%run_scoped3A_196 : memref<!tpu.dma_semaphore, #tpu.memory_space<semaphore_mem>>)
        %dma_wait3A = arith.constant 1920 : i32
        %dma_wait3A_200 = tpu.memref_slice %arg7[%dma_wait3A] : memref<10112xf32, #tpu.memory_space<vmem_shared>> -> memref<640xf32, #tpu.memory_space<vmem_shared>>
        %dma_wait3A_201 = arith.constant 1920 : i32
        %dma_wait3A_202 = tpu.memref_slice %arg7[%dma_wait3A_201] : memref<10112xf32, #tpu.memory_space<vmem_shared>> -> memref<640xf32, #tpu.memory_space<vmem_shared>>
        tpu.wait_dma2 semaphore(%run_scoped3A_196 : memref<!tpu.dma_semaphore, #tpu.memory_space<semaphore_mem>>) src(%arg6 : memref<640xf32, #tpu.memory_space<vmem>>) dst(%dma_wait3A_202 : memref<640xf32, #tpu.memory_space<vmem_shared>>)
        tpu.yield
      }) : () -> ()
      "tpu.region"() ({
        %run_scoped3A_196 = tpu.sem_alloc : memref<!tpu.dma_semaphore, #tpu.memory_space<semaphore_mem>>
        %dma_start3A = arith.constant 2560 : i32
        %dma_start3A_197 = tpu.memref_slice %arg7[%dma_start3A] : memref<10112xf32, #tpu.memory_space<vmem_shared>> -> memref<640xf32, #tpu.memory_space<vmem_shared>>
        %dma_start3A_198 = arith.constant 2560 : i32
        %dma_start3A_199 = tpu.memref_slice %arg7[%dma_start3A_198] : memref<10112xf32, #tpu.memory_space<vmem_shared>> -> memref<640xf32, #tpu.memory_space<vmem_shared>>
        tpu.enqueue_dma source(%arg6 : memref<640xf32, #tpu.memory_space<vmem>>) target(%dma_start3A_199 : memref<640xf32, #tpu.memory_space<vmem_shared>>) target_semaphore(%run_scoped3A_196 : memref<!tpu.dma_semaphore, #tpu.memory_space<semaphore_mem>>)
        %dma_wait3A = arith.constant 2560 : i32
        %dma_wait3A_200 = tpu.memref_slice %arg7[%dma_wait3A] : memref<10112xf32, #tpu.memory_space<vmem_shared>> -> memref<640xf32, #tpu.memory_space<vmem_shared>>
        %dma_wait3A_201 = arith.constant 2560 : i32
        %dma_wait3A_202 = tpu.memref_slice %arg7[%dma_wait3A_201] : memref<10112xf32, #tpu.memory_space<vmem_shared>> -> memref<640xf32, #tpu.memory_space<vmem_shared>>
        tpu.wait_dma2 semaphore(%run_scoped3A_196 : memref<!tpu.dma_semaphore, #tpu.memory_space<semaphore_mem>>) src(%arg6 : memref<640xf32, #tpu.memory_space<vmem>>) dst(%dma_wait3A_202 : memref<640xf32, #tpu.memory_space<vmem_shared>>)
        tpu.yield
      }) : () -> ()
      "tpu.region"() ({
        %run_scoped3A_196 = tpu.sem_alloc : memref<!tpu.dma_semaphore, #tpu.memory_space<semaphore_mem>>
        %dma_start3A = arith.constant 3200 : i32
        %dma_start3A_197 = tpu.memref_slice %arg7[%dma_start3A] : memref<10112xf32, #tpu.memory_space<vmem_shared>> -> memref<640xf32, #tpu.memory_space<vmem_shared>>
        %dma_start3A_198 = arith.constant 3200 : i32
        %dma_start3A_199 = tpu.memref_slice %arg7[%dma_start3A_198] : memref<10112xf32, #tpu.memory_space<vmem_shared>> -> memref<640xf32, #tpu.memory_space<vmem_shared>>
        tpu.enqueue_dma source(%arg6 : memref<640xf32, #tpu.memory_space<vmem>>) target(%dma_start3A_199 : memref<640xf32, #tpu.memory_space<vmem_shared>>) target_semaphore(%run_scoped3A_196 : memref<!tpu.dma_semaphore, #tpu.memory_space<semaphore_mem>>)
        %dma_wait3A = arith.constant 3200 : i32
        %dma_wait3A_200 = tpu.memref_slice %arg7[%dma_wait3A] : memref<10112xf32, #tpu.memory_space<vmem_shared>> -> memref<640xf32, #tpu.memory_space<vmem_shared>>
        %dma_wait3A_201 = arith.constant 3200 : i32
        %dma_wait3A_202 = tpu.memref_slice %arg7[%dma_wait3A_201] : memref<10112xf32, #tpu.memory_space<vmem_shared>> -> memref<640xf32, #tpu.memory_space<vmem_shared>>
        tpu.wait_dma2 semaphore(%run_scoped3A_196 : memref<!tpu.dma_semaphore, #tpu.memory_space<semaphore_mem>>) src(%arg6 : memref<640xf32, #tpu.memory_space<vmem>>) dst(%dma_wait3A_202 : memref<640xf32, #tpu.memory_space<vmem_shared>>)
        tpu.yield
      }) : () -> ()
      "tpu.region"() ({
        %run_scoped3A_196 = tpu.sem_alloc : memref<!tpu.dma_semaphore, #tpu.memory_space<semaphore_mem>>
        %dma_start3A = arith.constant 3840 : i32
        %dma_start3A_197 = tpu.memref_slice %arg7[%dma_start3A] : memref<10112xf32, #tpu.memory_space<vmem_shared>> -> memref<640xf32, #tpu.memory_space<vmem_shared>>
        %dma_start3A_198 = arith.constant 3840 : i32
        %dma_start3A_199 = tpu.memref_slice %arg7[%dma_start3A_198] : memref<10112xf32, #tpu.memory_space<vmem_shared>> -> memref<640xf32, #tpu.memory_space<vmem_shared>>
        tpu.enqueue_dma source(%arg6 : memref<640xf32, #tpu.memory_space<vmem>>) target(%dma_start3A_199 : memref<640xf32, #tpu.memory_space<vmem_shared>>) target_semaphore(%run_scoped3A_196 : memref<!tpu.dma_semaphore, #tpu.memory_space<semaphore_mem>>)
        %dma_wait3A = arith.constant 3840 : i32
        %dma_wait3A_200 = tpu.memref_slice %arg7[%dma_wait3A] : memref<10112xf32, #tpu.memory_space<vmem_shared>> -> memref<640xf32, #tpu.memory_space<vmem_shared>>
        %dma_wait3A_201 = arith.constant 3840 : i32
        %dma_wait3A_202 = tpu.memref_slice %arg7[%dma_wait3A_201] : memref<10112xf32, #tpu.memory_space<vmem_shared>> -> memref<640xf32, #tpu.memory_space<vmem_shared>>
        tpu.wait_dma2 semaphore(%run_scoped3A_196 : memref<!tpu.dma_semaphore, #tpu.memory_space<semaphore_mem>>) src(%arg6 : memref<640xf32, #tpu.memory_space<vmem>>) dst(%dma_wait3A_202 : memref<640xf32, #tpu.memory_space<vmem_shared>>)
        tpu.yield
      }) : () -> ()
      "tpu.region"() ({
        %run_scoped3A_196 = tpu.sem_alloc : memref<!tpu.dma_semaphore, #tpu.memory_space<semaphore_mem>>
        %dma_start3A = arith.constant 4480 : i32
        %dma_start3A_197 = tpu.memref_slice %arg7[%dma_start3A] : memref<10112xf32, #tpu.memory_space<vmem_shared>> -> memref<640xf32, #tpu.memory_space<vmem_shared>>
        %dma_start3A_198 = arith.constant 4480 : i32
        %dma_start3A_199 = tpu.memref_slice %arg7[%dma_start3A_198] : memref<10112xf32, #tpu.memory_space<vmem_shared>> -> memref<640xf32, #tpu.memory_space<vmem_shared>>
        tpu.enqueue_dma source(%arg6 : memref<640xf32, #tpu.memory_space<vmem>>) target(%dma_start3A_199 : memref<640xf32, #tpu.memory_space<vmem_shared>>) target_semaphore(%run_scoped3A_196 : memref<!tpu.dma_semaphore, #tpu.memory_space<semaphore_mem>>)
        %dma_wait3A = arith.constant 4480 : i32
        %dma_wait3A_200 = tpu.memref_slice %arg7[%dma_wait3A] : memref<10112xf32, #tpu.memory_space<vmem_shared>> -> memref<640xf32, #tpu.memory_space<vmem_shared>>
        %dma_wait3A_201 = arith.constant 4480 : i32
        %dma_wait3A_202 = tpu.memref_slice %arg7[%dma_wait3A_201] : memref<10112xf32, #tpu.memory_space<vmem_shared>> -> memref<640xf32, #tpu.memory_space<vmem_shared>>
        tpu.wait_dma2 semaphore(%run_scoped3A_196 : memref<!tpu.dma_semaphore, #tpu.memory_space<semaphore_mem>>) src(%arg6 : memref<640xf32, #tpu.memory_space<vmem>>) dst(%dma_wait3A_202 : memref<640xf32, #tpu.memory_space<vmem_shared>>)
        tpu.yield
      }) : () -> ()
      "tpu.region"() ({
        %run_scoped3A_196 = tpu.sem_alloc : memref<!tpu.dma_semaphore, #tpu.memory_space<semaphore_mem>>
        %dma_start3A = arith.constant 5120 : i32
        %dma_start3A_197 = tpu.memref_slice %arg7[%dma_start3A] : memref<10112xf32, #tpu.memory_space<vmem_shared>> -> memref<640xf32, #tpu.memory_space<vmem_shared>>
        %dma_start3A_198 = arith.constant 5120 : i32
        %dma_start3A_199 = tpu.memref_slice %arg7[%dma_start3A_198] : memref<10112xf32, #tpu.memory_space<vmem_shared>> -> memref<640xf32, #tpu.memory_space<vmem_shared>>
        tpu.enqueue_dma source(%arg6 : memref<640xf32, #tpu.memory_space<vmem>>) target(%dma_start3A_199 : memref<640xf32, #tpu.memory_space<vmem_shared>>) target_semaphore(%run_scoped3A_196 : memref<!tpu.dma_semaphore, #tpu.memory_space<semaphore_mem>>)
        %dma_wait3A = arith.constant 5120 : i32
        %dma_wait3A_200 = tpu.memref_slice %arg7[%dma_wait3A] : memref<10112xf32, #tpu.memory_space<vmem_shared>> -> memref<640xf32, #tpu.memory_space<vmem_shared>>
        %dma_wait3A_201 = arith.constant 5120 : i32
        %dma_wait3A_202 = tpu.memref_slice %arg7[%dma_wait3A_201] : memref<10112xf32, #tpu.memory_space<vmem_shared>> -> memref<640xf32, #tpu.memory_space<vmem_shared>>
        tpu.wait_dma2 semaphore(%run_scoped3A_196 : memref<!tpu.dma_semaphore, #tpu.memory_space<semaphore_mem>>) src(%arg6 : memref<640xf32, #tpu.memory_space<vmem>>) dst(%dma_wait3A_202 : memref<640xf32, #tpu.memory_space<vmem_shared>>)
        tpu.yield
      }) : () -> ()
      "tpu.region"() ({
        %run_scoped3A_196 = tpu.sem_alloc : memref<!tpu.dma_semaphore, #tpu.memory_space<semaphore_mem>>
        %dma_start3A = arith.constant 5760 : i32
        %dma_start3A_197 = tpu.memref_slice %arg7[%dma_start3A] : memref<10112xf32, #tpu.memory_space<vmem_shared>> -> memref<640xf32, #tpu.memory_space<vmem_shared>>
        %dma_start3A_198 = arith.constant 5760 : i32
        %dma_start3A_199 = tpu.memref_slice %arg7[%dma_start3A_198] : memref<10112xf32, #tpu.memory_space<vmem_shared>> -> memref<640xf32, #tpu.memory_space<vmem_shared>>
        tpu.enqueue_dma source(%arg6 : memref<640xf32, #tpu.memory_space<vmem>>) target(%dma_start3A_199 : memref<640xf32, #tpu.memory_space<vmem_shared>>) target_semaphore(%run_scoped3A_196 : memref<!tpu.dma_semaphore, #tpu.memory_space<semaphore_mem>>)
        %dma_wait3A = arith.constant 5760 : i32
        %dma_wait3A_200 = tpu.memref_slice %arg7[%dma_wait3A] : memref<10112xf32, #tpu.memory_space<vmem_shared>> -> memref<640xf32, #tpu.memory_space<vmem_shared>>
        %dma_wait3A_201 = arith.constant 5760 : i32
        %dma_wait3A_202 = tpu.memref_slice %arg7[%dma_wait3A_201] : memref<10112xf32, #tpu.memory_space<vmem_shared>> -> memref<640xf32, #tpu.memory_space<vmem_shared>>
        tpu.wait_dma2 semaphore(%run_scoped3A_196 : memref<!tpu.dma_semaphore, #tpu.memory_space<semaphore_mem>>) src(%arg6 : memref<640xf32, #tpu.memory_space<vmem>>) dst(%dma_wait3A_202 : memref<640xf32, #tpu.memory_space<vmem_shared>>)
        tpu.yield
      }) : () -> ()
      "tpu.region"() ({
        %run_scoped3A_196 = tpu.sem_alloc : memref<!tpu.dma_semaphore, #tpu.memory_space<semaphore_mem>>
        %dma_start3A = arith.constant 6400 : i32
        %dma_start3A_197 = tpu.memref_slice %arg7[%dma_start3A] : memref<10112xf32, #tpu.memory_space<vmem_shared>> -> memref<640xf32, #tpu.memory_space<vmem_shared>>
        %dma_start3A_198 = arith.constant 6400 : i32
        %dma_start3A_199 = tpu.memref_slice %arg7[%dma_start3A_198] : memref<10112xf32, #tpu.memory_space<vmem_shared>> -> memref<640xf32, #tpu.memory_space<vmem_shared>>
        tpu.enqueue_dma source(%arg6 : memref<640xf32, #tpu.memory_space<vmem>>) target(%dma_start3A_199 : memref<640xf32, #tpu.memory_space<vmem_shared>>) target_semaphore(%run_scoped3A_196 : memref<!tpu.dma_semaphore, #tpu.memory_space<semaphore_mem>>)
        %dma_wait3A = arith.constant 6400 : i32
        %dma_wait3A_200 = tpu.memref_slice %arg7[%dma_wait3A] : memref<10112xf32, #tpu.memory_space<vmem_shared>> -> memref<640xf32, #tpu.memory_space<vmem_shared>>
        %dma_wait3A_201 = arith.constant 6400 : i32
        %dma_wait3A_202 = tpu.memref_slice %arg7[%dma_wait3A_201] : memref<10112xf32, #tpu.memory_space<vmem_shared>> -> memref<640xf32, #tpu.memory_space<vmem_shared>>
        tpu.wait_dma2 semaphore(%run_scoped3A_196 : memref<!tpu.dma_semaphore, #tpu.memory_space<semaphore_mem>>) src(%arg6 : memref<640xf32, #tpu.memory_space<vmem>>) dst(%dma_wait3A_202 : memref<640xf32, #tpu.memory_space<vmem_shared>>)
        tpu.yield
      }) : () -> ()
      "tpu.region"() ({
        %run_scoped3A_196 = tpu.sem_alloc : memref<!tpu.dma_semaphore, #tpu.memory_space<semaphore_mem>>
        %dma_start3A = arith.constant 7040 : i32
        %dma_start3A_197 = tpu.memref_slice %arg7[%dma_start3A] : memref<10112xf32, #tpu.memory_space<vmem_shared>> -> memref<640xf32, #tpu.memory_space<vmem_shared>>
        %dma_start3A_198 = arith.constant 7040 : i32
        %dma_start3A_199 = tpu.memref_slice %arg7[%dma_start3A_198] : memref<10112xf32, #tpu.memory_space<vmem_shared>> -> memref<640xf32, #tpu.memory_space<vmem_shared>>
        tpu.enqueue_dma source(%arg6 : memref<640xf32, #tpu.memory_space<vmem>>) target(%dma_start3A_199 : memref<640xf32, #tpu.memory_space<vmem_shared>>) target_semaphore(%run_scoped3A_196 : memref<!tpu.dma_semaphore, #tpu.memory_space<semaphore_mem>>)
        %dma_wait3A = arith.constant 7040 : i32
        %dma_wait3A_200 = tpu.memref_slice %arg7[%dma_wait3A] : memref<10112xf32, #tpu.memory_space<vmem_shared>> -> memref<640xf32, #tpu.memory_space<vmem_shared>>
        %dma_wait3A_201 = arith.constant 7040 : i32
        %dma_wait3A_202 = tpu.memref_slice %arg7[%dma_wait3A_201] : memref<10112xf32, #tpu.memory_space<vmem_shared>> -> memref<640xf32, #tpu.memory_space<vmem_shared>>
        tpu.wait_dma2 semaphore(%run_scoped3A_196 : memref<!tpu.dma_semaphore, #tpu.memory_space<semaphore_mem>>) src(%arg6 : memref<640xf32, #tpu.memory_space<vmem>>) dst(%dma_wait3A_202 : memref<640xf32, #tpu.memory_space<vmem_shared>>)
        tpu.yield
      }) : () -> ()
      "tpu.region"() ({
        %run_scoped3A_196 = tpu.sem_alloc : memref<!tpu.dma_semaphore, #tpu.memory_space<semaphore_mem>>
        %dma_start3A = arith.constant 7680 : i32
        %dma_start3A_197 = tpu.memref_slice %arg7[%dma_start3A] : memref<10112xf32, #tpu.memory_space<vmem_shared>> -> memref<640xf32, #tpu.memory_space<vmem_shared>>
        %dma_start3A_198 = arith.constant 7680 : i32
        %dma_start3A_199 = tpu.memref_slice %arg7[%dma_start3A_198] : memref<10112xf32, #tpu.memory_space<vmem_shared>> -> memref<640xf32, #tpu.memory_space<vmem_shared>>
        tpu.enqueue_dma source(%arg6 : memref<640xf32, #tpu.memory_space<vmem>>) target(%dma_start3A_199 : memref<640xf32, #tpu.memory_space<vmem_shared>>) target_semaphore(%run_scoped3A_196 : memref<!tpu.dma_semaphore, #tpu.memory_space<semaphore_mem>>)
        %dma_wait3A = arith.constant 7680 : i32
        %dma_wait3A_200 = tpu.memref_slice %arg7[%dma_wait3A] : memref<10112xf32, #tpu.memory_space<vmem_shared>> -> memref<640xf32, #tpu.memory_space<vmem_shared>>
        %dma_wait3A_201 = arith.constant 7680 : i32
        %dma_wait3A_202 = tpu.memref_slice %arg7[%dma_wait3A_201] : memref<10112xf32, #tpu.memory_space<vmem_shared>> -> memref<640xf32, #tpu.memory_space<vmem_shared>>
        tpu.wait_dma2 semaphore(%run_scoped3A_196 : memref<!tpu.dma_semaphore, #tpu.memory_space<semaphore_mem>>) src(%arg6 : memref<640xf32, #tpu.memory_space<vmem>>) dst(%dma_wait3A_202 : memref<640xf32, #tpu.memory_space<vmem_shared>>)
        tpu.yield
      }) : () -> ()
      "tpu.region"() ({
        %run_scoped3A_196 = tpu.sem_alloc : memref<!tpu.dma_semaphore, #tpu.memory_space<semaphore_mem>>
        %dma_start3A = arith.constant 8320 : i32
        %dma_start3A_197 = tpu.memref_slice %arg7[%dma_start3A] : memref<10112xf32, #tpu.memory_space<vmem_shared>> -> memref<640xf32, #tpu.memory_space<vmem_shared>>
        %dma_start3A_198 = arith.constant 8320 : i32
        %dma_start3A_199 = tpu.memref_slice %arg7[%dma_start3A_198] : memref<10112xf32, #tpu.memory_space<vmem_shared>> -> memref<640xf32, #tpu.memory_space<vmem_shared>>
        tpu.enqueue_dma source(%arg6 : memref<640xf32, #tpu.memory_space<vmem>>) target(%dma_start3A_199 : memref<640xf32, #tpu.memory_space<vmem_shared>>) target_semaphore(%run_scoped3A_196 : memref<!tpu.dma_semaphore, #tpu.memory_space<semaphore_mem>>)
        %dma_wait3A = arith.constant 8320 : i32
        %dma_wait3A_200 = tpu.memref_slice %arg7[%dma_wait3A] : memref<10112xf32, #tpu.memory_space<vmem_shared>> -> memref<640xf32, #tpu.memory_space<vmem_shared>>
        %dma_wait3A_201 = arith.constant 8320 : i32
        %dma_wait3A_202 = tpu.memref_slice %arg7[%dma_wait3A_201] : memref<10112xf32, #tpu.memory_space<vmem_shared>> -> memref<640xf32, #tpu.memory_space<vmem_shared>>
        tpu.wait_dma2 semaphore(%run_scoped3A_196 : memref<!tpu.dma_semaphore, #tpu.memory_space<semaphore_mem>>) src(%arg6 : memref<640xf32, #tpu.memory_space<vmem>>) dst(%dma_wait3A_202 : memref<640xf32, #tpu.memory_space<vmem_shared>>)
        tpu.yield
      }) : () -> ()
      "tpu.region"() ({
        %run_scoped3A_196 = tpu.sem_alloc : memref<!tpu.dma_semaphore, #tpu.memory_space<semaphore_mem>>
        %dma_start3A = arith.constant 8960 : i32
        %dma_start3A_197 = tpu.memref_slice %arg7[%dma_start3A] : memref<10112xf32, #tpu.memory_space<vmem_shared>> -> memref<640xf32, #tpu.memory_space<vmem_shared>>
        %dma_start3A_198 = arith.constant 8960 : i32
        %dma_start3A_199 = tpu.memref_slice %arg7[%dma_start3A_198] : memref<10112xf32, #tpu.memory_space<vmem_shared>> -> memref<640xf32, #tpu.memory_space<vmem_shared>>
        tpu.enqueue_dma source(%arg6 : memref<640xf32, #tpu.memory_space<vmem>>) target(%dma_start3A_199 : memref<640xf32, #tpu.memory_space<vmem_shared>>) target_semaphore(%run_scoped3A_196 : memref<!tpu.dma_semaphore, #tpu.memory_space<semaphore_mem>>)
        %dma_wait3A = arith.constant 8960 : i32
        %dma_wait3A_200 = tpu.memref_slice %arg7[%dma_wait3A] : memref<10112xf32, #tpu.memory_space<vmem_shared>> -> memref<640xf32, #tpu.memory_space<vmem_shared>>
        %dma_wait3A_201 = arith.constant 8960 : i32
        %dma_wait3A_202 = tpu.memref_slice %arg7[%dma_wait3A_201] : memref<10112xf32, #tpu.memory_space<vmem_shared>> -> memref<640xf32, #tpu.memory_space<vmem_shared>>
        tpu.wait_dma2 semaphore(%run_scoped3A_196 : memref<!tpu.dma_semaphore, #tpu.memory_space<semaphore_mem>>) src(%arg6 : memref<640xf32, #tpu.memory_space<vmem>>) dst(%dma_wait3A_202 : memref<640xf32, #tpu.memory_space<vmem_shared>>)
        tpu.yield
      }) : () -> ()
      "tpu.region"() ({
        %run_scoped3A_196 = tpu.sem_alloc : memref<!tpu.dma_semaphore, #tpu.memory_space<semaphore_mem>>
        %dma_start3A = arith.constant 0 : i32
        %dma_start3A_197 = tpu.memref_slice %arg6[%dma_start3A] : memref<640xf32, #tpu.memory_space<vmem>> -> memref<512xf32, #tpu.memory_space<vmem>>
        %dma_start3A_198 = arith.constant 9600 : i32
        %dma_start3A_199 = tpu.memref_slice %arg7[%dma_start3A_198] : memref<10112xf32, #tpu.memory_space<vmem_shared>> -> memref<512xf32, #tpu.memory_space<vmem_shared>>
        %dma_start3A_200 = arith.constant 9600 : i32
        %dma_start3A_201 = tpu.memref_slice %arg7[%dma_start3A_200] : memref<10112xf32, #tpu.memory_space<vmem_shared>> -> memref<512xf32, #tpu.memory_space<vmem_shared>>
        %dma_start3A_202 = arith.constant 0 : i32
        %dma_start3A_203 = tpu.memref_slice %arg6[%dma_start3A_202] : memref<640xf32, #tpu.memory_space<vmem>> -> memref<512xf32, #tpu.memory_space<vmem>>
        tpu.enqueue_dma source(%dma_start3A_203 : memref<512xf32, #tpu.memory_space<vmem>>) target(%dma_start3A_201 : memref<512xf32, #tpu.memory_space<vmem_shared>>) target_semaphore(%run_scoped3A_196 : memref<!tpu.dma_semaphore, #tpu.memory_space<semaphore_mem>>)
        %dma_wait3A = arith.constant 0 : i32
        %dma_wait3A_204 = tpu.memref_slice %arg6[%dma_wait3A] : memref<640xf32, #tpu.memory_space<vmem>> -> memref<512xf32, #tpu.memory_space<vmem>>
        %dma_wait3A_205 = arith.constant 9600 : i32
        %dma_wait3A_206 = tpu.memref_slice %arg7[%dma_wait3A_205] : memref<10112xf32, #tpu.memory_space<vmem_shared>> -> memref<512xf32, #tpu.memory_space<vmem_shared>>
        %dma_wait3A_207 = arith.constant 9600 : i32
        %dma_wait3A_208 = tpu.memref_slice %arg7[%dma_wait3A_207] : memref<10112xf32, #tpu.memory_space<vmem_shared>> -> memref<512xf32, #tpu.memory_space<vmem_shared>>
        %dma_wait3A_209 = arith.constant 0 : i32
        %dma_wait3A_210 = tpu.memref_slice %arg6[%dma_wait3A_209] : memref<640xf32, #tpu.memory_space<vmem>> -> memref<512xf32, #tpu.memory_space<vmem>>
        tpu.wait_dma2 semaphore(%run_scoped3A_196 : memref<!tpu.dma_semaphore, #tpu.memory_space<semaphore_mem>>) src(%dma_wait3A_210 : memref<512xf32, #tpu.memory_space<vmem>>) dst(%dma_wait3A_208 : memref<512xf32, #tpu.memory_space<vmem_shared>>)
        tpu.yield
      }) : () -> ()
    } else {
    }
    %run_scoped3A = arith.constant 1 : i32
    "tpu.region"() ({
      %run_scoped3A_36 = tpu.sem_alloc : memref<!tpu.dma_semaphore, #tpu.memory_space<semaphore_mem>>
      %dma_start3A = arith.constant 0 : i32
      %dma_start3A_37 = arith.constant 0 : i32
      %dma_start3A_38 = tpu.memref_slice %arg2[%run_scoped3A, %add3A, %dma_start3A, %dma_start3A_37] : memref<2x32x125x80xi32, #tpu.memory_space<hbm>> -> memref<1x1x125x80xi32, #tpu.memory_space<hbm>>
      %dma_start3A_39 = tpu.memref_squeeze %dma_start3A_38 : memref<1x1x125x80xi32, #tpu.memory_space<hbm>> -> memref<125x80xi32, #tpu.memory_space<hbm>>
      %dma_start3A_40 = arith.constant 0 : i32
      %dma_start3A_41 = arith.constant 0 : i32
      %dma_start3A_42 = tpu.memref_slice %arg2[%run_scoped3A, %add3A, %dma_start3A_40, %dma_start3A_41] : memref<2x32x125x80xi32, #tpu.memory_space<hbm>> -> memref<1x1x125x80xi32, #tpu.memory_space<hbm>>
      %dma_start3A_43 = tpu.memref_squeeze %dma_start3A_42 : memref<1x1x125x80xi32, #tpu.memory_space<hbm>> -> memref<125x80xi32, #tpu.memory_space<hbm>>
      tpu.enqueue_dma source(%dma_start3A_43 : memref<125x80xi32, #tpu.memory_space<hbm>>) target(%arg5 : memref<125x80xi32, #tpu.memory_space<vmem>>) target_semaphore(%run_scoped3A_36 : memref<!tpu.dma_semaphore, #tpu.memory_space<semaphore_mem>>)
      %dma_wait3A = arith.constant 0 : i32
      %dma_wait3A_44 = arith.constant 0 : i32
      %dma_wait3A_45 = tpu.memref_slice %arg2[%run_scoped3A, %add3A, %dma_wait3A, %dma_wait3A_44] : memref<2x32x125x80xi32, #tpu.memory_space<hbm>> -> memref<1x1x125x80xi32, #tpu.memory_space<hbm>>
      %dma_wait3A_46 = tpu.memref_squeeze %dma_wait3A_45 : memref<1x1x125x80xi32, #tpu.memory_space<hbm>> -> memref<125x80xi32, #tpu.memory_space<hbm>>
      %dma_wait3A_47 = arith.constant 0 : i32
      %dma_wait3A_48 = arith.constant 0 : i32
      %dma_wait3A_49 = tpu.memref_slice %arg2[%run_scoped3A, %add3A, %dma_wait3A_47, %dma_wait3A_48] : memref<2x32x125x80xi32, #tpu.memory_space<hbm>> -> memref<1x1x125x80xi32, #tpu.memory_space<hbm>>
      %dma_wait3A_50 = tpu.memref_squeeze %dma_wait3A_49 : memref<1x1x125x80xi32, #tpu.memory_space<hbm>> -> memref<125x80xi32, #tpu.memory_space<hbm>>
      tpu.wait_dma2 semaphore(%run_scoped3A_36 : memref<!tpu.dma_semaphore, #tpu.memory_space<semaphore_mem>>) src(%dma_wait3A_50 : memref<125x80xi32, #tpu.memory_space<hbm>>) dst(%arg5 : memref<125x80xi32, #tpu.memory_space<vmem>>)
      tpu.yield
    }) : () -> ()
    %barrier3A = arith.constant 0 : index
    tpu.barrier barrier_id(%barrier3A)
    %scan3A = arith.constant 0 : i32
    %scan3A_25 = arith.constant 0 : i32
    %scan3A_26 = arith.constant 125 : i32
    %scan3A_27 = arith.addi %scan3A_25, %scan3A_26 : i32
    %scan3A_28 = arith.constant 1 : i32
    scf.for %scan3A_36 = %scan3A_25 to %scan3A_27 step %scan3A_28  : i32 {
      "tpu.region"() ({
        %run_scoped3A_37 = tpu.sem_alloc : memref<!tpu.dma_semaphore, #tpu.memory_space<semaphore_mem>>
        %dma_start3A = arith.constant 0 : i32
        %dma_start3A_38 = tpu.memref_slice %arg5[%scan3A_36, %dma_start3A] : memref<125x80xi32, #tpu.memory_space<vmem>> -> memref<1x80xi32, #tpu.memory_space<vmem>>
        %dma_start3A_39 = tpu.memref_squeeze %dma_start3A_38 : memref<1x80xi32, #tpu.memory_space<vmem>> -> memref<80xi32, #tpu.memory_space<vmem>>
        %dma_start3A_40 = arith.constant 0 : i32
        %dma_start3A_41 = tpu.memref_slice %arg7[%dma_start3A_40] : memref<10112xf32, #tpu.memory_space<vmem_shared>> -> memref<10112xf32, #tpu.memory_space<vmem_shared>>
        tpu.enqueue_indirect_dma source(%arg4 : memref<80xf32, #tpu.memory_space<vmem>>) target(%dma_start3A_41 : memref<10112xf32, #tpu.memory_space<vmem_shared>>) offsets(%dma_start3A_39 : memref<80xi32, #tpu.memory_space<vmem>>) semaphore(%run_scoped3A_37 : memref<!tpu.dma_semaphore, #tpu.memory_space<semaphore_mem>>) {add = true}
        %dma_wait3A = arith.constant 0 : i32
        %dma_wait3A_42 = tpu.memref_slice %arg5[%scan3A_36, %dma_wait3A] : memref<125x80xi32, #tpu.memory_space<vmem>> -> memref<1x80xi32, #tpu.memory_space<vmem>>
        %dma_wait3A_43 = tpu.memref_squeeze %dma_wait3A_42 : memref<1x80xi32, #tpu.memory_space<vmem>> -> memref<80xi32, #tpu.memory_space<vmem>>
        %dma_wait3A_44 = arith.constant 0 : i32
        %dma_wait3A_45 = tpu.memref_slice %arg7[%dma_wait3A_44] : memref<10112xf32, #tpu.memory_space<vmem_shared>> -> memref<10112xf32, #tpu.memory_space<vmem_shared>>
        tpu.wait_indirect_dma semaphore(%run_scoped3A_37 : memref<!tpu.dma_semaphore, #tpu.memory_space<semaphore_mem>>) src(%arg4 : memref<80xf32, #tpu.memory_space<vmem>>) dst(%dma_wait3A_45 : memref<10112xf32, #tpu.memory_space<vmem_shared>>)
        tpu.yield
      }) : () -> ()
    }
    %scan3A_29 = arith.constant 125 : i32
    %barrier3A_30 = arith.constant 0 : index
    tpu.barrier barrier_id(%barrier3A_30)
    %eq3A_31 = arith.constant 0 : i32
    %eq3A_32 = arith.cmpi eq, %arg1, %eq3A_31 : i32
    %convert_element_type3A_33 = arith.extui %eq3A_32 : i1 to i32
    %cond3A_34 = arith.constant 0 : i32
    %cond3A_35 = arith.cmpi ne, %convert_element_type3A_33, %cond3A_34 : i32
    scf.if %cond3A_35 {
      "tpu.region"() ({
        %run_scoped3A_36 = tpu.sem_alloc : memref<!tpu.dma_semaphore, #tpu.memory_space<semaphore_mem>>
        %dma_start3A = arith.constant 0 : i32
        %dma_start3A_37 = tpu.memref_slice %arg3[%arg0, %dma_start3A] : memref<2x10000xf32, #tpu.memory_space<hbm>> -> memref<1x10000xf32, #tpu.memory_space<hbm>>
        %dma_start3A_38 = tpu.memref_squeeze %dma_start3A_37 : memref<1x10000xf32, #tpu.memory_space<hbm>> -> memref<10000xf32, #tpu.memory_space<hbm>>
        %dma_start3A_39 = arith.constant 0 : i32
        %dma_start3A_40 = tpu.memref_slice %arg7[%dma_start3A_39] : memref<10112xf32, #tpu.memory_space<vmem_shared>> -> memref<10000xf32, #tpu.memory_space<vmem_shared>>
        tpu.enqueue_dma source(%dma_start3A_40 : memref<10000xf32, #tpu.memory_space<vmem_shared>>) target(%dma_start3A_38 : memref<10000xf32, #tpu.memory_space<hbm>>) target_semaphore(%run_scoped3A_36 : memref<!tpu.dma_semaphore, #tpu.memory_space<semaphore_mem>>)
        %dma_wait3A = arith.constant 0 : i32
        %dma_wait3A_41 = tpu.memref_slice %arg3[%arg0, %dma_wait3A] : memref<2x10000xf32, #tpu.memory_space<hbm>> -> memref<1x10000xf32, #tpu.memory_space<hbm>>
        %dma_wait3A_42 = tpu.memref_squeeze %dma_wait3A_41 : memref<1x10000xf32, #tpu.memory_space<hbm>> -> memref<10000xf32, #tpu.memory_space<hbm>>
        %dma_wait3A_43 = arith.constant 0 : i32
        %dma_wait3A_44 = tpu.memref_slice %arg7[%dma_wait3A_43] : memref<10112xf32, #tpu.memory_space<vmem_shared>> -> memref<10000xf32, #tpu.memory_space<vmem_shared>>
        tpu.wait_dma2 semaphore(%run_scoped3A_36 : memref<!tpu.dma_semaphore, #tpu.memory_space<semaphore_mem>>) src(%dma_wait3A_44 : memref<10000xf32, #tpu.memory_space<vmem_shared>>) dst(%dma_wait3A_42 : memref<10000xf32, #tpu.memory_space<hbm>>)
        tpu.yield
      }) : () -> ()
    } else {
    }
    return
  }
}

#map = affine_map<(d0, d1) -> (0, 0)>
#map1 = affine_map<(d0, d1) -> (0, 0, 0, 0)>
#map2 = affine_map<(d0, d1) -> (0, 0, 0)>
module attributes {stable_mosaic.version = 14 : i64} {
  func.func @agg(%arg0: i32, %arg1: i32, %arg2: memref<10000x128xf32, #tpu.memory_space<hbm>>, %arg3: memref<2x32x125x80xi32, #tpu.memory_space<hbm>>, %arg4: memref<2x10112x128xf32, #tpu.memory_space<hbm>>, %arg5: memref<125x80xi32, #tpu.memory_space<vmem>>, %arg6: memref<125x80xi32, #tpu.memory_space<vmem>>, %arg7: memref<80x128xf32, #tpu.memory_space<vmem>>, %arg8: memref<80x128xf32, #tpu.memory_space<vmem>>, %arg9: memref<10112x128xf32, #tpu.memory_space<vmem_shared>>, %arg10: memref<!tpu.dma_semaphore, #tpu.memory_space<semaphore_mem>>, %arg11: memref<!tpu.dma_semaphore, #tpu.memory_space<semaphore_mem>>, %arg12: memref<!tpu.dma_semaphore, #tpu.memory_space<semaphore_mem>>, %arg13: memref<!tpu.dma_semaphore, #tpu.memory_space<semaphore_mem>>) attributes {dimension_semantics = [#tpu.dimension_semantics<core_parallel>, #tpu.dimension_semantics<subcore_parallel>], iteration_bounds = array<i64: 2, 16>, scalar_prefetch = 0 : i64, scratch_operands = 9 : i64, tpu.core_type = #tpu.core_type<sc_vector_subcore>, window_params = [{transform_indices = #map}, {transform_indices = #map1}, {transform_indices = #map2}]} {
    %mul3A = arith.constant 16 : i32
    %mul3A_0 = arith.muli %arg0, %mul3A : i32
    %add3A = arith.addi %mul3A_0, %arg1 : i32
    %broadcast_in_dim3A = arith.constant 0.000000e+00 : f32
    %broadcast_in_dim3A_1 = vector.broadcast %broadcast_in_dim3A : f32 to vector<16xf32>
    %scan3A = arith.constant 0 : i32
    %scan3A_2 = arith.constant 0 : i32
    %scan3A_3 = arith.constant 80 : i32
    %scan3A_4 = arith.addi %scan3A_2, %scan3A_3 : i32
    %scan3A_5 = arith.constant 1 : i32
    scf.for %scan3A_119 = %scan3A_2 to %scan3A_4 step %scan3A_5  : i32 {
      %scan3A_120 = arith.constant 0 : i32
      %scan3A_121 = arith.constant 8 : i32
      %scan3A_122 = arith.addi %scan3A_120, %scan3A_121 : i32
      %scan3A_123 = arith.constant 1 : i32
      scf.for %scan3A_125 = %scan3A_120 to %scan3A_122 step %scan3A_123  : i32 {
        %mul3A_126 = arith.constant 16 : i32
        %mul3A_127 = arith.muli %scan3A_125, %mul3A_126 : i32
        %swap3A = arith.index_cast %scan3A_119 : i32 to index
        %swap3A_128 = arith.index_cast %mul3A_127 : i32 to index
        %swap3A_129 = tpu.vector_load %arg7[%swap3A, %swap3A_128] {strides = array<i32>} : memref<80x128xf32, #tpu.memory_space<vmem>>, vector<1x16xf32>,
        %swap3A_130 = vector.shape_cast %swap3A_129 : vector<1x16xf32> to vector<16xf32>
        %swap3A_131 = vector.shape_cast %broadcast_in_dim3A_1 : vector<16xf32> to vector<1x16xf32>
        tpu.vector_store %arg7[%swap3A, %swap3A_128], %swap3A_131 {strides = array<i32>} : memref<80x128xf32, #tpu.memory_space<vmem>>, vector<1x16xf32>,
      }
      %scan3A_124 = arith.constant 8 : i32
    }
    %scan3A_6 = arith.constant 80 : i32
    %mul3A_7 = arith.constant 632 : i32
    %mul3A_8 = arith.muli %arg1, %mul3A_7 : i32
    %add3A_9 = arith.constant 0 : i32
    %add3A_10 = arith.addi %mul3A_8, %add3A_9 : i32
    "tpu.region"() ({
      %run_scoped3A_119 = tpu.sem_alloc : memref<!tpu.dma_semaphore, #tpu.memory_space<semaphore_mem>>
      %dma_start3A_120 = arith.constant 0 : i32
      %dma_start3A_121 = arith.constant 0 : i32
      %dma_start3A_122 = tpu.memref_slice %arg7[%dma_start3A_120, %dma_start3A_121] : memref<80x128xf32, #tpu.memory_space<vmem>> -> memref<80x128xf32, #tpu.memory_space<vmem>>
      %dma_start3A_123 = arith.constant 0 : i32
      %dma_start3A_124 = tpu.memref_slice %arg9[%add3A_10, %dma_start3A_123] : memref<10112x128xf32, #tpu.memory_space<vmem_shared>> -> memref<80x128xf32, #tpu.memory_space<vmem_shared>>
      %dma_start3A_125 = arith.constant 0 : i32
      %dma_start3A_126 = tpu.memref_slice %arg9[%add3A_10, %dma_start3A_125] : memref<10112x128xf32, #tpu.memory_space<vmem_shared>> -> memref<80x128xf32, #tpu.memory_space<vmem_shared>>
      %dma_start3A_127 = arith.constant 0 : i32
      %dma_start3A_128 = arith.constant 0 : i32
      %dma_start3A_129 = tpu.memref_slice %arg7[%dma_start3A_127, %dma_start3A_128] : memref<80x128xf32, #tpu.memory_space<vmem>> -> memref<80x128xf32, #tpu.memory_space<vmem>>
      tpu.enqueue_dma source(%dma_start3A_129 : memref<80x128xf32, #tpu.memory_space<vmem>>) target(%dma_start3A_126 : memref<80x128xf32, #tpu.memory_space<vmem_shared>>) target_semaphore(%run_scoped3A_119 : memref<!tpu.dma_semaphore, #tpu.memory_space<semaphore_mem>>)
      %dma_wait3A_130 = arith.constant 0 : i32
      %dma_wait3A_131 = arith.constant 0 : i32
      %dma_wait3A_132 = tpu.memref_slice %arg7[%dma_wait3A_130, %dma_wait3A_131] : memref<80x128xf32, #tpu.memory_space<vmem>> -> memref<80x128xf32, #tpu.memory_space<vmem>>
      %dma_wait3A_133 = arith.constant 0 : i32
      %dma_wait3A_134 = tpu.memref_slice %arg9[%add3A_10, %dma_wait3A_133] : memref<10112x128xf32, #tpu.memory_space<vmem_shared>> -> memref<80x128xf32, #tpu.memory_space<vmem_shared>>
      %dma_wait3A_135 = arith.constant 0 : i32
      %dma_wait3A_136 = tpu.memref_slice %arg9[%add3A_10, %dma_wait3A_135] : memref<10112x128xf32, #tpu.memory_space<vmem_shared>> -> memref<80x128xf32, #tpu.memory_space<vmem_shared>>
      %dma_wait3A_137 = arith.constant 0 : i32
      %dma_wait3A_138 = arith.constant 0 : i32
      %dma_wait3A_139 = tpu.memref_slice %arg7[%dma_wait3A_137, %dma_wait3A_138] : memref<80x128xf32, #tpu.memory_space<vmem>> -> memref<80x128xf32, #tpu.memory_space<vmem>>
      tpu.wait_dma2 semaphore(%run_scoped3A_119 : memref<!tpu.dma_semaphore, #tpu.memory_space<semaphore_mem>>) src(%dma_wait3A_139 : memref<80x128xf32, #tpu.memory_space<vmem>>) dst(%dma_wait3A_136 : memref<80x128xf32, #tpu.memory_space<vmem_shared>>)
      tpu.yield
    }) : () -> ()
    %add3A_11 = arith.constant 80 : i32
    %add3A_12 = arith.addi %mul3A_8, %add3A_11 : i32
    "tpu.region"() ({
      %run_scoped3A_119 = tpu.sem_alloc : memref<!tpu.dma_semaphore, #tpu.memory_space<semaphore_mem>>
      %dma_start3A_120 = arith.constant 0 : i32
      %dma_start3A_121 = arith.constant 0 : i32
      %dma_start3A_122 = tpu.memref_slice %arg7[%dma_start3A_120, %dma_start3A_121] : memref<80x128xf32, #tpu.memory_space<vmem>> -> memref<80x128xf32, #tpu.memory_space<vmem>>
      %dma_start3A_123 = arith.constant 0 : i32
      %dma_start3A_124 = tpu.memref_slice %arg9[%add3A_12, %dma_start3A_123] : memref<10112x128xf32, #tpu.memory_space<vmem_shared>> -> memref<80x128xf32, #tpu.memory_space<vmem_shared>>
      %dma_start3A_125 = arith.constant 0 : i32
      %dma_start3A_126 = tpu.memref_slice %arg9[%add3A_12, %dma_start3A_125] : memref<10112x128xf32, #tpu.memory_space<vmem_shared>> -> memref<80x128xf32, #tpu.memory_space<vmem_shared>>
      %dma_start3A_127 = arith.constant 0 : i32
      %dma_start3A_128 = arith.constant 0 : i32
      %dma_start3A_129 = tpu.memref_slice %arg7[%dma_start3A_127, %dma_start3A_128] : memref<80x128xf32, #tpu.memory_space<vmem>> -> memref<80x128xf32, #tpu.memory_space<vmem>>
      tpu.enqueue_dma source(%dma_start3A_129 : memref<80x128xf32, #tpu.memory_space<vmem>>) target(%dma_start3A_126 : memref<80x128xf32, #tpu.memory_space<vmem_shared>>) target_semaphore(%run_scoped3A_119 : memref<!tpu.dma_semaphore, #tpu.memory_space<semaphore_mem>>)
      %dma_wait3A_130 = arith.constant 0 : i32
      %dma_wait3A_131 = arith.constant 0 : i32
      %dma_wait3A_132 = tpu.memref_slice %arg7[%dma_wait3A_130, %dma_wait3A_131] : memref<80x128xf32, #tpu.memory_space<vmem>> -> memref<80x128xf32, #tpu.memory_space<vmem>>
      %dma_wait3A_133 = arith.constant 0 : i32
      %dma_wait3A_134 = tpu.memref_slice %arg9[%add3A_12, %dma_wait3A_133] : memref<10112x128xf32, #tpu.memory_space<vmem_shared>> -> memref<80x128xf32, #tpu.memory_space<vmem_shared>>
      %dma_wait3A_135 = arith.constant 0 : i32
      %dma_wait3A_136 = tpu.memref_slice %arg9[%add3A_12, %dma_wait3A_135] : memref<10112x128xf32, #tpu.memory_space<vmem_shared>> -> memref<80x128xf32, #tpu.memory_space<vmem_shared>>
      %dma_wait3A_137 = arith.constant 0 : i32
      %dma_wait3A_138 = arith.constant 0 : i32
      %dma_wait3A_139 = tpu.memref_slice %arg7[%dma_wait3A_137, %dma_wait3A_138] : memref<80x128xf32, #tpu.memory_space<vmem>> -> memref<80x128xf32, #tpu.memory_space<vmem>>
      tpu.wait_dma2 semaphore(%run_scoped3A_119 : memref<!tpu.dma_semaphore, #tpu.memory_space<semaphore_mem>>) src(%dma_wait3A_139 : memref<80x128xf32, #tpu.memory_space<vmem>>) dst(%dma_wait3A_136 : memref<80x128xf32, #tpu.memory_space<vmem_shared>>)
      tpu.yield
    }) : () -> ()
    %add3A_13 = arith.constant 160 : i32
    %add3A_14 = arith.addi %mul3A_8, %add3A_13 : i32
    "tpu.region"() ({
      %run_scoped3A_119 = tpu.sem_alloc : memref<!tpu.dma_semaphore, #tpu.memory_space<semaphore_mem>>
      %dma_start3A_120 = arith.constant 0 : i32
      %dma_start3A_121 = arith.constant 0 : i32
      %dma_start3A_122 = tpu.memref_slice %arg7[%dma_start3A_120, %dma_start3A_121] : memref<80x128xf32, #tpu.memory_space<vmem>> -> memref<80x128xf32, #tpu.memory_space<vmem>>
      %dma_start3A_123 = arith.constant 0 : i32
      %dma_start3A_124 = tpu.memref_slice %arg9[%add3A_14, %dma_start3A_123] : memref<10112x128xf32, #tpu.memory_space<vmem_shared>> -> memref<80x128xf32, #tpu.memory_space<vmem_shared>>
      %dma_start3A_125 = arith.constant 0 : i32
      %dma_start3A_126 = tpu.memref_slice %arg9[%add3A_14, %dma_start3A_125] : memref<10112x128xf32, #tpu.memory_space<vmem_shared>> -> memref<80x128xf32, #tpu.memory_space<vmem_shared>>
      %dma_start3A_127 = arith.constant 0 : i32
      %dma_start3A_128 = arith.constant 0 : i32
      %dma_start3A_129 = tpu.memref_slice %arg7[%dma_start3A_127, %dma_start3A_128] : memref<80x128xf32, #tpu.memory_space<vmem>> -> memref<80x128xf32, #tpu.memory_space<vmem>>
      tpu.enqueue_dma source(%dma_start3A_129 : memref<80x128xf32, #tpu.memory_space<vmem>>) target(%dma_start3A_126 : memref<80x128xf32, #tpu.memory_space<vmem_shared>>) target_semaphore(%run_scoped3A_119 : memref<!tpu.dma_semaphore, #tpu.memory_space<semaphore_mem>>)
      %dma_wait3A_130 = arith.constant 0 : i32
      %dma_wait3A_131 = arith.constant 0 : i32
      %dma_wait3A_132 = tpu.memref_slice %arg7[%dma_wait3A_130, %dma_wait3A_131] : memref<80x128xf32, #tpu.memory_space<vmem>> -> memref<80x128xf32, #tpu.memory_space<vmem>>
      %dma_wait3A_133 = arith.constant 0 : i32
      %dma_wait3A_134 = tpu.memref_slice %arg9[%add3A_14, %dma_wait3A_133] : memref<10112x128xf32, #tpu.memory_space<vmem_shared>> -> memref<80x128xf32, #tpu.memory_space<vmem_shared>>
      %dma_wait3A_135 = arith.constant 0 : i32
      %dma_wait3A_136 = tpu.memref_slice %arg9[%add3A_14, %dma_wait3A_135] : memref<10112x128xf32, #tpu.memory_space<vmem_shared>> -> memref<80x128xf32, #tpu.memory_space<vmem_shared>>
      %dma_wait3A_137 = arith.constant 0 : i32
      %dma_wait3A_138 = arith.constant 0 : i32
      %dma_wait3A_139 = tpu.memref_slice %arg7[%dma_wait3A_137, %dma_wait3A_138] : memref<80x128xf32, #tpu.memory_space<vmem>> -> memref<80x128xf32, #tpu.memory_space<vmem>>
      tpu.wait_dma2 semaphore(%run_scoped3A_119 : memref<!tpu.dma_semaphore, #tpu.memory_space<semaphore_mem>>) src(%dma_wait3A_139 : memref<80x128xf32, #tpu.memory_space<vmem>>) dst(%dma_wait3A_136 : memref<80x128xf32, #tpu.memory_space<vmem_shared>>)
      tpu.yield
    }) : () -> ()
    %add3A_15 = arith.constant 240 : i32
    %add3A_16 = arith.addi %mul3A_8, %add3A_15 : i32
    "tpu.region"() ({
      %run_scoped3A_119 = tpu.sem_alloc : memref<!tpu.dma_semaphore, #tpu.memory_space<semaphore_mem>>
      %dma_start3A_120 = arith.constant 0 : i32
      %dma_start3A_121 = arith.constant 0 : i32
      %dma_start3A_122 = tpu.memref_slice %arg7[%dma_start3A_120, %dma_start3A_121] : memref<80x128xf32, #tpu.memory_space<vmem>> -> memref<80x128xf32, #tpu.memory_space<vmem>>
      %dma_start3A_123 = arith.constant 0 : i32
      %dma_start3A_124 = tpu.memref_slice %arg9[%add3A_16, %dma_start3A_123] : memref<10112x128xf32, #tpu.memory_space<vmem_shared>> -> memref<80x128xf32, #tpu.memory_space<vmem_shared>>
      %dma_start3A_125 = arith.constant 0 : i32
      %dma_start3A_126 = tpu.memref_slice %arg9[%add3A_16, %dma_start3A_125] : memref<10112x128xf32, #tpu.memory_space<vmem_shared>> -> memref<80x128xf32, #tpu.memory_space<vmem_shared>>
      %dma_start3A_127 = arith.constant 0 : i32
      %dma_start3A_128 = arith.constant 0 : i32
      %dma_start3A_129 = tpu.memref_slice %arg7[%dma_start3A_127, %dma_start3A_128] : memref<80x128xf32, #tpu.memory_space<vmem>> -> memref<80x128xf32, #tpu.memory_space<vmem>>
      tpu.enqueue_dma source(%dma_start3A_129 : memref<80x128xf32, #tpu.memory_space<vmem>>) target(%dma_start3A_126 : memref<80x128xf32, #tpu.memory_space<vmem_shared>>) target_semaphore(%run_scoped3A_119 : memref<!tpu.dma_semaphore, #tpu.memory_space<semaphore_mem>>)
      %dma_wait3A_130 = arith.constant 0 : i32
      %dma_wait3A_131 = arith.constant 0 : i32
      %dma_wait3A_132 = tpu.memref_slice %arg7[%dma_wait3A_130, %dma_wait3A_131] : memref<80x128xf32, #tpu.memory_space<vmem>> -> memref<80x128xf32, #tpu.memory_space<vmem>>
      %dma_wait3A_133 = arith.constant 0 : i32
      %dma_wait3A_134 = tpu.memref_slice %arg9[%add3A_16, %dma_wait3A_133] : memref<10112x128xf32, #tpu.memory_space<vmem_shared>> -> memref<80x128xf32, #tpu.memory_space<vmem_shared>>
      %dma_wait3A_135 = arith.constant 0 : i32
      %dma_wait3A_136 = tpu.memref_slice %arg9[%add3A_16, %dma_wait3A_135] : memref<10112x128xf32, #tpu.memory_space<vmem_shared>> -> memref<80x128xf32, #tpu.memory_space<vmem_shared>>
      %dma_wait3A_137 = arith.constant 0 : i32
      %dma_wait3A_138 = arith.constant 0 : i32
      %dma_wait3A_139 = tpu.memref_slice %arg7[%dma_wait3A_137, %dma_wait3A_138] : memref<80x128xf32, #tpu.memory_space<vmem>> -> memref<80x128xf32, #tpu.memory_space<vmem>>
      tpu.wait_dma2 semaphore(%run_scoped3A_119 : memref<!tpu.dma_semaphore, #tpu.memory_space<semaphore_mem>>) src(%dma_wait3A_139 : memref<80x128xf32, #tpu.memory_space<vmem>>) dst(%dma_wait3A_136 : memref<80x128xf32, #tpu.memory_space<vmem_shared>>)
      tpu.yield
    }) : () -> ()
    %add3A_17 = arith.constant 320 : i32
    %add3A_18 = arith.addi %mul3A_8, %add3A_17 : i32
    "tpu.region"() ({
      %run_scoped3A_119 = tpu.sem_alloc : memref<!tpu.dma_semaphore, #tpu.memory_space<semaphore_mem>>
      %dma_start3A_120 = arith.constant 0 : i32
      %dma_start3A_121 = arith.constant 0 : i32
      %dma_start3A_122 = tpu.memref_slice %arg7[%dma_start3A_120, %dma_start3A_121] : memref<80x128xf32, #tpu.memory_space<vmem>> -> memref<80x128xf32, #tpu.memory_space<vmem>>
      %dma_start3A_123 = arith.constant 0 : i32
      %dma_start3A_124 = tpu.memref_slice %arg9[%add3A_18, %dma_start3A_123] : memref<10112x128xf32, #tpu.memory_space<vmem_shared>> -> memref<80x128xf32, #tpu.memory_space<vmem_shared>>
      %dma_start3A_125 = arith.constant 0 : i32
      %dma_start3A_126 = tpu.memref_slice %arg9[%add3A_18, %dma_start3A_125] : memref<10112x128xf32, #tpu.memory_space<vmem_shared>> -> memref<80x128xf32, #tpu.memory_space<vmem_shared>>
      %dma_start3A_127 = arith.constant 0 : i32
      %dma_start3A_128 = arith.constant 0 : i32
      %dma_start3A_129 = tpu.memref_slice %arg7[%dma_start3A_127, %dma_start3A_128] : memref<80x128xf32, #tpu.memory_space<vmem>> -> memref<80x128xf32, #tpu.memory_space<vmem>>
      tpu.enqueue_dma source(%dma_start3A_129 : memref<80x128xf32, #tpu.memory_space<vmem>>) target(%dma_start3A_126 : memref<80x128xf32, #tpu.memory_space<vmem_shared>>) target_semaphore(%run_scoped3A_119 : memref<!tpu.dma_semaphore, #tpu.memory_space<semaphore_mem>>)
      %dma_wait3A_130 = arith.constant 0 : i32
      %dma_wait3A_131 = arith.constant 0 : i32
      %dma_wait3A_132 = tpu.memref_slice %arg7[%dma_wait3A_130, %dma_wait3A_131] : memref<80x128xf32, #tpu.memory_space<vmem>> -> memref<80x128xf32, #tpu.memory_space<vmem>>
      %dma_wait3A_133 = arith.constant 0 : i32
      %dma_wait3A_134 = tpu.memref_slice %arg9[%add3A_18, %dma_wait3A_133] : memref<10112x128xf32, #tpu.memory_space<vmem_shared>> -> memref<80x128xf32, #tpu.memory_space<vmem_shared>>
      %dma_wait3A_135 = arith.constant 0 : i32
      %dma_wait3A_136 = tpu.memref_slice %arg9[%add3A_18, %dma_wait3A_135] : memref<10112x128xf32, #tpu.memory_space<vmem_shared>> -> memref<80x128xf32, #tpu.memory_space<vmem_shared>>
      %dma_wait3A_137 = arith.constant 0 : i32
      %dma_wait3A_138 = arith.constant 0 : i32
      %dma_wait3A_139 = tpu.memref_slice %arg7[%dma_wait3A_137, %dma_wait3A_138] : memref<80x128xf32, #tpu.memory_space<vmem>> -> memref<80x128xf32, #tpu.memory_space<vmem>>
      tpu.wait_dma2 semaphore(%run_scoped3A_119 : memref<!tpu.dma_semaphore, #tpu.memory_space<semaphore_mem>>) src(%dma_wait3A_139 : memref<80x128xf32, #tpu.memory_space<vmem>>) dst(%dma_wait3A_136 : memref<80x128xf32, #tpu.memory_space<vmem_shared>>)
      tpu.yield
    }) : () -> ()
    %add3A_19 = arith.constant 400 : i32
    %add3A_20 = arith.addi %mul3A_8, %add3A_19 : i32
    "tpu.region"() ({
      %run_scoped3A_119 = tpu.sem_alloc : memref<!tpu.dma_semaphore, #tpu.memory_space<semaphore_mem>>
      %dma_start3A_120 = arith.constant 0 : i32
      %dma_start3A_121 = arith.constant 0 : i32
      %dma_start3A_122 = tpu.memref_slice %arg7[%dma_start3A_120, %dma_start3A_121] : memref<80x128xf32, #tpu.memory_space<vmem>> -> memref<80x128xf32, #tpu.memory_space<vmem>>
      %dma_start3A_123 = arith.constant 0 : i32
      %dma_start3A_124 = tpu.memref_slice %arg9[%add3A_20, %dma_start3A_123] : memref<10112x128xf32, #tpu.memory_space<vmem_shared>> -> memref<80x128xf32, #tpu.memory_space<vmem_shared>>
      %dma_start3A_125 = arith.constant 0 : i32
      %dma_start3A_126 = tpu.memref_slice %arg9[%add3A_20, %dma_start3A_125] : memref<10112x128xf32, #tpu.memory_space<vmem_shared>> -> memref<80x128xf32, #tpu.memory_space<vmem_shared>>
      %dma_start3A_127 = arith.constant 0 : i32
      %dma_start3A_128 = arith.constant 0 : i32
      %dma_start3A_129 = tpu.memref_slice %arg7[%dma_start3A_127, %dma_start3A_128] : memref<80x128xf32, #tpu.memory_space<vmem>> -> memref<80x128xf32, #tpu.memory_space<vmem>>
      tpu.enqueue_dma source(%dma_start3A_129 : memref<80x128xf32, #tpu.memory_space<vmem>>) target(%dma_start3A_126 : memref<80x128xf32, #tpu.memory_space<vmem_shared>>) target_semaphore(%run_scoped3A_119 : memref<!tpu.dma_semaphore, #tpu.memory_space<semaphore_mem>>)
      %dma_wait3A_130 = arith.constant 0 : i32
      %dma_wait3A_131 = arith.constant 0 : i32
      %dma_wait3A_132 = tpu.memref_slice %arg7[%dma_wait3A_130, %dma_wait3A_131] : memref<80x128xf32, #tpu.memory_space<vmem>> -> memref<80x128xf32, #tpu.memory_space<vmem>>
      %dma_wait3A_133 = arith.constant 0 : i32
      %dma_wait3A_134 = tpu.memref_slice %arg9[%add3A_20, %dma_wait3A_133] : memref<10112x128xf32, #tpu.memory_space<vmem_shared>> -> memref<80x128xf32, #tpu.memory_space<vmem_shared>>
      %dma_wait3A_135 = arith.constant 0 : i32
      %dma_wait3A_136 = tpu.memref_slice %arg9[%add3A_20, %dma_wait3A_135] : memref<10112x128xf32, #tpu.memory_space<vmem_shared>> -> memref<80x128xf32, #tpu.memory_space<vmem_shared>>
      %dma_wait3A_137 = arith.constant 0 : i32
      %dma_wait3A_138 = arith.constant 0 : i32
      %dma_wait3A_139 = tpu.memref_slice %arg7[%dma_wait3A_137, %dma_wait3A_138] : memref<80x128xf32, #tpu.memory_space<vmem>> -> memref<80x128xf32, #tpu.memory_space<vmem>>
      tpu.wait_dma2 semaphore(%run_scoped3A_119 : memref<!tpu.dma_semaphore, #tpu.memory_space<semaphore_mem>>) src(%dma_wait3A_139 : memref<80x128xf32, #tpu.memory_space<vmem>>) dst(%dma_wait3A_136 : memref<80x128xf32, #tpu.memory_space<vmem_shared>>)
      tpu.yield
    }) : () -> ()
    %add3A_21 = arith.constant 480 : i32
    %add3A_22 = arith.addi %mul3A_8, %add3A_21 : i32
    "tpu.region"() ({
      %run_scoped3A_119 = tpu.sem_alloc : memref<!tpu.dma_semaphore, #tpu.memory_space<semaphore_mem>>
      %dma_start3A_120 = arith.constant 0 : i32
      %dma_start3A_121 = arith.constant 0 : i32
      %dma_start3A_122 = tpu.memref_slice %arg7[%dma_start3A_120, %dma_start3A_121] : memref<80x128xf32, #tpu.memory_space<vmem>> -> memref<80x128xf32, #tpu.memory_space<vmem>>
      %dma_start3A_123 = arith.constant 0 : i32
      %dma_start3A_124 = tpu.memref_slice %arg9[%add3A_22, %dma_start3A_123] : memref<10112x128xf32, #tpu.memory_space<vmem_shared>> -> memref<80x128xf32, #tpu.memory_space<vmem_shared>>
      %dma_start3A_125 = arith.constant 0 : i32
      %dma_start3A_126 = tpu.memref_slice %arg9[%add3A_22, %dma_start3A_125] : memref<10112x128xf32, #tpu.memory_space<vmem_shared>> -> memref<80x128xf32, #tpu.memory_space<vmem_shared>>
      %dma_start3A_127 = arith.constant 0 : i32
      %dma_start3A_128 = arith.constant 0 : i32
      %dma_start3A_129 = tpu.memref_slice %arg7[%dma_start3A_127, %dma_start3A_128] : memref<80x128xf32, #tpu.memory_space<vmem>> -> memref<80x128xf32, #tpu.memory_space<vmem>>
      tpu.enqueue_dma source(%dma_start3A_129 : memref<80x128xf32, #tpu.memory_space<vmem>>) target(%dma_start3A_126 : memref<80x128xf32, #tpu.memory_space<vmem_shared>>) target_semaphore(%run_scoped3A_119 : memref<!tpu.dma_semaphore, #tpu.memory_space<semaphore_mem>>)
      %dma_wait3A_130 = arith.constant 0 : i32
      %dma_wait3A_131 = arith.constant 0 : i32
      %dma_wait3A_132 = tpu.memref_slice %arg7[%dma_wait3A_130, %dma_wait3A_131] : memref<80x128xf32, #tpu.memory_space<vmem>> -> memref<80x128xf32, #tpu.memory_space<vmem>>
      %dma_wait3A_133 = arith.constant 0 : i32
      %dma_wait3A_134 = tpu.memref_slice %arg9[%add3A_22, %dma_wait3A_133] : memref<10112x128xf32, #tpu.memory_space<vmem_shared>> -> memref<80x128xf32, #tpu.memory_space<vmem_shared>>
      %dma_wait3A_135 = arith.constant 0 : i32
      %dma_wait3A_136 = tpu.memref_slice %arg9[%add3A_22, %dma_wait3A_135] : memref<10112x128xf32, #tpu.memory_space<vmem_shared>> -> memref<80x128xf32, #tpu.memory_space<vmem_shared>>
      %dma_wait3A_137 = arith.constant 0 : i32
      %dma_wait3A_138 = arith.constant 0 : i32
      %dma_wait3A_139 = tpu.memref_slice %arg7[%dma_wait3A_137, %dma_wait3A_138] : memref<80x128xf32, #tpu.memory_space<vmem>> -> memref<80x128xf32, #tpu.memory_space<vmem>>
      tpu.wait_dma2 semaphore(%run_scoped3A_119 : memref<!tpu.dma_semaphore, #tpu.memory_space<semaphore_mem>>) src(%dma_wait3A_139 : memref<80x128xf32, #tpu.memory_space<vmem>>) dst(%dma_wait3A_136 : memref<80x128xf32, #tpu.memory_space<vmem_shared>>)
      tpu.yield
    }) : () -> ()
    %add3A_23 = arith.constant 560 : i32
    %add3A_24 = arith.addi %mul3A_8, %add3A_23 : i32
    "tpu.region"() ({
      %run_scoped3A_119 = tpu.sem_alloc : memref<!tpu.dma_semaphore, #tpu.memory_space<semaphore_mem>>
      %dma_start3A_120 = arith.constant 0 : i32
      %dma_start3A_121 = arith.constant 0 : i32
      %dma_start3A_122 = tpu.memref_slice %arg7[%dma_start3A_120, %dma_start3A_121] : memref<80x128xf32, #tpu.memory_space<vmem>> -> memref<72x128xf32, #tpu.memory_space<vmem>>
      %dma_start3A_123 = arith.constant 0 : i32
      %dma_start3A_124 = tpu.memref_slice %arg9[%add3A_24, %dma_start3A_123] : memref<10112x128xf32, #tpu.memory_space<vmem_shared>> -> memref<72x128xf32, #tpu.memory_space<vmem_shared>>
      %dma_start3A_125 = arith.constant 0 : i32
      %dma_start3A_126 = tpu.memref_slice %arg9[%add3A_24, %dma_start3A_125] : memref<10112x128xf32, #tpu.memory_space<vmem_shared>> -> memref<72x128xf32, #tpu.memory_space<vmem_shared>>
      %dma_start3A_127 = arith.constant 0 : i32
      %dma_start3A_128 = arith.constant 0 : i32
      %dma_start3A_129 = tpu.memref_slice %arg7[%dma_start3A_127, %dma_start3A_128] : memref<80x128xf32, #tpu.memory_space<vmem>> -> memref<72x128xf32, #tpu.memory_space<vmem>>
      tpu.enqueue_dma source(%dma_start3A_129 : memref<72x128xf32, #tpu.memory_space<vmem>>) target(%dma_start3A_126 : memref<72x128xf32, #tpu.memory_space<vmem_shared>>) target_semaphore(%run_scoped3A_119 : memref<!tpu.dma_semaphore, #tpu.memory_space<semaphore_mem>>)
      %dma_wait3A_130 = arith.constant 0 : i32
      %dma_wait3A_131 = arith.constant 0 : i32
      %dma_wait3A_132 = tpu.memref_slice %arg7[%dma_wait3A_130, %dma_wait3A_131] : memref<80x128xf32, #tpu.memory_space<vmem>> -> memref<72x128xf32, #tpu.memory_space<vmem>>
      %dma_wait3A_133 = arith.constant 0 : i32
      %dma_wait3A_134 = tpu.memref_slice %arg9[%add3A_24, %dma_wait3A_133] : memref<10112x128xf32, #tpu.memory_space<vmem_shared>> -> memref<72x128xf32, #tpu.memory_space<vmem_shared>>
      %dma_wait3A_135 = arith.constant 0 : i32
      %dma_wait3A_136 = tpu.memref_slice %arg9[%add3A_24, %dma_wait3A_135] : memref<10112x128xf32, #tpu.memory_space<vmem_shared>> -> memref<72x128xf32, #tpu.memory_space<vmem_shared>>
      %dma_wait3A_137 = arith.constant 0 : i32
      %dma_wait3A_138 = arith.constant 0 : i32
      %dma_wait3A_139 = tpu.memref_slice %arg7[%dma_wait3A_137, %dma_wait3A_138] : memref<80x128xf32, #tpu.memory_space<vmem>> -> memref<72x128xf32, #tpu.memory_space<vmem>>
      tpu.wait_dma2 semaphore(%run_scoped3A_119 : memref<!tpu.dma_semaphore, #tpu.memory_space<semaphore_mem>>) src(%dma_wait3A_139 : memref<72x128xf32, #tpu.memory_space<vmem>>) dst(%dma_wait3A_136 : memref<72x128xf32, #tpu.memory_space<vmem_shared>>)
      tpu.yield
    }) : () -> ()
    %run_scoped3A = arith.constant 0 : i32
    "tpu.region"() ({
      %run_scoped3A_119 = tpu.sem_alloc : memref<!tpu.dma_semaphore, #tpu.memory_space<semaphore_mem>>
      %dma_start3A_120 = arith.constant 0 : i32
      %dma_start3A_121 = arith.constant 0 : i32
      %dma_start3A_122 = tpu.memref_slice %arg3[%run_scoped3A, %add3A, %dma_start3A_120, %dma_start3A_121] : memref<2x32x125x80xi32, #tpu.memory_space<hbm>> -> memref<1x1x125x80xi32, #tpu.memory_space<hbm>>
      %dma_start3A_123 = tpu.memref_squeeze %dma_start3A_122 : memref<1x1x125x80xi32, #tpu.memory_space<hbm>> -> memref<125x80xi32, #tpu.memory_space<hbm>>
      %dma_start3A_124 = arith.constant 0 : i32
      %dma_start3A_125 = arith.constant 0 : i32
      %dma_start3A_126 = tpu.memref_slice %arg3[%run_scoped3A, %add3A, %dma_start3A_124, %dma_start3A_125] : memref<2x32x125x80xi32, #tpu.memory_space<hbm>> -> memref<1x1x125x80xi32, #tpu.memory_space<hbm>>
      %dma_start3A_127 = tpu.memref_squeeze %dma_start3A_126 : memref<1x1x125x80xi32, #tpu.memory_space<hbm>> -> memref<125x80xi32, #tpu.memory_space<hbm>>
      tpu.enqueue_dma source(%dma_start3A_127 : memref<125x80xi32, #tpu.memory_space<hbm>>) target(%arg5 : memref<125x80xi32, #tpu.memory_space<vmem>>) target_semaphore(%run_scoped3A_119 : memref<!tpu.dma_semaphore, #tpu.memory_space<semaphore_mem>>)
      %dma_wait3A_128 = arith.constant 0 : i32
      %dma_wait3A_129 = arith.constant 0 : i32
      %dma_wait3A_130 = tpu.memref_slice %arg3[%run_scoped3A, %add3A, %dma_wait3A_128, %dma_wait3A_129] : memref<2x32x125x80xi32, #tpu.memory_space<hbm>> -> memref<1x1x125x80xi32, #tpu.memory_space<hbm>>
      %dma_wait3A_131 = tpu.memref_squeeze %dma_wait3A_130 : memref<1x1x125x80xi32, #tpu.memory_space<hbm>> -> memref<125x80xi32, #tpu.memory_space<hbm>>
      %dma_wait3A_132 = arith.constant 0 : i32
      %dma_wait3A_133 = arith.constant 0 : i32
      %dma_wait3A_134 = tpu.memref_slice %arg3[%run_scoped3A, %add3A, %dma_wait3A_132, %dma_wait3A_133] : memref<2x32x125x80xi32, #tpu.memory_space<hbm>> -> memref<1x1x125x80xi32, #tpu.memory_space<hbm>>
      %dma_wait3A_135 = tpu.memref_squeeze %dma_wait3A_134 : memref<1x1x125x80xi32, #tpu.memory_space<hbm>> -> memref<125x80xi32, #tpu.memory_space<hbm>>
      tpu.wait_dma2 semaphore(%run_scoped3A_119 : memref<!tpu.dma_semaphore, #tpu.memory_space<semaphore_mem>>) src(%dma_wait3A_135 : memref<125x80xi32, #tpu.memory_space<hbm>>) dst(%arg5 : memref<125x80xi32, #tpu.memory_space<vmem>>)
      tpu.yield
    }) : () -> ()
    %run_scoped3A_25 = arith.constant 1 : i32
    "tpu.region"() ({
      %run_scoped3A_119 = tpu.sem_alloc : memref<!tpu.dma_semaphore, #tpu.memory_space<semaphore_mem>>
      %dma_start3A_120 = arith.constant 0 : i32
      %dma_start3A_121 = arith.constant 0 : i32
      %dma_start3A_122 = tpu.memref_slice %arg3[%run_scoped3A_25, %add3A, %dma_start3A_120, %dma_start3A_121] : memref<2x32x125x80xi32, #tpu.memory_space<hbm>> -> memref<1x1x125x80xi32, #tpu.memory_space<hbm>>
      %dma_start3A_123 = tpu.memref_squeeze %dma_start3A_122 : memref<1x1x125x80xi32, #tpu.memory_space<hbm>> -> memref<125x80xi32, #tpu.memory_space<hbm>>
      %dma_start3A_124 = arith.constant 0 : i32
      %dma_start3A_125 = arith.constant 0 : i32
      %dma_start3A_126 = tpu.memref_slice %arg3[%run_scoped3A_25, %add3A, %dma_start3A_124, %dma_start3A_125] : memref<2x32x125x80xi32, #tpu.memory_space<hbm>> -> memref<1x1x125x80xi32, #tpu.memory_space<hbm>>
      %dma_start3A_127 = tpu.memref_squeeze %dma_start3A_126 : memref<1x1x125x80xi32, #tpu.memory_space<hbm>> -> memref<125x80xi32, #tpu.memory_space<hbm>>
      tpu.enqueue_dma source(%dma_start3A_127 : memref<125x80xi32, #tpu.memory_space<hbm>>) target(%arg6 : memref<125x80xi32, #tpu.memory_space<vmem>>) target_semaphore(%run_scoped3A_119 : memref<!tpu.dma_semaphore, #tpu.memory_space<semaphore_mem>>)
      %dma_wait3A_128 = arith.constant 0 : i32
      %dma_wait3A_129 = arith.constant 0 : i32
      %dma_wait3A_130 = tpu.memref_slice %arg3[%run_scoped3A_25, %add3A, %dma_wait3A_128, %dma_wait3A_129] : memref<2x32x125x80xi32, #tpu.memory_space<hbm>> -> memref<1x1x125x80xi32, #tpu.memory_space<hbm>>
      %dma_wait3A_131 = tpu.memref_squeeze %dma_wait3A_130 : memref<1x1x125x80xi32, #tpu.memory_space<hbm>> -> memref<125x80xi32, #tpu.memory_space<hbm>>
      %dma_wait3A_132 = arith.constant 0 : i32
      %dma_wait3A_133 = arith.constant 0 : i32
      %dma_wait3A_134 = tpu.memref_slice %arg3[%run_scoped3A_25, %add3A, %dma_wait3A_132, %dma_wait3A_133] : memref<2x32x125x80xi32, #tpu.memory_space<hbm>> -> memref<1x1x125x80xi32, #tpu.memory_space<hbm>>
      %dma_wait3A_135 = tpu.memref_squeeze %dma_wait3A_134 : memref<1x1x125x80xi32, #tpu.memory_space<hbm>> -> memref<125x80xi32, #tpu.memory_space<hbm>>
      tpu.wait_dma2 semaphore(%run_scoped3A_119 : memref<!tpu.dma_semaphore, #tpu.memory_space<semaphore_mem>>) src(%dma_wait3A_135 : memref<125x80xi32, #tpu.memory_space<hbm>>) dst(%arg6 : memref<125x80xi32, #tpu.memory_space<vmem>>)
      tpu.yield
    }) : () -> ()
    %barrier3A = arith.constant 0 : index
    tpu.barrier barrier_id(%barrier3A)
    %dma_start3A = arith.constant 0 : i32
    %dma_start3A_26 = arith.constant 0 : i32
    %dma_start3A_27 = tpu.memref_slice %arg5[%dma_start3A, %dma_start3A_26] : memref<125x80xi32, #tpu.memory_space<vmem>> -> memref<1x80xi32, #tpu.memory_space<vmem>>
    %dma_start3A_28 = tpu.memref_squeeze %dma_start3A_27 : memref<1x80xi32, #tpu.memory_space<vmem>> -> memref<80xi32, #tpu.memory_space<vmem>>
    %dma_start3A_29 = arith.constant 0 : i32
    %dma_start3A_30 = arith.constant 0 : i32
    %dma_start3A_31 = tpu.memref_slice %arg2[%dma_start3A_29, %dma_start3A_30] : memref<10000x128xf32, #tpu.memory_space<hbm>> -> memref<10000x128xf32, #tpu.memory_space<hbm>>
    tpu.enqueue_indirect_dma source(%dma_start3A_31 : memref<10000x128xf32, #tpu.memory_space<hbm>>) target(%arg7 : memref<80x128xf32, #tpu.memory_space<vmem>>) offsets(%dma_start3A_28 : memref<80xi32, #tpu.memory_space<vmem>>) semaphore(%arg10 : memref<!tpu.dma_semaphore, #tpu.memory_space<semaphore_mem>>)
    %dma_start3A_32 = arith.constant 1 : i32
    %dma_start3A_33 = arith.constant 0 : i32
    %dma_start3A_34 = tpu.memref_slice %arg5[%dma_start3A_32, %dma_start3A_33] : memref<125x80xi32, #tpu.memory_space<vmem>> -> memref<1x80xi32, #tpu.memory_space<vmem>>
    %dma_start3A_35 = tpu.memref_squeeze %dma_start3A_34 : memref<1x80xi32, #tpu.memory_space<vmem>> -> memref<80xi32, #tpu.memory_space<vmem>>
    %dma_start3A_36 = arith.constant 0 : i32
    %dma_start3A_37 = arith.constant 0 : i32
    %dma_start3A_38 = tpu.memref_slice %arg2[%dma_start3A_36, %dma_start3A_37] : memref<10000x128xf32, #tpu.memory_space<hbm>> -> memref<10000x128xf32, #tpu.memory_space<hbm>>
    tpu.enqueue_indirect_dma source(%dma_start3A_38 : memref<10000x128xf32, #tpu.memory_space<hbm>>) target(%arg8 : memref<80x128xf32, #tpu.memory_space<vmem>>) offsets(%dma_start3A_35 : memref<80xi32, #tpu.memory_space<vmem>>) semaphore(%arg11 : memref<!tpu.dma_semaphore, #tpu.memory_space<semaphore_mem>>)
    %scan3A_39 = arith.constant 0 : i32
    %scan3A_40 = arith.constant 0 : i32
    %scan3A_41 = arith.constant 62 : i32
    %scan3A_42 = arith.addi %scan3A_40, %scan3A_41 : i32
    %scan3A_43 = arith.constant 1 : i32
    scf.for %scan3A_119 = %scan3A_40 to %scan3A_42 step %scan3A_43  : i32 {
      %mul3A_120 = arith.constant 2 : i32
      %mul3A_121 = arith.muli %mul3A_120, %scan3A_119 : i32
      %dma_wait3A_122 = arith.constant 0 : i32
      %dma_wait3A_123 = tpu.memref_slice %arg5[%mul3A_121, %dma_wait3A_122] : memref<125x80xi32, #tpu.memory_space<vmem>> -> memref<1x80xi32, #tpu.memory_space<vmem>>
      %dma_wait3A_124 = tpu.memref_squeeze %dma_wait3A_123 : memref<1x80xi32, #tpu.memory_space<vmem>> -> memref<80xi32, #tpu.memory_space<vmem>>
      %dma_wait3A_125 = arith.constant 0 : i32
      %dma_wait3A_126 = arith.constant 0 : i32
      %dma_wait3A_127 = tpu.memref_slice %arg2[%dma_wait3A_125, %dma_wait3A_126] : memref<10000x128xf32, #tpu.memory_space<hbm>> -> memref<10000x128xf32, #tpu.memory_space<hbm>>
      tpu.wait_indirect_dma semaphore(%arg10 : memref<!tpu.dma_semaphore, #tpu.memory_space<semaphore_mem>>) src(%dma_wait3A_127 : memref<10000x128xf32, #tpu.memory_space<hbm>>) dst(%arg7 : memref<80x128xf32, #tpu.memory_space<vmem>>)
      %dma_start3A_128 = arith.constant 0 : i32
      %dma_start3A_129 = tpu.memref_slice %arg6[%mul3A_121, %dma_start3A_128] : memref<125x80xi32, #tpu.memory_space<vmem>> -> memref<1x80xi32, #tpu.memory_space<vmem>>
      %dma_start3A_130 = tpu.memref_squeeze %dma_start3A_129 : memref<1x80xi32, #tpu.memory_space<vmem>> -> memref<80xi32, #tpu.memory_space<vmem>>
      %dma_start3A_131 = arith.constant 0 : i32
      %dma_start3A_132 = arith.constant 0 : i32
      %dma_start3A_133 = tpu.memref_slice %arg9[%dma_start3A_131, %dma_start3A_132] : memref<10112x128xf32, #tpu.memory_space<vmem_shared>> -> memref<10112x128xf32, #tpu.memory_space<vmem_shared>>
      tpu.enqueue_indirect_dma source(%arg7 : memref<80x128xf32, #tpu.memory_space<vmem>>) target(%dma_start3A_133 : memref<10112x128xf32, #tpu.memory_space<vmem_shared>>) offsets(%dma_start3A_130 : memref<80xi32, #tpu.memory_space<vmem>>) semaphore(%arg12 : memref<!tpu.dma_semaphore, #tpu.memory_space<semaphore_mem>>) {add = true}
      %add3A_134 = arith.constant 1 : i32
      %add3A_135 = arith.addi %mul3A_121, %add3A_134 : i32
      %dma_wait3A_136 = arith.constant 0 : i32
      %dma_wait3A_137 = tpu.memref_slice %arg5[%add3A_135, %dma_wait3A_136] : memref<125x80xi32, #tpu.memory_space<vmem>> -> memref<1x80xi32, #tpu.memory_space<vmem>>
      %dma_wait3A_138 = tpu.memref_squeeze %dma_wait3A_137 : memref<1x80xi32, #tpu.memory_space<vmem>> -> memref<80xi32, #tpu.memory_space<vmem>>
      %dma_wait3A_139 = arith.constant 0 : i32
      %dma_wait3A_140 = arith.constant 0 : i32
      %dma_wait3A_141 = tpu.memref_slice %arg2[%dma_wait3A_139, %dma_wait3A_140] : memref<10000x128xf32, #tpu.memory_space<hbm>> -> memref<10000x128xf32, #tpu.memory_space<hbm>>
      tpu.wait_indirect_dma semaphore(%arg11 : memref<!tpu.dma_semaphore, #tpu.memory_space<semaphore_mem>>) src(%dma_wait3A_141 : memref<10000x128xf32, #tpu.memory_space<hbm>>) dst(%arg8 : memref<80x128xf32, #tpu.memory_space<vmem>>)
      %add3A_142 = arith.constant 1 : i32
      %add3A_143 = arith.addi %mul3A_121, %add3A_142 : i32
      %dma_start3A_144 = arith.constant 0 : i32
      %dma_start3A_145 = tpu.memref_slice %arg6[%add3A_143, %dma_start3A_144] : memref<125x80xi32, #tpu.memory_space<vmem>> -> memref<1x80xi32, #tpu.memory_space<vmem>>
      %dma_start3A_146 = tpu.memref_squeeze %dma_start3A_145 : memref<1x80xi32, #tpu.memory_space<vmem>> -> memref<80xi32, #tpu.memory_space<vmem>>
      %dma_start3A_147 = arith.constant 0 : i32
      %dma_start3A_148 = arith.constant 0 : i32
      %dma_start3A_149 = tpu.memref_slice %arg9[%dma_start3A_147, %dma_start3A_148] : memref<10112x128xf32, #tpu.memory_space<vmem_shared>> -> memref<10112x128xf32, #tpu.memory_space<vmem_shared>>
      tpu.enqueue_indirect_dma source(%arg8 : memref<80x128xf32, #tpu.memory_space<vmem>>) target(%dma_start3A_149 : memref<10112x128xf32, #tpu.memory_space<vmem_shared>>) offsets(%dma_start3A_146 : memref<80xi32, #tpu.memory_space<vmem>>) semaphore(%arg13 : memref<!tpu.dma_semaphore, #tpu.memory_space<semaphore_mem>>) {add = true}
      %lt3A = arith.constant 61 : i32
      %lt3A_150 = arith.cmpi slt, %scan3A_119, %lt3A : i32
      %convert_element_type3A = arith.extui %lt3A_150 : i1 to i32
      %cond3A = arith.constant 0 : i32
      %cond3A_151 = arith.cmpi ne, %convert_element_type3A, %cond3A : i32
      scf.if %cond3A_151 {
        %dma_wait3A_152 = arith.constant 0 : i32
        %dma_wait3A_153 = tpu.memref_slice %arg6[%mul3A_121, %dma_wait3A_152] : memref<125x80xi32, #tpu.memory_space<vmem>> -> memref<1x80xi32, #tpu.memory_space<vmem>>
        %dma_wait3A_154 = tpu.memref_squeeze %dma_wait3A_153 : memref<1x80xi32, #tpu.memory_space<vmem>> -> memref<80xi32, #tpu.memory_space<vmem>>
        %dma_wait3A_155 = arith.constant 0 : i32
        %dma_wait3A_156 = arith.constant 0 : i32
        %dma_wait3A_157 = tpu.memref_slice %arg9[%dma_wait3A_155, %dma_wait3A_156] : memref<10112x128xf32, #tpu.memory_space<vmem_shared>> -> memref<10112x128xf32, #tpu.memory_space<vmem_shared>>
        tpu.wait_indirect_dma semaphore(%arg12 : memref<!tpu.dma_semaphore, #tpu.memory_space<semaphore_mem>>) src(%arg7 : memref<80x128xf32, #tpu.memory_space<vmem>>) dst(%dma_wait3A_157 : memref<10112x128xf32, #tpu.memory_space<vmem_shared>>)
        %add3A_158 = arith.constant 2 : i32
        %add3A_159 = arith.addi %mul3A_121, %add3A_158 : i32
        %dma_start3A_160 = arith.constant 0 : i32
        %dma_start3A_161 = tpu.memref_slice %arg5[%add3A_159, %dma_start3A_160] : memref<125x80xi32, #tpu.memory_space<vmem>> -> memref<1x80xi32, #tpu.memory_space<vmem>>
        %dma_start3A_162 = tpu.memref_squeeze %dma_start3A_161 : memref<1x80xi32, #tpu.memory_space<vmem>> -> memref<80xi32, #tpu.memory_space<vmem>>
        %dma_start3A_163 = arith.constant 0 : i32
        %dma_start3A_164 = arith.constant 0 : i32
        %dma_start3A_165 = tpu.memref_slice %arg2[%dma_start3A_163, %dma_start3A_164] : memref<10000x128xf32, #tpu.memory_space<hbm>> -> memref<10000x128xf32, #tpu.memory_space<hbm>>
        tpu.enqueue_indirect_dma source(%dma_start3A_165 : memref<10000x128xf32, #tpu.memory_space<hbm>>) target(%arg7 : memref<80x128xf32, #tpu.memory_space<vmem>>) offsets(%dma_start3A_162 : memref<80xi32, #tpu.memory_space<vmem>>) semaphore(%arg10 : memref<!tpu.dma_semaphore, #tpu.memory_space<semaphore_mem>>)
        %add3A_166 = arith.constant 1 : i32
        %add3A_167 = arith.addi %mul3A_121, %add3A_166 : i32
        %dma_wait3A_168 = arith.constant 0 : i32
        %dma_wait3A_169 = tpu.memref_slice %arg6[%add3A_167, %dma_wait3A_168] : memref<125x80xi32, #tpu.memory_space<vmem>> -> memref<1x80xi32, #tpu.memory_space<vmem>>
        %dma_wait3A_170 = tpu.memref_squeeze %dma_wait3A_169 : memref<1x80xi32, #tpu.memory_space<vmem>> -> memref<80xi32, #tpu.memory_space<vmem>>
        %dma_wait3A_171 = arith.constant 0 : i32
        %dma_wait3A_172 = arith.constant 0 : i32
        %dma_wait3A_173 = tpu.memref_slice %arg9[%dma_wait3A_171, %dma_wait3A_172] : memref<10112x128xf32, #tpu.memory_space<vmem_shared>> -> memref<10112x128xf32, #tpu.memory_space<vmem_shared>>
        tpu.wait_indirect_dma semaphore(%arg13 : memref<!tpu.dma_semaphore, #tpu.memory_space<semaphore_mem>>) src(%arg8 : memref<80x128xf32, #tpu.memory_space<vmem>>) dst(%dma_wait3A_173 : memref<10112x128xf32, #tpu.memory_space<vmem_shared>>)
        %add3A_174 = arith.constant 3 : i32
        %add3A_175 = arith.addi %mul3A_121, %add3A_174 : i32
        %dma_start3A_176 = arith.constant 0 : i32
        %dma_start3A_177 = tpu.memref_slice %arg5[%add3A_175, %dma_start3A_176] : memref<125x80xi32, #tpu.memory_space<vmem>> -> memref<1x80xi32, #tpu.memory_space<vmem>>
        %dma_start3A_178 = tpu.memref_squeeze %dma_start3A_177 : memref<1x80xi32, #tpu.memory_space<vmem>> -> memref<80xi32, #tpu.memory_space<vmem>>
        %dma_start3A_179 = arith.constant 0 : i32
        %dma_start3A_180 = arith.constant 0 : i32
        %dma_start3A_181 = tpu.memref_slice %arg2[%dma_start3A_179, %dma_start3A_180] : memref<10000x128xf32, #tpu.memory_space<hbm>> -> memref<10000x128xf32, #tpu.memory_space<hbm>>
        tpu.enqueue_indirect_dma source(%dma_start3A_181 : memref<10000x128xf32, #tpu.memory_space<hbm>>) target(%arg8 : memref<80x128xf32, #tpu.memory_space<vmem>>) offsets(%dma_start3A_178 : memref<80xi32, #tpu.memory_space<vmem>>) semaphore(%arg11 : memref<!tpu.dma_semaphore, #tpu.memory_space<semaphore_mem>>)
      } else {
      }
    }
    %scan3A_44 = arith.constant 62 : i32
    %dma_wait3A = arith.constant 122 : i32
    %dma_wait3A_45 = arith.constant 0 : i32
    %dma_wait3A_46 = tpu.memref_slice %arg6[%dma_wait3A, %dma_wait3A_45] : memref<125x80xi32, #tpu.memory_space<vmem>> -> memref<1x80xi32, #tpu.memory_space<vmem>>
    %dma_wait3A_47 = tpu.memref_squeeze %dma_wait3A_46 : memref<1x80xi32, #tpu.memory_space<vmem>> -> memref<80xi32, #tpu.memory_space<vmem>>
    %dma_wait3A_48 = arith.constant 0 : i32
    %dma_wait3A_49 = arith.constant 0 : i32
    %dma_wait3A_50 = tpu.memref_slice %arg9[%dma_wait3A_48, %dma_wait3A_49] : memref<10112x128xf32, #tpu.memory_space<vmem_shared>> -> memref<10112x128xf32, #tpu.memory_space<vmem_shared>>
    tpu.wait_indirect_dma semaphore(%arg12 : memref<!tpu.dma_semaphore, #tpu.memory_space<semaphore_mem>>) src(%arg7 : memref<80x128xf32, #tpu.memory_space<vmem>>) dst(%dma_wait3A_50 : memref<10112x128xf32, #tpu.memory_space<vmem_shared>>)
    %dma_start3A_51 = arith.constant 124 : i32
    %dma_start3A_52 = arith.constant 0 : i32
    %dma_start3A_53 = tpu.memref_slice %arg5[%dma_start3A_51, %dma_start3A_52] : memref<125x80xi32, #tpu.memory_space<vmem>> -> memref<1x80xi32, #tpu.memory_space<vmem>>
    %dma_start3A_54 = tpu.memref_squeeze %dma_start3A_53 : memref<1x80xi32, #tpu.memory_space<vmem>> -> memref<80xi32, #tpu.memory_space<vmem>>
    %dma_start3A_55 = arith.constant 0 : i32
    %dma_start3A_56 = arith.constant 0 : i32
    %dma_start3A_57 = tpu.memref_slice %arg2[%dma_start3A_55, %dma_start3A_56] : memref<10000x128xf32, #tpu.memory_space<hbm>> -> memref<10000x128xf32, #tpu.memory_space<hbm>>
    tpu.enqueue_indirect_dma source(%dma_start3A_57 : memref<10000x128xf32, #tpu.memory_space<hbm>>) target(%arg7 : memref<80x128xf32, #tpu.memory_space<vmem>>) offsets(%dma_start3A_54 : memref<80xi32, #tpu.memory_space<vmem>>) semaphore(%arg10 : memref<!tpu.dma_semaphore, #tpu.memory_space<semaphore_mem>>)
    %dma_wait3A_58 = arith.constant 123 : i32
    %dma_wait3A_59 = arith.constant 0 : i32
    %dma_wait3A_60 = tpu.memref_slice %arg6[%dma_wait3A_58, %dma_wait3A_59] : memref<125x80xi32, #tpu.memory_space<vmem>> -> memref<1x80xi32, #tpu.memory_space<vmem>>
    %dma_wait3A_61 = tpu.memref_squeeze %dma_wait3A_60 : memref<1x80xi32, #tpu.memory_space<vmem>> -> memref<80xi32, #tpu.memory_space<vmem>>
    %dma_wait3A_62 = arith.constant 0 : i32
    %dma_wait3A_63 = arith.constant 0 : i32
    %dma_wait3A_64 = tpu.memref_slice %arg9[%dma_wait3A_62, %dma_wait3A_63] : memref<10112x128xf32, #tpu.memory_space<vmem_shared>> -> memref<10112x128xf32, #tpu.memory_space<vmem_shared>>
    tpu.wait_indirect_dma semaphore(%arg13 : memref<!tpu.dma_semaphore, #tpu.memory_space<semaphore_mem>>) src(%arg8 : memref<80x128xf32, #tpu.memory_space<vmem>>) dst(%dma_wait3A_64 : memref<10112x128xf32, #tpu.memory_space<vmem_shared>>)
    %dma_wait3A_65 = arith.constant 124 : i32
    %dma_wait3A_66 = arith.constant 0 : i32
    %dma_wait3A_67 = tpu.memref_slice %arg5[%dma_wait3A_65, %dma_wait3A_66] : memref<125x80xi32, #tpu.memory_space<vmem>> -> memref<1x80xi32, #tpu.memory_space<vmem>>
    %dma_wait3A_68 = tpu.memref_squeeze %dma_wait3A_67 : memref<1x80xi32, #tpu.memory_space<vmem>> -> memref<80xi32, #tpu.memory_space<vmem>>
    %dma_wait3A_69 = arith.constant 0 : i32
    %dma_wait3A_70 = arith.constant 0 : i32
    %dma_wait3A_71 = tpu.memref_slice %arg2[%dma_wait3A_69, %dma_wait3A_70] : memref<10000x128xf32, #tpu.memory_space<hbm>> -> memref<10000x128xf32, #tpu.memory_space<hbm>>
    tpu.wait_indirect_dma semaphore(%arg10 : memref<!tpu.dma_semaphore, #tpu.memory_space<semaphore_mem>>) src(%dma_wait3A_71 : memref<10000x128xf32, #tpu.memory_space<hbm>>) dst(%arg7 : memref<80x128xf32, #tpu.memory_space<vmem>>)
    %dma_start3A_72 = arith.constant 124 : i32
    %dma_start3A_73 = arith.constant 0 : i32
    %dma_start3A_74 = tpu.memref_slice %arg6[%dma_start3A_72, %dma_start3A_73] : memref<125x80xi32, #tpu.memory_space<vmem>> -> memref<1x80xi32, #tpu.memory_space<vmem>>
    %dma_start3A_75 = tpu.memref_squeeze %dma_start3A_74 : memref<1x80xi32, #tpu.memory_space<vmem>> -> memref<80xi32, #tpu.memory_space<vmem>>
    %dma_start3A_76 = arith.constant 0 : i32
    %dma_start3A_77 = arith.constant 0 : i32
    %dma_start3A_78 = tpu.memref_slice %arg9[%dma_start3A_76, %dma_start3A_77] : memref<10112x128xf32, #tpu.memory_space<vmem_shared>> -> memref<10112x128xf32, #tpu.memory_space<vmem_shared>>
    tpu.enqueue_indirect_dma source(%arg7 : memref<80x128xf32, #tpu.memory_space<vmem>>) target(%dma_start3A_78 : memref<10112x128xf32, #tpu.memory_space<vmem_shared>>) offsets(%dma_start3A_75 : memref<80xi32, #tpu.memory_space<vmem>>) semaphore(%arg12 : memref<!tpu.dma_semaphore, #tpu.memory_space<semaphore_mem>>) {add = true}
    %dma_wait3A_79 = arith.constant 124 : i32
    %dma_wait3A_80 = arith.constant 0 : i32
    %dma_wait3A_81 = tpu.memref_slice %arg6[%dma_wait3A_79, %dma_wait3A_80] : memref<125x80xi32, #tpu.memory_space<vmem>> -> memref<1x80xi32, #tpu.memory_space<vmem>>
    %dma_wait3A_82 = tpu.memref_squeeze %dma_wait3A_81 : memref<1x80xi32, #tpu.memory_space<vmem>> -> memref<80xi32, #tpu.memory_space<vmem>>
    %dma_wait3A_83 = arith.constant 0 : i32
    %dma_wait3A_84 = arith.constant 0 : i32
    %dma_wait3A_85 = tpu.memref_slice %arg9[%dma_wait3A_83, %dma_wait3A_84] : memref<10112x128xf32, #tpu.memory_space<vmem_shared>> -> memref<10112x128xf32, #tpu.memory_space<vmem_shared>>
    tpu.wait_indirect_dma semaphore(%arg12 : memref<!tpu.dma_semaphore, #tpu.memory_space<semaphore_mem>>) src(%arg7 : memref<80x128xf32, #tpu.memory_space<vmem>>) dst(%dma_wait3A_85 : memref<10112x128xf32, #tpu.memory_space<vmem_shared>>)
    %barrier3A_86 = arith.constant 0 : index
    tpu.barrier barrier_id(%barrier3A_86)
    %add3A_87 = arith.constant 0 : i32
    %add3A_88 = arith.addi %mul3A_8, %add3A_87 : i32
    %add3A_89 = arith.constant 0 : i32
    %add3A_90 = arith.addi %mul3A_8, %add3A_89 : i32
    "tpu.region"() ({
      %run_scoped3A_119 = tpu.sem_alloc : memref<!tpu.dma_semaphore, #tpu.memory_space<semaphore_mem>>
      %dma_start3A_120 = arith.constant 0 : i32
      %dma_start3A_121 = tpu.memref_slice %arg4[%arg0, %add3A_90, %dma_start3A_120] : memref<2x10112x128xf32, #tpu.memory_space<hbm>> -> memref<1x80x128xf32, #tpu.memory_space<hbm>>
      %dma_start3A_122 = tpu.memref_squeeze %dma_start3A_121 : memref<1x80x128xf32, #tpu.memory_space<hbm>> -> memref<80x128xf32, #tpu.memory_space<hbm>>
      %dma_start3A_123 = arith.constant 0 : i32
      %dma_start3A_124 = tpu.memref_slice %arg9[%add3A_88, %dma_start3A_123] : memref<10112x128xf32, #tpu.memory_space<vmem_shared>> -> memref<80x128xf32, #tpu.memory_space<vmem_shared>>
      tpu.enqueue_dma source(%dma_start3A_124 : memref<80x128xf32, #tpu.memory_space<vmem_shared>>) target(%dma_start3A_122 : memref<80x128xf32, #tpu.memory_space<hbm>>) target_semaphore(%run_scoped3A_119 : memref<!tpu.dma_semaphore, #tpu.memory_space<semaphore_mem>>)
      %dma_wait3A_125 = arith.constant 0 : i32
      %dma_wait3A_126 = tpu.memref_slice %arg4[%arg0, %add3A_90, %dma_wait3A_125] : memref<2x10112x128xf32, #tpu.memory_space<hbm>> -> memref<1x80x128xf32, #tpu.memory_space<hbm>>
      %dma_wait3A_127 = tpu.memref_squeeze %dma_wait3A_126 : memref<1x80x128xf32, #tpu.memory_space<hbm>> -> memref<80x128xf32, #tpu.memory_space<hbm>>
      %dma_wait3A_128 = arith.constant 0 : i32
      %dma_wait3A_129 = tpu.memref_slice %arg9[%add3A_88, %dma_wait3A_128] : memref<10112x128xf32, #tpu.memory_space<vmem_shared>> -> memref<80x128xf32, #tpu.memory_space<vmem_shared>>
      tpu.wait_dma2 semaphore(%run_scoped3A_119 : memref<!tpu.dma_semaphore, #tpu.memory_space<semaphore_mem>>) src(%dma_wait3A_129 : memref<80x128xf32, #tpu.memory_space<vmem_shared>>) dst(%dma_wait3A_127 : memref<80x128xf32, #tpu.memory_space<hbm>>)
      tpu.yield
    }) : () -> ()
    %add3A_91 = arith.constant 80 : i32
    %add3A_92 = arith.addi %mul3A_8, %add3A_91 : i32
    %add3A_93 = arith.constant 80 : i32
    %add3A_94 = arith.addi %mul3A_8, %add3A_93 : i32
    "tpu.region"() ({
      %run_scoped3A_119 = tpu.sem_alloc : memref<!tpu.dma_semaphore, #tpu.memory_space<semaphore_mem>>
      %dma_start3A_120 = arith.constant 0 : i32
      %dma_start3A_121 = tpu.memref_slice %arg4[%arg0, %add3A_94, %dma_start3A_120] : memref<2x10112x128xf32, #tpu.memory_space<hbm>> -> memref<1x80x128xf32, #tpu.memory_space<hbm>>
      %dma_start3A_122 = tpu.memref_squeeze %dma_start3A_121 : memref<1x80x128xf32, #tpu.memory_space<hbm>> -> memref<80x128xf32, #tpu.memory_space<hbm>>
      %dma_start3A_123 = arith.constant 0 : i32
      %dma_start3A_124 = tpu.memref_slice %arg9[%add3A_92, %dma_start3A_123] : memref<10112x128xf32, #tpu.memory_space<vmem_shared>> -> memref<80x128xf32, #tpu.memory_space<vmem_shared>>
      tpu.enqueue_dma source(%dma_start3A_124 : memref<80x128xf32, #tpu.memory_space<vmem_shared>>) target(%dma_start3A_122 : memref<80x128xf32, #tpu.memory_space<hbm>>) target_semaphore(%run_scoped3A_119 : memref<!tpu.dma_semaphore, #tpu.memory_space<semaphore_mem>>)
      %dma_wait3A_125 = arith.constant 0 : i32
      %dma_wait3A_126 = tpu.memref_slice %arg4[%arg0, %add3A_94, %dma_wait3A_125] : memref<2x10112x128xf32, #tpu.memory_space<hbm>> -> memref<1x80x128xf32, #tpu.memory_space<hbm>>
      %dma_wait3A_127 = tpu.memref_squeeze %dma_wait3A_126 : memref<1x80x128xf32, #tpu.memory_space<hbm>> -> memref<80x128xf32, #tpu.memory_space<hbm>>
      %dma_wait3A_128 = arith.constant 0 : i32
      %dma_wait3A_129 = tpu.memref_slice %arg9[%add3A_92, %dma_wait3A_128] : memref<10112x128xf32, #tpu.memory_space<vmem_shared>> -> memref<80x128xf32, #tpu.memory_space<vmem_shared>>
      tpu.wait_dma2 semaphore(%run_scoped3A_119 : memref<!tpu.dma_semaphore, #tpu.memory_space<semaphore_mem>>) src(%dma_wait3A_129 : memref<80x128xf32, #tpu.memory_space<vmem_shared>>) dst(%dma_wait3A_127 : memref<80x128xf32, #tpu.memory_space<hbm>>)
      tpu.yield
    }) : () -> ()
    %add3A_95 = arith.constant 160 : i32
    %add3A_96 = arith.addi %mul3A_8, %add3A_95 : i32
    %add3A_97 = arith.constant 160 : i32
    %add3A_98 = arith.addi %mul3A_8, %add3A_97 : i32
    "tpu.region"() ({
      %run_scoped3A_119 = tpu.sem_alloc : memref<!tpu.dma_semaphore, #tpu.memory_space<semaphore_mem>>
      %dma_start3A_120 = arith.constant 0 : i32
      %dma_start3A_121 = tpu.memref_slice %arg4[%arg0, %add3A_98, %dma_start3A_120] : memref<2x10112x128xf32, #tpu.memory_space<hbm>> -> memref<1x80x128xf32, #tpu.memory_space<hbm>>
      %dma_start3A_122 = tpu.memref_squeeze %dma_start3A_121 : memref<1x80x128xf32, #tpu.memory_space<hbm>> -> memref<80x128xf32, #tpu.memory_space<hbm>>
      %dma_start3A_123 = arith.constant 0 : i32
      %dma_start3A_124 = tpu.memref_slice %arg9[%add3A_96, %dma_start3A_123] : memref<10112x128xf32, #tpu.memory_space<vmem_shared>> -> memref<80x128xf32, #tpu.memory_space<vmem_shared>>
      tpu.enqueue_dma source(%dma_start3A_124 : memref<80x128xf32, #tpu.memory_space<vmem_shared>>) target(%dma_start3A_122 : memref<80x128xf32, #tpu.memory_space<hbm>>) target_semaphore(%run_scoped3A_119 : memref<!tpu.dma_semaphore, #tpu.memory_space<semaphore_mem>>)
      %dma_wait3A_125 = arith.constant 0 : i32
      %dma_wait3A_126 = tpu.memref_slice %arg4[%arg0, %add3A_98, %dma_wait3A_125] : memref<2x10112x128xf32, #tpu.memory_space<hbm>> -> memref<1x80x128xf32, #tpu.memory_space<hbm>>
      %dma_wait3A_127 = tpu.memref_squeeze %dma_wait3A_126 : memref<1x80x128xf32, #tpu.memory_space<hbm>> -> memref<80x128xf32, #tpu.memory_space<hbm>>
      %dma_wait3A_128 = arith.constant 0 : i32
      %dma_wait3A_129 = tpu.memref_slice %arg9[%add3A_96, %dma_wait3A_128] : memref<10112x128xf32, #tpu.memory_space<vmem_shared>> -> memref<80x128xf32, #tpu.memory_space<vmem_shared>>
      tpu.wait_dma2 semaphore(%run_scoped3A_119 : memref<!tpu.dma_semaphore, #tpu.memory_space<semaphore_mem>>) src(%dma_wait3A_129 : memref<80x128xf32, #tpu.memory_space<vmem_shared>>) dst(%dma_wait3A_127 : memref<80x128xf32, #tpu.memory_space<hbm>>)
      tpu.yield
    }) : () -> ()
    %add3A_99 = arith.constant 240 : i32
    %add3A_100 = arith.addi %mul3A_8, %add3A_99 : i32
    %add3A_101 = arith.constant 240 : i32
    %add3A_102 = arith.addi %mul3A_8, %add3A_101 : i32
    "tpu.region"() ({
      %run_scoped3A_119 = tpu.sem_alloc : memref<!tpu.dma_semaphore, #tpu.memory_space<semaphore_mem>>
      %dma_start3A_120 = arith.constant 0 : i32
      %dma_start3A_121 = tpu.memref_slice %arg4[%arg0, %add3A_102, %dma_start3A_120] : memref<2x10112x128xf32, #tpu.memory_space<hbm>> -> memref<1x80x128xf32, #tpu.memory_space<hbm>>
      %dma_start3A_122 = tpu.memref_squeeze %dma_start3A_121 : memref<1x80x128xf32, #tpu.memory_space<hbm>> -> memref<80x128xf32, #tpu.memory_space<hbm>>
      %dma_start3A_123 = arith.constant 0 : i32
      %dma_start3A_124 = tpu.memref_slice %arg9[%add3A_100, %dma_start3A_123] : memref<10112x128xf32, #tpu.memory_space<vmem_shared>> -> memref<80x128xf32, #tpu.memory_space<vmem_shared>>
      tpu.enqueue_dma source(%dma_start3A_124 : memref<80x128xf32, #tpu.memory_space<vmem_shared>>) target(%dma_start3A_122 : memref<80x128xf32, #tpu.memory_space<hbm>>) target_semaphore(%run_scoped3A_119 : memref<!tpu.dma_semaphore, #tpu.memory_space<semaphore_mem>>)
      %dma_wait3A_125 = arith.constant 0 : i32
      %dma_wait3A_126 = tpu.memref_slice %arg4[%arg0, %add3A_102, %dma_wait3A_125] : memref<2x10112x128xf32, #tpu.memory_space<hbm>> -> memref<1x80x128xf32, #tpu.memory_space<hbm>>
      %dma_wait3A_127 = tpu.memref_squeeze %dma_wait3A_126 : memref<1x80x128xf32, #tpu.memory_space<hbm>> -> memref<80x128xf32, #tpu.memory_space<hbm>>
      %dma_wait3A_128 = arith.constant 0 : i32
      %dma_wait3A_129 = tpu.memref_slice %arg9[%add3A_100, %dma_wait3A_128] : memref<10112x128xf32, #tpu.memory_space<vmem_shared>> -> memref<80x128xf32, #tpu.memory_space<vmem_shared>>
      tpu.wait_dma2 semaphore(%run_scoped3A_119 : memref<!tpu.dma_semaphore, #tpu.memory_space<semaphore_mem>>) src(%dma_wait3A_129 : memref<80x128xf32, #tpu.memory_space<vmem_shared>>) dst(%dma_wait3A_127 : memref<80x128xf32, #tpu.memory_space<hbm>>)
      tpu.yield
    }) : () -> ()
    %add3A_103 = arith.constant 320 : i32
    %add3A_104 = arith.addi %mul3A_8, %add3A_103 : i32
    %add3A_105 = arith.constant 320 : i32
    %add3A_106 = arith.addi %mul3A_8, %add3A_105 : i32
    "tpu.region"() ({
      %run_scoped3A_119 = tpu.sem_alloc : memref<!tpu.dma_semaphore, #tpu.memory_space<semaphore_mem>>
      %dma_start3A_120 = arith.constant 0 : i32
      %dma_start3A_121 = tpu.memref_slice %arg4[%arg0, %add3A_106, %dma_start3A_120] : memref<2x10112x128xf32, #tpu.memory_space<hbm>> -> memref<1x80x128xf32, #tpu.memory_space<hbm>>
      %dma_start3A_122 = tpu.memref_squeeze %dma_start3A_121 : memref<1x80x128xf32, #tpu.memory_space<hbm>> -> memref<80x128xf32, #tpu.memory_space<hbm>>
      %dma_start3A_123 = arith.constant 0 : i32
      %dma_start3A_124 = tpu.memref_slice %arg9[%add3A_104, %dma_start3A_123] : memref<10112x128xf32, #tpu.memory_space<vmem_shared>> -> memref<80x128xf32, #tpu.memory_space<vmem_shared>>
      tpu.enqueue_dma source(%dma_start3A_124 : memref<80x128xf32, #tpu.memory_space<vmem_shared>>) target(%dma_start3A_122 : memref<80x128xf32, #tpu.memory_space<hbm>>) target_semaphore(%run_scoped3A_119 : memref<!tpu.dma_semaphore, #tpu.memory_space<semaphore_mem>>)
      %dma_wait3A_125 = arith.constant 0 : i32
      %dma_wait3A_126 = tpu.memref_slice %arg4[%arg0, %add3A_106, %dma_wait3A_125] : memref<2x10112x128xf32, #tpu.memory_space<hbm>> -> memref<1x80x128xf32, #tpu.memory_space<hbm>>
      %dma_wait3A_127 = tpu.memref_squeeze %dma_wait3A_126 : memref<1x80x128xf32, #tpu.memory_space<hbm>> -> memref<80x128xf32, #tpu.memory_space<hbm>>
      %dma_wait3A_128 = arith.constant 0 : i32
      %dma_wait3A_129 = tpu.memref_slice %arg9[%add3A_104, %dma_wait3A_128] : memref<10112x128xf32, #tpu.memory_space<vmem_shared>> -> memref<80x128xf32, #tpu.memory_space<vmem_shared>>
      tpu.wait_dma2 semaphore(%run_scoped3A_119 : memref<!tpu.dma_semaphore, #tpu.memory_space<semaphore_mem>>) src(%dma_wait3A_129 : memref<80x128xf32, #tpu.memory_space<vmem_shared>>) dst(%dma_wait3A_127 : memref<80x128xf32, #tpu.memory_space<hbm>>)
      tpu.yield
    }) : () -> ()
    %add3A_107 = arith.constant 400 : i32
    %add3A_108 = arith.addi %mul3A_8, %add3A_107 : i32
    %add3A_109 = arith.constant 400 : i32
    %add3A_110 = arith.addi %mul3A_8, %add3A_109 : i32
    "tpu.region"() ({
      %run_scoped3A_119 = tpu.sem_alloc : memref<!tpu.dma_semaphore, #tpu.memory_space<semaphore_mem>>
      %dma_start3A_120 = arith.constant 0 : i32
      %dma_start3A_121 = tpu.memref_slice %arg4[%arg0, %add3A_110, %dma_start3A_120] : memref<2x10112x128xf32, #tpu.memory_space<hbm>> -> memref<1x80x128xf32, #tpu.memory_space<hbm>>
      %dma_start3A_122 = tpu.memref_squeeze %dma_start3A_121 : memref<1x80x128xf32, #tpu.memory_space<hbm>> -> memref<80x128xf32, #tpu.memory_space<hbm>>
      %dma_start3A_123 = arith.constant 0 : i32
      %dma_start3A_124 = tpu.memref_slice %arg9[%add3A_108, %dma_start3A_123] : memref<10112x128xf32, #tpu.memory_space<vmem_shared>> -> memref<80x128xf32, #tpu.memory_space<vmem_shared>>
      tpu.enqueue_dma source(%dma_start3A_124 : memref<80x128xf32, #tpu.memory_space<vmem_shared>>) target(%dma_start3A_122 : memref<80x128xf32, #tpu.memory_space<hbm>>) target_semaphore(%run_scoped3A_119 : memref<!tpu.dma_semaphore, #tpu.memory_space<semaphore_mem>>)
      %dma_wait3A_125 = arith.constant 0 : i32
      %dma_wait3A_126 = tpu.memref_slice %arg4[%arg0, %add3A_110, %dma_wait3A_125] : memref<2x10112x128xf32, #tpu.memory_space<hbm>> -> memref<1x80x128xf32, #tpu.memory_space<hbm>>
      %dma_wait3A_127 = tpu.memref_squeeze %dma_wait3A_126 : memref<1x80x128xf32, #tpu.memory_space<hbm>> -> memref<80x128xf32, #tpu.memory_space<hbm>>
      %dma_wait3A_128 = arith.constant 0 : i32
      %dma_wait3A_129 = tpu.memref_slice %arg9[%add3A_108, %dma_wait3A_128] : memref<10112x128xf32, #tpu.memory_space<vmem_shared>> -> memref<80x128xf32, #tpu.memory_space<vmem_shared>>
      tpu.wait_dma2 semaphore(%run_scoped3A_119 : memref<!tpu.dma_semaphore, #tpu.memory_space<semaphore_mem>>) src(%dma_wait3A_129 : memref<80x128xf32, #tpu.memory_space<vmem_shared>>) dst(%dma_wait3A_127 : memref<80x128xf32, #tpu.memory_space<hbm>>)
      tpu.yield
    }) : () -> ()
    %add3A_111 = arith.constant 480 : i32
    %add3A_112 = arith.addi %mul3A_8, %add3A_111 : i32
    %add3A_113 = arith.constant 480 : i32
    %add3A_114 = arith.addi %mul3A_8, %add3A_113 : i32
    "tpu.region"() ({
      %run_scoped3A_119 = tpu.sem_alloc : memref<!tpu.dma_semaphore, #tpu.memory_space<semaphore_mem>>
      %dma_start3A_120 = arith.constant 0 : i32
      %dma_start3A_121 = tpu.memref_slice %arg4[%arg0, %add3A_114, %dma_start3A_120] : memref<2x10112x128xf32, #tpu.memory_space<hbm>> -> memref<1x80x128xf32, #tpu.memory_space<hbm>>
      %dma_start3A_122 = tpu.memref_squeeze %dma_start3A_121 : memref<1x80x128xf32, #tpu.memory_space<hbm>> -> memref<80x128xf32, #tpu.memory_space<hbm>>
      %dma_start3A_123 = arith.constant 0 : i32
      %dma_start3A_124 = tpu.memref_slice %arg9[%add3A_112, %dma_start3A_123] : memref<10112x128xf32, #tpu.memory_space<vmem_shared>> -> memref<80x128xf32, #tpu.memory_space<vmem_shared>>
      tpu.enqueue_dma source(%dma_start3A_124 : memref<80x128xf32, #tpu.memory_space<vmem_shared>>) target(%dma_start3A_122 : memref<80x128xf32, #tpu.memory_space<hbm>>) target_semaphore(%run_scoped3A_119 : memref<!tpu.dma_semaphore, #tpu.memory_space<semaphore_mem>>)
      %dma_wait3A_125 = arith.constant 0 : i32
      %dma_wait3A_126 = tpu.memref_slice %arg4[%arg0, %add3A_114, %dma_wait3A_125] : memref<2x10112x128xf32, #tpu.memory_space<hbm>> -> memref<1x80x128xf32, #tpu.memory_space<hbm>>
      %dma_wait3A_127 = tpu.memref_squeeze %dma_wait3A_126 : memref<1x80x128xf32, #tpu.memory_space<hbm>> -> memref<80x128xf32, #tpu.memory_space<hbm>>
      %dma_wait3A_128 = arith.constant 0 : i32
      %dma_wait3A_129 = tpu.memref_slice %arg9[%add3A_112, %dma_wait3A_128] : memref<10112x128xf32, #tpu.memory_space<vmem_shared>> -> memref<80x128xf32, #tpu.memory_space<vmem_shared>>
      tpu.wait_dma2 semaphore(%run_scoped3A_119 : memref<!tpu.dma_semaphore, #tpu.memory_space<semaphore_mem>>) src(%dma_wait3A_129 : memref<80x128xf32, #tpu.memory_space<vmem_shared>>) dst(%dma_wait3A_127 : memref<80x128xf32, #tpu.memory_space<hbm>>)
      tpu.yield
    }) : () -> ()
    %add3A_115 = arith.constant 560 : i32
    %add3A_116 = arith.addi %mul3A_8, %add3A_115 : i32
    %add3A_117 = arith.constant 560 : i32
    %add3A_118 = arith.addi %mul3A_8, %add3A_117 : i32
    "tpu.region"() ({
      %run_scoped3A_119 = tpu.sem_alloc : memref<!tpu.dma_semaphore, #tpu.memory_space<semaphore_mem>>
      %dma_start3A_120 = arith.constant 0 : i32
      %dma_start3A_121 = tpu.memref_slice %arg4[%arg0, %add3A_118, %dma_start3A_120] : memref<2x10112x128xf32, #tpu.memory_space<hbm>> -> memref<1x72x128xf32, #tpu.memory_space<hbm>>
      %dma_start3A_122 = tpu.memref_squeeze %dma_start3A_121 : memref<1x72x128xf32, #tpu.memory_space<hbm>> -> memref<72x128xf32, #tpu.memory_space<hbm>>
      %dma_start3A_123 = arith.constant 0 : i32
      %dma_start3A_124 = tpu.memref_slice %arg9[%add3A_116, %dma_start3A_123] : memref<10112x128xf32, #tpu.memory_space<vmem_shared>> -> memref<72x128xf32, #tpu.memory_space<vmem_shared>>
      tpu.enqueue_dma source(%dma_start3A_124 : memref<72x128xf32, #tpu.memory_space<vmem_shared>>) target(%dma_start3A_122 : memref<72x128xf32, #tpu.memory_space<hbm>>) target_semaphore(%run_scoped3A_119 : memref<!tpu.dma_semaphore, #tpu.memory_space<semaphore_mem>>)
      %dma_wait3A_125 = arith.constant 0 : i32
      %dma_wait3A_126 = tpu.memref_slice %arg4[%arg0, %add3A_118, %dma_wait3A_125] : memref<2x10112x128xf32, #tpu.memory_space<hbm>> -> memref<1x72x128xf32, #tpu.memory_space<hbm>>
      %dma_wait3A_127 = tpu.memref_squeeze %dma_wait3A_126 : memref<1x72x128xf32, #tpu.memory_space<hbm>> -> memref<72x128xf32, #tpu.memory_space<hbm>>
      %dma_wait3A_128 = arith.constant 0 : i32
      %dma_wait3A_129 = tpu.memref_slice %arg9[%add3A_116, %dma_wait3A_128] : memref<10112x128xf32, #tpu.memory_space<vmem_shared>> -> memref<72x128xf32, #tpu.memory_space<vmem_shared>>
      tpu.wait_dma2 semaphore(%run_scoped3A_119 : memref<!tpu.dma_semaphore, #tpu.memory_space<semaphore_mem>>) src(%dma_wait3A_129 : memref<72x128xf32, #tpu.memory_space<vmem_shared>>) dst(%dma_wait3A_127 : memref<72x128xf32, #tpu.memory_space<hbm>>)
      tpu.yield
    }) : () -> ()
    return
  }
}

#map = affine_map<(d0, d1) -> (0, 0)>
#map1 = affine_map<(d0, d1) -> (0, 0, 0, 0)>
#map2 = affine_map<(d0, d1) -> (0, 0, 0)>
module attributes {stable_mosaic.version = 14 : i64} {
  func.func @agg(%arg0: i32, %arg1: i32, %arg2: memref<10000x128xf32, #tpu.memory_space<hbm>>, %arg3: memref<2x32x125x80xi32, #tpu.memory_space<hbm>>, %arg4: memref<2x10112x128xf32, #tpu.memory_space<hbm>>, %arg5: memref<125x80xi32, #tpu.memory_space<vmem>>, %arg6: memref<125x80xi32, #tpu.memory_space<vmem>>, %arg7: memref<80x128xf32, #tpu.memory_space<vmem>>, %arg8: memref<80x128xf32, #tpu.memory_space<vmem>>, %arg9: memref<10112x128xf32, #tpu.memory_space<vmem_shared>>, %arg10: memref<!tpu.dma_semaphore, #tpu.memory_space<semaphore_mem>>, %arg11: memref<!tpu.dma_semaphore, #tpu.memory_space<semaphore_mem>>, %arg12: memref<!tpu.dma_semaphore, #tpu.memory_space<semaphore_mem>>, %arg13: memref<!tpu.dma_semaphore, #tpu.memory_space<semaphore_mem>>) attributes {dimension_semantics = [#tpu.dimension_semantics<core_parallel>, #tpu.dimension_semantics<subcore_parallel>], iteration_bounds = array<i64: 2, 16>, scalar_prefetch = 0 : i64, scratch_operands = 9 : i64, tpu.core_type = #tpu.core_type<sc_vector_subcore>, window_params = [{transform_indices = #map}, {transform_indices = #map1}, {transform_indices = #map2}]} {
    %mul3A = arith.constant 16 : i32
    %mul3A_0 = arith.muli %arg0, %mul3A : i32
    %add3A = arith.addi %mul3A_0, %arg1 : i32
    %broadcast_in_dim3A = arith.constant 0.000000e+00 : f32
    %broadcast_in_dim3A_1 = vector.broadcast %broadcast_in_dim3A : f32 to vector<16xf32>
    %scan3A = arith.constant 0 : i32
    %scan3A_2 = arith.constant 0 : i32
    %scan3A_3 = arith.constant 80 : i32
    %scan3A_4 = arith.addi %scan3A_2, %scan3A_3 : i32
    %scan3A_5 = arith.constant 1 : i32
    scf.for %scan3A_119 = %scan3A_2 to %scan3A_4 step %scan3A_5  : i32 {
      %scan3A_120 = arith.constant 0 : i32
      %scan3A_121 = arith.constant 8 : i32
      %scan3A_122 = arith.addi %scan3A_120, %scan3A_121 : i32
      %scan3A_123 = arith.constant 1 : i32
      scf.for %scan3A_125 = %scan3A_120 to %scan3A_122 step %scan3A_123  : i32 {
        %mul3A_126 = arith.constant 16 : i32
        %mul3A_127 = arith.muli %scan3A_125, %mul3A_126 : i32
        %swap3A = arith.index_cast %scan3A_119 : i32 to index
        %swap3A_128 = arith.index_cast %mul3A_127 : i32 to index
        %swap3A_129 = tpu.vector_load %arg7[%swap3A, %swap3A_128] {strides = array<i32>} : memref<80x128xf32, #tpu.memory_space<vmem>>, vector<1x16xf32>,
        %swap3A_130 = vector.shape_cast %swap3A_129 : vector<1x16xf32> to vector<16xf32>
        %swap3A_131 = vector.shape_cast %broadcast_in_dim3A_1 : vector<16xf32> to vector<1x16xf32>
        tpu.vector_store %arg7[%swap3A, %swap3A_128], %swap3A_131 {strides = array<i32>} : memref<80x128xf32, #tpu.memory_space<vmem>>, vector<1x16xf32>,
      }
      %scan3A_124 = arith.constant 8 : i32
    }
    %scan3A_6 = arith.constant 80 : i32
    %mul3A_7 = arith.constant 632 : i32
    %mul3A_8 = arith.muli %arg1, %mul3A_7 : i32
    %add3A_9 = arith.constant 0 : i32
    %add3A_10 = arith.addi %mul3A_8, %add3A_9 : i32
    "tpu.region"() ({
      %run_scoped3A_119 = tpu.sem_alloc : memref<!tpu.dma_semaphore, #tpu.memory_space<semaphore_mem>>
      %dma_start3A_120 = arith.constant 0 : i32
      %dma_start3A_121 = arith.constant 0 : i32
      %dma_start3A_122 = tpu.memref_slice %arg7[%dma_start3A_120, %dma_start3A_121] : memref<80x128xf32, #tpu.memory_space<vmem>> -> memref<80x128xf32, #tpu.memory_space<vmem>>
      %dma_start3A_123 = arith.constant 0 : i32
      %dma_start3A_124 = tpu.memref_slice %arg9[%add3A_10, %dma_start3A_123] : memref<10112x128xf32, #tpu.memory_space<vmem_shared>> -> memref<80x128xf32, #tpu.memory_space<vmem_shared>>
      %dma_start3A_125 = arith.constant 0 : i32
      %dma_start3A_126 = tpu.memref_slice %arg9[%add3A_10, %dma_start3A_125] : memref<10112x128xf32, #tpu.memory_space<vmem_shared>> -> memref<80x128xf32, #tpu.memory_space<vmem_shared>>
      %dma_start3A_127 = arith.constant 0 : i32
      %dma_start3A_128 = arith.constant 0 : i32
      %dma_start3A_129 = tpu.memref_slice %arg7[%dma_start3A_127, %dma_start3A_128] : memref<80x128xf32, #tpu.memory_space<vmem>> -> memref<80x128xf32, #tpu.memory_space<vmem>>
      tpu.enqueue_dma source(%dma_start3A_129 : memref<80x128xf32, #tpu.memory_space<vmem>>) target(%dma_start3A_126 : memref<80x128xf32, #tpu.memory_space<vmem_shared>>) target_semaphore(%run_scoped3A_119 : memref<!tpu.dma_semaphore, #tpu.memory_space<semaphore_mem>>)
      %dma_wait3A_130 = arith.constant 0 : i32
      %dma_wait3A_131 = arith.constant 0 : i32
      %dma_wait3A_132 = tpu.memref_slice %arg7[%dma_wait3A_130, %dma_wait3A_131] : memref<80x128xf32, #tpu.memory_space<vmem>> -> memref<80x128xf32, #tpu.memory_space<vmem>>
      %dma_wait3A_133 = arith.constant 0 : i32
      %dma_wait3A_134 = tpu.memref_slice %arg9[%add3A_10, %dma_wait3A_133] : memref<10112x128xf32, #tpu.memory_space<vmem_shared>> -> memref<80x128xf32, #tpu.memory_space<vmem_shared>>
      %dma_wait3A_135 = arith.constant 0 : i32
      %dma_wait3A_136 = tpu.memref_slice %arg9[%add3A_10, %dma_wait3A_135] : memref<10112x128xf32, #tpu.memory_space<vmem_shared>> -> memref<80x128xf32, #tpu.memory_space<vmem_shared>>
      %dma_wait3A_137 = arith.constant 0 : i32
      %dma_wait3A_138 = arith.constant 0 : i32
      %dma_wait3A_139 = tpu.memref_slice %arg7[%dma_wait3A_137, %dma_wait3A_138] : memref<80x128xf32, #tpu.memory_space<vmem>> -> memref<80x128xf32, #tpu.memory_space<vmem>>
      tpu.wait_dma2 semaphore(%run_scoped3A_119 : memref<!tpu.dma_semaphore, #tpu.memory_space<semaphore_mem>>) src(%dma_wait3A_139 : memref<80x128xf32, #tpu.memory_space<vmem>>) dst(%dma_wait3A_136 : memref<80x128xf32, #tpu.memory_space<vmem_shared>>)
      tpu.yield
    }) : () -> ()
    %add3A_11 = arith.constant 80 : i32
    %add3A_12 = arith.addi %mul3A_8, %add3A_11 : i32
    "tpu.region"() ({
      %run_scoped3A_119 = tpu.sem_alloc : memref<!tpu.dma_semaphore, #tpu.memory_space<semaphore_mem>>
      %dma_start3A_120 = arith.constant 0 : i32
      %dma_start3A_121 = arith.constant 0 : i32
      %dma_start3A_122 = tpu.memref_slice %arg7[%dma_start3A_120, %dma_start3A_121] : memref<80x128xf32, #tpu.memory_space<vmem>> -> memref<80x128xf32, #tpu.memory_space<vmem>>
      %dma_start3A_123 = arith.constant 0 : i32
      %dma_start3A_124 = tpu.memref_slice %arg9[%add3A_12, %dma_start3A_123] : memref<10112x128xf32, #tpu.memory_space<vmem_shared>> -> memref<80x128xf32, #tpu.memory_space<vmem_shared>>
      %dma_start3A_125 = arith.constant 0 : i32
      %dma_start3A_126 = tpu.memref_slice %arg9[%add3A_12, %dma_start3A_125] : memref<10112x128xf32, #tpu.memory_space<vmem_shared>> -> memref<80x128xf32, #tpu.memory_space<vmem_shared>>
      %dma_start3A_127 = arith.constant 0 : i32
      %dma_start3A_128 = arith.constant 0 : i32
      %dma_start3A_129 = tpu.memref_slice %arg7[%dma_start3A_127, %dma_start3A_128] : memref<80x128xf32, #tpu.memory_space<vmem>> -> memref<80x128xf32, #tpu.memory_space<vmem>>
      tpu.enqueue_dma source(%dma_start3A_129 : memref<80x128xf32, #tpu.memory_space<vmem>>) target(%dma_start3A_126 : memref<80x128xf32, #tpu.memory_space<vmem_shared>>) target_semaphore(%run_scoped3A_119 : memref<!tpu.dma_semaphore, #tpu.memory_space<semaphore_mem>>)
      %dma_wait3A_130 = arith.constant 0 : i32
      %dma_wait3A_131 = arith.constant 0 : i32
      %dma_wait3A_132 = tpu.memref_slice %arg7[%dma_wait3A_130, %dma_wait3A_131] : memref<80x128xf32, #tpu.memory_space<vmem>> -> memref<80x128xf32, #tpu.memory_space<vmem>>
      %dma_wait3A_133 = arith.constant 0 : i32
      %dma_wait3A_134 = tpu.memref_slice %arg9[%add3A_12, %dma_wait3A_133] : memref<10112x128xf32, #tpu.memory_space<vmem_shared>> -> memref<80x128xf32, #tpu.memory_space<vmem_shared>>
      %dma_wait3A_135 = arith.constant 0 : i32
      %dma_wait3A_136 = tpu.memref_slice %arg9[%add3A_12, %dma_wait3A_135] : memref<10112x128xf32, #tpu.memory_space<vmem_shared>> -> memref<80x128xf32, #tpu.memory_space<vmem_shared>>
      %dma_wait3A_137 = arith.constant 0 : i32
      %dma_wait3A_138 = arith.constant 0 : i32
      %dma_wait3A_139 = tpu.memref_slice %arg7[%dma_wait3A_137, %dma_wait3A_138] : memref<80x128xf32, #tpu.memory_space<vmem>> -> memref<80x128xf32, #tpu.memory_space<vmem>>
      tpu.wait_dma2 semaphore(%run_scoped3A_119 : memref<!tpu.dma_semaphore, #tpu.memory_space<semaphore_mem>>) src(%dma_wait3A_139 : memref<80x128xf32, #tpu.memory_space<vmem>>) dst(%dma_wait3A_136 : memref<80x128xf32, #tpu.memory_space<vmem_shared>>)
      tpu.yield
    }) : () -> ()
    %add3A_13 = arith.constant 160 : i32
    %add3A_14 = arith.addi %mul3A_8, %add3A_13 : i32
    "tpu.region"() ({
      %run_scoped3A_119 = tpu.sem_alloc : memref<!tpu.dma_semaphore, #tpu.memory_space<semaphore_mem>>
      %dma_start3A_120 = arith.constant 0 : i32
      %dma_start3A_121 = arith.constant 0 : i32
      %dma_start3A_122 = tpu.memref_slice %arg7[%dma_start3A_120, %dma_start3A_121] : memref<80x128xf32, #tpu.memory_space<vmem>> -> memref<80x128xf32, #tpu.memory_space<vmem>>
      %dma_start3A_123 = arith.constant 0 : i32
      %dma_start3A_124 = tpu.memref_slice %arg9[%add3A_14, %dma_start3A_123] : memref<10112x128xf32, #tpu.memory_space<vmem_shared>> -> memref<80x128xf32, #tpu.memory_space<vmem_shared>>
      %dma_start3A_125 = arith.constant 0 : i32
      %dma_start3A_126 = tpu.memref_slice %arg9[%add3A_14, %dma_start3A_125] : memref<10112x128xf32, #tpu.memory_space<vmem_shared>> -> memref<80x128xf32, #tpu.memory_space<vmem_shared>>
      %dma_start3A_127 = arith.constant 0 : i32
      %dma_start3A_128 = arith.constant 0 : i32
      %dma_start3A_129 = tpu.memref_slice %arg7[%dma_start3A_127, %dma_start3A_128] : memref<80x128xf32, #tpu.memory_space<vmem>> -> memref<80x128xf32, #tpu.memory_space<vmem>>
      tpu.enqueue_dma source(%dma_start3A_129 : memref<80x128xf32, #tpu.memory_space<vmem>>) target(%dma_start3A_126 : memref<80x128xf32, #tpu.memory_space<vmem_shared>>) target_semaphore(%run_scoped3A_119 : memref<!tpu.dma_semaphore, #tpu.memory_space<semaphore_mem>>)
      %dma_wait3A_130 = arith.constant 0 : i32
      %dma_wait3A_131 = arith.constant 0 : i32
      %dma_wait3A_132 = tpu.memref_slice %arg7[%dma_wait3A_130, %dma_wait3A_131] : memref<80x128xf32, #tpu.memory_space<vmem>> -> memref<80x128xf32, #tpu.memory_space<vmem>>
      %dma_wait3A_133 = arith.constant 0 : i32
      %dma_wait3A_134 = tpu.memref_slice %arg9[%add3A_14, %dma_wait3A_133] : memref<10112x128xf32, #tpu.memory_space<vmem_shared>> -> memref<80x128xf32, #tpu.memory_space<vmem_shared>>
      %dma_wait3A_135 = arith.constant 0 : i32
      %dma_wait3A_136 = tpu.memref_slice %arg9[%add3A_14, %dma_wait3A_135] : memref<10112x128xf32, #tpu.memory_space<vmem_shared>> -> memref<80x128xf32, #tpu.memory_space<vmem_shared>>
      %dma_wait3A_137 = arith.constant 0 : i32
      %dma_wait3A_138 = arith.constant 0 : i32
      %dma_wait3A_139 = tpu.memref_slice %arg7[%dma_wait3A_137, %dma_wait3A_138] : memref<80x128xf32, #tpu.memory_space<vmem>> -> memref<80x128xf32, #tpu.memory_space<vmem>>
      tpu.wait_dma2 semaphore(%run_scoped3A_119 : memref<!tpu.dma_semaphore, #tpu.memory_space<semaphore_mem>>) src(%dma_wait3A_139 : memref<80x128xf32, #tpu.memory_space<vmem>>) dst(%dma_wait3A_136 : memref<80x128xf32, #tpu.memory_space<vmem_shared>>)
      tpu.yield
    }) : () -> ()
    %add3A_15 = arith.constant 240 : i32
    %add3A_16 = arith.addi %mul3A_8, %add3A_15 : i32
    "tpu.region"() ({
      %run_scoped3A_119 = tpu.sem_alloc : memref<!tpu.dma_semaphore, #tpu.memory_space<semaphore_mem>>
      %dma_start3A_120 = arith.constant 0 : i32
      %dma_start3A_121 = arith.constant 0 : i32
      %dma_start3A_122 = tpu.memref_slice %arg7[%dma_start3A_120, %dma_start3A_121] : memref<80x128xf32, #tpu.memory_space<vmem>> -> memref<80x128xf32, #tpu.memory_space<vmem>>
      %dma_start3A_123 = arith.constant 0 : i32
      %dma_start3A_124 = tpu.memref_slice %arg9[%add3A_16, %dma_start3A_123] : memref<10112x128xf32, #tpu.memory_space<vmem_shared>> -> memref<80x128xf32, #tpu.memory_space<vmem_shared>>
      %dma_start3A_125 = arith.constant 0 : i32
      %dma_start3A_126 = tpu.memref_slice %arg9[%add3A_16, %dma_start3A_125] : memref<10112x128xf32, #tpu.memory_space<vmem_shared>> -> memref<80x128xf32, #tpu.memory_space<vmem_shared>>
      %dma_start3A_127 = arith.constant 0 : i32
      %dma_start3A_128 = arith.constant 0 : i32
      %dma_start3A_129 = tpu.memref_slice %arg7[%dma_start3A_127, %dma_start3A_128] : memref<80x128xf32, #tpu.memory_space<vmem>> -> memref<80x128xf32, #tpu.memory_space<vmem>>
      tpu.enqueue_dma source(%dma_start3A_129 : memref<80x128xf32, #tpu.memory_space<vmem>>) target(%dma_start3A_126 : memref<80x128xf32, #tpu.memory_space<vmem_shared>>) target_semaphore(%run_scoped3A_119 : memref<!tpu.dma_semaphore, #tpu.memory_space<semaphore_mem>>)
      %dma_wait3A_130 = arith.constant 0 : i32
      %dma_wait3A_131 = arith.constant 0 : i32
      %dma_wait3A_132 = tpu.memref_slice %arg7[%dma_wait3A_130, %dma_wait3A_131] : memref<80x128xf32, #tpu.memory_space<vmem>> -> memref<80x128xf32, #tpu.memory_space<vmem>>
      %dma_wait3A_133 = arith.constant 0 : i32
      %dma_wait3A_134 = tpu.memref_slice %arg9[%add3A_16, %dma_wait3A_133] : memref<10112x128xf32, #tpu.memory_space<vmem_shared>> -> memref<80x128xf32, #tpu.memory_space<vmem_shared>>
      %dma_wait3A_135 = arith.constant 0 : i32
      %dma_wait3A_136 = tpu.memref_slice %arg9[%add3A_16, %dma_wait3A_135] : memref<10112x128xf32, #tpu.memory_space<vmem_shared>> -> memref<80x128xf32, #tpu.memory_space<vmem_shared>>
      %dma_wait3A_137 = arith.constant 0 : i32
      %dma_wait3A_138 = arith.constant 0 : i32
      %dma_wait3A_139 = tpu.memref_slice %arg7[%dma_wait3A_137, %dma_wait3A_138] : memref<80x128xf32, #tpu.memory_space<vmem>> -> memref<80x128xf32, #tpu.memory_space<vmem>>
      tpu.wait_dma2 semaphore(%run_scoped3A_119 : memref<!tpu.dma_semaphore, #tpu.memory_space<semaphore_mem>>) src(%dma_wait3A_139 : memref<80x128xf32, #tpu.memory_space<vmem>>) dst(%dma_wait3A_136 : memref<80x128xf32, #tpu.memory_space<vmem_shared>>)
      tpu.yield
    }) : () -> ()
    %add3A_17 = arith.constant 320 : i32
    %add3A_18 = arith.addi %mul3A_8, %add3A_17 : i32
    "tpu.region"() ({
      %run_scoped3A_119 = tpu.sem_alloc : memref<!tpu.dma_semaphore, #tpu.memory_space<semaphore_mem>>
      %dma_start3A_120 = arith.constant 0 : i32
      %dma_start3A_121 = arith.constant 0 : i32
      %dma_start3A_122 = tpu.memref_slice %arg7[%dma_start3A_120, %dma_start3A_121] : memref<80x128xf32, #tpu.memory_space<vmem>> -> memref<80x128xf32, #tpu.memory_space<vmem>>
      %dma_start3A_123 = arith.constant 0 : i32
      %dma_start3A_124 = tpu.memref_slice %arg9[%add3A_18, %dma_start3A_123] : memref<10112x128xf32, #tpu.memory_space<vmem_shared>> -> memref<80x128xf32, #tpu.memory_space<vmem_shared>>
      %dma_start3A_125 = arith.constant 0 : i32
      %dma_start3A_126 = tpu.memref_slice %arg9[%add3A_18, %dma_start3A_125] : memref<10112x128xf32, #tpu.memory_space<vmem_shared>> -> memref<80x128xf32, #tpu.memory_space<vmem_shared>>
      %dma_start3A_127 = arith.constant 0 : i32
      %dma_start3A_128 = arith.constant 0 : i32
      %dma_start3A_129 = tpu.memref_slice %arg7[%dma_start3A_127, %dma_start3A_128] : memref<80x128xf32, #tpu.memory_space<vmem>> -> memref<80x128xf32, #tpu.memory_space<vmem>>
      tpu.enqueue_dma source(%dma_start3A_129 : memref<80x128xf32, #tpu.memory_space<vmem>>) target(%dma_start3A_126 : memref<80x128xf32, #tpu.memory_space<vmem_shared>>) target_semaphore(%run_scoped3A_119 : memref<!tpu.dma_semaphore, #tpu.memory_space<semaphore_mem>>)
      %dma_wait3A_130 = arith.constant 0 : i32
      %dma_wait3A_131 = arith.constant 0 : i32
      %dma_wait3A_132 = tpu.memref_slice %arg7[%dma_wait3A_130, %dma_wait3A_131] : memref<80x128xf32, #tpu.memory_space<vmem>> -> memref<80x128xf32, #tpu.memory_space<vmem>>
      %dma_wait3A_133 = arith.constant 0 : i32
      %dma_wait3A_134 = tpu.memref_slice %arg9[%add3A_18, %dma_wait3A_133] : memref<10112x128xf32, #tpu.memory_space<vmem_shared>> -> memref<80x128xf32, #tpu.memory_space<vmem_shared>>
      %dma_wait3A_135 = arith.constant 0 : i32
      %dma_wait3A_136 = tpu.memref_slice %arg9[%add3A_18, %dma_wait3A_135] : memref<10112x128xf32, #tpu.memory_space<vmem_shared>> -> memref<80x128xf32, #tpu.memory_space<vmem_shared>>
      %dma_wait3A_137 = arith.constant 0 : i32
      %dma_wait3A_138 = arith.constant 0 : i32
      %dma_wait3A_139 = tpu.memref_slice %arg7[%dma_wait3A_137, %dma_wait3A_138] : memref<80x128xf32, #tpu.memory_space<vmem>> -> memref<80x128xf32, #tpu.memory_space<vmem>>
      tpu.wait_dma2 semaphore(%run_scoped3A_119 : memref<!tpu.dma_semaphore, #tpu.memory_space<semaphore_mem>>) src(%dma_wait3A_139 : memref<80x128xf32, #tpu.memory_space<vmem>>) dst(%dma_wait3A_136 : memref<80x128xf32, #tpu.memory_space<vmem_shared>>)
      tpu.yield
    }) : () -> ()
    %add3A_19 = arith.constant 400 : i32
    %add3A_20 = arith.addi %mul3A_8, %add3A_19 : i32
    "tpu.region"() ({
      %run_scoped3A_119 = tpu.sem_alloc : memref<!tpu.dma_semaphore, #tpu.memory_space<semaphore_mem>>
      %dma_start3A_120 = arith.constant 0 : i32
      %dma_start3A_121 = arith.constant 0 : i32
      %dma_start3A_122 = tpu.memref_slice %arg7[%dma_start3A_120, %dma_start3A_121] : memref<80x128xf32, #tpu.memory_space<vmem>> -> memref<80x128xf32, #tpu.memory_space<vmem>>
      %dma_start3A_123 = arith.constant 0 : i32
      %dma_start3A_124 = tpu.memref_slice %arg9[%add3A_20, %dma_start3A_123] : memref<10112x128xf32, #tpu.memory_space<vmem_shared>> -> memref<80x128xf32, #tpu.memory_space<vmem_shared>>
      %dma_start3A_125 = arith.constant 0 : i32
      %dma_start3A_126 = tpu.memref_slice %arg9[%add3A_20, %dma_start3A_125] : memref<10112x128xf32, #tpu.memory_space<vmem_shared>> -> memref<80x128xf32, #tpu.memory_space<vmem_shared>>
      %dma_start3A_127 = arith.constant 0 : i32
      %dma_start3A_128 = arith.constant 0 : i32
      %dma_start3A_129 = tpu.memref_slice %arg7[%dma_start3A_127, %dma_start3A_128] : memref<80x128xf32, #tpu.memory_space<vmem>> -> memref<80x128xf32, #tpu.memory_space<vmem>>
      tpu.enqueue_dma source(%dma_start3A_129 : memref<80x128xf32, #tpu.memory_space<vmem>>) target(%dma_start3A_126 : memref<80x128xf32, #tpu.memory_space<vmem_shared>>) target_semaphore(%run_scoped3A_119 : memref<!tpu.dma_semaphore, #tpu.memory_space<semaphore_mem>>)
      %dma_wait3A_130 = arith.constant 0 : i32
      %dma_wait3A_131 = arith.constant 0 : i32
      %dma_wait3A_132 = tpu.memref_slice %arg7[%dma_wait3A_130, %dma_wait3A_131] : memref<80x128xf32, #tpu.memory_space<vmem>> -> memref<80x128xf32, #tpu.memory_space<vmem>>
      %dma_wait3A_133 = arith.constant 0 : i32
      %dma_wait3A_134 = tpu.memref_slice %arg9[%add3A_20, %dma_wait3A_133] : memref<10112x128xf32, #tpu.memory_space<vmem_shared>> -> memref<80x128xf32, #tpu.memory_space<vmem_shared>>
      %dma_wait3A_135 = arith.constant 0 : i32
      %dma_wait3A_136 = tpu.memref_slice %arg9[%add3A_20, %dma_wait3A_135] : memref<10112x128xf32, #tpu.memory_space<vmem_shared>> -> memref<80x128xf32, #tpu.memory_space<vmem_shared>>
      %dma_wait3A_137 = arith.constant 0 : i32
      %dma_wait3A_138 = arith.constant 0 : i32
      %dma_wait3A_139 = tpu.memref_slice %arg7[%dma_wait3A_137, %dma_wait3A_138] : memref<80x128xf32, #tpu.memory_space<vmem>> -> memref<80x128xf32, #tpu.memory_space<vmem>>
      tpu.wait_dma2 semaphore(%run_scoped3A_119 : memref<!tpu.dma_semaphore, #tpu.memory_space<semaphore_mem>>) src(%dma_wait3A_139 : memref<80x128xf32, #tpu.memory_space<vmem>>) dst(%dma_wait3A_136 : memref<80x128xf32, #tpu.memory_space<vmem_shared>>)
      tpu.yield
    }) : () -> ()
    %add3A_21 = arith.constant 480 : i32
    %add3A_22 = arith.addi %mul3A_8, %add3A_21 : i32
    "tpu.region"() ({
      %run_scoped3A_119 = tpu.sem_alloc : memref<!tpu.dma_semaphore, #tpu.memory_space<semaphore_mem>>
      %dma_start3A_120 = arith.constant 0 : i32
      %dma_start3A_121 = arith.constant 0 : i32
      %dma_start3A_122 = tpu.memref_slice %arg7[%dma_start3A_120, %dma_start3A_121] : memref<80x128xf32, #tpu.memory_space<vmem>> -> memref<80x128xf32, #tpu.memory_space<vmem>>
      %dma_start3A_123 = arith.constant 0 : i32
      %dma_start3A_124 = tpu.memref_slice %arg9[%add3A_22, %dma_start3A_123] : memref<10112x128xf32, #tpu.memory_space<vmem_shared>> -> memref<80x128xf32, #tpu.memory_space<vmem_shared>>
      %dma_start3A_125 = arith.constant 0 : i32
      %dma_start3A_126 = tpu.memref_slice %arg9[%add3A_22, %dma_start3A_125] : memref<10112x128xf32, #tpu.memory_space<vmem_shared>> -> memref<80x128xf32, #tpu.memory_space<vmem_shared>>
      %dma_start3A_127 = arith.constant 0 : i32
      %dma_start3A_128 = arith.constant 0 : i32
      %dma_start3A_129 = tpu.memref_slice %arg7[%dma_start3A_127, %dma_start3A_128] : memref<80x128xf32, #tpu.memory_space<vmem>> -> memref<80x128xf32, #tpu.memory_space<vmem>>
      tpu.enqueue_dma source(%dma_start3A_129 : memref<80x128xf32, #tpu.memory_space<vmem>>) target(%dma_start3A_126 : memref<80x128xf32, #tpu.memory_space<vmem_shared>>) target_semaphore(%run_scoped3A_119 : memref<!tpu.dma_semaphore, #tpu.memory_space<semaphore_mem>>)
      %dma_wait3A_130 = arith.constant 0 : i32
      %dma_wait3A_131 = arith.constant 0 : i32
      %dma_wait3A_132 = tpu.memref_slice %arg7[%dma_wait3A_130, %dma_wait3A_131] : memref<80x128xf32, #tpu.memory_space<vmem>> -> memref<80x128xf32, #tpu.memory_space<vmem>>
      %dma_wait3A_133 = arith.constant 0 : i32
      %dma_wait3A_134 = tpu.memref_slice %arg9[%add3A_22, %dma_wait3A_133] : memref<10112x128xf32, #tpu.memory_space<vmem_shared>> -> memref<80x128xf32, #tpu.memory_space<vmem_shared>>
      %dma_wait3A_135 = arith.constant 0 : i32
      %dma_wait3A_136 = tpu.memref_slice %arg9[%add3A_22, %dma_wait3A_135] : memref<10112x128xf32, #tpu.memory_space<vmem_shared>> -> memref<80x128xf32, #tpu.memory_space<vmem_shared>>
      %dma_wait3A_137 = arith.constant 0 : i32
      %dma_wait3A_138 = arith.constant 0 : i32
      %dma_wait3A_139 = tpu.memref_slice %arg7[%dma_wait3A_137, %dma_wait3A_138] : memref<80x128xf32, #tpu.memory_space<vmem>> -> memref<80x128xf32, #tpu.memory_space<vmem>>
      tpu.wait_dma2 semaphore(%run_scoped3A_119 : memref<!tpu.dma_semaphore, #tpu.memory_space<semaphore_mem>>) src(%dma_wait3A_139 : memref<80x128xf32, #tpu.memory_space<vmem>>) dst(%dma_wait3A_136 : memref<80x128xf32, #tpu.memory_space<vmem_shared>>)
      tpu.yield
    }) : () -> ()
    %add3A_23 = arith.constant 560 : i32
    %add3A_24 = arith.addi %mul3A_8, %add3A_23 : i32
    "tpu.region"() ({
      %run_scoped3A_119 = tpu.sem_alloc : memref<!tpu.dma_semaphore, #tpu.memory_space<semaphore_mem>>
      %dma_start3A_120 = arith.constant 0 : i32
      %dma_start3A_121 = arith.constant 0 : i32
      %dma_start3A_122 = tpu.memref_slice %arg7[%dma_start3A_120, %dma_start3A_121] : memref<80x128xf32, #tpu.memory_space<vmem>> -> memref<72x128xf32, #tpu.memory_space<vmem>>
      %dma_start3A_123 = arith.constant 0 : i32
      %dma_start3A_124 = tpu.memref_slice %arg9[%add3A_24, %dma_start3A_123] : memref<10112x128xf32, #tpu.memory_space<vmem_shared>> -> memref<72x128xf32, #tpu.memory_space<vmem_shared>>
      %dma_start3A_125 = arith.constant 0 : i32
      %dma_start3A_126 = tpu.memref_slice %arg9[%add3A_24, %dma_start3A_125] : memref<10112x128xf32, #tpu.memory_space<vmem_shared>> -> memref<72x128xf32, #tpu.memory_space<vmem_shared>>
      %dma_start3A_127 = arith.constant 0 : i32
      %dma_start3A_128 = arith.constant 0 : i32
      %dma_start3A_129 = tpu.memref_slice %arg7[%dma_start3A_127, %dma_start3A_128] : memref<80x128xf32, #tpu.memory_space<vmem>> -> memref<72x128xf32, #tpu.memory_space<vmem>>
      tpu.enqueue_dma source(%dma_start3A_129 : memref<72x128xf32, #tpu.memory_space<vmem>>) target(%dma_start3A_126 : memref<72x128xf32, #tpu.memory_space<vmem_shared>>) target_semaphore(%run_scoped3A_119 : memref<!tpu.dma_semaphore, #tpu.memory_space<semaphore_mem>>)
      %dma_wait3A_130 = arith.constant 0 : i32
      %dma_wait3A_131 = arith.constant 0 : i32
      %dma_wait3A_132 = tpu.memref_slice %arg7[%dma_wait3A_130, %dma_wait3A_131] : memref<80x128xf32, #tpu.memory_space<vmem>> -> memref<72x128xf32, #tpu.memory_space<vmem>>
      %dma_wait3A_133 = arith.constant 0 : i32
      %dma_wait3A_134 = tpu.memref_slice %arg9[%add3A_24, %dma_wait3A_133] : memref<10112x128xf32, #tpu.memory_space<vmem_shared>> -> memref<72x128xf32, #tpu.memory_space<vmem_shared>>
      %dma_wait3A_135 = arith.constant 0 : i32
      %dma_wait3A_136 = tpu.memref_slice %arg9[%add3A_24, %dma_wait3A_135] : memref<10112x128xf32, #tpu.memory_space<vmem_shared>> -> memref<72x128xf32, #tpu.memory_space<vmem_shared>>
      %dma_wait3A_137 = arith.constant 0 : i32
      %dma_wait3A_138 = arith.constant 0 : i32
      %dma_wait3A_139 = tpu.memref_slice %arg7[%dma_wait3A_137, %dma_wait3A_138] : memref<80x128xf32, #tpu.memory_space<vmem>> -> memref<72x128xf32, #tpu.memory_space<vmem>>
      tpu.wait_dma2 semaphore(%run_scoped3A_119 : memref<!tpu.dma_semaphore, #tpu.memory_space<semaphore_mem>>) src(%dma_wait3A_139 : memref<72x128xf32, #tpu.memory_space<vmem>>) dst(%dma_wait3A_136 : memref<72x128xf32, #tpu.memory_space<vmem_shared>>)
      tpu.yield
    }) : () -> ()
    %run_scoped3A = arith.constant 0 : i32
    "tpu.region"() ({
      %run_scoped3A_119 = tpu.sem_alloc : memref<!tpu.dma_semaphore, #tpu.memory_space<semaphore_mem>>
      %dma_start3A_120 = arith.constant 0 : i32
      %dma_start3A_121 = arith.constant 0 : i32
      %dma_start3A_122 = tpu.memref_slice %arg3[%run_scoped3A, %add3A, %dma_start3A_120, %dma_start3A_121] : memref<2x32x125x80xi32, #tpu.memory_space<hbm>> -> memref<1x1x125x80xi32, #tpu.memory_space<hbm>>
      %dma_start3A_123 = tpu.memref_squeeze %dma_start3A_122 : memref<1x1x125x80xi32, #tpu.memory_space<hbm>> -> memref<125x80xi32, #tpu.memory_space<hbm>>
      %dma_start3A_124 = arith.constant 0 : i32
      %dma_start3A_125 = arith.constant 0 : i32
      %dma_start3A_126 = tpu.memref_slice %arg3[%run_scoped3A, %add3A, %dma_start3A_124, %dma_start3A_125] : memref<2x32x125x80xi32, #tpu.memory_space<hbm>> -> memref<1x1x125x80xi32, #tpu.memory_space<hbm>>
      %dma_start3A_127 = tpu.memref_squeeze %dma_start3A_126 : memref<1x1x125x80xi32, #tpu.memory_space<hbm>> -> memref<125x80xi32, #tpu.memory_space<hbm>>
      tpu.enqueue_dma source(%dma_start3A_127 : memref<125x80xi32, #tpu.memory_space<hbm>>) target(%arg5 : memref<125x80xi32, #tpu.memory_space<vmem>>) target_semaphore(%run_scoped3A_119 : memref<!tpu.dma_semaphore, #tpu.memory_space<semaphore_mem>>)
      %dma_wait3A_128 = arith.constant 0 : i32
      %dma_wait3A_129 = arith.constant 0 : i32
      %dma_wait3A_130 = tpu.memref_slice %arg3[%run_scoped3A, %add3A, %dma_wait3A_128, %dma_wait3A_129] : memref<2x32x125x80xi32, #tpu.memory_space<hbm>> -> memref<1x1x125x80xi32, #tpu.memory_space<hbm>>
      %dma_wait3A_131 = tpu.memref_squeeze %dma_wait3A_130 : memref<1x1x125x80xi32, #tpu.memory_space<hbm>> -> memref<125x80xi32, #tpu.memory_space<hbm>>
      %dma_wait3A_132 = arith.constant 0 : i32
      %dma_wait3A_133 = arith.constant 0 : i32
      %dma_wait3A_134 = tpu.memref_slice %arg3[%run_scoped3A, %add3A, %dma_wait3A_132, %dma_wait3A_133] : memref<2x32x125x80xi32, #tpu.memory_space<hbm>> -> memref<1x1x125x80xi32, #tpu.memory_space<hbm>>
      %dma_wait3A_135 = tpu.memref_squeeze %dma_wait3A_134 : memref<1x1x125x80xi32, #tpu.memory_space<hbm>> -> memref<125x80xi32, #tpu.memory_space<hbm>>
      tpu.wait_dma2 semaphore(%run_scoped3A_119 : memref<!tpu.dma_semaphore, #tpu.memory_space<semaphore_mem>>) src(%dma_wait3A_135 : memref<125x80xi32, #tpu.memory_space<hbm>>) dst(%arg5 : memref<125x80xi32, #tpu.memory_space<vmem>>)
      tpu.yield
    }) : () -> ()
    %run_scoped3A_25 = arith.constant 1 : i32
    "tpu.region"() ({
      %run_scoped3A_119 = tpu.sem_alloc : memref<!tpu.dma_semaphore, #tpu.memory_space<semaphore_mem>>
      %dma_start3A_120 = arith.constant 0 : i32
      %dma_start3A_121 = arith.constant 0 : i32
      %dma_start3A_122 = tpu.memref_slice %arg3[%run_scoped3A_25, %add3A, %dma_start3A_120, %dma_start3A_121] : memref<2x32x125x80xi32, #tpu.memory_space<hbm>> -> memref<1x1x125x80xi32, #tpu.memory_space<hbm>>
      %dma_start3A_123 = tpu.memref_squeeze %dma_start3A_122 : memref<1x1x125x80xi32, #tpu.memory_space<hbm>> -> memref<125x80xi32, #tpu.memory_space<hbm>>
      %dma_start3A_124 = arith.constant 0 : i32
      %dma_start3A_125 = arith.constant 0 : i32
      %dma_start3A_126 = tpu.memref_slice %arg3[%run_scoped3A_25, %add3A, %dma_start3A_124, %dma_start3A_125] : memref<2x32x125x80xi32, #tpu.memory_space<hbm>> -> memref<1x1x125x80xi32, #tpu.memory_space<hbm>>
      %dma_start3A_127 = tpu.memref_squeeze %dma_start3A_126 : memref<1x1x125x80xi32, #tpu.memory_space<hbm>> -> memref<125x80xi32, #tpu.memory_space<hbm>>
      tpu.enqueue_dma source(%dma_start3A_127 : memref<125x80xi32, #tpu.memory_space<hbm>>) target(%arg6 : memref<125x80xi32, #tpu.memory_space<vmem>>) target_semaphore(%run_scoped3A_119 : memref<!tpu.dma_semaphore, #tpu.memory_space<semaphore_mem>>)
      %dma_wait3A_128 = arith.constant 0 : i32
      %dma_wait3A_129 = arith.constant 0 : i32
      %dma_wait3A_130 = tpu.memref_slice %arg3[%run_scoped3A_25, %add3A, %dma_wait3A_128, %dma_wait3A_129] : memref<2x32x125x80xi32, #tpu.memory_space<hbm>> -> memref<1x1x125x80xi32, #tpu.memory_space<hbm>>
      %dma_wait3A_131 = tpu.memref_squeeze %dma_wait3A_130 : memref<1x1x125x80xi32, #tpu.memory_space<hbm>> -> memref<125x80xi32, #tpu.memory_space<hbm>>
      %dma_wait3A_132 = arith.constant 0 : i32
      %dma_wait3A_133 = arith.constant 0 : i32
      %dma_wait3A_134 = tpu.memref_slice %arg3[%run_scoped3A_25, %add3A, %dma_wait3A_132, %dma_wait3A_133] : memref<2x32x125x80xi32, #tpu.memory_space<hbm>> -> memref<1x1x125x80xi32, #tpu.memory_space<hbm>>
      %dma_wait3A_135 = tpu.memref_squeeze %dma_wait3A_134 : memref<1x1x125x80xi32, #tpu.memory_space<hbm>> -> memref<125x80xi32, #tpu.memory_space<hbm>>
      tpu.wait_dma2 semaphore(%run_scoped3A_119 : memref<!tpu.dma_semaphore, #tpu.memory_space<semaphore_mem>>) src(%dma_wait3A_135 : memref<125x80xi32, #tpu.memory_space<hbm>>) dst(%arg6 : memref<125x80xi32, #tpu.memory_space<vmem>>)
      tpu.yield
    }) : () -> ()
    %barrier3A = arith.constant 0 : index
    tpu.barrier barrier_id(%barrier3A)
    %dma_start3A = arith.constant 0 : i32
    %dma_start3A_26 = arith.constant 0 : i32
    %dma_start3A_27 = tpu.memref_slice %arg5[%dma_start3A, %dma_start3A_26] : memref<125x80xi32, #tpu.memory_space<vmem>> -> memref<1x80xi32, #tpu.memory_space<vmem>>
    %dma_start3A_28 = tpu.memref_squeeze %dma_start3A_27 : memref<1x80xi32, #tpu.memory_space<vmem>> -> memref<80xi32, #tpu.memory_space<vmem>>
    %dma_start3A_29 = arith.constant 0 : i32
    %dma_start3A_30 = arith.constant 0 : i32
    %dma_start3A_31 = tpu.memref_slice %arg2[%dma_start3A_29, %dma_start3A_30] : memref<10000x128xf32, #tpu.memory_space<hbm>> -> memref<10000x128xf32, #tpu.memory_space<hbm>>
    tpu.enqueue_indirect_dma source(%dma_start3A_31 : memref<10000x128xf32, #tpu.memory_space<hbm>>) target(%arg7 : memref<80x128xf32, #tpu.memory_space<vmem>>) offsets(%dma_start3A_28 : memref<80xi32, #tpu.memory_space<vmem>>) semaphore(%arg10 : memref<!tpu.dma_semaphore, #tpu.memory_space<semaphore_mem>>)
    %dma_start3A_32 = arith.constant 1 : i32
    %dma_start3A_33 = arith.constant 0 : i32
    %dma_start3A_34 = tpu.memref_slice %arg5[%dma_start3A_32, %dma_start3A_33] : memref<125x80xi32, #tpu.memory_space<vmem>> -> memref<1x80xi32, #tpu.memory_space<vmem>>
    %dma_start3A_35 = tpu.memref_squeeze %dma_start3A_34 : memref<1x80xi32, #tpu.memory_space<vmem>> -> memref<80xi32, #tpu.memory_space<vmem>>
    %dma_start3A_36 = arith.constant 0 : i32
    %dma_start3A_37 = arith.constant 0 : i32
    %dma_start3A_38 = tpu.memref_slice %arg2[%dma_start3A_36, %dma_start3A_37] : memref<10000x128xf32, #tpu.memory_space<hbm>> -> memref<10000x128xf32, #tpu.memory_space<hbm>>
    tpu.enqueue_indirect_dma source(%dma_start3A_38 : memref<10000x128xf32, #tpu.memory_space<hbm>>) target(%arg8 : memref<80x128xf32, #tpu.memory_space<vmem>>) offsets(%dma_start3A_35 : memref<80xi32, #tpu.memory_space<vmem>>) semaphore(%arg11 : memref<!tpu.dma_semaphore, #tpu.memory_space<semaphore_mem>>)
    %scan3A_39 = arith.constant 0 : i32
    %scan3A_40 = arith.constant 0 : i32
    %scan3A_41 = arith.constant 62 : i32
    %scan3A_42 = arith.addi %scan3A_40, %scan3A_41 : i32
    %scan3A_43 = arith.constant 1 : i32
    scf.for %scan3A_119 = %scan3A_40 to %scan3A_42 step %scan3A_43  : i32 {
      %mul3A_120 = arith.constant 2 : i32
      %mul3A_121 = arith.muli %mul3A_120, %scan3A_119 : i32
      %dma_wait3A_122 = arith.constant 0 : i32
      %dma_wait3A_123 = tpu.memref_slice %arg5[%mul3A_121, %dma_wait3A_122] : memref<125x80xi32, #tpu.memory_space<vmem>> -> memref<1x80xi32, #tpu.memory_space<vmem>>
      %dma_wait3A_124 = tpu.memref_squeeze %dma_wait3A_123 : memref<1x80xi32, #tpu.memory_space<vmem>> -> memref<80xi32, #tpu.memory_space<vmem>>
      %dma_wait3A_125 = arith.constant 0 : i32
      %dma_wait3A_126 = arith.constant 0 : i32
      %dma_wait3A_127 = tpu.memref_slice %arg2[%dma_wait3A_125, %dma_wait3A_126] : memref<10000x128xf32, #tpu.memory_space<hbm>> -> memref<10000x128xf32, #tpu.memory_space<hbm>>
      tpu.wait_indirect_dma semaphore(%arg10 : memref<!tpu.dma_semaphore, #tpu.memory_space<semaphore_mem>>) src(%dma_wait3A_127 : memref<10000x128xf32, #tpu.memory_space<hbm>>) dst(%arg7 : memref<80x128xf32, #tpu.memory_space<vmem>>)
      %dma_start3A_128 = arith.constant 0 : i32
      %dma_start3A_129 = tpu.memref_slice %arg6[%mul3A_121, %dma_start3A_128] : memref<125x80xi32, #tpu.memory_space<vmem>> -> memref<1x80xi32, #tpu.memory_space<vmem>>
      %dma_start3A_130 = tpu.memref_squeeze %dma_start3A_129 : memref<1x80xi32, #tpu.memory_space<vmem>> -> memref<80xi32, #tpu.memory_space<vmem>>
      %dma_start3A_131 = arith.constant 0 : i32
      %dma_start3A_132 = arith.constant 0 : i32
      %dma_start3A_133 = tpu.memref_slice %arg9[%dma_start3A_131, %dma_start3A_132] : memref<10112x128xf32, #tpu.memory_space<vmem_shared>> -> memref<10112x128xf32, #tpu.memory_space<vmem_shared>>
      tpu.enqueue_indirect_dma source(%arg7 : memref<80x128xf32, #tpu.memory_space<vmem>>) target(%dma_start3A_133 : memref<10112x128xf32, #tpu.memory_space<vmem_shared>>) offsets(%dma_start3A_130 : memref<80xi32, #tpu.memory_space<vmem>>) semaphore(%arg12 : memref<!tpu.dma_semaphore, #tpu.memory_space<semaphore_mem>>) {add = true}
      %add3A_134 = arith.constant 1 : i32
      %add3A_135 = arith.addi %mul3A_121, %add3A_134 : i32
      %dma_wait3A_136 = arith.constant 0 : i32
      %dma_wait3A_137 = tpu.memref_slice %arg5[%add3A_135, %dma_wait3A_136] : memref<125x80xi32, #tpu.memory_space<vmem>> -> memref<1x80xi32, #tpu.memory_space<vmem>>
      %dma_wait3A_138 = tpu.memref_squeeze %dma_wait3A_137 : memref<1x80xi32, #tpu.memory_space<vmem>> -> memref<80xi32, #tpu.memory_space<vmem>>
      %dma_wait3A_139 = arith.constant 0 : i32
      %dma_wait3A_140 = arith.constant 0 : i32
      %dma_wait3A_141 = tpu.memref_slice %arg2[%dma_wait3A_139, %dma_wait3A_140] : memref<10000x128xf32, #tpu.memory_space<hbm>> -> memref<10000x128xf32, #tpu.memory_space<hbm>>
      tpu.wait_indirect_dma semaphore(%arg11 : memref<!tpu.dma_semaphore, #tpu.memory_space<semaphore_mem>>) src(%dma_wait3A_141 : memref<10000x128xf32, #tpu.memory_space<hbm>>) dst(%arg8 : memref<80x128xf32, #tpu.memory_space<vmem>>)
      %add3A_142 = arith.constant 1 : i32
      %add3A_143 = arith.addi %mul3A_121, %add3A_142 : i32
      %dma_start3A_144 = arith.constant 0 : i32
      %dma_start3A_145 = tpu.memref_slice %arg6[%add3A_143, %dma_start3A_144] : memref<125x80xi32, #tpu.memory_space<vmem>> -> memref<1x80xi32, #tpu.memory_space<vmem>>
      %dma_start3A_146 = tpu.memref_squeeze %dma_start3A_145 : memref<1x80xi32, #tpu.memory_space<vmem>> -> memref<80xi32, #tpu.memory_space<vmem>>
      %dma_start3A_147 = arith.constant 0 : i32
      %dma_start3A_148 = arith.constant 0 : i32
      %dma_start3A_149 = tpu.memref_slice %arg9[%dma_start3A_147, %dma_start3A_148] : memref<10112x128xf32, #tpu.memory_space<vmem_shared>> -> memref<10112x128xf32, #tpu.memory_space<vmem_shared>>
      tpu.enqueue_indirect_dma source(%arg8 : memref<80x128xf32, #tpu.memory_space<vmem>>) target(%dma_start3A_149 : memref<10112x128xf32, #tpu.memory_space<vmem_shared>>) offsets(%dma_start3A_146 : memref<80xi32, #tpu.memory_space<vmem>>) semaphore(%arg13 : memref<!tpu.dma_semaphore, #tpu.memory_space<semaphore_mem>>) {add = true}
      %lt3A = arith.constant 61 : i32
      %lt3A_150 = arith.cmpi slt, %scan3A_119, %lt3A : i32
      %convert_element_type3A = arith.extui %lt3A_150 : i1 to i32
      %cond3A = arith.constant 0 : i32
      %cond3A_151 = arith.cmpi ne, %convert_element_type3A, %cond3A : i32
      scf.if %cond3A_151 {
        %dma_wait3A_152 = arith.constant 0 : i32
        %dma_wait3A_153 = tpu.memref_slice %arg6[%mul3A_121, %dma_wait3A_152] : memref<125x80xi32, #tpu.memory_space<vmem>> -> memref<1x80xi32, #tpu.memory_space<vmem>>
        %dma_wait3A_154 = tpu.memref_squeeze %dma_wait3A_153 : memref<1x80xi32, #tpu.memory_space<vmem>> -> memref<80xi32, #tpu.memory_space<vmem>>
        %dma_wait3A_155 = arith.constant 0 : i32
        %dma_wait3A_156 = arith.constant 0 : i32
        %dma_wait3A_157 = tpu.memref_slice %arg9[%dma_wait3A_155, %dma_wait3A_156] : memref<10112x128xf32, #tpu.memory_space<vmem_shared>> -> memref<10112x128xf32, #tpu.memory_space<vmem_shared>>
        tpu.wait_indirect_dma semaphore(%arg12 : memref<!tpu.dma_semaphore, #tpu.memory_space<semaphore_mem>>) src(%arg7 : memref<80x128xf32, #tpu.memory_space<vmem>>) dst(%dma_wait3A_157 : memref<10112x128xf32, #tpu.memory_space<vmem_shared>>)
        %add3A_158 = arith.constant 2 : i32
        %add3A_159 = arith.addi %mul3A_121, %add3A_158 : i32
        %dma_start3A_160 = arith.constant 0 : i32
        %dma_start3A_161 = tpu.memref_slice %arg5[%add3A_159, %dma_start3A_160] : memref<125x80xi32, #tpu.memory_space<vmem>> -> memref<1x80xi32, #tpu.memory_space<vmem>>
        %dma_start3A_162 = tpu.memref_squeeze %dma_start3A_161 : memref<1x80xi32, #tpu.memory_space<vmem>> -> memref<80xi32, #tpu.memory_space<vmem>>
        %dma_start3A_163 = arith.constant 0 : i32
        %dma_start3A_164 = arith.constant 0 : i32
        %dma_start3A_165 = tpu.memref_slice %arg2[%dma_start3A_163, %dma_start3A_164] : memref<10000x128xf32, #tpu.memory_space<hbm>> -> memref<10000x128xf32, #tpu.memory_space<hbm>>
        tpu.enqueue_indirect_dma source(%dma_start3A_165 : memref<10000x128xf32, #tpu.memory_space<hbm>>) target(%arg7 : memref<80x128xf32, #tpu.memory_space<vmem>>) offsets(%dma_start3A_162 : memref<80xi32, #tpu.memory_space<vmem>>) semaphore(%arg10 : memref<!tpu.dma_semaphore, #tpu.memory_space<semaphore_mem>>)
        %add3A_166 = arith.constant 1 : i32
        %add3A_167 = arith.addi %mul3A_121, %add3A_166 : i32
        %dma_wait3A_168 = arith.constant 0 : i32
        %dma_wait3A_169 = tpu.memref_slice %arg6[%add3A_167, %dma_wait3A_168] : memref<125x80xi32, #tpu.memory_space<vmem>> -> memref<1x80xi32, #tpu.memory_space<vmem>>
        %dma_wait3A_170 = tpu.memref_squeeze %dma_wait3A_169 : memref<1x80xi32, #tpu.memory_space<vmem>> -> memref<80xi32, #tpu.memory_space<vmem>>
        %dma_wait3A_171 = arith.constant 0 : i32
        %dma_wait3A_172 = arith.constant 0 : i32
        %dma_wait3A_173 = tpu.memref_slice %arg9[%dma_wait3A_171, %dma_wait3A_172] : memref<10112x128xf32, #tpu.memory_space<vmem_shared>> -> memref<10112x128xf32, #tpu.memory_space<vmem_shared>>
        tpu.wait_indirect_dma semaphore(%arg13 : memref<!tpu.dma_semaphore, #tpu.memory_space<semaphore_mem>>) src(%arg8 : memref<80x128xf32, #tpu.memory_space<vmem>>) dst(%dma_wait3A_173 : memref<10112x128xf32, #tpu.memory_space<vmem_shared>>)
        %add3A_174 = arith.constant 3 : i32
        %add3A_175 = arith.addi %mul3A_121, %add3A_174 : i32
        %dma_start3A_176 = arith.constant 0 : i32
        %dma_start3A_177 = tpu.memref_slice %arg5[%add3A_175, %dma_start3A_176] : memref<125x80xi32, #tpu.memory_space<vmem>> -> memref<1x80xi32, #tpu.memory_space<vmem>>
        %dma_start3A_178 = tpu.memref_squeeze %dma_start3A_177 : memref<1x80xi32, #tpu.memory_space<vmem>> -> memref<80xi32, #tpu.memory_space<vmem>>
        %dma_start3A_179 = arith.constant 0 : i32
        %dma_start3A_180 = arith.constant 0 : i32
        %dma_start3A_181 = tpu.memref_slice %arg2[%dma_start3A_179, %dma_start3A_180] : memref<10000x128xf32, #tpu.memory_space<hbm>> -> memref<10000x128xf32, #tpu.memory_space<hbm>>
        tpu.enqueue_indirect_dma source(%dma_start3A_181 : memref<10000x128xf32, #tpu.memory_space<hbm>>) target(%arg8 : memref<80x128xf32, #tpu.memory_space<vmem>>) offsets(%dma_start3A_178 : memref<80xi32, #tpu.memory_space<vmem>>) semaphore(%arg11 : memref<!tpu.dma_semaphore, #tpu.memory_space<semaphore_mem>>)
      } else {
      }
    }
    %scan3A_44 = arith.constant 62 : i32
    %dma_wait3A = arith.constant 122 : i32
    %dma_wait3A_45 = arith.constant 0 : i32
    %dma_wait3A_46 = tpu.memref_slice %arg6[%dma_wait3A, %dma_wait3A_45] : memref<125x80xi32, #tpu.memory_space<vmem>> -> memref<1x80xi32, #tpu.memory_space<vmem>>
    %dma_wait3A_47 = tpu.memref_squeeze %dma_wait3A_46 : memref<1x80xi32, #tpu.memory_space<vmem>> -> memref<80xi32, #tpu.memory_space<vmem>>
    %dma_wait3A_48 = arith.constant 0 : i32
    %dma_wait3A_49 = arith.constant 0 : i32
    %dma_wait3A_50 = tpu.memref_slice %arg9[%dma_wait3A_48, %dma_wait3A_49] : memref<10112x128xf32, #tpu.memory_space<vmem_shared>> -> memref<10112x128xf32, #tpu.memory_space<vmem_shared>>
    tpu.wait_indirect_dma semaphore(%arg12 : memref<!tpu.dma_semaphore, #tpu.memory_space<semaphore_mem>>) src(%arg7 : memref<80x128xf32, #tpu.memory_space<vmem>>) dst(%dma_wait3A_50 : memref<10112x128xf32, #tpu.memory_space<vmem_shared>>)
    %dma_start3A_51 = arith.constant 124 : i32
    %dma_start3A_52 = arith.constant 0 : i32
    %dma_start3A_53 = tpu.memref_slice %arg5[%dma_start3A_51, %dma_start3A_52] : memref<125x80xi32, #tpu.memory_space<vmem>> -> memref<1x80xi32, #tpu.memory_space<vmem>>
    %dma_start3A_54 = tpu.memref_squeeze %dma_start3A_53 : memref<1x80xi32, #tpu.memory_space<vmem>> -> memref<80xi32, #tpu.memory_space<vmem>>
    %dma_start3A_55 = arith.constant 0 : i32
    %dma_start3A_56 = arith.constant 0 : i32
    %dma_start3A_57 = tpu.memref_slice %arg2[%dma_start3A_55, %dma_start3A_56] : memref<10000x128xf32, #tpu.memory_space<hbm>> -> memref<10000x128xf32, #tpu.memory_space<hbm>>
    tpu.enqueue_indirect_dma source(%dma_start3A_57 : memref<10000x128xf32, #tpu.memory_space<hbm>>) target(%arg7 : memref<80x128xf32, #tpu.memory_space<vmem>>) offsets(%dma_start3A_54 : memref<80xi32, #tpu.memory_space<vmem>>) semaphore(%arg10 : memref<!tpu.dma_semaphore, #tpu.memory_space<semaphore_mem>>)
    %dma_wait3A_58 = arith.constant 123 : i32
    %dma_wait3A_59 = arith.constant 0 : i32
    %dma_wait3A_60 = tpu.memref_slice %arg6[%dma_wait3A_58, %dma_wait3A_59] : memref<125x80xi32, #tpu.memory_space<vmem>> -> memref<1x80xi32, #tpu.memory_space<vmem>>
    %dma_wait3A_61 = tpu.memref_squeeze %dma_wait3A_60 : memref<1x80xi32, #tpu.memory_space<vmem>> -> memref<80xi32, #tpu.memory_space<vmem>>
    %dma_wait3A_62 = arith.constant 0 : i32
    %dma_wait3A_63 = arith.constant 0 : i32
    %dma_wait3A_64 = tpu.memref_slice %arg9[%dma_wait3A_62, %dma_wait3A_63] : memref<10112x128xf32, #tpu.memory_space<vmem_shared>> -> memref<10112x128xf32, #tpu.memory_space<vmem_shared>>
    tpu.wait_indirect_dma semaphore(%arg13 : memref<!tpu.dma_semaphore, #tpu.memory_space<semaphore_mem>>) src(%arg8 : memref<80x128xf32, #tpu.memory_space<vmem>>) dst(%dma_wait3A_64 : memref<10112x128xf32, #tpu.memory_space<vmem_shared>>)
    %dma_wait3A_65 = arith.constant 124 : i32
    %dma_wait3A_66 = arith.constant 0 : i32
    %dma_wait3A_67 = tpu.memref_slice %arg5[%dma_wait3A_65, %dma_wait3A_66] : memref<125x80xi32, #tpu.memory_space<vmem>> -> memref<1x80xi32, #tpu.memory_space<vmem>>
    %dma_wait3A_68 = tpu.memref_squeeze %dma_wait3A_67 : memref<1x80xi32, #tpu.memory_space<vmem>> -> memref<80xi32, #tpu.memory_space<vmem>>
    %dma_wait3A_69 = arith.constant 0 : i32
    %dma_wait3A_70 = arith.constant 0 : i32
    %dma_wait3A_71 = tpu.memref_slice %arg2[%dma_wait3A_69, %dma_wait3A_70] : memref<10000x128xf32, #tpu.memory_space<hbm>> -> memref<10000x128xf32, #tpu.memory_space<hbm>>
    tpu.wait_indirect_dma semaphore(%arg10 : memref<!tpu.dma_semaphore, #tpu.memory_space<semaphore_mem>>) src(%dma_wait3A_71 : memref<10000x128xf32, #tpu.memory_space<hbm>>) dst(%arg7 : memref<80x128xf32, #tpu.memory_space<vmem>>)
    %dma_start3A_72 = arith.constant 124 : i32
    %dma_start3A_73 = arith.constant 0 : i32
    %dma_start3A_74 = tpu.memref_slice %arg6[%dma_start3A_72, %dma_start3A_73] : memref<125x80xi32, #tpu.memory_space<vmem>> -> memref<1x80xi32, #tpu.memory_space<vmem>>
    %dma_start3A_75 = tpu.memref_squeeze %dma_start3A_74 : memref<1x80xi32, #tpu.memory_space<vmem>> -> memref<80xi32, #tpu.memory_space<vmem>>
    %dma_start3A_76 = arith.constant 0 : i32
    %dma_start3A_77 = arith.constant 0 : i32
    %dma_start3A_78 = tpu.memref_slice %arg9[%dma_start3A_76, %dma_start3A_77] : memref<10112x128xf32, #tpu.memory_space<vmem_shared>> -> memref<10112x128xf32, #tpu.memory_space<vmem_shared>>
    tpu.enqueue_indirect_dma source(%arg7 : memref<80x128xf32, #tpu.memory_space<vmem>>) target(%dma_start3A_78 : memref<10112x128xf32, #tpu.memory_space<vmem_shared>>) offsets(%dma_start3A_75 : memref<80xi32, #tpu.memory_space<vmem>>) semaphore(%arg12 : memref<!tpu.dma_semaphore, #tpu.memory_space<semaphore_mem>>) {add = true}
    %dma_wait3A_79 = arith.constant 124 : i32
    %dma_wait3A_80 = arith.constant 0 : i32
    %dma_wait3A_81 = tpu.memref_slice %arg6[%dma_wait3A_79, %dma_wait3A_80] : memref<125x80xi32, #tpu.memory_space<vmem>> -> memref<1x80xi32, #tpu.memory_space<vmem>>
    %dma_wait3A_82 = tpu.memref_squeeze %dma_wait3A_81 : memref<1x80xi32, #tpu.memory_space<vmem>> -> memref<80xi32, #tpu.memory_space<vmem>>
    %dma_wait3A_83 = arith.constant 0 : i32
    %dma_wait3A_84 = arith.constant 0 : i32
    %dma_wait3A_85 = tpu.memref_slice %arg9[%dma_wait3A_83, %dma_wait3A_84] : memref<10112x128xf32, #tpu.memory_space<vmem_shared>> -> memref<10112x128xf32, #tpu.memory_space<vmem_shared>>
    tpu.wait_indirect_dma semaphore(%arg12 : memref<!tpu.dma_semaphore, #tpu.memory_space<semaphore_mem>>) src(%arg7 : memref<80x128xf32, #tpu.memory_space<vmem>>) dst(%dma_wait3A_85 : memref<10112x128xf32, #tpu.memory_space<vmem_shared>>)
    %barrier3A_86 = arith.constant 0 : index
    tpu.barrier barrier_id(%barrier3A_86)
    %add3A_87 = arith.constant 0 : i32
    %add3A_88 = arith.addi %mul3A_8, %add3A_87 : i32
    %add3A_89 = arith.constant 0 : i32
    %add3A_90 = arith.addi %mul3A_8, %add3A_89 : i32
    "tpu.region"() ({
      %run_scoped3A_119 = tpu.sem_alloc : memref<!tpu.dma_semaphore, #tpu.memory_space<semaphore_mem>>
      %dma_start3A_120 = arith.constant 0 : i32
      %dma_start3A_121 = tpu.memref_slice %arg4[%arg0, %add3A_90, %dma_start3A_120] : memref<2x10112x128xf32, #tpu.memory_space<hbm>> -> memref<1x80x128xf32, #tpu.memory_space<hbm>>
      %dma_start3A_122 = tpu.memref_squeeze %dma_start3A_121 : memref<1x80x128xf32, #tpu.memory_space<hbm>> -> memref<80x128xf32, #tpu.memory_space<hbm>>
      %dma_start3A_123 = arith.constant 0 : i32
      %dma_start3A_124 = tpu.memref_slice %arg9[%add3A_88, %dma_start3A_123] : memref<10112x128xf32, #tpu.memory_space<vmem_shared>> -> memref<80x128xf32, #tpu.memory_space<vmem_shared>>
      tpu.enqueue_dma source(%dma_start3A_124 : memref<80x128xf32, #tpu.memory_space<vmem_shared>>) target(%dma_start3A_122 : memref<80x128xf32, #tpu.memory_space<hbm>>) target_semaphore(%run_scoped3A_119 : memref<!tpu.dma_semaphore, #tpu.memory_space<semaphore_mem>>)
      %dma_wait3A_125 = arith.constant 0 : i32
      %dma_wait3A_126 = tpu.memref_slice %arg4[%arg0, %add3A_90, %dma_wait3A_125] : memref<2x10112x128xf32, #tpu.memory_space<hbm>> -> memref<1x80x128xf32, #tpu.memory_space<hbm>>
      %dma_wait3A_127 = tpu.memref_squeeze %dma_wait3A_126 : memref<1x80x128xf32, #tpu.memory_space<hbm>> -> memref<80x128xf32, #tpu.memory_space<hbm>>
      %dma_wait3A_128 = arith.constant 0 : i32
      %dma_wait3A_129 = tpu.memref_slice %arg9[%add3A_88, %dma_wait3A_128] : memref<10112x128xf32, #tpu.memory_space<vmem_shared>> -> memref<80x128xf32, #tpu.memory_space<vmem_shared>>
      tpu.wait_dma2 semaphore(%run_scoped3A_119 : memref<!tpu.dma_semaphore, #tpu.memory_space<semaphore_mem>>) src(%dma_wait3A_129 : memref<80x128xf32, #tpu.memory_space<vmem_shared>>) dst(%dma_wait3A_127 : memref<80x128xf32, #tpu.memory_space<hbm>>)
      tpu.yield
    }) : () -> ()
    %add3A_91 = arith.constant 80 : i32
    %add3A_92 = arith.addi %mul3A_8, %add3A_91 : i32
    %add3A_93 = arith.constant 80 : i32
    %add3A_94 = arith.addi %mul3A_8, %add3A_93 : i32
    "tpu.region"() ({
      %run_scoped3A_119 = tpu.sem_alloc : memref<!tpu.dma_semaphore, #tpu.memory_space<semaphore_mem>>
      %dma_start3A_120 = arith.constant 0 : i32
      %dma_start3A_121 = tpu.memref_slice %arg4[%arg0, %add3A_94, %dma_start3A_120] : memref<2x10112x128xf32, #tpu.memory_space<hbm>> -> memref<1x80x128xf32, #tpu.memory_space<hbm>>
      %dma_start3A_122 = tpu.memref_squeeze %dma_start3A_121 : memref<1x80x128xf32, #tpu.memory_space<hbm>> -> memref<80x128xf32, #tpu.memory_space<hbm>>
      %dma_start3A_123 = arith.constant 0 : i32
      %dma_start3A_124 = tpu.memref_slice %arg9[%add3A_92, %dma_start3A_123] : memref<10112x128xf32, #tpu.memory_space<vmem_shared>> -> memref<80x128xf32, #tpu.memory_space<vmem_shared>>
      tpu.enqueue_dma source(%dma_start3A_124 : memref<80x128xf32, #tpu.memory_space<vmem_shared>>) target(%dma_start3A_122 : memref<80x128xf32, #tpu.memory_space<hbm>>) target_semaphore(%run_scoped3A_119 : memref<!tpu.dma_semaphore, #tpu.memory_space<semaphore_mem>>)
      %dma_wait3A_125 = arith.constant 0 : i32
      %dma_wait3A_126 = tpu.memref_slice %arg4[%arg0, %add3A_94, %dma_wait3A_125] : memref<2x10112x128xf32, #tpu.memory_space<hbm>> -> memref<1x80x128xf32, #tpu.memory_space<hbm>>
      %dma_wait3A_127 = tpu.memref_squeeze %dma_wait3A_126 : memref<1x80x128xf32, #tpu.memory_space<hbm>> -> memref<80x128xf32, #tpu.memory_space<hbm>>
      %dma_wait3A_128 = arith.constant 0 : i32
      %dma_wait3A_129 = tpu.memref_slice %arg9[%add3A_92, %dma_wait3A_128] : memref<10112x128xf32, #tpu.memory_space<vmem_shared>> -> memref<80x128xf32, #tpu.memory_space<vmem_shared>>
      tpu.wait_dma2 semaphore(%run_scoped3A_119 : memref<!tpu.dma_semaphore, #tpu.memory_space<semaphore_mem>>) src(%dma_wait3A_129 : memref<80x128xf32, #tpu.memory_space<vmem_shared>>) dst(%dma_wait3A_127 : memref<80x128xf32, #tpu.memory_space<hbm>>)
      tpu.yield
    }) : () -> ()
    %add3A_95 = arith.constant 160 : i32
    %add3A_96 = arith.addi %mul3A_8, %add3A_95 : i32
    %add3A_97 = arith.constant 160 : i32
    %add3A_98 = arith.addi %mul3A_8, %add3A_97 : i32
    "tpu.region"() ({
      %run_scoped3A_119 = tpu.sem_alloc : memref<!tpu.dma_semaphore, #tpu.memory_space<semaphore_mem>>
      %dma_start3A_120 = arith.constant 0 : i32
      %dma_start3A_121 = tpu.memref_slice %arg4[%arg0, %add3A_98, %dma_start3A_120] : memref<2x10112x128xf32, #tpu.memory_space<hbm>> -> memref<1x80x128xf32, #tpu.memory_space<hbm>>
      %dma_start3A_122 = tpu.memref_squeeze %dma_start3A_121 : memref<1x80x128xf32, #tpu.memory_space<hbm>> -> memref<80x128xf32, #tpu.memory_space<hbm>>
      %dma_start3A_123 = arith.constant 0 : i32
      %dma_start3A_124 = tpu.memref_slice %arg9[%add3A_96, %dma_start3A_123] : memref<10112x128xf32, #tpu.memory_space<vmem_shared>> -> memref<80x128xf32, #tpu.memory_space<vmem_shared>>
      tpu.enqueue_dma source(%dma_start3A_124 : memref<80x128xf32, #tpu.memory_space<vmem_shared>>) target(%dma_start3A_122 : memref<80x128xf32, #tpu.memory_space<hbm>>) target_semaphore(%run_scoped3A_119 : memref<!tpu.dma_semaphore, #tpu.memory_space<semaphore_mem>>)
      %dma_wait3A_125 = arith.constant 0 : i32
      %dma_wait3A_126 = tpu.memref_slice %arg4[%arg0, %add3A_98, %dma_wait3A_125] : memref<2x10112x128xf32, #tpu.memory_space<hbm>> -> memref<1x80x128xf32, #tpu.memory_space<hbm>>
      %dma_wait3A_127 = tpu.memref_squeeze %dma_wait3A_126 : memref<1x80x128xf32, #tpu.memory_space<hbm>> -> memref<80x128xf32, #tpu.memory_space<hbm>>
      %dma_wait3A_128 = arith.constant 0 : i32
      %dma_wait3A_129 = tpu.memref_slice %arg9[%add3A_96, %dma_wait3A_128] : memref<10112x128xf32, #tpu.memory_space<vmem_shared>> -> memref<80x128xf32, #tpu.memory_space<vmem_shared>>
      tpu.wait_dma2 semaphore(%run_scoped3A_119 : memref<!tpu.dma_semaphore, #tpu.memory_space<semaphore_mem>>) src(%dma_wait3A_129 : memref<80x128xf32, #tpu.memory_space<vmem_shared>>) dst(%dma_wait3A_127 : memref<80x128xf32, #tpu.memory_space<hbm>>)
      tpu.yield
    }) : () -> ()
    %add3A_99 = arith.constant 240 : i32
    %add3A_100 = arith.addi %mul3A_8, %add3A_99 : i32
    %add3A_101 = arith.constant 240 : i32
    %add3A_102 = arith.addi %mul3A_8, %add3A_101 : i32
    "tpu.region"() ({
      %run_scoped3A_119 = tpu.sem_alloc : memref<!tpu.dma_semaphore, #tpu.memory_space<semaphore_mem>>
      %dma_start3A_120 = arith.constant 0 : i32
      %dma_start3A_121 = tpu.memref_slice %arg4[%arg0, %add3A_102, %dma_start3A_120] : memref<2x10112x128xf32, #tpu.memory_space<hbm>> -> memref<1x80x128xf32, #tpu.memory_space<hbm>>
      %dma_start3A_122 = tpu.memref_squeeze %dma_start3A_121 : memref<1x80x128xf32, #tpu.memory_space<hbm>> -> memref<80x128xf32, #tpu.memory_space<hbm>>
      %dma_start3A_123 = arith.constant 0 : i32
      %dma_start3A_124 = tpu.memref_slice %arg9[%add3A_100, %dma_start3A_123] : memref<10112x128xf32, #tpu.memory_space<vmem_shared>> -> memref<80x128xf32, #tpu.memory_space<vmem_shared>>
      tpu.enqueue_dma source(%dma_start3A_124 : memref<80x128xf32, #tpu.memory_space<vmem_shared>>) target(%dma_start3A_122 : memref<80x128xf32, #tpu.memory_space<hbm>>) target_semaphore(%run_scoped3A_119 : memref<!tpu.dma_semaphore, #tpu.memory_space<semaphore_mem>>)
      %dma_wait3A_125 = arith.constant 0 : i32
      %dma_wait3A_126 = tpu.memref_slice %arg4[%arg0, %add3A_102, %dma_wait3A_125] : memref<2x10112x128xf32, #tpu.memory_space<hbm>> -> memref<1x80x128xf32, #tpu.memory_space<hbm>>
      %dma_wait3A_127 = tpu.memref_squeeze %dma_wait3A_126 : memref<1x80x128xf32, #tpu.memory_space<hbm>> -> memref<80x128xf32, #tpu.memory_space<hbm>>
      %dma_wait3A_128 = arith.constant 0 : i32
      %dma_wait3A_129 = tpu.memref_slice %arg9[%add3A_100, %dma_wait3A_128] : memref<10112x128xf32, #tpu.memory_space<vmem_shared>> -> memref<80x128xf32, #tpu.memory_space<vmem_shared>>
      tpu.wait_dma2 semaphore(%run_scoped3A_119 : memref<!tpu.dma_semaphore, #tpu.memory_space<semaphore_mem>>) src(%dma_wait3A_129 : memref<80x128xf32, #tpu.memory_space<vmem_shared>>) dst(%dma_wait3A_127 : memref<80x128xf32, #tpu.memory_space<hbm>>)
      tpu.yield
    }) : () -> ()
    %add3A_103 = arith.constant 320 : i32
    %add3A_104 = arith.addi %mul3A_8, %add3A_103 : i32
    %add3A_105 = arith.constant 320 : i32
    %add3A_106 = arith.addi %mul3A_8, %add3A_105 : i32
    "tpu.region"() ({
      %run_scoped3A_119 = tpu.sem_alloc : memref<!tpu.dma_semaphore, #tpu.memory_space<semaphore_mem>>
      %dma_start3A_120 = arith.constant 0 : i32
      %dma_start3A_121 = tpu.memref_slice %arg4[%arg0, %add3A_106, %dma_start3A_120] : memref<2x10112x128xf32, #tpu.memory_space<hbm>> -> memref<1x80x128xf32, #tpu.memory_space<hbm>>
      %dma_start3A_122 = tpu.memref_squeeze %dma_start3A_121 : memref<1x80x128xf32, #tpu.memory_space<hbm>> -> memref<80x128xf32, #tpu.memory_space<hbm>>
      %dma_start3A_123 = arith.constant 0 : i32
      %dma_start3A_124 = tpu.memref_slice %arg9[%add3A_104, %dma_start3A_123] : memref<10112x128xf32, #tpu.memory_space<vmem_shared>> -> memref<80x128xf32, #tpu.memory_space<vmem_shared>>
      tpu.enqueue_dma source(%dma_start3A_124 : memref<80x128xf32, #tpu.memory_space<vmem_shared>>) target(%dma_start3A_122 : memref<80x128xf32, #tpu.memory_space<hbm>>) target_semaphore(%run_scoped3A_119 : memref<!tpu.dma_semaphore, #tpu.memory_space<semaphore_mem>>)
      %dma_wait3A_125 = arith.constant 0 : i32
      %dma_wait3A_126 = tpu.memref_slice %arg4[%arg0, %add3A_106, %dma_wait3A_125] : memref<2x10112x128xf32, #tpu.memory_space<hbm>> -> memref<1x80x128xf32, #tpu.memory_space<hbm>>
      %dma_wait3A_127 = tpu.memref_squeeze %dma_wait3A_126 : memref<1x80x128xf32, #tpu.memory_space<hbm>> -> memref<80x128xf32, #tpu.memory_space<hbm>>
      %dma_wait3A_128 = arith.constant 0 : i32
      %dma_wait3A_129 = tpu.memref_slice %arg9[%add3A_104, %dma_wait3A_128] : memref<10112x128xf32, #tpu.memory_space<vmem_shared>> -> memref<80x128xf32, #tpu.memory_space<vmem_shared>>
      tpu.wait_dma2 semaphore(%run_scoped3A_119 : memref<!tpu.dma_semaphore, #tpu.memory_space<semaphore_mem>>) src(%dma_wait3A_129 : memref<80x128xf32, #tpu.memory_space<vmem_shared>>) dst(%dma_wait3A_127 : memref<80x128xf32, #tpu.memory_space<hbm>>)
      tpu.yield
    }) : () -> ()
    %add3A_107 = arith.constant 400 : i32
    %add3A_108 = arith.addi %mul3A_8, %add3A_107 : i32
    %add3A_109 = arith.constant 400 : i32
    %add3A_110 = arith.addi %mul3A_8, %add3A_109 : i32
    "tpu.region"() ({
      %run_scoped3A_119 = tpu.sem_alloc : memref<!tpu.dma_semaphore, #tpu.memory_space<semaphore_mem>>
      %dma_start3A_120 = arith.constant 0 : i32
      %dma_start3A_121 = tpu.memref_slice %arg4[%arg0, %add3A_110, %dma_start3A_120] : memref<2x10112x128xf32, #tpu.memory_space<hbm>> -> memref<1x80x128xf32, #tpu.memory_space<hbm>>
      %dma_start3A_122 = tpu.memref_squeeze %dma_start3A_121 : memref<1x80x128xf32, #tpu.memory_space<hbm>> -> memref<80x128xf32, #tpu.memory_space<hbm>>
      %dma_start3A_123 = arith.constant 0 : i32
      %dma_start3A_124 = tpu.memref_slice %arg9[%add3A_108, %dma_start3A_123] : memref<10112x128xf32, #tpu.memory_space<vmem_shared>> -> memref<80x128xf32, #tpu.memory_space<vmem_shared>>
      tpu.enqueue_dma source(%dma_start3A_124 : memref<80x128xf32, #tpu.memory_space<vmem_shared>>) target(%dma_start3A_122 : memref<80x128xf32, #tpu.memory_space<hbm>>) target_semaphore(%run_scoped3A_119 : memref<!tpu.dma_semaphore, #tpu.memory_space<semaphore_mem>>)
      %dma_wait3A_125 = arith.constant 0 : i32
      %dma_wait3A_126 = tpu.memref_slice %arg4[%arg0, %add3A_110, %dma_wait3A_125] : memref<2x10112x128xf32, #tpu.memory_space<hbm>> -> memref<1x80x128xf32, #tpu.memory_space<hbm>>
      %dma_wait3A_127 = tpu.memref_squeeze %dma_wait3A_126 : memref<1x80x128xf32, #tpu.memory_space<hbm>> -> memref<80x128xf32, #tpu.memory_space<hbm>>
      %dma_wait3A_128 = arith.constant 0 : i32
      %dma_wait3A_129 = tpu.memref_slice %arg9[%add3A_108, %dma_wait3A_128] : memref<10112x128xf32, #tpu.memory_space<vmem_shared>> -> memref<80x128xf32, #tpu.memory_space<vmem_shared>>
      tpu.wait_dma2 semaphore(%run_scoped3A_119 : memref<!tpu.dma_semaphore, #tpu.memory_space<semaphore_mem>>) src(%dma_wait3A_129 : memref<80x128xf32, #tpu.memory_space<vmem_shared>>) dst(%dma_wait3A_127 : memref<80x128xf32, #tpu.memory_space<hbm>>)
      tpu.yield
    }) : () -> ()
    %add3A_111 = arith.constant 480 : i32
    %add3A_112 = arith.addi %mul3A_8, %add3A_111 : i32
    %add3A_113 = arith.constant 480 : i32
    %add3A_114 = arith.addi %mul3A_8, %add3A_113 : i32
    "tpu.region"() ({
      %run_scoped3A_119 = tpu.sem_alloc : memref<!tpu.dma_semaphore, #tpu.memory_space<semaphore_mem>>
      %dma_start3A_120 = arith.constant 0 : i32
      %dma_start3A_121 = tpu.memref_slice %arg4[%arg0, %add3A_114, %dma_start3A_120] : memref<2x10112x128xf32, #tpu.memory_space<hbm>> -> memref<1x80x128xf32, #tpu.memory_space<hbm>>
      %dma_start3A_122 = tpu.memref_squeeze %dma_start3A_121 : memref<1x80x128xf32, #tpu.memory_space<hbm>> -> memref<80x128xf32, #tpu.memory_space<hbm>>
      %dma_start3A_123 = arith.constant 0 : i32
      %dma_start3A_124 = tpu.memref_slice %arg9[%add3A_112, %dma_start3A_123] : memref<10112x128xf32, #tpu.memory_space<vmem_shared>> -> memref<80x128xf32, #tpu.memory_space<vmem_shared>>
      tpu.enqueue_dma source(%dma_start3A_124 : memref<80x128xf32, #tpu.memory_space<vmem_shared>>) target(%dma_start3A_122 : memref<80x128xf32, #tpu.memory_space<hbm>>) target_semaphore(%run_scoped3A_119 : memref<!tpu.dma_semaphore, #tpu.memory_space<semaphore_mem>>)
      %dma_wait3A_125 = arith.constant 0 : i32
      %dma_wait3A_126 = tpu.memref_slice %arg4[%arg0, %add3A_114, %dma_wait3A_125] : memref<2x10112x128xf32, #tpu.memory_space<hbm>> -> memref<1x80x128xf32, #tpu.memory_space<hbm>>
      %dma_wait3A_127 = tpu.memref_squeeze %dma_wait3A_126 : memref<1x80x128xf32, #tpu.memory_space<hbm>> -> memref<80x128xf32, #tpu.memory_space<hbm>>
      %dma_wait3A_128 = arith.constant 0 : i32
      %dma_wait3A_129 = tpu.memref_slice %arg9[%add3A_112, %dma_wait3A_128] : memref<10112x128xf32, #tpu.memory_space<vmem_shared>> -> memref<80x128xf32, #tpu.memory_space<vmem_shared>>
      tpu.wait_dma2 semaphore(%run_scoped3A_119 : memref<!tpu.dma_semaphore, #tpu.memory_space<semaphore_mem>>) src(%dma_wait3A_129 : memref<80x128xf32, #tpu.memory_space<vmem_shared>>) dst(%dma_wait3A_127 : memref<80x128xf32, #tpu.memory_space<hbm>>)
      tpu.yield
    }) : () -> ()
    %add3A_115 = arith.constant 560 : i32
    %add3A_116 = arith.addi %mul3A_8, %add3A_115 : i32
    %add3A_117 = arith.constant 560 : i32
    %add3A_118 = arith.addi %mul3A_8, %add3A_117 : i32
    "tpu.region"() ({
      %run_scoped3A_119 = tpu.sem_alloc : memref<!tpu.dma_semaphore, #tpu.memory_space<semaphore_mem>>
      %dma_start3A_120 = arith.constant 0 : i32
      %dma_start3A_121 = tpu.memref_slice %arg4[%arg0, %add3A_118, %dma_start3A_120] : memref<2x10112x128xf32, #tpu.memory_space<hbm>> -> memref<1x72x128xf32, #tpu.memory_space<hbm>>
      %dma_start3A_122 = tpu.memref_squeeze %dma_start3A_121 : memref<1x72x128xf32, #tpu.memory_space<hbm>> -> memref<72x128xf32, #tpu.memory_space<hbm>>
      %dma_start3A_123 = arith.constant 0 : i32
      %dma_start3A_124 = tpu.memref_slice %arg9[%add3A_116, %dma_start3A_123] : memref<10112x128xf32, #tpu.memory_space<vmem_shared>> -> memref<72x128xf32, #tpu.memory_space<vmem_shared>>
      tpu.enqueue_dma source(%dma_start3A_124 : memref<72x128xf32, #tpu.memory_space<vmem_shared>>) target(%dma_start3A_122 : memref<72x128xf32, #tpu.memory_space<hbm>>) target_semaphore(%run_scoped3A_119 : memref<!tpu.dma_semaphore, #tpu.memory_space<semaphore_mem>>)
      %dma_wait3A_125 = arith.constant 0 : i32
      %dma_wait3A_126 = tpu.memref_slice %arg4[%arg0, %add3A_118, %dma_wait3A_125] : memref<2x10112x128xf32, #tpu.memory_space<hbm>> -> memref<1x72x128xf32, #tpu.memory_space<hbm>>
      %dma_wait3A_127 = tpu.memref_squeeze %dma_wait3A_126 : memref<1x72x128xf32, #tpu.memory_space<hbm>> -> memref<72x128xf32, #tpu.memory_space<hbm>>
      %dma_wait3A_128 = arith.constant 0 : i32
      %dma_wait3A_129 = tpu.memref_slice %arg9[%add3A_116, %dma_wait3A_128] : memref<10112x128xf32, #tpu.memory_space<vmem_shared>> -> memref<72x128xf32, #tpu.memory_space<vmem_shared>>
      tpu.wait_dma2 semaphore(%run_scoped3A_119 : memref<!tpu.dma_semaphore, #tpu.memory_space<semaphore_mem>>) src(%dma_wait3A_129 : memref<72x128xf32, #tpu.memory_space<vmem_shared>>) dst(%dma_wait3A_127 : memref<72x128xf32, #tpu.memory_space<hbm>>)
      tpu.yield
    }) : () -> ()
    return
  }
}

#map = affine_map<(d0, d1) -> (0, 0)>
#map1 = affine_map<(d0, d1) -> (0, 0, 0, 0)>
#map2 = affine_map<(d0, d1) -> (0, 0, 0)>
module attributes {stable_mosaic.version = 14 : i64} {
  func.func @agg(%arg0: i32, %arg1: i32, %arg2: memref<10000x64xf32, #tpu.memory_space<hbm>>, %arg3: memref<2x32x125x80xi32, #tpu.memory_space<hbm>>, %arg4: memref<2x10112x64xf32, #tpu.memory_space<hbm>>, %arg5: memref<125x80xi32, #tpu.memory_space<vmem>>, %arg6: memref<125x80xi32, #tpu.memory_space<vmem>>, %arg7: memref<80x64xf32, #tpu.memory_space<vmem>>, %arg8: memref<80x64xf32, #tpu.memory_space<vmem>>, %arg9: memref<10112x64xf32, #tpu.memory_space<vmem_shared>>, %arg10: memref<!tpu.dma_semaphore, #tpu.memory_space<semaphore_mem>>, %arg11: memref<!tpu.dma_semaphore, #tpu.memory_space<semaphore_mem>>, %arg12: memref<!tpu.dma_semaphore, #tpu.memory_space<semaphore_mem>>, %arg13: memref<!tpu.dma_semaphore, #tpu.memory_space<semaphore_mem>>) attributes {dimension_semantics = [#tpu.dimension_semantics<core_parallel>, #tpu.dimension_semantics<subcore_parallel>], iteration_bounds = array<i64: 2, 16>, scalar_prefetch = 0 : i64, scratch_operands = 9 : i64, tpu.core_type = #tpu.core_type<sc_vector_subcore>, window_params = [{transform_indices = #map}, {transform_indices = #map1}, {transform_indices = #map2}]} {
    %mul3A = arith.constant 16 : i32
    %mul3A_0 = arith.muli %arg0, %mul3A : i32
    %add3A = arith.addi %mul3A_0, %arg1 : i32
    %broadcast_in_dim3A = arith.constant 0.000000e+00 : f32
    %broadcast_in_dim3A_1 = vector.broadcast %broadcast_in_dim3A : f32 to vector<16xf32>
    %scan3A = arith.constant 0 : i32
    %scan3A_2 = arith.constant 0 : i32
    %scan3A_3 = arith.constant 80 : i32
    %scan3A_4 = arith.addi %scan3A_2, %scan3A_3 : i32
    %scan3A_5 = arith.constant 1 : i32
    scf.for %scan3A_119 = %scan3A_2 to %scan3A_4 step %scan3A_5  : i32 {
      %scan3A_120 = arith.constant 0 : i32
      %scan3A_121 = arith.constant 4 : i32
      %scan3A_122 = arith.addi %scan3A_120, %scan3A_121 : i32
      %scan3A_123 = arith.constant 1 : i32
      scf.for %scan3A_125 = %scan3A_120 to %scan3A_122 step %scan3A_123  : i32 {
        %mul3A_126 = arith.constant 16 : i32
        %mul3A_127 = arith.muli %scan3A_125, %mul3A_126 : i32
        %swap3A = arith.index_cast %scan3A_119 : i32 to index
        %swap3A_128 = arith.index_cast %mul3A_127 : i32 to index
        %swap3A_129 = tpu.vector_load %arg7[%swap3A, %swap3A_128] {strides = array<i32>} : memref<80x64xf32, #tpu.memory_space<vmem>>, vector<1x16xf32>,
        %swap3A_130 = vector.shape_cast %swap3A_129 : vector<1x16xf32> to vector<16xf32>
        %swap3A_131 = vector.shape_cast %broadcast_in_dim3A_1 : vector<16xf32> to vector<1x16xf32>
        tpu.vector_store %arg7[%swap3A, %swap3A_128], %swap3A_131 {strides = array<i32>} : memref<80x64xf32, #tpu.memory_space<vmem>>, vector<1x16xf32>,
      }
      %scan3A_124 = arith.constant 4 : i32
    }
    %scan3A_6 = arith.constant 80 : i32
    %mul3A_7 = arith.constant 632 : i32
    %mul3A_8 = arith.muli %arg1, %mul3A_7 : i32
    %add3A_9 = arith.constant 0 : i32
    %add3A_10 = arith.addi %mul3A_8, %add3A_9 : i32
    "tpu.region"() ({
      %run_scoped3A_119 = tpu.sem_alloc : memref<!tpu.dma_semaphore, #tpu.memory_space<semaphore_mem>>
      %dma_start3A_120 = arith.constant 0 : i32
      %dma_start3A_121 = arith.constant 0 : i32
      %dma_start3A_122 = tpu.memref_slice %arg7[%dma_start3A_120, %dma_start3A_121] : memref<80x64xf32, #tpu.memory_space<vmem>> -> memref<80x64xf32, #tpu.memory_space<vmem>>
      %dma_start3A_123 = arith.constant 0 : i32
      %dma_start3A_124 = tpu.memref_slice %arg9[%add3A_10, %dma_start3A_123] : memref<10112x64xf32, #tpu.memory_space<vmem_shared>> -> memref<80x64xf32, #tpu.memory_space<vmem_shared>>
      %dma_start3A_125 = arith.constant 0 : i32
      %dma_start3A_126 = tpu.memref_slice %arg9[%add3A_10, %dma_start3A_125] : memref<10112x64xf32, #tpu.memory_space<vmem_shared>> -> memref<80x64xf32, #tpu.memory_space<vmem_shared>>
      %dma_start3A_127 = arith.constant 0 : i32
      %dma_start3A_128 = arith.constant 0 : i32
      %dma_start3A_129 = tpu.memref_slice %arg7[%dma_start3A_127, %dma_start3A_128] : memref<80x64xf32, #tpu.memory_space<vmem>> -> memref<80x64xf32, #tpu.memory_space<vmem>>
      tpu.enqueue_dma source(%dma_start3A_129 : memref<80x64xf32, #tpu.memory_space<vmem>>) target(%dma_start3A_126 : memref<80x64xf32, #tpu.memory_space<vmem_shared>>) target_semaphore(%run_scoped3A_119 : memref<!tpu.dma_semaphore, #tpu.memory_space<semaphore_mem>>)
      %dma_wait3A_130 = arith.constant 0 : i32
      %dma_wait3A_131 = arith.constant 0 : i32
      %dma_wait3A_132 = tpu.memref_slice %arg7[%dma_wait3A_130, %dma_wait3A_131] : memref<80x64xf32, #tpu.memory_space<vmem>> -> memref<80x64xf32, #tpu.memory_space<vmem>>
      %dma_wait3A_133 = arith.constant 0 : i32
      %dma_wait3A_134 = tpu.memref_slice %arg9[%add3A_10, %dma_wait3A_133] : memref<10112x64xf32, #tpu.memory_space<vmem_shared>> -> memref<80x64xf32, #tpu.memory_space<vmem_shared>>
      %dma_wait3A_135 = arith.constant 0 : i32
      %dma_wait3A_136 = tpu.memref_slice %arg9[%add3A_10, %dma_wait3A_135] : memref<10112x64xf32, #tpu.memory_space<vmem_shared>> -> memref<80x64xf32, #tpu.memory_space<vmem_shared>>
      %dma_wait3A_137 = arith.constant 0 : i32
      %dma_wait3A_138 = arith.constant 0 : i32
      %dma_wait3A_139 = tpu.memref_slice %arg7[%dma_wait3A_137, %dma_wait3A_138] : memref<80x64xf32, #tpu.memory_space<vmem>> -> memref<80x64xf32, #tpu.memory_space<vmem>>
      tpu.wait_dma2 semaphore(%run_scoped3A_119 : memref<!tpu.dma_semaphore, #tpu.memory_space<semaphore_mem>>) src(%dma_wait3A_139 : memref<80x64xf32, #tpu.memory_space<vmem>>) dst(%dma_wait3A_136 : memref<80x64xf32, #tpu.memory_space<vmem_shared>>)
      tpu.yield
    }) : () -> ()
    %add3A_11 = arith.constant 80 : i32
    %add3A_12 = arith.addi %mul3A_8, %add3A_11 : i32
    "tpu.region"() ({
      %run_scoped3A_119 = tpu.sem_alloc : memref<!tpu.dma_semaphore, #tpu.memory_space<semaphore_mem>>
      %dma_start3A_120 = arith.constant 0 : i32
      %dma_start3A_121 = arith.constant 0 : i32
      %dma_start3A_122 = tpu.memref_slice %arg7[%dma_start3A_120, %dma_start3A_121] : memref<80x64xf32, #tpu.memory_space<vmem>> -> memref<80x64xf32, #tpu.memory_space<vmem>>
      %dma_start3A_123 = arith.constant 0 : i32
      %dma_start3A_124 = tpu.memref_slice %arg9[%add3A_12, %dma_start3A_123] : memref<10112x64xf32, #tpu.memory_space<vmem_shared>> -> memref<80x64xf32, #tpu.memory_space<vmem_shared>>
      %dma_start3A_125 = arith.constant 0 : i32
      %dma_start3A_126 = tpu.memref_slice %arg9[%add3A_12, %dma_start3A_125] : memref<10112x64xf32, #tpu.memory_space<vmem_shared>> -> memref<80x64xf32, #tpu.memory_space<vmem_shared>>
      %dma_start3A_127 = arith.constant 0 : i32
      %dma_start3A_128 = arith.constant 0 : i32
      %dma_start3A_129 = tpu.memref_slice %arg7[%dma_start3A_127, %dma_start3A_128] : memref<80x64xf32, #tpu.memory_space<vmem>> -> memref<80x64xf32, #tpu.memory_space<vmem>>
      tpu.enqueue_dma source(%dma_start3A_129 : memref<80x64xf32, #tpu.memory_space<vmem>>) target(%dma_start3A_126 : memref<80x64xf32, #tpu.memory_space<vmem_shared>>) target_semaphore(%run_scoped3A_119 : memref<!tpu.dma_semaphore, #tpu.memory_space<semaphore_mem>>)
      %dma_wait3A_130 = arith.constant 0 : i32
      %dma_wait3A_131 = arith.constant 0 : i32
      %dma_wait3A_132 = tpu.memref_slice %arg7[%dma_wait3A_130, %dma_wait3A_131] : memref<80x64xf32, #tpu.memory_space<vmem>> -> memref<80x64xf32, #tpu.memory_space<vmem>>
      %dma_wait3A_133 = arith.constant 0 : i32
      %dma_wait3A_134 = tpu.memref_slice %arg9[%add3A_12, %dma_wait3A_133] : memref<10112x64xf32, #tpu.memory_space<vmem_shared>> -> memref<80x64xf32, #tpu.memory_space<vmem_shared>>
      %dma_wait3A_135 = arith.constant 0 : i32
      %dma_wait3A_136 = tpu.memref_slice %arg9[%add3A_12, %dma_wait3A_135] : memref<10112x64xf32, #tpu.memory_space<vmem_shared>> -> memref<80x64xf32, #tpu.memory_space<vmem_shared>>
      %dma_wait3A_137 = arith.constant 0 : i32
      %dma_wait3A_138 = arith.constant 0 : i32
      %dma_wait3A_139 = tpu.memref_slice %arg7[%dma_wait3A_137, %dma_wait3A_138] : memref<80x64xf32, #tpu.memory_space<vmem>> -> memref<80x64xf32, #tpu.memory_space<vmem>>
      tpu.wait_dma2 semaphore(%run_scoped3A_119 : memref<!tpu.dma_semaphore, #tpu.memory_space<semaphore_mem>>) src(%dma_wait3A_139 : memref<80x64xf32, #tpu.memory_space<vmem>>) dst(%dma_wait3A_136 : memref<80x64xf32, #tpu.memory_space<vmem_shared>>)
      tpu.yield
    }) : () -> ()
    %add3A_13 = arith.constant 160 : i32
    %add3A_14 = arith.addi %mul3A_8, %add3A_13 : i32
    "tpu.region"() ({
      %run_scoped3A_119 = tpu.sem_alloc : memref<!tpu.dma_semaphore, #tpu.memory_space<semaphore_mem>>
      %dma_start3A_120 = arith.constant 0 : i32
      %dma_start3A_121 = arith.constant 0 : i32
      %dma_start3A_122 = tpu.memref_slice %arg7[%dma_start3A_120, %dma_start3A_121] : memref<80x64xf32, #tpu.memory_space<vmem>> -> memref<80x64xf32, #tpu.memory_space<vmem>>
      %dma_start3A_123 = arith.constant 0 : i32
      %dma_start3A_124 = tpu.memref_slice %arg9[%add3A_14, %dma_start3A_123] : memref<10112x64xf32, #tpu.memory_space<vmem_shared>> -> memref<80x64xf32, #tpu.memory_space<vmem_shared>>
      %dma_start3A_125 = arith.constant 0 : i32
      %dma_start3A_126 = tpu.memref_slice %arg9[%add3A_14, %dma_start3A_125] : memref<10112x64xf32, #tpu.memory_space<vmem_shared>> -> memref<80x64xf32, #tpu.memory_space<vmem_shared>>
      %dma_start3A_127 = arith.constant 0 : i32
      %dma_start3A_128 = arith.constant 0 : i32
      %dma_start3A_129 = tpu.memref_slice %arg7[%dma_start3A_127, %dma_start3A_128] : memref<80x64xf32, #tpu.memory_space<vmem>> -> memref<80x64xf32, #tpu.memory_space<vmem>>
      tpu.enqueue_dma source(%dma_start3A_129 : memref<80x64xf32, #tpu.memory_space<vmem>>) target(%dma_start3A_126 : memref<80x64xf32, #tpu.memory_space<vmem_shared>>) target_semaphore(%run_scoped3A_119 : memref<!tpu.dma_semaphore, #tpu.memory_space<semaphore_mem>>)
      %dma_wait3A_130 = arith.constant 0 : i32
      %dma_wait3A_131 = arith.constant 0 : i32
      %dma_wait3A_132 = tpu.memref_slice %arg7[%dma_wait3A_130, %dma_wait3A_131] : memref<80x64xf32, #tpu.memory_space<vmem>> -> memref<80x64xf32, #tpu.memory_space<vmem>>
      %dma_wait3A_133 = arith.constant 0 : i32
      %dma_wait3A_134 = tpu.memref_slice %arg9[%add3A_14, %dma_wait3A_133] : memref<10112x64xf32, #tpu.memory_space<vmem_shared>> -> memref<80x64xf32, #tpu.memory_space<vmem_shared>>
      %dma_wait3A_135 = arith.constant 0 : i32
      %dma_wait3A_136 = tpu.memref_slice %arg9[%add3A_14, %dma_wait3A_135] : memref<10112x64xf32, #tpu.memory_space<vmem_shared>> -> memref<80x64xf32, #tpu.memory_space<vmem_shared>>
      %dma_wait3A_137 = arith.constant 0 : i32
      %dma_wait3A_138 = arith.constant 0 : i32
      %dma_wait3A_139 = tpu.memref_slice %arg7[%dma_wait3A_137, %dma_wait3A_138] : memref<80x64xf32, #tpu.memory_space<vmem>> -> memref<80x64xf32, #tpu.memory_space<vmem>>
      tpu.wait_dma2 semaphore(%run_scoped3A_119 : memref<!tpu.dma_semaphore, #tpu.memory_space<semaphore_mem>>) src(%dma_wait3A_139 : memref<80x64xf32, #tpu.memory_space<vmem>>) dst(%dma_wait3A_136 : memref<80x64xf32, #tpu.memory_space<vmem_shared>>)
      tpu.yield
    }) : () -> ()
    %add3A_15 = arith.constant 240 : i32
    %add3A_16 = arith.addi %mul3A_8, %add3A_15 : i32
    "tpu.region"() ({
      %run_scoped3A_119 = tpu.sem_alloc : memref<!tpu.dma_semaphore, #tpu.memory_space<semaphore_mem>>
      %dma_start3A_120 = arith.constant 0 : i32
      %dma_start3A_121 = arith.constant 0 : i32
      %dma_start3A_122 = tpu.memref_slice %arg7[%dma_start3A_120, %dma_start3A_121] : memref<80x64xf32, #tpu.memory_space<vmem>> -> memref<80x64xf32, #tpu.memory_space<vmem>>
      %dma_start3A_123 = arith.constant 0 : i32
      %dma_start3A_124 = tpu.memref_slice %arg9[%add3A_16, %dma_start3A_123] : memref<10112x64xf32, #tpu.memory_space<vmem_shared>> -> memref<80x64xf32, #tpu.memory_space<vmem_shared>>
      %dma_start3A_125 = arith.constant 0 : i32
      %dma_start3A_126 = tpu.memref_slice %arg9[%add3A_16, %dma_start3A_125] : memref<10112x64xf32, #tpu.memory_space<vmem_shared>> -> memref<80x64xf32, #tpu.memory_space<vmem_shared>>
      %dma_start3A_127 = arith.constant 0 : i32
      %dma_start3A_128 = arith.constant 0 : i32
      %dma_start3A_129 = tpu.memref_slice %arg7[%dma_start3A_127, %dma_start3A_128] : memref<80x64xf32, #tpu.memory_space<vmem>> -> memref<80x64xf32, #tpu.memory_space<vmem>>
      tpu.enqueue_dma source(%dma_start3A_129 : memref<80x64xf32, #tpu.memory_space<vmem>>) target(%dma_start3A_126 : memref<80x64xf32, #tpu.memory_space<vmem_shared>>) target_semaphore(%run_scoped3A_119 : memref<!tpu.dma_semaphore, #tpu.memory_space<semaphore_mem>>)
      %dma_wait3A_130 = arith.constant 0 : i32
      %dma_wait3A_131 = arith.constant 0 : i32
      %dma_wait3A_132 = tpu.memref_slice %arg7[%dma_wait3A_130, %dma_wait3A_131] : memref<80x64xf32, #tpu.memory_space<vmem>> -> memref<80x64xf32, #tpu.memory_space<vmem>>
      %dma_wait3A_133 = arith.constant 0 : i32
      %dma_wait3A_134 = tpu.memref_slice %arg9[%add3A_16, %dma_wait3A_133] : memref<10112x64xf32, #tpu.memory_space<vmem_shared>> -> memref<80x64xf32, #tpu.memory_space<vmem_shared>>
      %dma_wait3A_135 = arith.constant 0 : i32
      %dma_wait3A_136 = tpu.memref_slice %arg9[%add3A_16, %dma_wait3A_135] : memref<10112x64xf32, #tpu.memory_space<vmem_shared>> -> memref<80x64xf32, #tpu.memory_space<vmem_shared>>
      %dma_wait3A_137 = arith.constant 0 : i32
      %dma_wait3A_138 = arith.constant 0 : i32
      %dma_wait3A_139 = tpu.memref_slice %arg7[%dma_wait3A_137, %dma_wait3A_138] : memref<80x64xf32, #tpu.memory_space<vmem>> -> memref<80x64xf32, #tpu.memory_space<vmem>>
      tpu.wait_dma2 semaphore(%run_scoped3A_119 : memref<!tpu.dma_semaphore, #tpu.memory_space<semaphore_mem>>) src(%dma_wait3A_139 : memref<80x64xf32, #tpu.memory_space<vmem>>) dst(%dma_wait3A_136 : memref<80x64xf32, #tpu.memory_space<vmem_shared>>)
      tpu.yield
    }) : () -> ()
    %add3A_17 = arith.constant 320 : i32
    %add3A_18 = arith.addi %mul3A_8, %add3A_17 : i32
    "tpu.region"() ({
      %run_scoped3A_119 = tpu.sem_alloc : memref<!tpu.dma_semaphore, #tpu.memory_space<semaphore_mem>>
      %dma_start3A_120 = arith.constant 0 : i32
      %dma_start3A_121 = arith.constant 0 : i32
      %dma_start3A_122 = tpu.memref_slice %arg7[%dma_start3A_120, %dma_start3A_121] : memref<80x64xf32, #tpu.memory_space<vmem>> -> memref<80x64xf32, #tpu.memory_space<vmem>>
      %dma_start3A_123 = arith.constant 0 : i32
      %dma_start3A_124 = tpu.memref_slice %arg9[%add3A_18, %dma_start3A_123] : memref<10112x64xf32, #tpu.memory_space<vmem_shared>> -> memref<80x64xf32, #tpu.memory_space<vmem_shared>>
      %dma_start3A_125 = arith.constant 0 : i32
      %dma_start3A_126 = tpu.memref_slice %arg9[%add3A_18, %dma_start3A_125] : memref<10112x64xf32, #tpu.memory_space<vmem_shared>> -> memref<80x64xf32, #tpu.memory_space<vmem_shared>>
      %dma_start3A_127 = arith.constant 0 : i32
      %dma_start3A_128 = arith.constant 0 : i32
      %dma_start3A_129 = tpu.memref_slice %arg7[%dma_start3A_127, %dma_start3A_128] : memref<80x64xf32, #tpu.memory_space<vmem>> -> memref<80x64xf32, #tpu.memory_space<vmem>>
      tpu.enqueue_dma source(%dma_start3A_129 : memref<80x64xf32, #tpu.memory_space<vmem>>) target(%dma_start3A_126 : memref<80x64xf32, #tpu.memory_space<vmem_shared>>) target_semaphore(%run_scoped3A_119 : memref<!tpu.dma_semaphore, #tpu.memory_space<semaphore_mem>>)
      %dma_wait3A_130 = arith.constant 0 : i32
      %dma_wait3A_131 = arith.constant 0 : i32
      %dma_wait3A_132 = tpu.memref_slice %arg7[%dma_wait3A_130, %dma_wait3A_131] : memref<80x64xf32, #tpu.memory_space<vmem>> -> memref<80x64xf32, #tpu.memory_space<vmem>>
      %dma_wait3A_133 = arith.constant 0 : i32
      %dma_wait3A_134 = tpu.memref_slice %arg9[%add3A_18, %dma_wait3A_133] : memref<10112x64xf32, #tpu.memory_space<vmem_shared>> -> memref<80x64xf32, #tpu.memory_space<vmem_shared>>
      %dma_wait3A_135 = arith.constant 0 : i32
      %dma_wait3A_136 = tpu.memref_slice %arg9[%add3A_18, %dma_wait3A_135] : memref<10112x64xf32, #tpu.memory_space<vmem_shared>> -> memref<80x64xf32, #tpu.memory_space<vmem_shared>>
      %dma_wait3A_137 = arith.constant 0 : i32
      %dma_wait3A_138 = arith.constant 0 : i32
      %dma_wait3A_139 = tpu.memref_slice %arg7[%dma_wait3A_137, %dma_wait3A_138] : memref<80x64xf32, #tpu.memory_space<vmem>> -> memref<80x64xf32, #tpu.memory_space<vmem>>
      tpu.wait_dma2 semaphore(%run_scoped3A_119 : memref<!tpu.dma_semaphore, #tpu.memory_space<semaphore_mem>>) src(%dma_wait3A_139 : memref<80x64xf32, #tpu.memory_space<vmem>>) dst(%dma_wait3A_136 : memref<80x64xf32, #tpu.memory_space<vmem_shared>>)
      tpu.yield
    }) : () -> ()
    %add3A_19 = arith.constant 400 : i32
    %add3A_20 = arith.addi %mul3A_8, %add3A_19 : i32
    "tpu.region"() ({
      %run_scoped3A_119 = tpu.sem_alloc : memref<!tpu.dma_semaphore, #tpu.memory_space<semaphore_mem>>
      %dma_start3A_120 = arith.constant 0 : i32
      %dma_start3A_121 = arith.constant 0 : i32
      %dma_start3A_122 = tpu.memref_slice %arg7[%dma_start3A_120, %dma_start3A_121] : memref<80x64xf32, #tpu.memory_space<vmem>> -> memref<80x64xf32, #tpu.memory_space<vmem>>
      %dma_start3A_123 = arith.constant 0 : i32
      %dma_start3A_124 = tpu.memref_slice %arg9[%add3A_20, %dma_start3A_123] : memref<10112x64xf32, #tpu.memory_space<vmem_shared>> -> memref<80x64xf32, #tpu.memory_space<vmem_shared>>
      %dma_start3A_125 = arith.constant 0 : i32
      %dma_start3A_126 = tpu.memref_slice %arg9[%add3A_20, %dma_start3A_125] : memref<10112x64xf32, #tpu.memory_space<vmem_shared>> -> memref<80x64xf32, #tpu.memory_space<vmem_shared>>
      %dma_start3A_127 = arith.constant 0 : i32
      %dma_start3A_128 = arith.constant 0 : i32
      %dma_start3A_129 = tpu.memref_slice %arg7[%dma_start3A_127, %dma_start3A_128] : memref<80x64xf32, #tpu.memory_space<vmem>> -> memref<80x64xf32, #tpu.memory_space<vmem>>
      tpu.enqueue_dma source(%dma_start3A_129 : memref<80x64xf32, #tpu.memory_space<vmem>>) target(%dma_start3A_126 : memref<80x64xf32, #tpu.memory_space<vmem_shared>>) target_semaphore(%run_scoped3A_119 : memref<!tpu.dma_semaphore, #tpu.memory_space<semaphore_mem>>)
      %dma_wait3A_130 = arith.constant 0 : i32
      %dma_wait3A_131 = arith.constant 0 : i32
      %dma_wait3A_132 = tpu.memref_slice %arg7[%dma_wait3A_130, %dma_wait3A_131] : memref<80x64xf32, #tpu.memory_space<vmem>> -> memref<80x64xf32, #tpu.memory_space<vmem>>
      %dma_wait3A_133 = arith.constant 0 : i32
      %dma_wait3A_134 = tpu.memref_slice %arg9[%add3A_20, %dma_wait3A_133] : memref<10112x64xf32, #tpu.memory_space<vmem_shared>> -> memref<80x64xf32, #tpu.memory_space<vmem_shared>>
      %dma_wait3A_135 = arith.constant 0 : i32
      %dma_wait3A_136 = tpu.memref_slice %arg9[%add3A_20, %dma_wait3A_135] : memref<10112x64xf32, #tpu.memory_space<vmem_shared>> -> memref<80x64xf32, #tpu.memory_space<vmem_shared>>
      %dma_wait3A_137 = arith.constant 0 : i32
      %dma_wait3A_138 = arith.constant 0 : i32
      %dma_wait3A_139 = tpu.memref_slice %arg7[%dma_wait3A_137, %dma_wait3A_138] : memref<80x64xf32, #tpu.memory_space<vmem>> -> memref<80x64xf32, #tpu.memory_space<vmem>>
      tpu.wait_dma2 semaphore(%run_scoped3A_119 : memref<!tpu.dma_semaphore, #tpu.memory_space<semaphore_mem>>) src(%dma_wait3A_139 : memref<80x64xf32, #tpu.memory_space<vmem>>) dst(%dma_wait3A_136 : memref<80x64xf32, #tpu.memory_space<vmem_shared>>)
      tpu.yield
    }) : () -> ()
    %add3A_21 = arith.constant 480 : i32
    %add3A_22 = arith.addi %mul3A_8, %add3A_21 : i32
    "tpu.region"() ({
      %run_scoped3A_119 = tpu.sem_alloc : memref<!tpu.dma_semaphore, #tpu.memory_space<semaphore_mem>>
      %dma_start3A_120 = arith.constant 0 : i32
      %dma_start3A_121 = arith.constant 0 : i32
      %dma_start3A_122 = tpu.memref_slice %arg7[%dma_start3A_120, %dma_start3A_121] : memref<80x64xf32, #tpu.memory_space<vmem>> -> memref<80x64xf32, #tpu.memory_space<vmem>>
      %dma_start3A_123 = arith.constant 0 : i32
      %dma_start3A_124 = tpu.memref_slice %arg9[%add3A_22, %dma_start3A_123] : memref<10112x64xf32, #tpu.memory_space<vmem_shared>> -> memref<80x64xf32, #tpu.memory_space<vmem_shared>>
      %dma_start3A_125 = arith.constant 0 : i32
      %dma_start3A_126 = tpu.memref_slice %arg9[%add3A_22, %dma_start3A_125] : memref<10112x64xf32, #tpu.memory_space<vmem_shared>> -> memref<80x64xf32, #tpu.memory_space<vmem_shared>>
      %dma_start3A_127 = arith.constant 0 : i32
      %dma_start3A_128 = arith.constant 0 : i32
      %dma_start3A_129 = tpu.memref_slice %arg7[%dma_start3A_127, %dma_start3A_128] : memref<80x64xf32, #tpu.memory_space<vmem>> -> memref<80x64xf32, #tpu.memory_space<vmem>>
      tpu.enqueue_dma source(%dma_start3A_129 : memref<80x64xf32, #tpu.memory_space<vmem>>) target(%dma_start3A_126 : memref<80x64xf32, #tpu.memory_space<vmem_shared>>) target_semaphore(%run_scoped3A_119 : memref<!tpu.dma_semaphore, #tpu.memory_space<semaphore_mem>>)
      %dma_wait3A_130 = arith.constant 0 : i32
      %dma_wait3A_131 = arith.constant 0 : i32
      %dma_wait3A_132 = tpu.memref_slice %arg7[%dma_wait3A_130, %dma_wait3A_131] : memref<80x64xf32, #tpu.memory_space<vmem>> -> memref<80x64xf32, #tpu.memory_space<vmem>>
      %dma_wait3A_133 = arith.constant 0 : i32
      %dma_wait3A_134 = tpu.memref_slice %arg9[%add3A_22, %dma_wait3A_133] : memref<10112x64xf32, #tpu.memory_space<vmem_shared>> -> memref<80x64xf32, #tpu.memory_space<vmem_shared>>
      %dma_wait3A_135 = arith.constant 0 : i32
      %dma_wait3A_136 = tpu.memref_slice %arg9[%add3A_22, %dma_wait3A_135] : memref<10112x64xf32, #tpu.memory_space<vmem_shared>> -> memref<80x64xf32, #tpu.memory_space<vmem_shared>>
      %dma_wait3A_137 = arith.constant 0 : i32
      %dma_wait3A_138 = arith.constant 0 : i32
      %dma_wait3A_139 = tpu.memref_slice %arg7[%dma_wait3A_137, %dma_wait3A_138] : memref<80x64xf32, #tpu.memory_space<vmem>> -> memref<80x64xf32, #tpu.memory_space<vmem>>
      tpu.wait_dma2 semaphore(%run_scoped3A_119 : memref<!tpu.dma_semaphore, #tpu.memory_space<semaphore_mem>>) src(%dma_wait3A_139 : memref<80x64xf32, #tpu.memory_space<vmem>>) dst(%dma_wait3A_136 : memref<80x64xf32, #tpu.memory_space<vmem_shared>>)
      tpu.yield
    }) : () -> ()
    %add3A_23 = arith.constant 560 : i32
    %add3A_24 = arith.addi %mul3A_8, %add3A_23 : i32
    "tpu.region"() ({
      %run_scoped3A_119 = tpu.sem_alloc : memref<!tpu.dma_semaphore, #tpu.memory_space<semaphore_mem>>
      %dma_start3A_120 = arith.constant 0 : i32
      %dma_start3A_121 = arith.constant 0 : i32
      %dma_start3A_122 = tpu.memref_slice %arg7[%dma_start3A_120, %dma_start3A_121] : memref<80x64xf32, #tpu.memory_space<vmem>> -> memref<72x64xf32, #tpu.memory_space<vmem>>
      %dma_start3A_123 = arith.constant 0 : i32
      %dma_start3A_124 = tpu.memref_slice %arg9[%add3A_24, %dma_start3A_123] : memref<10112x64xf32, #tpu.memory_space<vmem_shared>> -> memref<72x64xf32, #tpu.memory_space<vmem_shared>>
      %dma_start3A_125 = arith.constant 0 : i32
      %dma_start3A_126 = tpu.memref_slice %arg9[%add3A_24, %dma_start3A_125] : memref<10112x64xf32, #tpu.memory_space<vmem_shared>> -> memref<72x64xf32, #tpu.memory_space<vmem_shared>>
      %dma_start3A_127 = arith.constant 0 : i32
      %dma_start3A_128 = arith.constant 0 : i32
      %dma_start3A_129 = tpu.memref_slice %arg7[%dma_start3A_127, %dma_start3A_128] : memref<80x64xf32, #tpu.memory_space<vmem>> -> memref<72x64xf32, #tpu.memory_space<vmem>>
      tpu.enqueue_dma source(%dma_start3A_129 : memref<72x64xf32, #tpu.memory_space<vmem>>) target(%dma_start3A_126 : memref<72x64xf32, #tpu.memory_space<vmem_shared>>) target_semaphore(%run_scoped3A_119 : memref<!tpu.dma_semaphore, #tpu.memory_space<semaphore_mem>>)
      %dma_wait3A_130 = arith.constant 0 : i32
      %dma_wait3A_131 = arith.constant 0 : i32
      %dma_wait3A_132 = tpu.memref_slice %arg7[%dma_wait3A_130, %dma_wait3A_131] : memref<80x64xf32, #tpu.memory_space<vmem>> -> memref<72x64xf32, #tpu.memory_space<vmem>>
      %dma_wait3A_133 = arith.constant 0 : i32
      %dma_wait3A_134 = tpu.memref_slice %arg9[%add3A_24, %dma_wait3A_133] : memref<10112x64xf32, #tpu.memory_space<vmem_shared>> -> memref<72x64xf32, #tpu.memory_space<vmem_shared>>
      %dma_wait3A_135 = arith.constant 0 : i32
      %dma_wait3A_136 = tpu.memref_slice %arg9[%add3A_24, %dma_wait3A_135] : memref<10112x64xf32, #tpu.memory_space<vmem_shared>> -> memref<72x64xf32, #tpu.memory_space<vmem_shared>>
      %dma_wait3A_137 = arith.constant 0 : i32
      %dma_wait3A_138 = arith.constant 0 : i32
      %dma_wait3A_139 = tpu.memref_slice %arg7[%dma_wait3A_137, %dma_wait3A_138] : memref<80x64xf32, #tpu.memory_space<vmem>> -> memref<72x64xf32, #tpu.memory_space<vmem>>
      tpu.wait_dma2 semaphore(%run_scoped3A_119 : memref<!tpu.dma_semaphore, #tpu.memory_space<semaphore_mem>>) src(%dma_wait3A_139 : memref<72x64xf32, #tpu.memory_space<vmem>>) dst(%dma_wait3A_136 : memref<72x64xf32, #tpu.memory_space<vmem_shared>>)
      tpu.yield
    }) : () -> ()
    %run_scoped3A = arith.constant 0 : i32
    "tpu.region"() ({
      %run_scoped3A_119 = tpu.sem_alloc : memref<!tpu.dma_semaphore, #tpu.memory_space<semaphore_mem>>
      %dma_start3A_120 = arith.constant 0 : i32
      %dma_start3A_121 = arith.constant 0 : i32
      %dma_start3A_122 = tpu.memref_slice %arg3[%run_scoped3A, %add3A, %dma_start3A_120, %dma_start3A_121] : memref<2x32x125x80xi32, #tpu.memory_space<hbm>> -> memref<1x1x125x80xi32, #tpu.memory_space<hbm>>
      %dma_start3A_123 = tpu.memref_squeeze %dma_start3A_122 : memref<1x1x125x80xi32, #tpu.memory_space<hbm>> -> memref<125x80xi32, #tpu.memory_space<hbm>>
      %dma_start3A_124 = arith.constant 0 : i32
      %dma_start3A_125 = arith.constant 0 : i32
      %dma_start3A_126 = tpu.memref_slice %arg3[%run_scoped3A, %add3A, %dma_start3A_124, %dma_start3A_125] : memref<2x32x125x80xi32, #tpu.memory_space<hbm>> -> memref<1x1x125x80xi32, #tpu.memory_space<hbm>>
      %dma_start3A_127 = tpu.memref_squeeze %dma_start3A_126 : memref<1x1x125x80xi32, #tpu.memory_space<hbm>> -> memref<125x80xi32, #tpu.memory_space<hbm>>
      tpu.enqueue_dma source(%dma_start3A_127 : memref<125x80xi32, #tpu.memory_space<hbm>>) target(%arg5 : memref<125x80xi32, #tpu.memory_space<vmem>>) target_semaphore(%run_scoped3A_119 : memref<!tpu.dma_semaphore, #tpu.memory_space<semaphore_mem>>)
      %dma_wait3A_128 = arith.constant 0 : i32
      %dma_wait3A_129 = arith.constant 0 : i32
      %dma_wait3A_130 = tpu.memref_slice %arg3[%run_scoped3A, %add3A, %dma_wait3A_128, %dma_wait3A_129] : memref<2x32x125x80xi32, #tpu.memory_space<hbm>> -> memref<1x1x125x80xi32, #tpu.memory_space<hbm>>
      %dma_wait3A_131 = tpu.memref_squeeze %dma_wait3A_130 : memref<1x1x125x80xi32, #tpu.memory_space<hbm>> -> memref<125x80xi32, #tpu.memory_space<hbm>>
      %dma_wait3A_132 = arith.constant 0 : i32
      %dma_wait3A_133 = arith.constant 0 : i32
      %dma_wait3A_134 = tpu.memref_slice %arg3[%run_scoped3A, %add3A, %dma_wait3A_132, %dma_wait3A_133] : memref<2x32x125x80xi32, #tpu.memory_space<hbm>> -> memref<1x1x125x80xi32, #tpu.memory_space<hbm>>
      %dma_wait3A_135 = tpu.memref_squeeze %dma_wait3A_134 : memref<1x1x125x80xi32, #tpu.memory_space<hbm>> -> memref<125x80xi32, #tpu.memory_space<hbm>>
      tpu.wait_dma2 semaphore(%run_scoped3A_119 : memref<!tpu.dma_semaphore, #tpu.memory_space<semaphore_mem>>) src(%dma_wait3A_135 : memref<125x80xi32, #tpu.memory_space<hbm>>) dst(%arg5 : memref<125x80xi32, #tpu.memory_space<vmem>>)
      tpu.yield
    }) : () -> ()
    %run_scoped3A_25 = arith.constant 1 : i32
    "tpu.region"() ({
      %run_scoped3A_119 = tpu.sem_alloc : memref<!tpu.dma_semaphore, #tpu.memory_space<semaphore_mem>>
      %dma_start3A_120 = arith.constant 0 : i32
      %dma_start3A_121 = arith.constant 0 : i32
      %dma_start3A_122 = tpu.memref_slice %arg3[%run_scoped3A_25, %add3A, %dma_start3A_120, %dma_start3A_121] : memref<2x32x125x80xi32, #tpu.memory_space<hbm>> -> memref<1x1x125x80xi32, #tpu.memory_space<hbm>>
      %dma_start3A_123 = tpu.memref_squeeze %dma_start3A_122 : memref<1x1x125x80xi32, #tpu.memory_space<hbm>> -> memref<125x80xi32, #tpu.memory_space<hbm>>
      %dma_start3A_124 = arith.constant 0 : i32
      %dma_start3A_125 = arith.constant 0 : i32
      %dma_start3A_126 = tpu.memref_slice %arg3[%run_scoped3A_25, %add3A, %dma_start3A_124, %dma_start3A_125] : memref<2x32x125x80xi32, #tpu.memory_space<hbm>> -> memref<1x1x125x80xi32, #tpu.memory_space<hbm>>
      %dma_start3A_127 = tpu.memref_squeeze %dma_start3A_126 : memref<1x1x125x80xi32, #tpu.memory_space<hbm>> -> memref<125x80xi32, #tpu.memory_space<hbm>>
      tpu.enqueue_dma source(%dma_start3A_127 : memref<125x80xi32, #tpu.memory_space<hbm>>) target(%arg6 : memref<125x80xi32, #tpu.memory_space<vmem>>) target_semaphore(%run_scoped3A_119 : memref<!tpu.dma_semaphore, #tpu.memory_space<semaphore_mem>>)
      %dma_wait3A_128 = arith.constant 0 : i32
      %dma_wait3A_129 = arith.constant 0 : i32
      %dma_wait3A_130 = tpu.memref_slice %arg3[%run_scoped3A_25, %add3A, %dma_wait3A_128, %dma_wait3A_129] : memref<2x32x125x80xi32, #tpu.memory_space<hbm>> -> memref<1x1x125x80xi32, #tpu.memory_space<hbm>>
      %dma_wait3A_131 = tpu.memref_squeeze %dma_wait3A_130 : memref<1x1x125x80xi32, #tpu.memory_space<hbm>> -> memref<125x80xi32, #tpu.memory_space<hbm>>
      %dma_wait3A_132 = arith.constant 0 : i32
      %dma_wait3A_133 = arith.constant 0 : i32
      %dma_wait3A_134 = tpu.memref_slice %arg3[%run_scoped3A_25, %add3A, %dma_wait3A_132, %dma_wait3A_133] : memref<2x32x125x80xi32, #tpu.memory_space<hbm>> -> memref<1x1x125x80xi32, #tpu.memory_space<hbm>>
      %dma_wait3A_135 = tpu.memref_squeeze %dma_wait3A_134 : memref<1x1x125x80xi32, #tpu.memory_space<hbm>> -> memref<125x80xi32, #tpu.memory_space<hbm>>
      tpu.wait_dma2 semaphore(%run_scoped3A_119 : memref<!tpu.dma_semaphore, #tpu.memory_space<semaphore_mem>>) src(%dma_wait3A_135 : memref<125x80xi32, #tpu.memory_space<hbm>>) dst(%arg6 : memref<125x80xi32, #tpu.memory_space<vmem>>)
      tpu.yield
    }) : () -> ()
    %barrier3A = arith.constant 0 : index
    tpu.barrier barrier_id(%barrier3A)
    %dma_start3A = arith.constant 0 : i32
    %dma_start3A_26 = arith.constant 0 : i32
    %dma_start3A_27 = tpu.memref_slice %arg5[%dma_start3A, %dma_start3A_26] : memref<125x80xi32, #tpu.memory_space<vmem>> -> memref<1x80xi32, #tpu.memory_space<vmem>>
    %dma_start3A_28 = tpu.memref_squeeze %dma_start3A_27 : memref<1x80xi32, #tpu.memory_space<vmem>> -> memref<80xi32, #tpu.memory_space<vmem>>
    %dma_start3A_29 = arith.constant 0 : i32
    %dma_start3A_30 = arith.constant 0 : i32
    %dma_start3A_31 = tpu.memref_slice %arg2[%dma_start3A_29, %dma_start3A_30] : memref<10000x64xf32, #tpu.memory_space<hbm>> -> memref<10000x64xf32, #tpu.memory_space<hbm>>
    tpu.enqueue_indirect_dma source(%dma_start3A_31 : memref<10000x64xf32, #tpu.memory_space<hbm>>) target(%arg7 : memref<80x64xf32, #tpu.memory_space<vmem>>) offsets(%dma_start3A_28 : memref<80xi32, #tpu.memory_space<vmem>>) semaphore(%arg10 : memref<!tpu.dma_semaphore, #tpu.memory_space<semaphore_mem>>)
    %dma_start3A_32 = arith.constant 1 : i32
    %dma_start3A_33 = arith.constant 0 : i32
    %dma_start3A_34 = tpu.memref_slice %arg5[%dma_start3A_32, %dma_start3A_33] : memref<125x80xi32, #tpu.memory_space<vmem>> -> memref<1x80xi32, #tpu.memory_space<vmem>>
    %dma_start3A_35 = tpu.memref_squeeze %dma_start3A_34 : memref<1x80xi32, #tpu.memory_space<vmem>> -> memref<80xi32, #tpu.memory_space<vmem>>
    %dma_start3A_36 = arith.constant 0 : i32
    %dma_start3A_37 = arith.constant 0 : i32
    %dma_start3A_38 = tpu.memref_slice %arg2[%dma_start3A_36, %dma_start3A_37] : memref<10000x64xf32, #tpu.memory_space<hbm>> -> memref<10000x64xf32, #tpu.memory_space<hbm>>
    tpu.enqueue_indirect_dma source(%dma_start3A_38 : memref<10000x64xf32, #tpu.memory_space<hbm>>) target(%arg8 : memref<80x64xf32, #tpu.memory_space<vmem>>) offsets(%dma_start3A_35 : memref<80xi32, #tpu.memory_space<vmem>>) semaphore(%arg11 : memref<!tpu.dma_semaphore, #tpu.memory_space<semaphore_mem>>)
    %scan3A_39 = arith.constant 0 : i32
    %scan3A_40 = arith.constant 0 : i32
    %scan3A_41 = arith.constant 62 : i32
    %scan3A_42 = arith.addi %scan3A_40, %scan3A_41 : i32
    %scan3A_43 = arith.constant 1 : i32
    scf.for %scan3A_119 = %scan3A_40 to %scan3A_42 step %scan3A_43  : i32 {
      %mul3A_120 = arith.constant 2 : i32
      %mul3A_121 = arith.muli %mul3A_120, %scan3A_119 : i32
      %dma_wait3A_122 = arith.constant 0 : i32
      %dma_wait3A_123 = tpu.memref_slice %arg5[%mul3A_121, %dma_wait3A_122] : memref<125x80xi32, #tpu.memory_space<vmem>> -> memref<1x80xi32, #tpu.memory_space<vmem>>
      %dma_wait3A_124 = tpu.memref_squeeze %dma_wait3A_123 : memref<1x80xi32, #tpu.memory_space<vmem>> -> memref<80xi32, #tpu.memory_space<vmem>>
      %dma_wait3A_125 = arith.constant 0 : i32
      %dma_wait3A_126 = arith.constant 0 : i32
      %dma_wait3A_127 = tpu.memref_slice %arg2[%dma_wait3A_125, %dma_wait3A_126] : memref<10000x64xf32, #tpu.memory_space<hbm>> -> memref<10000x64xf32, #tpu.memory_space<hbm>>
      tpu.wait_indirect_dma semaphore(%arg10 : memref<!tpu.dma_semaphore, #tpu.memory_space<semaphore_mem>>) src(%dma_wait3A_127 : memref<10000x64xf32, #tpu.memory_space<hbm>>) dst(%arg7 : memref<80x64xf32, #tpu.memory_space<vmem>>)
      %dma_start3A_128 = arith.constant 0 : i32
      %dma_start3A_129 = tpu.memref_slice %arg6[%mul3A_121, %dma_start3A_128] : memref<125x80xi32, #tpu.memory_space<vmem>> -> memref<1x80xi32, #tpu.memory_space<vmem>>
      %dma_start3A_130 = tpu.memref_squeeze %dma_start3A_129 : memref<1x80xi32, #tpu.memory_space<vmem>> -> memref<80xi32, #tpu.memory_space<vmem>>
      %dma_start3A_131 = arith.constant 0 : i32
      %dma_start3A_132 = arith.constant 0 : i32
      %dma_start3A_133 = tpu.memref_slice %arg9[%dma_start3A_131, %dma_start3A_132] : memref<10112x64xf32, #tpu.memory_space<vmem_shared>> -> memref<10112x64xf32, #tpu.memory_space<vmem_shared>>
      tpu.enqueue_indirect_dma source(%arg7 : memref<80x64xf32, #tpu.memory_space<vmem>>) target(%dma_start3A_133 : memref<10112x64xf32, #tpu.memory_space<vmem_shared>>) offsets(%dma_start3A_130 : memref<80xi32, #tpu.memory_space<vmem>>) semaphore(%arg12 : memref<!tpu.dma_semaphore, #tpu.memory_space<semaphore_mem>>) {add = true}
      %add3A_134 = arith.constant 1 : i32
      %add3A_135 = arith.addi %mul3A_121, %add3A_134 : i32
      %dma_wait3A_136 = arith.constant 0 : i32
      %dma_wait3A_137 = tpu.memref_slice %arg5[%add3A_135, %dma_wait3A_136] : memref<125x80xi32, #tpu.memory_space<vmem>> -> memref<1x80xi32, #tpu.memory_space<vmem>>
      %dma_wait3A_138 = tpu.memref_squeeze %dma_wait3A_137 : memref<1x80xi32, #tpu.memory_space<vmem>> -> memref<80xi32, #tpu.memory_space<vmem>>
      %dma_wait3A_139 = arith.constant 0 : i32
      %dma_wait3A_140 = arith.constant 0 : i32
      %dma_wait3A_141 = tpu.memref_slice %arg2[%dma_wait3A_139, %dma_wait3A_140] : memref<10000x64xf32, #tpu.memory_space<hbm>> -> memref<10000x64xf32, #tpu.memory_space<hbm>>
      tpu.wait_indirect_dma semaphore(%arg11 : memref<!tpu.dma_semaphore, #tpu.memory_space<semaphore_mem>>) src(%dma_wait3A_141 : memref<10000x64xf32, #tpu.memory_space<hbm>>) dst(%arg8 : memref<80x64xf32, #tpu.memory_space<vmem>>)
      %add3A_142 = arith.constant 1 : i32
      %add3A_143 = arith.addi %mul3A_121, %add3A_142 : i32
      %dma_start3A_144 = arith.constant 0 : i32
      %dma_start3A_145 = tpu.memref_slice %arg6[%add3A_143, %dma_start3A_144] : memref<125x80xi32, #tpu.memory_space<vmem>> -> memref<1x80xi32, #tpu.memory_space<vmem>>
      %dma_start3A_146 = tpu.memref_squeeze %dma_start3A_145 : memref<1x80xi32, #tpu.memory_space<vmem>> -> memref<80xi32, #tpu.memory_space<vmem>>
      %dma_start3A_147 = arith.constant 0 : i32
      %dma_start3A_148 = arith.constant 0 : i32
      %dma_start3A_149 = tpu.memref_slice %arg9[%dma_start3A_147, %dma_start3A_148] : memref<10112x64xf32, #tpu.memory_space<vmem_shared>> -> memref<10112x64xf32, #tpu.memory_space<vmem_shared>>
      tpu.enqueue_indirect_dma source(%arg8 : memref<80x64xf32, #tpu.memory_space<vmem>>) target(%dma_start3A_149 : memref<10112x64xf32, #tpu.memory_space<vmem_shared>>) offsets(%dma_start3A_146 : memref<80xi32, #tpu.memory_space<vmem>>) semaphore(%arg13 : memref<!tpu.dma_semaphore, #tpu.memory_space<semaphore_mem>>) {add = true}
      %lt3A = arith.constant 61 : i32
      %lt3A_150 = arith.cmpi slt, %scan3A_119, %lt3A : i32
      %convert_element_type3A = arith.extui %lt3A_150 : i1 to i32
      %cond3A = arith.constant 0 : i32
      %cond3A_151 = arith.cmpi ne, %convert_element_type3A, %cond3A : i32
      scf.if %cond3A_151 {
        %dma_wait3A_152 = arith.constant 0 : i32
        %dma_wait3A_153 = tpu.memref_slice %arg6[%mul3A_121, %dma_wait3A_152] : memref<125x80xi32, #tpu.memory_space<vmem>> -> memref<1x80xi32, #tpu.memory_space<vmem>>
        %dma_wait3A_154 = tpu.memref_squeeze %dma_wait3A_153 : memref<1x80xi32, #tpu.memory_space<vmem>> -> memref<80xi32, #tpu.memory_space<vmem>>
        %dma_wait3A_155 = arith.constant 0 : i32
        %dma_wait3A_156 = arith.constant 0 : i32
        %dma_wait3A_157 = tpu.memref_slice %arg9[%dma_wait3A_155, %dma_wait3A_156] : memref<10112x64xf32, #tpu.memory_space<vmem_shared>> -> memref<10112x64xf32, #tpu.memory_space<vmem_shared>>
        tpu.wait_indirect_dma semaphore(%arg12 : memref<!tpu.dma_semaphore, #tpu.memory_space<semaphore_mem>>) src(%arg7 : memref<80x64xf32, #tpu.memory_space<vmem>>) dst(%dma_wait3A_157 : memref<10112x64xf32, #tpu.memory_space<vmem_shared>>)
        %add3A_158 = arith.constant 2 : i32
        %add3A_159 = arith.addi %mul3A_121, %add3A_158 : i32
        %dma_start3A_160 = arith.constant 0 : i32
        %dma_start3A_161 = tpu.memref_slice %arg5[%add3A_159, %dma_start3A_160] : memref<125x80xi32, #tpu.memory_space<vmem>> -> memref<1x80xi32, #tpu.memory_space<vmem>>
        %dma_start3A_162 = tpu.memref_squeeze %dma_start3A_161 : memref<1x80xi32, #tpu.memory_space<vmem>> -> memref<80xi32, #tpu.memory_space<vmem>>
        %dma_start3A_163 = arith.constant 0 : i32
        %dma_start3A_164 = arith.constant 0 : i32
        %dma_start3A_165 = tpu.memref_slice %arg2[%dma_start3A_163, %dma_start3A_164] : memref<10000x64xf32, #tpu.memory_space<hbm>> -> memref<10000x64xf32, #tpu.memory_space<hbm>>
        tpu.enqueue_indirect_dma source(%dma_start3A_165 : memref<10000x64xf32, #tpu.memory_space<hbm>>) target(%arg7 : memref<80x64xf32, #tpu.memory_space<vmem>>) offsets(%dma_start3A_162 : memref<80xi32, #tpu.memory_space<vmem>>) semaphore(%arg10 : memref<!tpu.dma_semaphore, #tpu.memory_space<semaphore_mem>>)
        %add3A_166 = arith.constant 1 : i32
        %add3A_167 = arith.addi %mul3A_121, %add3A_166 : i32
        %dma_wait3A_168 = arith.constant 0 : i32
        %dma_wait3A_169 = tpu.memref_slice %arg6[%add3A_167, %dma_wait3A_168] : memref<125x80xi32, #tpu.memory_space<vmem>> -> memref<1x80xi32, #tpu.memory_space<vmem>>
        %dma_wait3A_170 = tpu.memref_squeeze %dma_wait3A_169 : memref<1x80xi32, #tpu.memory_space<vmem>> -> memref<80xi32, #tpu.memory_space<vmem>>
        %dma_wait3A_171 = arith.constant 0 : i32
        %dma_wait3A_172 = arith.constant 0 : i32
        %dma_wait3A_173 = tpu.memref_slice %arg9[%dma_wait3A_171, %dma_wait3A_172] : memref<10112x64xf32, #tpu.memory_space<vmem_shared>> -> memref<10112x64xf32, #tpu.memory_space<vmem_shared>>
        tpu.wait_indirect_dma semaphore(%arg13 : memref<!tpu.dma_semaphore, #tpu.memory_space<semaphore_mem>>) src(%arg8 : memref<80x64xf32, #tpu.memory_space<vmem>>) dst(%dma_wait3A_173 : memref<10112x64xf32, #tpu.memory_space<vmem_shared>>)
        %add3A_174 = arith.constant 3 : i32
        %add3A_175 = arith.addi %mul3A_121, %add3A_174 : i32
        %dma_start3A_176 = arith.constant 0 : i32
        %dma_start3A_177 = tpu.memref_slice %arg5[%add3A_175, %dma_start3A_176] : memref<125x80xi32, #tpu.memory_space<vmem>> -> memref<1x80xi32, #tpu.memory_space<vmem>>
        %dma_start3A_178 = tpu.memref_squeeze %dma_start3A_177 : memref<1x80xi32, #tpu.memory_space<vmem>> -> memref<80xi32, #tpu.memory_space<vmem>>
        %dma_start3A_179 = arith.constant 0 : i32
        %dma_start3A_180 = arith.constant 0 : i32
        %dma_start3A_181 = tpu.memref_slice %arg2[%dma_start3A_179, %dma_start3A_180] : memref<10000x64xf32, #tpu.memory_space<hbm>> -> memref<10000x64xf32, #tpu.memory_space<hbm>>
        tpu.enqueue_indirect_dma source(%dma_start3A_181 : memref<10000x64xf32, #tpu.memory_space<hbm>>) target(%arg8 : memref<80x64xf32, #tpu.memory_space<vmem>>) offsets(%dma_start3A_178 : memref<80xi32, #tpu.memory_space<vmem>>) semaphore(%arg11 : memref<!tpu.dma_semaphore, #tpu.memory_space<semaphore_mem>>)
      } else {
      }
    }
    %scan3A_44 = arith.constant 62 : i32
    %dma_wait3A = arith.constant 122 : i32
    %dma_wait3A_45 = arith.constant 0 : i32
    %dma_wait3A_46 = tpu.memref_slice %arg6[%dma_wait3A, %dma_wait3A_45] : memref<125x80xi32, #tpu.memory_space<vmem>> -> memref<1x80xi32, #tpu.memory_space<vmem>>
    %dma_wait3A_47 = tpu.memref_squeeze %dma_wait3A_46 : memref<1x80xi32, #tpu.memory_space<vmem>> -> memref<80xi32, #tpu.memory_space<vmem>>
    %dma_wait3A_48 = arith.constant 0 : i32
    %dma_wait3A_49 = arith.constant 0 : i32
    %dma_wait3A_50 = tpu.memref_slice %arg9[%dma_wait3A_48, %dma_wait3A_49] : memref<10112x64xf32, #tpu.memory_space<vmem_shared>> -> memref<10112x64xf32, #tpu.memory_space<vmem_shared>>
    tpu.wait_indirect_dma semaphore(%arg12 : memref<!tpu.dma_semaphore, #tpu.memory_space<semaphore_mem>>) src(%arg7 : memref<80x64xf32, #tpu.memory_space<vmem>>) dst(%dma_wait3A_50 : memref<10112x64xf32, #tpu.memory_space<vmem_shared>>)
    %dma_start3A_51 = arith.constant 124 : i32
    %dma_start3A_52 = arith.constant 0 : i32
    %dma_start3A_53 = tpu.memref_slice %arg5[%dma_start3A_51, %dma_start3A_52] : memref<125x80xi32, #tpu.memory_space<vmem>> -> memref<1x80xi32, #tpu.memory_space<vmem>>
    %dma_start3A_54 = tpu.memref_squeeze %dma_start3A_53 : memref<1x80xi32, #tpu.memory_space<vmem>> -> memref<80xi32, #tpu.memory_space<vmem>>
    %dma_start3A_55 = arith.constant 0 : i32
    %dma_start3A_56 = arith.constant 0 : i32
    %dma_start3A_57 = tpu.memref_slice %arg2[%dma_start3A_55, %dma_start3A_56] : memref<10000x64xf32, #tpu.memory_space<hbm>> -> memref<10000x64xf32, #tpu.memory_space<hbm>>
    tpu.enqueue_indirect_dma source(%dma_start3A_57 : memref<10000x64xf32, #tpu.memory_space<hbm>>) target(%arg7 : memref<80x64xf32, #tpu.memory_space<vmem>>) offsets(%dma_start3A_54 : memref<80xi32, #tpu.memory_space<vmem>>) semaphore(%arg10 : memref<!tpu.dma_semaphore, #tpu.memory_space<semaphore_mem>>)
    %dma_wait3A_58 = arith.constant 123 : i32
    %dma_wait3A_59 = arith.constant 0 : i32
    %dma_wait3A_60 = tpu.memref_slice %arg6[%dma_wait3A_58, %dma_wait3A_59] : memref<125x80xi32, #tpu.memory_space<vmem>> -> memref<1x80xi32, #tpu.memory_space<vmem>>
    %dma_wait3A_61 = tpu.memref_squeeze %dma_wait3A_60 : memref<1x80xi32, #tpu.memory_space<vmem>> -> memref<80xi32, #tpu.memory_space<vmem>>
    %dma_wait3A_62 = arith.constant 0 : i32
    %dma_wait3A_63 = arith.constant 0 : i32
    %dma_wait3A_64 = tpu.memref_slice %arg9[%dma_wait3A_62, %dma_wait3A_63] : memref<10112x64xf32, #tpu.memory_space<vmem_shared>> -> memref<10112x64xf32, #tpu.memory_space<vmem_shared>>
    tpu.wait_indirect_dma semaphore(%arg13 : memref<!tpu.dma_semaphore, #tpu.memory_space<semaphore_mem>>) src(%arg8 : memref<80x64xf32, #tpu.memory_space<vmem>>) dst(%dma_wait3A_64 : memref<10112x64xf32, #tpu.memory_space<vmem_shared>>)
    %dma_wait3A_65 = arith.constant 124 : i32
    %dma_wait3A_66 = arith.constant 0 : i32
    %dma_wait3A_67 = tpu.memref_slice %arg5[%dma_wait3A_65, %dma_wait3A_66] : memref<125x80xi32, #tpu.memory_space<vmem>> -> memref<1x80xi32, #tpu.memory_space<vmem>>
    %dma_wait3A_68 = tpu.memref_squeeze %dma_wait3A_67 : memref<1x80xi32, #tpu.memory_space<vmem>> -> memref<80xi32, #tpu.memory_space<vmem>>
    %dma_wait3A_69 = arith.constant 0 : i32
    %dma_wait3A_70 = arith.constant 0 : i32
    %dma_wait3A_71 = tpu.memref_slice %arg2[%dma_wait3A_69, %dma_wait3A_70] : memref<10000x64xf32, #tpu.memory_space<hbm>> -> memref<10000x64xf32, #tpu.memory_space<hbm>>
    tpu.wait_indirect_dma semaphore(%arg10 : memref<!tpu.dma_semaphore, #tpu.memory_space<semaphore_mem>>) src(%dma_wait3A_71 : memref<10000x64xf32, #tpu.memory_space<hbm>>) dst(%arg7 : memref<80x64xf32, #tpu.memory_space<vmem>>)
    %dma_start3A_72 = arith.constant 124 : i32
    %dma_start3A_73 = arith.constant 0 : i32
    %dma_start3A_74 = tpu.memref_slice %arg6[%dma_start3A_72, %dma_start3A_73] : memref<125x80xi32, #tpu.memory_space<vmem>> -> memref<1x80xi32, #tpu.memory_space<vmem>>
    %dma_start3A_75 = tpu.memref_squeeze %dma_start3A_74 : memref<1x80xi32, #tpu.memory_space<vmem>> -> memref<80xi32, #tpu.memory_space<vmem>>
    %dma_start3A_76 = arith.constant 0 : i32
    %dma_start3A_77 = arith.constant 0 : i32
    %dma_start3A_78 = tpu.memref_slice %arg9[%dma_start3A_76, %dma_start3A_77] : memref<10112x64xf32, #tpu.memory_space<vmem_shared>> -> memref<10112x64xf32, #tpu.memory_space<vmem_shared>>
    tpu.enqueue_indirect_dma source(%arg7 : memref<80x64xf32, #tpu.memory_space<vmem>>) target(%dma_start3A_78 : memref<10112x64xf32, #tpu.memory_space<vmem_shared>>) offsets(%dma_start3A_75 : memref<80xi32, #tpu.memory_space<vmem>>) semaphore(%arg12 : memref<!tpu.dma_semaphore, #tpu.memory_space<semaphore_mem>>) {add = true}
    %dma_wait3A_79 = arith.constant 124 : i32
    %dma_wait3A_80 = arith.constant 0 : i32
    %dma_wait3A_81 = tpu.memref_slice %arg6[%dma_wait3A_79, %dma_wait3A_80] : memref<125x80xi32, #tpu.memory_space<vmem>> -> memref<1x80xi32, #tpu.memory_space<vmem>>
    %dma_wait3A_82 = tpu.memref_squeeze %dma_wait3A_81 : memref<1x80xi32, #tpu.memory_space<vmem>> -> memref<80xi32, #tpu.memory_space<vmem>>
    %dma_wait3A_83 = arith.constant 0 : i32
    %dma_wait3A_84 = arith.constant 0 : i32
    %dma_wait3A_85 = tpu.memref_slice %arg9[%dma_wait3A_83, %dma_wait3A_84] : memref<10112x64xf32, #tpu.memory_space<vmem_shared>> -> memref<10112x64xf32, #tpu.memory_space<vmem_shared>>
    tpu.wait_indirect_dma semaphore(%arg12 : memref<!tpu.dma_semaphore, #tpu.memory_space<semaphore_mem>>) src(%arg7 : memref<80x64xf32, #tpu.memory_space<vmem>>) dst(%dma_wait3A_85 : memref<10112x64xf32, #tpu.memory_space<vmem_shared>>)
    %barrier3A_86 = arith.constant 0 : index
    tpu.barrier barrier_id(%barrier3A_86)
    %add3A_87 = arith.constant 0 : i32
    %add3A_88 = arith.addi %mul3A_8, %add3A_87 : i32
    %add3A_89 = arith.constant 0 : i32
    %add3A_90 = arith.addi %mul3A_8, %add3A_89 : i32
    "tpu.region"() ({
      %run_scoped3A_119 = tpu.sem_alloc : memref<!tpu.dma_semaphore, #tpu.memory_space<semaphore_mem>>
      %dma_start3A_120 = arith.constant 0 : i32
      %dma_start3A_121 = tpu.memref_slice %arg4[%arg0, %add3A_90, %dma_start3A_120] : memref<2x10112x64xf32, #tpu.memory_space<hbm>> -> memref<1x80x64xf32, #tpu.memory_space<hbm>>
      %dma_start3A_122 = tpu.memref_squeeze %dma_start3A_121 : memref<1x80x64xf32, #tpu.memory_space<hbm>> -> memref<80x64xf32, #tpu.memory_space<hbm>>
      %dma_start3A_123 = arith.constant 0 : i32
      %dma_start3A_124 = tpu.memref_slice %arg9[%add3A_88, %dma_start3A_123] : memref<10112x64xf32, #tpu.memory_space<vmem_shared>> -> memref<80x64xf32, #tpu.memory_space<vmem_shared>>
      tpu.enqueue_dma source(%dma_start3A_124 : memref<80x64xf32, #tpu.memory_space<vmem_shared>>) target(%dma_start3A_122 : memref<80x64xf32, #tpu.memory_space<hbm>>) target_semaphore(%run_scoped3A_119 : memref<!tpu.dma_semaphore, #tpu.memory_space<semaphore_mem>>)
      %dma_wait3A_125 = arith.constant 0 : i32
      %dma_wait3A_126 = tpu.memref_slice %arg4[%arg0, %add3A_90, %dma_wait3A_125] : memref<2x10112x64xf32, #tpu.memory_space<hbm>> -> memref<1x80x64xf32, #tpu.memory_space<hbm>>
      %dma_wait3A_127 = tpu.memref_squeeze %dma_wait3A_126 : memref<1x80x64xf32, #tpu.memory_space<hbm>> -> memref<80x64xf32, #tpu.memory_space<hbm>>
      %dma_wait3A_128 = arith.constant 0 : i32
      %dma_wait3A_129 = tpu.memref_slice %arg9[%add3A_88, %dma_wait3A_128] : memref<10112x64xf32, #tpu.memory_space<vmem_shared>> -> memref<80x64xf32, #tpu.memory_space<vmem_shared>>
      tpu.wait_dma2 semaphore(%run_scoped3A_119 : memref<!tpu.dma_semaphore, #tpu.memory_space<semaphore_mem>>) src(%dma_wait3A_129 : memref<80x64xf32, #tpu.memory_space<vmem_shared>>) dst(%dma_wait3A_127 : memref<80x64xf32, #tpu.memory_space<hbm>>)
      tpu.yield
    }) : () -> ()
    %add3A_91 = arith.constant 80 : i32
    %add3A_92 = arith.addi %mul3A_8, %add3A_91 : i32
    %add3A_93 = arith.constant 80 : i32
    %add3A_94 = arith.addi %mul3A_8, %add3A_93 : i32
    "tpu.region"() ({
      %run_scoped3A_119 = tpu.sem_alloc : memref<!tpu.dma_semaphore, #tpu.memory_space<semaphore_mem>>
      %dma_start3A_120 = arith.constant 0 : i32
      %dma_start3A_121 = tpu.memref_slice %arg4[%arg0, %add3A_94, %dma_start3A_120] : memref<2x10112x64xf32, #tpu.memory_space<hbm>> -> memref<1x80x64xf32, #tpu.memory_space<hbm>>
      %dma_start3A_122 = tpu.memref_squeeze %dma_start3A_121 : memref<1x80x64xf32, #tpu.memory_space<hbm>> -> memref<80x64xf32, #tpu.memory_space<hbm>>
      %dma_start3A_123 = arith.constant 0 : i32
      %dma_start3A_124 = tpu.memref_slice %arg9[%add3A_92, %dma_start3A_123] : memref<10112x64xf32, #tpu.memory_space<vmem_shared>> -> memref<80x64xf32, #tpu.memory_space<vmem_shared>>
      tpu.enqueue_dma source(%dma_start3A_124 : memref<80x64xf32, #tpu.memory_space<vmem_shared>>) target(%dma_start3A_122 : memref<80x64xf32, #tpu.memory_space<hbm>>) target_semaphore(%run_scoped3A_119 : memref<!tpu.dma_semaphore, #tpu.memory_space<semaphore_mem>>)
      %dma_wait3A_125 = arith.constant 0 : i32
      %dma_wait3A_126 = tpu.memref_slice %arg4[%arg0, %add3A_94, %dma_wait3A_125] : memref<2x10112x64xf32, #tpu.memory_space<hbm>> -> memref<1x80x64xf32, #tpu.memory_space<hbm>>
      %dma_wait3A_127 = tpu.memref_squeeze %dma_wait3A_126 : memref<1x80x64xf32, #tpu.memory_space<hbm>> -> memref<80x64xf32, #tpu.memory_space<hbm>>
      %dma_wait3A_128 = arith.constant 0 : i32
      %dma_wait3A_129 = tpu.memref_slice %arg9[%add3A_92, %dma_wait3A_128] : memref<10112x64xf32, #tpu.memory_space<vmem_shared>> -> memref<80x64xf32, #tpu.memory_space<vmem_shared>>
      tpu.wait_dma2 semaphore(%run_scoped3A_119 : memref<!tpu.dma_semaphore, #tpu.memory_space<semaphore_mem>>) src(%dma_wait3A_129 : memref<80x64xf32, #tpu.memory_space<vmem_shared>>) dst(%dma_wait3A_127 : memref<80x64xf32, #tpu.memory_space<hbm>>)
      tpu.yield
    }) : () -> ()
    %add3A_95 = arith.constant 160 : i32
    %add3A_96 = arith.addi %mul3A_8, %add3A_95 : i32
    %add3A_97 = arith.constant 160 : i32
    %add3A_98 = arith.addi %mul3A_8, %add3A_97 : i32
    "tpu.region"() ({
      %run_scoped3A_119 = tpu.sem_alloc : memref<!tpu.dma_semaphore, #tpu.memory_space<semaphore_mem>>
      %dma_start3A_120 = arith.constant 0 : i32
      %dma_start3A_121 = tpu.memref_slice %arg4[%arg0, %add3A_98, %dma_start3A_120] : memref<2x10112x64xf32, #tpu.memory_space<hbm>> -> memref<1x80x64xf32, #tpu.memory_space<hbm>>
      %dma_start3A_122 = tpu.memref_squeeze %dma_start3A_121 : memref<1x80x64xf32, #tpu.memory_space<hbm>> -> memref<80x64xf32, #tpu.memory_space<hbm>>
      %dma_start3A_123 = arith.constant 0 : i32
      %dma_start3A_124 = tpu.memref_slice %arg9[%add3A_96, %dma_start3A_123] : memref<10112x64xf32, #tpu.memory_space<vmem_shared>> -> memref<80x64xf32, #tpu.memory_space<vmem_shared>>
      tpu.enqueue_dma source(%dma_start3A_124 : memref<80x64xf32, #tpu.memory_space<vmem_shared>>) target(%dma_start3A_122 : memref<80x64xf32, #tpu.memory_space<hbm>>) target_semaphore(%run_scoped3A_119 : memref<!tpu.dma_semaphore, #tpu.memory_space<semaphore_mem>>)
      %dma_wait3A_125 = arith.constant 0 : i32
      %dma_wait3A_126 = tpu.memref_slice %arg4[%arg0, %add3A_98, %dma_wait3A_125] : memref<2x10112x64xf32, #tpu.memory_space<hbm>> -> memref<1x80x64xf32, #tpu.memory_space<hbm>>
      %dma_wait3A_127 = tpu.memref_squeeze %dma_wait3A_126 : memref<1x80x64xf32, #tpu.memory_space<hbm>> -> memref<80x64xf32, #tpu.memory_space<hbm>>
      %dma_wait3A_128 = arith.constant 0 : i32
      %dma_wait3A_129 = tpu.memref_slice %arg9[%add3A_96, %dma_wait3A_128] : memref<10112x64xf32, #tpu.memory_space<vmem_shared>> -> memref<80x64xf32, #tpu.memory_space<vmem_shared>>
      tpu.wait_dma2 semaphore(%run_scoped3A_119 : memref<!tpu.dma_semaphore, #tpu.memory_space<semaphore_mem>>) src(%dma_wait3A_129 : memref<80x64xf32, #tpu.memory_space<vmem_shared>>) dst(%dma_wait3A_127 : memref<80x64xf32, #tpu.memory_space<hbm>>)
      tpu.yield
    }) : () -> ()
    %add3A_99 = arith.constant 240 : i32
    %add3A_100 = arith.addi %mul3A_8, %add3A_99 : i32
    %add3A_101 = arith.constant 240 : i32
    %add3A_102 = arith.addi %mul3A_8, %add3A_101 : i32
    "tpu.region"() ({
      %run_scoped3A_119 = tpu.sem_alloc : memref<!tpu.dma_semaphore, #tpu.memory_space<semaphore_mem>>
      %dma_start3A_120 = arith.constant 0 : i32
      %dma_start3A_121 = tpu.memref_slice %arg4[%arg0, %add3A_102, %dma_start3A_120] : memref<2x10112x64xf32, #tpu.memory_space<hbm>> -> memref<1x80x64xf32, #tpu.memory_space<hbm>>
      %dma_start3A_122 = tpu.memref_squeeze %dma_start3A_121 : memref<1x80x64xf32, #tpu.memory_space<hbm>> -> memref<80x64xf32, #tpu.memory_space<hbm>>
      %dma_start3A_123 = arith.constant 0 : i32
      %dma_start3A_124 = tpu.memref_slice %arg9[%add3A_100, %dma_start3A_123] : memref<10112x64xf32, #tpu.memory_space<vmem_shared>> -> memref<80x64xf32, #tpu.memory_space<vmem_shared>>
      tpu.enqueue_dma source(%dma_start3A_124 : memref<80x64xf32, #tpu.memory_space<vmem_shared>>) target(%dma_start3A_122 : memref<80x64xf32, #tpu.memory_space<hbm>>) target_semaphore(%run_scoped3A_119 : memref<!tpu.dma_semaphore, #tpu.memory_space<semaphore_mem>>)
      %dma_wait3A_125 = arith.constant 0 : i32
      %dma_wait3A_126 = tpu.memref_slice %arg4[%arg0, %add3A_102, %dma_wait3A_125] : memref<2x10112x64xf32, #tpu.memory_space<hbm>> -> memref<1x80x64xf32, #tpu.memory_space<hbm>>
      %dma_wait3A_127 = tpu.memref_squeeze %dma_wait3A_126 : memref<1x80x64xf32, #tpu.memory_space<hbm>> -> memref<80x64xf32, #tpu.memory_space<hbm>>
      %dma_wait3A_128 = arith.constant 0 : i32
      %dma_wait3A_129 = tpu.memref_slice %arg9[%add3A_100, %dma_wait3A_128] : memref<10112x64xf32, #tpu.memory_space<vmem_shared>> -> memref<80x64xf32, #tpu.memory_space<vmem_shared>>
      tpu.wait_dma2 semaphore(%run_scoped3A_119 : memref<!tpu.dma_semaphore, #tpu.memory_space<semaphore_mem>>) src(%dma_wait3A_129 : memref<80x64xf32, #tpu.memory_space<vmem_shared>>) dst(%dma_wait3A_127 : memref<80x64xf32, #tpu.memory_space<hbm>>)
      tpu.yield
    }) : () -> ()
    %add3A_103 = arith.constant 320 : i32
    %add3A_104 = arith.addi %mul3A_8, %add3A_103 : i32
    %add3A_105 = arith.constant 320 : i32
    %add3A_106 = arith.addi %mul3A_8, %add3A_105 : i32
    "tpu.region"() ({
      %run_scoped3A_119 = tpu.sem_alloc : memref<!tpu.dma_semaphore, #tpu.memory_space<semaphore_mem>>
      %dma_start3A_120 = arith.constant 0 : i32
      %dma_start3A_121 = tpu.memref_slice %arg4[%arg0, %add3A_106, %dma_start3A_120] : memref<2x10112x64xf32, #tpu.memory_space<hbm>> -> memref<1x80x64xf32, #tpu.memory_space<hbm>>
      %dma_start3A_122 = tpu.memref_squeeze %dma_start3A_121 : memref<1x80x64xf32, #tpu.memory_space<hbm>> -> memref<80x64xf32, #tpu.memory_space<hbm>>
      %dma_start3A_123 = arith.constant 0 : i32
      %dma_start3A_124 = tpu.memref_slice %arg9[%add3A_104, %dma_start3A_123] : memref<10112x64xf32, #tpu.memory_space<vmem_shared>> -> memref<80x64xf32, #tpu.memory_space<vmem_shared>>
      tpu.enqueue_dma source(%dma_start3A_124 : memref<80x64xf32, #tpu.memory_space<vmem_shared>>) target(%dma_start3A_122 : memref<80x64xf32, #tpu.memory_space<hbm>>) target_semaphore(%run_scoped3A_119 : memref<!tpu.dma_semaphore, #tpu.memory_space<semaphore_mem>>)
      %dma_wait3A_125 = arith.constant 0 : i32
      %dma_wait3A_126 = tpu.memref_slice %arg4[%arg0, %add3A_106, %dma_wait3A_125] : memref<2x10112x64xf32, #tpu.memory_space<hbm>> -> memref<1x80x64xf32, #tpu.memory_space<hbm>>
      %dma_wait3A_127 = tpu.memref_squeeze %dma_wait3A_126 : memref<1x80x64xf32, #tpu.memory_space<hbm>> -> memref<80x64xf32, #tpu.memory_space<hbm>>
      %dma_wait3A_128 = arith.constant 0 : i32
      %dma_wait3A_129 = tpu.memref_slice %arg9[%add3A_104, %dma_wait3A_128] : memref<10112x64xf32, #tpu.memory_space<vmem_shared>> -> memref<80x64xf32, #tpu.memory_space<vmem_shared>>
      tpu.wait_dma2 semaphore(%run_scoped3A_119 : memref<!tpu.dma_semaphore, #tpu.memory_space<semaphore_mem>>) src(%dma_wait3A_129 : memref<80x64xf32, #tpu.memory_space<vmem_shared>>) dst(%dma_wait3A_127 : memref<80x64xf32, #tpu.memory_space<hbm>>)
      tpu.yield
    }) : () -> ()
    %add3A_107 = arith.constant 400 : i32
    %add3A_108 = arith.addi %mul3A_8, %add3A_107 : i32
    %add3A_109 = arith.constant 400 : i32
    %add3A_110 = arith.addi %mul3A_8, %add3A_109 : i32
    "tpu.region"() ({
      %run_scoped3A_119 = tpu.sem_alloc : memref<!tpu.dma_semaphore, #tpu.memory_space<semaphore_mem>>
      %dma_start3A_120 = arith.constant 0 : i32
      %dma_start3A_121 = tpu.memref_slice %arg4[%arg0, %add3A_110, %dma_start3A_120] : memref<2x10112x64xf32, #tpu.memory_space<hbm>> -> memref<1x80x64xf32, #tpu.memory_space<hbm>>
      %dma_start3A_122 = tpu.memref_squeeze %dma_start3A_121 : memref<1x80x64xf32, #tpu.memory_space<hbm>> -> memref<80x64xf32, #tpu.memory_space<hbm>>
      %dma_start3A_123 = arith.constant 0 : i32
      %dma_start3A_124 = tpu.memref_slice %arg9[%add3A_108, %dma_start3A_123] : memref<10112x64xf32, #tpu.memory_space<vmem_shared>> -> memref<80x64xf32, #tpu.memory_space<vmem_shared>>
      tpu.enqueue_dma source(%dma_start3A_124 : memref<80x64xf32, #tpu.memory_space<vmem_shared>>) target(%dma_start3A_122 : memref<80x64xf32, #tpu.memory_space<hbm>>) target_semaphore(%run_scoped3A_119 : memref<!tpu.dma_semaphore, #tpu.memory_space<semaphore_mem>>)
      %dma_wait3A_125 = arith.constant 0 : i32
      %dma_wait3A_126 = tpu.memref_slice %arg4[%arg0, %add3A_110, %dma_wait3A_125] : memref<2x10112x64xf32, #tpu.memory_space<hbm>> -> memref<1x80x64xf32, #tpu.memory_space<hbm>>
      %dma_wait3A_127 = tpu.memref_squeeze %dma_wait3A_126 : memref<1x80x64xf32, #tpu.memory_space<hbm>> -> memref<80x64xf32, #tpu.memory_space<hbm>>
      %dma_wait3A_128 = arith.constant 0 : i32
      %dma_wait3A_129 = tpu.memref_slice %arg9[%add3A_108, %dma_wait3A_128] : memref<10112x64xf32, #tpu.memory_space<vmem_shared>> -> memref<80x64xf32, #tpu.memory_space<vmem_shared>>
      tpu.wait_dma2 semaphore(%run_scoped3A_119 : memref<!tpu.dma_semaphore, #tpu.memory_space<semaphore_mem>>) src(%dma_wait3A_129 : memref<80x64xf32, #tpu.memory_space<vmem_shared>>) dst(%dma_wait3A_127 : memref<80x64xf32, #tpu.memory_space<hbm>>)
      tpu.yield
    }) : () -> ()
    %add3A_111 = arith.constant 480 : i32
    %add3A_112 = arith.addi %mul3A_8, %add3A_111 : i32
    %add3A_113 = arith.constant 480 : i32
    %add3A_114 = arith.addi %mul3A_8, %add3A_113 : i32
    "tpu.region"() ({
      %run_scoped3A_119 = tpu.sem_alloc : memref<!tpu.dma_semaphore, #tpu.memory_space<semaphore_mem>>
      %dma_start3A_120 = arith.constant 0 : i32
      %dma_start3A_121 = tpu.memref_slice %arg4[%arg0, %add3A_114, %dma_start3A_120] : memref<2x10112x64xf32, #tpu.memory_space<hbm>> -> memref<1x80x64xf32, #tpu.memory_space<hbm>>
      %dma_start3A_122 = tpu.memref_squeeze %dma_start3A_121 : memref<1x80x64xf32, #tpu.memory_space<hbm>> -> memref<80x64xf32, #tpu.memory_space<hbm>>
      %dma_start3A_123 = arith.constant 0 : i32
      %dma_start3A_124 = tpu.memref_slice %arg9[%add3A_112, %dma_start3A_123] : memref<10112x64xf32, #tpu.memory_space<vmem_shared>> -> memref<80x64xf32, #tpu.memory_space<vmem_shared>>
      tpu.enqueue_dma source(%dma_start3A_124 : memref<80x64xf32, #tpu.memory_space<vmem_shared>>) target(%dma_start3A_122 : memref<80x64xf32, #tpu.memory_space<hbm>>) target_semaphore(%run_scoped3A_119 : memref<!tpu.dma_semaphore, #tpu.memory_space<semaphore_mem>>)
      %dma_wait3A_125 = arith.constant 0 : i32
      %dma_wait3A_126 = tpu.memref_slice %arg4[%arg0, %add3A_114, %dma_wait3A_125] : memref<2x10112x64xf32, #tpu.memory_space<hbm>> -> memref<1x80x64xf32, #tpu.memory_space<hbm>>
      %dma_wait3A_127 = tpu.memref_squeeze %dma_wait3A_126 : memref<1x80x64xf32, #tpu.memory_space<hbm>> -> memref<80x64xf32, #tpu.memory_space<hbm>>
      %dma_wait3A_128 = arith.constant 0 : i32
      %dma_wait3A_129 = tpu.memref_slice %arg9[%add3A_112, %dma_wait3A_128] : memref<10112x64xf32, #tpu.memory_space<vmem_shared>> -> memref<80x64xf32, #tpu.memory_space<vmem_shared>>
      tpu.wait_dma2 semaphore(%run_scoped3A_119 : memref<!tpu.dma_semaphore, #tpu.memory_space<semaphore_mem>>) src(%dma_wait3A_129 : memref<80x64xf32, #tpu.memory_space<vmem_shared>>) dst(%dma_wait3A_127 : memref<80x64xf32, #tpu.memory_space<hbm>>)
      tpu.yield
    }) : () -> ()
    %add3A_115 = arith.constant 560 : i32
    %add3A_116 = arith.addi %mul3A_8, %add3A_115 : i32
    %add3A_117 = arith.constant 560 : i32
    %add3A_118 = arith.addi %mul3A_8, %add3A_117 : i32
    "tpu.region"() ({
      %run_scoped3A_119 = tpu.sem_alloc : memref<!tpu.dma_semaphore, #tpu.memory_space<semaphore_mem>>
      %dma_start3A_120 = arith.constant 0 : i32
      %dma_start3A_121 = tpu.memref_slice %arg4[%arg0, %add3A_118, %dma_start3A_120] : memref<2x10112x64xf32, #tpu.memory_space<hbm>> -> memref<1x72x64xf32, #tpu.memory_space<hbm>>
      %dma_start3A_122 = tpu.memref_squeeze %dma_start3A_121 : memref<1x72x64xf32, #tpu.memory_space<hbm>> -> memref<72x64xf32, #tpu.memory_space<hbm>>
      %dma_start3A_123 = arith.constant 0 : i32
      %dma_start3A_124 = tpu.memref_slice %arg9[%add3A_116, %dma_start3A_123] : memref<10112x64xf32, #tpu.memory_space<vmem_shared>> -> memref<72x64xf32, #tpu.memory_space<vmem_shared>>
      tpu.enqueue_dma source(%dma_start3A_124 : memref<72x64xf32, #tpu.memory_space<vmem_shared>>) target(%dma_start3A_122 : memref<72x64xf32, #tpu.memory_space<hbm>>) target_semaphore(%run_scoped3A_119 : memref<!tpu.dma_semaphore, #tpu.memory_space<semaphore_mem>>)
      %dma_wait3A_125 = arith.constant 0 : i32
      %dma_wait3A_126 = tpu.memref_slice %arg4[%arg0, %add3A_118, %dma_wait3A_125] : memref<2x10112x64xf32, #tpu.memory_space<hbm>> -> memref<1x72x64xf32, #tpu.memory_space<hbm>>
      %dma_wait3A_127 = tpu.memref_squeeze %dma_wait3A_126 : memref<1x72x64xf32, #tpu.memory_space<hbm>> -> memref<72x64xf32, #tpu.memory_space<hbm>>
      %dma_wait3A_128 = arith.constant 0 : i32
      %dma_wait3A_129 = tpu.memref_slice %arg9[%add3A_116, %dma_wait3A_128] : memref<10112x64xf32, #tpu.memory_space<vmem_shared>> -> memref<72x64xf32, #tpu.memory_space<vmem_shared>>
      tpu.wait_dma2 semaphore(%run_scoped3A_119 : memref<!tpu.dma_semaphore, #tpu.memory_space<semaphore_mem>>) src(%dma_wait3A_129 : memref<72x64xf32, #tpu.memory_space<vmem_shared>>) dst(%dma_wait3A_127 : memref<72x64xf32, #tpu.memory_space<hbm>>)
      tpu.yield
    }) : () -> ()
    return
  }
}

module attributes {stable_mosaic.version = 14 : i64} {
  func.func @_fused_body(%arg0: i32, %arg1: memref<2x2000x128xf32, #tpu.memory_space<vmem>>, %arg2: memref<2000x128xf32, #tpu.memory_space<vmem>>, %arg3: memref<2x2000x1xf32, #tpu.memory_space<vmem>>, %arg4: memref<1x128xf32, #tpu.memory_space<vmem>>, %arg5: memref<128x128xf32, #tpu.memory_space<vmem>>, %arg6: memref<2000x128xf32, #tpu.memory_space<vmem>>) attributes {dimension_semantics = [#tpu.dimension_semantics<arbitrary>], iteration_bounds = array<i64: 5>, scalar_prefetch = 0 : i64, scratch_operands = 0 : i64, tpu.core_type = #tpu.core_type<tc>, window_params = [{transform_indices = @transform_0, window_bounds = array<i64: 2, 2000, 128>}, {transform_indices = @transform_1, window_bounds = array<i64: 2000, 128>}, {transform_indices = @transform_2, window_bounds = array<i64: 2, 2000, 1>}, {pipeline_mode = #tpu.pipeline_mode<synchronous>, transform_indices = @transform_3, window_bounds = array<i64: 1, 128>}, {pipeline_mode = #tpu.pipeline_mode<synchronous>, transform_indices = @transform_4, window_bounds = array<i64: 128, 128>}, {transform_indices = @transform_5, window_bounds = array<i64: 2000, 128>}]} {
    %get3A = arith.constant 0 : index
    %get3A_0 = arith.constant 0 : index
    %get3A_1 = arith.constant 0 : index
    %get3A_2 = vector.load %arg3[%get3A, %get3A_0, %get3A_1] : memref<2x2000x1xf32, #tpu.memory_space<vmem>>, vector<1x2000x1xf32>
    %get3A_3 = vector.shape_cast %get3A_2 : vector<1x2000x1xf32> to vector<2000x1xf32>
    %add3A = arith.constant 1.000000e+00 : f32
    %add3A_4 = vector.broadcast %add3A : f32 to vector<2000x1xf32>
    %add3A_5 = arith.addf %add3A_4, %get3A_3 : vector<2000x1xf32>
    %get3A_6 = arith.constant 1 : index
    %get3A_7 = arith.constant 0 : index
    %get3A_8 = arith.constant 0 : index
    %get3A_9 = vector.load %arg3[%get3A_6, %get3A_7, %get3A_8] : memref<2x2000x1xf32, #tpu.memory_space<vmem>>, vector<1x2000x1xf32>
    %get3A_10 = vector.shape_cast %get3A_9 : vector<1x2000x1xf32> to vector<2000x1xf32>
    %add3A_11 = arith.addf %add3A_5, %get3A_10 : vector<2000x1xf32>
    %rsqrt3A = math.rsqrt %add3A_11 : vector<2000x1xf32>
    %get3A_12 = arith.constant 0 : index
    %get3A_13 = arith.constant 0 : index
    %get3A_14 = arith.constant 0 : index
    %get3A_15 = vector.load %arg1[%get3A_12, %get3A_13, %get3A_14] : memref<2x2000x128xf32, #tpu.memory_space<vmem>>, vector<1x2000x128xf32>
    %get3A_16 = vector.shape_cast %get3A_15 : vector<1x2000x128xf32> to vector<2000x128xf32>
    %get3A_17 = arith.constant 1 : index
    %get3A_18 = arith.constant 0 : index
    %get3A_19 = arith.constant 0 : index
    %get3A_20 = vector.load %arg1[%get3A_17, %get3A_18, %get3A_19] : memref<2x2000x128xf32, #tpu.memory_space<vmem>>, vector<1x2000x128xf32>
    %get3A_21 = vector.shape_cast %get3A_20 : vector<1x2000x128xf32> to vector<2000x128xf32>
    %add3A_22 = arith.addf %get3A_16, %get3A_21 : vector<2000x128xf32>
    %get3A_23 = arith.constant 0 : index
    %get3A_24 = arith.constant 0 : index
    %get3A_25 = vector.load %arg2[%get3A_23, %get3A_24] : memref<2000x128xf32, #tpu.memory_space<vmem>>, vector<2000x128xf32>
    %add3A_26 = arith.addf %add3A_22, %get3A_25 : vector<2000x128xf32>
    %mul3A = vector.broadcast %rsqrt3A : vector<2000x1xf32> to vector<2000x128xf32>
    %mul3A_27 = arith.mulf %mul3A, %add3A_26 : vector<2000x128xf32>
    %get3A_28 = arith.constant 0 : index
    %get3A_29 = arith.constant 0 : index
    %get3A_30 = vector.load %arg4[%get3A_28, %get3A_29] : memref<1x128xf32, #tpu.memory_space<vmem>>, vector<1x128xf32>
    %add3A_31 = vector.broadcast %get3A_30 : vector<1x128xf32> to vector<2000x128xf32>
    %add3A_32 = arith.addf %mul3A_27, %add3A_31 : vector<2000x128xf32>
    %max3A = arith.constant 0.000000e+00 : f32
    %max3A_33 = vector.broadcast %max3A : f32 to vector<2000x128xf32>
    %max3A_34 = arith.maximumf %add3A_32, %max3A_33 : vector<2000x128xf32>
    %mul3A_35 = vector.broadcast %rsqrt3A : vector<2000x1xf32> to vector<2000x128xf32>
    %mul3A_36 = arith.mulf %max3A_34, %mul3A_35 : vector<2000x128xf32>
    %get3A_37 = arith.constant 0 : index
    %get3A_38 = arith.constant 0 : index
    %get3A_39 = vector.load %arg5[%get3A_37, %get3A_38] : memref<128x128xf32, #tpu.memory_space<vmem>>, vector<128x128xf32>
    %dot_general3A = arith.constant dense<0.000000e+00> : vector<2000x128xf32>
    %dot_general3A_40 = tpu.matmul %mul3A_36, %get3A_39, %dot_general3A {dimension_numbers = #tpu.dot_dimension_numbers<[1], [0], [0], [1], [0, 0, 1, 1], [], []>, precision = #tpu.contract_precision<fp32>, transpose_lhs_hint = false} : vector<2000x128xf32>, vector<128x128xf32>, vector<2000x128xf32> -> vector<2000x128xf32>
    %swap3A = arith.constant 0 : index
    %swap3A_41 = arith.constant 0 : index
    %swap3A_42 = vector.load %arg6[%swap3A, %swap3A_41] : memref<2000x128xf32, #tpu.memory_space<vmem>>, vector<2000x128xf32>
    tpu.vector_store %arg6[%swap3A, %swap3A_41], %dot_general3A_40 {strides = array<i32>} : memref<2000x128xf32, #tpu.memory_space<vmem>>, vector<2000x128xf32>,
    return
  }
  func.func @transform_0(%arg0: i32) -> (i32, i32, i32) {
    %c0_i32 = arith.constant 0 : i32
    %c0_i32_0 = arith.constant 0 : i32
    %c0_i32_1 = arith.constant 0 : i32
    return %c0_i32, %arg0, %c0_i32_0 : i32, i32, i32
  }
  func.func @transform_1(%arg0: i32) -> (i32, i32) {
    %c0_i32 = arith.constant 0 : i32
    %c0_i32_0 = arith.constant 0 : i32
    return %arg0, %c0_i32 : i32, i32
  }
  func.func @transform_2(%arg0: i32) -> (i32, i32, i32) {
    %c0_i32 = arith.constant 0 : i32
    %c0_i32_0 = arith.constant 0 : i32
    %c0_i32_1 = arith.constant 0 : i32
    return %c0_i32, %arg0, %c0_i32_0 : i32, i32, i32
  }
  func.func @transform_3(%arg0: i32) -> (i32, i32) {
    %c0_i32 = arith.constant 0 : i32
    %c0_i32_0 = arith.constant 0 : i32
    %c0_i32_1 = arith.constant 0 : i32
    return %c0_i32, %c0_i32_0 : i32, i32
  }
  func.func @transform_4(%arg0: i32) -> (i32, i32) {
    %c0_i32 = arith.constant 0 : i32
    %c0_i32_0 = arith.constant 0 : i32
    %c0_i32_1 = arith.constant 0 : i32
    return %c0_i32, %c0_i32_0 : i32, i32
  }
  func.func @transform_5(%arg0: i32) -> (i32, i32) {
    %c0_i32 = arith.constant 0 : i32
    %c0_i32_0 = arith.constant 0 : i32
    return %arg0, %c0_i32 : i32, i32
  }
}

module attributes {stable_mosaic.version = 14 : i64} {
  func.func @_mm_scale_body(%arg0: i32, %arg1: memref<2x2000x1xf32, #tpu.memory_space<vmem>>, %arg2: memref<2000x128xf32, #tpu.memory_space<vmem>>, %arg3: memref<128x128xf32, #tpu.memory_space<vmem>>, %arg4: memref<2000x128xf32, #tpu.memory_space<vmem>>) attributes {dimension_semantics = [#tpu.dimension_semantics<arbitrary>], iteration_bounds = array<i64: 5>, scalar_prefetch = 0 : i64, scratch_operands = 0 : i64, tpu.core_type = #tpu.core_type<tc>, window_params = [{transform_indices = @transform_0, window_bounds = array<i64: 2, 2000, 1>}, {transform_indices = @transform_1, window_bounds = array<i64: 2000, 128>}, {pipeline_mode = #tpu.pipeline_mode<synchronous>, transform_indices = @transform_2, window_bounds = array<i64: 128, 128>}, {transform_indices = @transform_3, window_bounds = array<i64: 2000, 128>}]} {
    %get3A = arith.constant 0 : index
    %get3A_0 = arith.constant 0 : index
    %get3A_1 = arith.constant 0 : index
    %get3A_2 = vector.load %arg1[%get3A, %get3A_0, %get3A_1] : memref<2x2000x1xf32, #tpu.memory_space<vmem>>, vector<1x2000x1xf32>
    %get3A_3 = vector.shape_cast %get3A_2 : vector<1x2000x1xf32> to vector<2000x1xf32>
    %add3A = arith.constant 1.000000e+00 : f32
    %add3A_4 = vector.broadcast %add3A : f32 to vector<2000x1xf32>
    %add3A_5 = arith.addf %add3A_4, %get3A_3 : vector<2000x1xf32>
    %get3A_6 = arith.constant 1 : index
    %get3A_7 = arith.constant 0 : index
    %get3A_8 = arith.constant 0 : index
    %get3A_9 = vector.load %arg1[%get3A_6, %get3A_7, %get3A_8] : memref<2x2000x1xf32, #tpu.memory_space<vmem>>, vector<1x2000x1xf32>
    %get3A_10 = vector.shape_cast %get3A_9 : vector<1x2000x1xf32> to vector<2000x1xf32>
    %add3A_11 = arith.addf %add3A_5, %get3A_10 : vector<2000x1xf32>
    %rsqrt3A = math.rsqrt %add3A_11 : vector<2000x1xf32>
    %get3A_12 = arith.constant 0 : index
    %get3A_13 = arith.constant 0 : index
    %get3A_14 = vector.load %arg2[%get3A_12, %get3A_13] : memref<2000x128xf32, #tpu.memory_space<vmem>>, vector<2000x128xf32>
    %mul3A = vector.broadcast %rsqrt3A : vector<2000x1xf32> to vector<2000x128xf32>
    %mul3A_15 = arith.mulf %get3A_14, %mul3A : vector<2000x128xf32>
    %get3A_16 = arith.constant 0 : index
    %get3A_17 = arith.constant 0 : index
    %get3A_18 = vector.load %arg3[%get3A_16, %get3A_17] : memref<128x128xf32, #tpu.memory_space<vmem>>, vector<128x128xf32>
    %dot_general3A = arith.constant dense<0.000000e+00> : vector<2000x128xf32>
    %dot_general3A_19 = tpu.matmul %mul3A_15, %get3A_18, %dot_general3A {dimension_numbers = #tpu.dot_dimension_numbers<[1], [0], [0], [1], [0, 0, 1, 1], [], []>, precision = #tpu.contract_precision<fp32>, transpose_lhs_hint = false} : vector<2000x128xf32>, vector<128x128xf32>, vector<2000x128xf32> -> vector<2000x128xf32>
    %swap3A = arith.constant 0 : index
    %swap3A_20 = arith.constant 0 : index
    %swap3A_21 = vector.load %arg4[%swap3A, %swap3A_20] : memref<2000x128xf32, #tpu.memory_space<vmem>>, vector<2000x128xf32>
    tpu.vector_store %arg4[%swap3A, %swap3A_20], %dot_general3A_19 {strides = array<i32>} : memref<2000x128xf32, #tpu.memory_space<vmem>>, vector<2000x128xf32>,
    return
  }
  func.func @transform_0(%arg0: i32) -> (i32, i32, i32) {
    %c0_i32 = arith.constant 0 : i32
    %c0_i32_0 = arith.constant 0 : i32
    %c0_i32_1 = arith.constant 0 : i32
    return %c0_i32, %arg0, %c0_i32_0 : i32, i32, i32
  }
  func.func @transform_1(%arg0: i32) -> (i32, i32) {
    %c0_i32 = arith.constant 0 : i32
    %c0_i32_0 = arith.constant 0 : i32
    return %arg0, %c0_i32 : i32, i32
  }
  func.func @transform_2(%arg0: i32) -> (i32, i32) {
    %c0_i32 = arith.constant 0 : i32
    %c0_i32_0 = arith.constant 0 : i32
    %c0_i32_1 = arith.constant 0 : i32
    return %c0_i32, %c0_i32_0 : i32, i32
  }
  func.func @transform_3(%arg0: i32) -> (i32, i32) {
    %c0_i32 = arith.constant 0 : i32
    %c0_i32_0 = arith.constant 0 : i32
    return %arg0, %c0_i32 : i32, i32
  }
}

module attributes {stable_mosaic.version = 14 : i64} {
  func.func @_fused_body(%arg0: i32, %arg1: memref<2x2000x128xf32, #tpu.memory_space<vmem>>, %arg2: memref<2000x128xf32, #tpu.memory_space<vmem>>, %arg3: memref<2x2000x1xf32, #tpu.memory_space<vmem>>, %arg4: memref<1x128xf32, #tpu.memory_space<vmem>>, %arg5: memref<128x64xf32, #tpu.memory_space<vmem>>, %arg6: memref<2000x64xf32, #tpu.memory_space<vmem>>) attributes {dimension_semantics = [#tpu.dimension_semantics<arbitrary>], iteration_bounds = array<i64: 5>, scalar_prefetch = 0 : i64, scratch_operands = 0 : i64, tpu.core_type = #tpu.core_type<tc>, window_params = [{transform_indices = @transform_0, window_bounds = array<i64: 2, 2000, 128>}, {transform_indices = @transform_1, window_bounds = array<i64: 2000, 128>}, {transform_indices = @transform_2, window_bounds = array<i64: 2, 2000, 1>}, {pipeline_mode = #tpu.pipeline_mode<synchronous>, transform_indices = @transform_3, window_bounds = array<i64: 1, 128>}, {pipeline_mode = #tpu.pipeline_mode<synchronous>, transform_indices = @transform_4, window_bounds = array<i64: 128, 64>}, {transform_indices = @transform_5, window_bounds = array<i64: 2000, 64>}]} {
    %get3A = arith.constant 0 : index
    %get3A_0 = arith.constant 0 : index
    %get3A_1 = arith.constant 0 : index
    %get3A_2 = vector.load %arg3[%get3A, %get3A_0, %get3A_1] : memref<2x2000x1xf32, #tpu.memory_space<vmem>>, vector<1x2000x1xf32>
    %get3A_3 = vector.shape_cast %get3A_2 : vector<1x2000x1xf32> to vector<2000x1xf32>
    %add3A = arith.constant 1.000000e+00 : f32
    %add3A_4 = vector.broadcast %add3A : f32 to vector<2000x1xf32>
    %add3A_5 = arith.addf %add3A_4, %get3A_3 : vector<2000x1xf32>
    %get3A_6 = arith.constant 1 : index
    %get3A_7 = arith.constant 0 : index
    %get3A_8 = arith.constant 0 : index
    %get3A_9 = vector.load %arg3[%get3A_6, %get3A_7, %get3A_8] : memref<2x2000x1xf32, #tpu.memory_space<vmem>>, vector<1x2000x1xf32>
    %get3A_10 = vector.shape_cast %get3A_9 : vector<1x2000x1xf32> to vector<2000x1xf32>
    %add3A_11 = arith.addf %add3A_5, %get3A_10 : vector<2000x1xf32>
    %rsqrt3A = math.rsqrt %add3A_11 : vector<2000x1xf32>
    %get3A_12 = arith.constant 0 : index
    %get3A_13 = arith.constant 0 : index
    %get3A_14 = arith.constant 0 : index
    %get3A_15 = vector.load %arg1[%get3A_12, %get3A_13, %get3A_14] : memref<2x2000x128xf32, #tpu.memory_space<vmem>>, vector<1x2000x128xf32>
    %get3A_16 = vector.shape_cast %get3A_15 : vector<1x2000x128xf32> to vector<2000x128xf32>
    %get3A_17 = arith.constant 1 : index
    %get3A_18 = arith.constant 0 : index
    %get3A_19 = arith.constant 0 : index
    %get3A_20 = vector.load %arg1[%get3A_17, %get3A_18, %get3A_19] : memref<2x2000x128xf32, #tpu.memory_space<vmem>>, vector<1x2000x128xf32>
    %get3A_21 = vector.shape_cast %get3A_20 : vector<1x2000x128xf32> to vector<2000x128xf32>
    %add3A_22 = arith.addf %get3A_16, %get3A_21 : vector<2000x128xf32>
    %get3A_23 = arith.constant 0 : index
    %get3A_24 = arith.constant 0 : index
    %get3A_25 = vector.load %arg2[%get3A_23, %get3A_24] : memref<2000x128xf32, #tpu.memory_space<vmem>>, vector<2000x128xf32>
    %add3A_26 = arith.addf %add3A_22, %get3A_25 : vector<2000x128xf32>
    %mul3A = vector.broadcast %rsqrt3A : vector<2000x1xf32> to vector<2000x128xf32>
    %mul3A_27 = arith.mulf %mul3A, %add3A_26 : vector<2000x128xf32>
    %get3A_28 = arith.constant 0 : index
    %get3A_29 = arith.constant 0 : index
    %get3A_30 = vector.load %arg4[%get3A_28, %get3A_29] : memref<1x128xf32, #tpu.memory_space<vmem>>, vector<1x128xf32>
    %add3A_31 = vector.broadcast %get3A_30 : vector<1x128xf32> to vector<2000x128xf32>
    %add3A_32 = arith.addf %mul3A_27, %add3A_31 : vector<2000x128xf32>
    %max3A = arith.constant 0.000000e+00 : f32
    %max3A_33 = vector.broadcast %max3A : f32 to vector<2000x128xf32>
    %max3A_34 = arith.maximumf %add3A_32, %max3A_33 : vector<2000x128xf32>
    %mul3A_35 = vector.broadcast %rsqrt3A : vector<2000x1xf32> to vector<2000x128xf32>
    %mul3A_36 = arith.mulf %max3A_34, %mul3A_35 : vector<2000x128xf32>
    %get3A_37 = arith.constant 0 : index
    %get3A_38 = arith.constant 0 : index
    %get3A_39 = vector.load %arg5[%get3A_37, %get3A_38] : memref<128x64xf32, #tpu.memory_space<vmem>>, vector<128x64xf32>
    %dot_general3A = arith.constant dense<0.000000e+00> : vector<2000x64xf32>
    %dot_general3A_40 = tpu.matmul %mul3A_36, %get3A_39, %dot_general3A {dimension_numbers = #tpu.dot_dimension_numbers<[1], [0], [0], [1], [0, 0, 1, 1], [], []>, precision = #tpu.contract_precision<fp32>, transpose_lhs_hint = false} : vector<2000x128xf32>, vector<128x64xf32>, vector<2000x64xf32> -> vector<2000x64xf32>
    %swap3A = arith.constant 0 : index
    %swap3A_41 = arith.constant 0 : index
    %swap3A_42 = vector.load %arg6[%swap3A, %swap3A_41] : memref<2000x64xf32, #tpu.memory_space<vmem>>, vector<2000x64xf32>
    tpu.vector_store %arg6[%swap3A, %swap3A_41], %dot_general3A_40 {strides = array<i32>} : memref<2000x64xf32, #tpu.memory_space<vmem>>, vector<2000x64xf32>,
    return
  }
  func.func @transform_0(%arg0: i32) -> (i32, i32, i32) {
    %c0_i32 = arith.constant 0 : i32
    %c0_i32_0 = arith.constant 0 : i32
    %c0_i32_1 = arith.constant 0 : i32
    return %c0_i32, %arg0, %c0_i32_0 : i32, i32, i32
  }
  func.func @transform_1(%arg0: i32) -> (i32, i32) {
    %c0_i32 = arith.constant 0 : i32
    %c0_i32_0 = arith.constant 0 : i32
    return %arg0, %c0_i32 : i32, i32
  }
  func.func @transform_2(%arg0: i32) -> (i32, i32, i32) {
    %c0_i32 = arith.constant 0 : i32
    %c0_i32_0 = arith.constant 0 : i32
    %c0_i32_1 = arith.constant 0 : i32
    return %c0_i32, %arg0, %c0_i32_0 : i32, i32, i32
  }
  func.func @transform_3(%arg0: i32) -> (i32, i32) {
    %c0_i32 = arith.constant 0 : i32
    %c0_i32_0 = arith.constant 0 : i32
    %c0_i32_1 = arith.constant 0 : i32
    return %c0_i32, %c0_i32_0 : i32, i32
  }
  func.func @transform_4(%arg0: i32) -> (i32, i32) {
    %c0_i32 = arith.constant 0 : i32
    %c0_i32_0 = arith.constant 0 : i32
    %c0_i32_1 = arith.constant 0 : i32
    return %c0_i32, %c0_i32_0 : i32, i32
  }
  func.func @transform_5(%arg0: i32) -> (i32, i32) {
    %c0_i32 = arith.constant 0 : i32
    %c0_i32_0 = arith.constant 0 : i32
    return %arg0, %c0_i32 : i32, i32
  }
}

module attributes {stable_mosaic.version = 14 : i64} {
  func.func @_final_body(%arg0: i32, %arg1: memref<2x2000x64xf32, #tpu.memory_space<vmem>>, %arg2: memref<2000x64xf32, #tpu.memory_space<vmem>>, %arg3: memref<2x2000x1xf32, #tpu.memory_space<vmem>>, %arg4: memref<1x64xf32, #tpu.memory_space<vmem>>, %arg5: memref<2000x64xf32, #tpu.memory_space<vmem>>) attributes {dimension_semantics = [#tpu.dimension_semantics<arbitrary>], iteration_bounds = array<i64: 5>, scalar_prefetch = 0 : i64, scratch_operands = 0 : i64, tpu.core_type = #tpu.core_type<tc>, window_params = [{transform_indices = @transform_0, window_bounds = array<i64: 2, 2000, 64>}, {transform_indices = @transform_1, window_bounds = array<i64: 2000, 64>}, {transform_indices = @transform_2, window_bounds = array<i64: 2, 2000, 1>}, {pipeline_mode = #tpu.pipeline_mode<synchronous>, transform_indices = @transform_3, window_bounds = array<i64: 1, 64>}, {transform_indices = @transform_4, window_bounds = array<i64: 2000, 64>}]} {
    %get3A = arith.constant 0 : index
    %get3A_0 = arith.constant 0 : index
    %get3A_1 = arith.constant 0 : index
    %get3A_2 = vector.load %arg3[%get3A, %get3A_0, %get3A_1] : memref<2x2000x1xf32, #tpu.memory_space<vmem>>, vector<1x2000x1xf32>
    %get3A_3 = vector.shape_cast %get3A_2 : vector<1x2000x1xf32> to vector<2000x1xf32>
    %add3A = arith.constant 1.000000e+00 : f32
    %add3A_4 = vector.broadcast %add3A : f32 to vector<2000x1xf32>
    %add3A_5 = arith.addf %add3A_4, %get3A_3 : vector<2000x1xf32>
    %get3A_6 = arith.constant 1 : index
    %get3A_7 = arith.constant 0 : index
    %get3A_8 = arith.constant 0 : index
    %get3A_9 = vector.load %arg3[%get3A_6, %get3A_7, %get3A_8] : memref<2x2000x1xf32, #tpu.memory_space<vmem>>, vector<1x2000x1xf32>
    %get3A_10 = vector.shape_cast %get3A_9 : vector<1x2000x1xf32> to vector<2000x1xf32>
    %add3A_11 = arith.addf %add3A_5, %get3A_10 : vector<2000x1xf32>
    %rsqrt3A = math.rsqrt %add3A_11 : vector<2000x1xf32>
    %get3A_12 = arith.constant 0 : index
    %get3A_13 = arith.constant 0 : index
    %get3A_14 = arith.constant 0 : index
    %get3A_15 = vector.load %arg1[%get3A_12, %get3A_13, %get3A_14] : memref<2x2000x64xf32, #tpu.memory_space<vmem>>, vector<1x2000x64xf32>
    %get3A_16 = vector.shape_cast %get3A_15 : vector<1x2000x64xf32> to vector<2000x64xf32>
    %get3A_17 = arith.constant 1 : index
    %get3A_18 = arith.constant 0 : index
    %get3A_19 = arith.constant 0 : index
    %get3A_20 = vector.load %arg1[%get3A_17, %get3A_18, %get3A_19] : memref<2x2000x64xf32, #tpu.memory_space<vmem>>, vector<1x2000x64xf32>
    %get3A_21 = vector.shape_cast %get3A_20 : vector<1x2000x64xf32> to vector<2000x64xf32>
    %add3A_22 = arith.addf %get3A_16, %get3A_21 : vector<2000x64xf32>
    %get3A_23 = arith.constant 0 : index
    %get3A_24 = arith.constant 0 : index
    %get3A_25 = vector.load %arg2[%get3A_23, %get3A_24] : memref<2000x64xf32, #tpu.memory_space<vmem>>, vector<2000x64xf32>
    %add3A_26 = arith.addf %add3A_22, %get3A_25 : vector<2000x64xf32>
    %mul3A = vector.broadcast %rsqrt3A : vector<2000x1xf32> to vector<2000x64xf32>
    %mul3A_27 = arith.mulf %mul3A, %add3A_26 : vector<2000x64xf32>
    %get3A_28 = arith.constant 0 : index
    %get3A_29 = arith.constant 0 : index
    %get3A_30 = vector.load %arg4[%get3A_28, %get3A_29] : memref<1x64xf32, #tpu.memory_space<vmem>>, vector<1x64xf32>
    %add3A_31 = vector.broadcast %get3A_30 : vector<1x64xf32> to vector<2000x64xf32>
    %add3A_32 = arith.addf %mul3A_27, %add3A_31 : vector<2000x64xf32>
    %swap3A = arith.constant 0 : index
    %swap3A_33 = arith.constant 0 : index
    %swap3A_34 = vector.load %arg5[%swap3A, %swap3A_33] : memref<2000x64xf32, #tpu.memory_space<vmem>>, vector<2000x64xf32>
    tpu.vector_store %arg5[%swap3A, %swap3A_33], %add3A_32 {strides = array<i32>} : memref<2000x64xf32, #tpu.memory_space<vmem>>, vector<2000x64xf32>,
    return
  }
  func.func @transform_0(%arg0: i32) -> (i32, i32, i32) {
    %c0_i32 = arith.constant 0 : i32
    %c0_i32_0 = arith.constant 0 : i32
    %c0_i32_1 = arith.constant 0 : i32
    return %c0_i32, %arg0, %c0_i32_0 : i32, i32, i32
  }
  func.func @transform_1(%arg0: i32) -> (i32, i32) {
    %c0_i32 = arith.constant 0 : i32
    %c0_i32_0 = arith.constant 0 : i32
    return %arg0, %c0_i32 : i32, i32
  }
  func.func @transform_2(%arg0: i32) -> (i32, i32, i32) {
    %c0_i32 = arith.constant 0 : i32
    %c0_i32_0 = arith.constant 0 : i32
    %c0_i32_1 = arith.constant 0 : i32
    return %c0_i32, %arg0, %c0_i32_0 : i32, i32, i32
  }
  func.func @transform_3(%arg0: i32) -> (i32, i32) {
    %c0_i32 = arith.constant 0 : i32
    %c0_i32_0 = arith.constant 0 : i32
    %c0_i32_1 = arith.constant 0 : i32
    return %c0_i32, %c0_i32_0 : i32, i32
  }
  func.func @transform_4(%arg0: i32) -> (i32, i32) {
    %c0_i32 = arith.constant 0 : i32
    %c0_i32_0 = arith.constant 0 : i32
    return %arg0, %c0_i32 : i32, i32
  }
}

</mosaic_0001>

<sc_bundles>
// kernel: kernel.10.cloned.1.call-start
scs
__scs_entry_jumppad:
0x0: {  	(pc) =	sbr.rel $0x88, $3  }
0x1: {  	(tag) =	ssettag $0x0;
	lr =	simm.s32 $0x1  }
0x2: {  	[smem:$0x3F99] =	sst lr;
	_ =	strace $0xD0000000  }
0x3: {  	_ = 	snop  }
0x4: {  	_ = 	snop  }
0x5: {  	_ = 	snop  }
0x6: {  	_ = 	snop  }
0x7: {  	_ = 	snop  }
__scs_overlays_trampoline_lowered:
0x8: {  	[smem:$0x3FA8] =	sst s0  }
0x9: {  	[smem:$0x3FA9] =	sst s1  }
0xa: {  	[smem:$0x3FAA] =	sst s2  }
0xb: {  	[smem:$0x3FAB] =	sst s3  }
0xc: {  	[smem:$0x3FAC] =	sst s4  }
0xd: {  	[smem:$0x3FAD] =	sst s5  }
0xe: {  	[smem:$0x3FAE] =	sst s6  }
0xf: {  	[smem:$0x3FAF] =	sst s7  }
0x10: {  	[smem:$0x3FB0] =	sst s8  }
0x11: {  	[smem:$0x3FB1] =	sst s9;
	s0 =	simm.s32 @!p0 $0x0  }
0x12: {  	s1 =	sld [smem:$0x3F97];
	s0 =	simm.s32 @p0 $0x1  }
0x13: {  	[smem:$0x3FB2] =	sst s0;
	s0 =	simm.s32 @!p1 $0x0  }
0x14: {  	s2 =	sld [smem:$0x3F96];
	s0 =	simm.s32 @p1 $0x1  }
0x15: {  	[smem:$0x3FB3] =	sst s0;
	s0 =	simm.s32 @!p2 $0x0  }
0x16: {  	s3 =	sld [smem:$0x3FDB];
	s0 =	simm.s32 @p2 $0x1  }
0x17: {  	s4 =	simm.s32 $0x1BF5;
	[smem:$0x3FB5] =	sst s0  }
0x18: {  	s0 =	sld [smem:$0x3F98];
	_ =	swait.ge [sflag:s4], $0x0  }
0x19: {  	s7 =	sld [smem:$0x3F99]  }
0x1a: {  	s8 =	sadd.s32 $0xFFFFE003, lr  }
0x1b: {  	s9 =	sadd.s32 $0xFFFFFEF7, lr;
	s5 =	simm.s32 $0xFFFFFFFF;
	p2 =	slt.u32 s8, $0xFFFFF086  }
0x1c: {  	p1 =	slt.u32 s9, $0xF7A;
	s5 =	simm.s32 @!p2 $0x0  }
0x1d: {  	s5 =	simm.s32 @p1 $0x1;
	p0 =	seq.s32 s7, s2  }
0x1e: {  	s7 =	smul.u32 @!p0 $0xF7A, s2;
	p2 =	seq.s32 @!p0 s5, $0x0  }
0x1f: {  	s9 =	smul.u32 $0xF7A, s1;
	s8 =	simm.s32 @!p0 $0x1BF5;
	p2 =	por !p2, p0  }
0x20: {  	[sflag:s8] =	ssyncset.s32 @!p0 $0xFFFFF086;
	s6 =	sadd.s32 @!p0 s3, s7;
	s7 =	simm.s32 @!p0 $0x108  }
0x21: {  	s3 =	sadd.s32 s3, s9;
	s6 =	sadd.s32 @!p0 $0x88, s6;
	s7 =	simm.s32 @p2 $0x1082  }
0x22: {  	[simem:s7], [sflag:s8] =	dma.local @!p0 [hbm:s6], $0xF7A  }
0x23: {  	s9 =	sor.u32 $0xD0000000, s2;
	s6 =	simm.s32 $0x108;
	_ =	swait.ge @!p0 [sflag:s8], $0x0  }
0x24: {  	s3 =	sadd.s32 $0x88, s3;
	s6 =	simm.s32 @!p1 $0x1082;
	[sflag:s4] =	ssyncset.s32 $0xFFFFF086  }
0x25: {  	[simem:s6], [sflag:s4] =	dma.local [hbm:s3], $0xF7A  }
0x26: {  	[smem:$0x3F99] =	sst s1;
	(tag) =	ssettag s2;
	_ =	strace s9  }
0x27: {  	s1 =	sld [smem:$0x3FA9]  }
0x28: {  	s2 =	sld [smem:$0x3FAA]  }
0x29: {  	s4 =	sld [smem:$0x3FAC]  }
0x2a: {  	p0 =	seq.s32 s5, $0x0;
	s5 =	sld [smem:$0x3FAD]  }
0x2b: {  	s6 =	sld [smem:$0x3FAE]  }
0x2c: {  	s7 =	sld [smem:$0x3FAF]  }
0x2d: {  	s3 =	simm.s32 $0x108;
	s8 =	sld [smem:$0x3FB0]  }
0x2e: {  	s3 =	simm.s32 @!p0 $0x1082;
	s9 =	sld [smem:$0x3FB1]  }
0x2f: {  	lr =	sadd.s32 s0, s3;
	s0 =	sld [smem:$0x3FA8]  }
0x30: {  	s3 =	sld [smem:$0x3FAB]  }
0x31: {  	[smem:$0x3FB4] =	sst s10  }
0x32: {  	s10 =	sld [smem:$0x3FB2];
	_ =	sdelay $0x3  }
0x33: {  	p0 =	seq.s32 s10, $0x1;
	s10 =	sld [smem:$0x3FB4];
	_ =	sdelay $0x3  }
0x34: {  	[smem:$0x3FB4] =	sst s10  }
0x35: {  	s10 =	sld [smem:$0x3FB3];
	_ =	sdelay $0x3  }
0x36: {  	p1 =	seq.s32 s10, $0x1;
	s10 =	sld [smem:$0x3FB4];
	_ =	sdelay $0x3  }
0x37: {  	[smem:$0x3FB4] =	sst s10  }
0x38: {  	s10 =	sld [smem:$0x3FB5]  }
0x39: {  	_ = 	snop;
	(pc) =	sbr.ind lr, $3  }
0x3a: {  	_ = 	snop  }
0x3b: {  	_ = 	snop  }
0x3c: {  	p2 =	seq.s32 s10, $0x1;
	s10 =	sld [smem:$0x3FB4]  }
0x3d: {  	_ =	shalt  }
0x3e: {  	_ =	shalt  }
0x3f: {  	_ =	shalt  }
0x40: {  	_ =	shalt  }
0x41: {  	_ =	shalt  }
0x42: {  	_ =	shalt  }
0x43: {  	_ =	shalt  }
0x44: {  	_ =	shalt  }
0x45: {  	_ =	shalt  }
0x46: {  	_ =	shalt  }
0x47: {  	_ =	shalt  }
0x48: {  	_ =	shalt  }
0x49: {  	_ =	shalt  }
0x4a: {  	_ =	shalt  }
0x4b: {  	_ =	shalt  }
0x4c: {  	_ =	shalt  }
0x4d: {  	_ =	shalt  }
0x4e: {  	_ =	shalt  }
0x4f: {  	_ =	shalt  }
0x50: {  	_ =	shalt  }
0x51: {  	_ =	shalt  }
0x52: {  	_ =	shalt  }
0x53: {  	_ =	shalt  }
0x54: {  	_ =	shalt  }
0x55: {  	_ =	shalt  }
0x56: {  	_ =	shalt  }
0x57: {  	_ =	shalt  }
0x58: {  	_ =	shalt  }
0x59: {  	_ =	shalt  }
0x5a: {  	_ =	shalt  }
0x5b: {  	_ =	shalt  }
0x5c: {  	_ =	shalt  }
0x5d: {  	_ =	shalt  }
0x5e: {  	_ =	shalt  }
0x5f: {  	_ =	shalt  }
0x60: {  	_ =	shalt  }
0x61: {  	_ =	shalt  }
0x62: {  	_ =	shalt  }
0x63: {  	_ =	shalt  }
0x64: {  	_ =	shalt  }
0x65: {  	_ =	shalt  }
0x66: {  	_ =	shalt  }
0x67: {  	_ =	shalt  }
0x68: {  	_ =	shalt  }
0x69: {  	_ =	shalt  }
0x6a: {  	_ =	shalt  }
0x6b: {  	_ =	shalt  }
0x6c: {  	_ =	shalt  }
0x6d: {  	_ =	shalt  }
0x6e: {  	_ =	shalt  }
0x6f: {  	_ =	shalt  }
0x70: {  	_ =	shalt  }
0x71: {  	_ =	shalt  }
0x72: {  	_ =	shalt  }
0x73: {  	_ =	shalt  }
0x74: {  	_ =	shalt  }
0x75: {  	_ =	shalt  }
0x76: {  	_ =	shalt  }
0x77: {  	_ =	shalt  }
0x78: {  	_ =	shalt  }
0x79: {  	_ =	shalt  }
0x7a: {  	_ =	shalt  }
0x7b: {  	_ =	shalt  }
0x7c: {  	_ =	shalt  }
0x7d: {  	_ =	shalt  }
0x7e: {  	_ =	shalt  }
0x7f: {  	_ =	shalt  }
0x80: {  	_ =	shalt  }
0x81: {  	_ =	shalt  }
0x82: {  	_ =	shalt  }
0x83: {  	_ =	shalt  }
0x84: {  	_ =	shalt  }
0x85: {  	_ =	shalt  }
0x86: {  	_ =	shalt  }
0x87: {  	_ =	shalt  }
.Lfunc_end0:
.L_simem_size_0:
called_computation_lowered:
.L_overlay_start_0:
0x88: {  	s2 =	sld [smem:$0x3FD9]  }
0x89: {  	s3 =	sld [smem:$0x3FFE];
	_ =	sdelay $0x1  }
0x8a: {  	s1 =	srdreg.scid  }
0x8b: {  	s0 =	sand.u32 $0x1, s1  }
0x8c: {  	s17 =	sshll.u32 s0, $0xA;
	s2 =	sadd.s32 s3, s2  }
0x8d: {  	s2 =	sadd.s32 s2, s17  }
0x8e: {  	[smem:$0x3FC0] =	sst s2  }
0x8f: {  	_ = 	snop  }
0x90: {  	s2 =	sld [smem:$0x3FD0];
	(tm) =	ssettm $0x1  }
0x91: {  	s18 =	sld [smem:$0x3FFB];
	_ =	sdelay $0x3  }
0x92: {  	_ =	strace s18  }
0x93: {  	s3 =	sld [smem:$0x3FFC];
	_ =	sdelay $0x3  }
0x94: {  	_ =	strace s3  }
0x95: {  	s3 =	sld [smem:$0x3FFD];
	_ =	sdelay $0x3  }
0x96: {  	_ =	strace s3  }
0x97: {  	_ =	strace $0x8FFFFFFF  }
0x98: {  	s19 =	sld [smem:$0x3FDB];
	_ =	sdelay $0x1  }
0x99: {  	s4 =	simm.s32 $_scs_section_size  }
0x9a: {  	s5 =	simm.s32 $_size__tile_overlayer_lowered;
	s6 =	simm.s32 $_tile_overlayer_lowered  }
0x9b: {  	s22 =	simm.s32 $0x1BFF;
	s21 =	sshll.u32 s6, $0x1;
	s3 =	sadd.s32 s4, s19  }
0x9c: {  	s7 =	simm.s32 $0x0;
	s20 =	sshll.u32 s5, $0x1;
	s5 =	sadd.s32 s21, s3  }
0x9d: {  	[timem:s7], [sflag:s22] =	dma.local [hbm:s5], s20  }
0x9e: {  	_ =	swait.ge [sflag:s22], s20  }
0x9f: {  	s4 =	ssub.s32 $0x0, s20;
	[sflag:s22] =	ssyncset.done $0x0  }
0xa0: {  	[sflag:s22] =	ssyncadd.s32 s4;
	_ =	sdelay $0x1  }
0xa1: {  	s23 =	simm.s32 $0x1B8B  }
0xa2: {  	_ =	swait.ge [sflag:s23], $0x1  }
0xa3: {  	[sflag:s23] =	ssyncset.done $0x0  }
0xa4: {  	s25 =	simm.s32 $0x1B8E;
	s24 =	sld [smem:$0x3FFE];
	[sflag:s23] =	ssyncadd.s32 $0xFFFFFFFF  }
0xa5: {  	s26 =	simm.s32 $execute0_lowered;
	[smem:$0x3FD2] =	sst s25  }
0xa6: {  	s5 =	sshll.u32 s26, $0x1;
	_ =	strace $0x80000046;
	[dreg:$0x1] =	wrdreg $0xFFFFFFFF  }
0xa7: {  	s28 =	simm.s32 $_size_execute0_lowered;
	s3 =	sadd.s32 s3, s5;
	[dreg:$0x0] =	wrdreg $0x0  }
0xa8: {  	s5 =	sshll.u32 s28, $0x1;
	[dreg:$0x2] =	wrdreg s3  }
0xa9: {  	[dreg:$0x3] =	wrdreg s5  }
0xaa: {  	[dreg:$0x4] =	wrdreg $0xC0  }
0xab: {  	_ =	task [dreg:s7], $0x5FFFF  }
0xac: {  	[dreg:$0x1] =	wrdreg $0xFFFFFFFF  }
0xad: {  	[dreg:$0x0] =	wrdreg $0x60  }
0xae: {  	[dreg:$0x2] =	wrdreg s2  }
0xaf: {  	[dreg:$0x3] =	wrdreg s24  }
0xb0: {  	[dreg:$0x4] =	wrdreg $0x29E00  }
0xb1: {  	[dreg:$0x5] =	wrdreg $0x9  }
0xb2: {  	_ =	task.clear_ibuf [dreg:s7], $0x6FFFF;
	_ =	strace $0x90000046  }
0xb3: {  	s29 =	simm.s32 $0x9;
	_ =	strace $0x80000048  }
0xb4: {  	_ =	swait.ge [sflag:s29], $0x1  }
0xb5: {  	[sflag:s29] =	ssyncadd.s32 $0xFFFFFFFF  }
0xb6: {  	_ =	strace $0x90000048  }
0xb7: {  	_ =	sfence  }
0xb8: {  	s30 =	sld [smem:$0x0];
	_ =	sdelay $0x2  }
0xb9: {  	s31 =	sshll.u32 s1, $0xD;
	s1 =	sshrl.u32 s1, $0x2  }
0xba: {  	s3 =	sand.u32 $0x4000, s31;
	s1 =	sadd.s32 s1, s30  }
0xbb: {  	s0 =	sor.u32 s3, s0;
	s1 =	sshll.u32 s1, $0x11  }
0xbc: {  	s0 =	sor.u32 s1, s0  }
0xbd: {  	s0 =	sadd.s32 $0x8F2B, s0  }
0xbe: {  	[sflag:s0] =	ssyncadd.remote.s32 $0x1  }
0xbf: {  	_ =	sfence.sel $0xFFFF  }
0xc0: {  	[dreg:$0x0] =	wrdreg $0xFFFFFFFF;
	(pc) =	sbr.abs _section_cstart, $3  }
0xc1: {  	[dreg:$0x1] =	wrdreg $0xFFFFFFFF  }
0xc2: {  	_ =	task.clear_ibuf [dreg:s7], $0x2FFFF;
	_ =	strace $0x9FFFFFFF  }
0xc3: {  	(tm) =	ssettm $0x7FFFFFFF  }
tec
execute0_lowered:
.L_overlay_start_1:
0x0: {  	(tag) =	ssettag $0x1  }
0x1: {  	s18 =	rddreg [dreg:$0x0]  }
0x2: {  	s3 =	rddreg [dreg:$0x1]  }
0x3: {  	s1 =	rddreg [dreg:$0x2]  }
0x4: {  	s0 =	rddreg [dreg:$0x3];
	s2 =	simm.s32 $0x0  }
0x5: {  	s4 =	srdreg.scid;
	s21 =	stileid.u32;
	s23 =	simm.s32 $0x50  }
0x6: {  	s25 =	simm.s32 $0x0;
	[smem:$0x7FF] =	sst s2;
	s4 =	sand.u32 $0x1, s4  }
0x7: {  	s8 =	sadd.s32 $0xF00, s1;
	s9 =	sadd.s32 $0x1180, s1;
	s10 =	sadd.s32 $0x1400, s1  }
0x8: {  	s12 =	sadd.s32 $0x1900, s1;
	s13 =	sadd.s32 $0x1B80, s1;
	s14 =	sadd.s32 $0x1E00, s1  }
0x9: {  	s15 =	sadd.s32 $0x2080, s1;
	s17 =	sadd.s32 $0x2580, s1;
	p0 =	sne.s32 s21, $0x0  }
0xa: {  	_ =	strace $0x80000047;
	s5 =	smul.u32 $0x4E2, s4;
	s6 =	ssub.s32 $0x2, s4  }
0xb: {  	s4 =	sshll.u32 s4, $0x4;
	s24 =	sshrl.u32 @!p0 s1, $0x3;
	s7 =	sshrl.u32 s6, $0x1  }
0xc: {  	s11 =	sor.u32 s21, s4;
	s4 =	sadd.s32 $0x500, s1;
	s21 =	simm.s32 $0x2760  }
0xd: {  	s19 =	sadd.s32 s5, s3;
	s20 =	ssub.s32 s6, s7;
	s16 =	smul.u32 $0x2710, s11  }
0xe: {  	s3 =	sadd.s32 $0x280, s1;
	s5 =	sadd.s32 $0x780, s1;
	s6 =	sadd.s32 $0xA00, s1  }
0xf: {  	s7 =	sadd.s32 $0xC80, s1;
	s11 =	sadd.s32 $0x1680, s1;
	s22 =	sshrl.u32 s16, $0x3  }
0x10: {  	s19 =	sadd.s32 $0x2C00, s19;
	s20 =	smax.u32 s20, $0x1;
	s18 =	sadd.s32 s18, s22  }
0x11: {  	v0 =	vimm.f32 $1.000000000e+00;
	v1 =	vimm.f32 $0.0e+00;
	s16 =	sadd.s32 $0x2300, s1;
	s22 =	simm.s32 $0x1;
	s18 =	sadd.s32 $0x9C40, s18  }
.LBB2_1:
.Ltmp0:
0x12: {  	[tilespmem:$0x0] =	vst v0;
	(pc) =	sbr.rel @p0 .LBB2_3-.Ltmp0, $4  }
0x13: {  	[tilespmem:$0x10] =	vst v0  }
0x14: {  	[tilespmem:$0x20] =	vst v0  }
0x15: {  	[tilespmem:$0x30] =	vst v0  }
0x16: {  	[tilespmem:$0x40] =	vst v0  }
0x17: {  	[tilespmem:$0x2760] =	vst v1  }
0x18: {  	[tilespmem:$0x2770] =	vst v1  }
0x19: {  	[tilespmem:$0x2780] =	vst v1  }
0x1a: {  	[tilespmem:$0x2790] =	vst v1  }
0x1b: {  	[tilespmem:$0x27A0] =	vst v1  }
0x1c: {  	[tilespmem:$0x27B0] =	vst v1  }
0x1d: {  	[tilespmem:$0x27C0] =	vst v1  }
0x1e: {  	[tilespmem:$0x27D0] =	vst v1  }
0x1f: {  	[tilespmem:$0x27E0] =	vst v1  }
0x20: {  	[tilespmem:$0x27F0] =	vst v1  }
0x21: {  	[tilespmem:$0x2800] =	vst v1  }
0x22: {  	[tilespmem:$0x2810] =	vst v1  }
0x23: {  	[tilespmem:$0x2820] =	vst v1  }
0x24: {  	[tilespmem:$0x2830] =	vst v1  }
0x25: {  	[tilespmem:$0x2840] =	vst v1  }
0x26: {  	[tilespmem:$0x2850] =	vst v1  }
0x27: {  	[tilespmem:$0x2860] =	vst v1  }
0x28: {  	[tilespmem:$0x2870] =	vst v1  }
0x29: {  	[tilespmem:$0x2880] =	vst v1  }
0x2a: {  	[tilespmem:$0x2890] =	vst v1  }
0x2b: {  	[tilespmem:$0x28A0] =	vst v1  }
0x2c: {  	[tilespmem:$0x28B0] =	vst v1  }
0x2d: {  	[tilespmem:$0x28C0] =	vst v1  }
0x2e: {  	[tilespmem:$0x28D0] =	vst v1  }
0x2f: {  	[tilespmem:$0x28E0] =	vst v1  }
0x30: {  	[tilespmem:$0x28F0] =	vst v1  }
0x31: {  	[tilespmem:$0x2900] =	vst v1  }
0x32: {  	[tilespmem:$0x2910] =	vst v1  }
0x33: {  	[tilespmem:$0x2920] =	vst v1  }
0x34: {  	[tilespmem:$0x2930] =	vst v1  }
0x35: {  	[tilespmem:$0x2940] =	vst v1  }
0x36: {  	[tilespmem:$0x2950] =	vst v1  }
0x37: {  	[tilespmem:$0x2960] =	vst v1  }
0x38: {  	[tilespmem:$0x2970] =	vst v1  }
0x39: {  	[tilespmem:$0x2980] =	vst v1  }
0x3a: {  	[tilespmem:$0x2990] =	vst v1  }
0x3b: {  	[tilespmem:$0x29A0] =	vst v1  }
0x3c: {  	[tilespmem:$0x29B0] =	vst v1  }
0x3d: {  	[tilespmem:$0x29C0] =	vst v1  }
0x3e: {  	[tilespmem:$0x29D0] =	vst v1  }
0x3f: {  	[spmem:s1] =	stream.linear.scatter [tilespmem:s21], [sflag:$0x1], $0x280, $0x38;
	[tilespmem:$0x2C58] =	vst v63  }
0x40: {  	_ =	swait.ge [sflag:s22], $0x280  }
0x41: {  	[sflag:s22] =	ssyncset.done $0x0  }
0x42: {  	[sflag:s22] =	ssyncadd.s32 $0xFFFFFD80  }
0x43: {  	[spmem:s3] =	stream.linear.scatter [tilespmem:s21], [sflag:$0x1], $0x280, $0x38;
	[tilespmem:$0x2C58] =	vst v63  }
0x44: {  	_ =	swait.ge [sflag:s22], $0x280  }
0x45: {  	[sflag:s22] =	ssyncset.done $0x0  }
0x46: {  	[sflag:s22] =	ssyncadd.s32 $0xFFFFFD80  }
0x47: {  	[spmem:s4] =	stream.linear.scatter [tilespmem:s21], [sflag:$0x1], $0x280, $0x38;
	[tilespmem:$0x2C58] =	vst v63  }
0x48: {  	_ =	swait.ge [sflag:s22], $0x280  }
0x49: {  	[sflag:s22] =	ssyncset.done $0x0  }
0x4a: {  	[sflag:s22] =	ssyncadd.s32 $0xFFFFFD80  }
0x4b: {  	[spmem:s5] =	stream.linear.scatter [tilespmem:s21], [sflag:$0x1], $0x280, $0x38;
	[tilespmem:$0x2C58] =	vst v63  }
0x4c: {  	_ =	swait.ge [sflag:s22], $0x280  }
0x4d: {  	[sflag:s22] =	ssyncset.done $0x0  }
0x4e: {  	[sflag:s22] =	ssyncadd.s32 $0xFFFFFD80  }
0x4f: {  	[spmem:s6] =	stream.linear.scatter [tilespmem:s21], [sflag:$0x1], $0x280, $0x38;
	[tilespmem:$0x2C58] =	vst v63  }
0x50: {  	_ =	swait.ge [sflag:s22], $0x280  }
0x51: {  	[sflag:s22] =	ssyncset.done $0x0  }
0x52: {  	[sflag:s22] =	ssyncadd.s32 $0xFFFFFD80  }
0x53: {  	[spmem:s7] =	stream.linear.scatter [tilespmem:s21], [sflag:$0x1], $0x280, $0x38;
	[tilespmem:$0x2C58] =	vst v63  }
0x54: {  	_ =	swait.ge [sflag:s22], $0x280  }
0x55: {  	[sflag:s22] =	ssyncset.done $0x0  }
0x56: {  	[sflag:s22] =	ssyncadd.s32 $0xFFFFFD80  }
0x57: {  	[spmem:s8] =	stream.linear.scatter [tilespmem:s21], [sflag:$0x1], $0x280, $0x38;
	[tilespmem:$0x2C58] =	vst v63  }
0x58: {  	_ =	swait.ge [sflag:s22], $0x280  }
0x59: {  	[sflag:s22] =	ssyncset.done $0x0  }
0x5a: {  	[sflag:s22] =	ssyncadd.s32 $0xFFFFFD80  }
0x5b: {  	[spmem:s9] =	stream.linear.scatter [tilespmem:s21], [sflag:$0x1], $0x280, $0x38;
	[tilespmem:$0x2C58] =	vst v63  }
0x5c: {  	_ =	swait.ge [sflag:s22], $0x280  }
0x5d: {  	[sflag:s22] =	ssyncset.done $0x0  }
0x5e: {  	[sflag:s22] =	ssyncadd.s32 $0xFFFFFD80  }
0x5f: {  	[spmem:s10] =	stream.linear.scatter [tilespmem:s21], [sflag:$0x1], $0x280, $0x38;
	[tilespmem:$0x2C58] =	vst v63  }
0x60: {  	_ =	swait.ge [sflag:s22], $0x280  }
0x61: {  	[sflag:s22] =	ssyncset.done $0x0  }
0x62: {  	[sflag:s22] =	ssyncadd.s32 $0xFFFFFD80  }
0x63: {  	[spmem:s11] =	stream.linear.scatter [tilespmem:s21], [sflag:$0x1], $0x280, $0x38;
	[tilespmem:$0x2C58] =	vst v63  }
0x64: {  	_ =	swait.ge [sflag:s22], $0x280  }
0x65: {  	[sflag:s22] =	ssyncset.done $0x0  }
0x66: {  	[sflag:s22] =	ssyncadd.s32 $0xFFFFFD80  }
0x67: {  	[spmem:s12] =	stream.linear.scatter [tilespmem:s21], [sflag:$0x1], $0x280, $0x38;
	[tilespmem:$0x2C58] =	vst v63  }
0x68: {  	_ =	swait.ge [sflag:s22], $0x280  }
0x69: {  	[sflag:s22] =	ssyncset.done $0x0  }
0x6a: {  	[sflag:s22] =	ssyncadd.s32 $0xFFFFFD80  }
0x6b: {  	[spmem:s13] =	stream.linear.scatter [tilespmem:s21], [sflag:$0x1], $0x280, $0x38;
	[tilespmem:$0x2C58] =	vst v63  }
0x6c: {  	_ =	swait.ge [sflag:s22], $0x280  }
0x6d: {  	[sflag:s22] =	ssyncset.done $0x0  }
0x6e: {  	[sflag:s22] =	ssyncadd.s32 $0xFFFFFD80  }
0x6f: {  	[spmem:s14] =	stream.linear.scatter [tilespmem:s21], [sflag:$0x1], $0x280, $0x38;
	[tilespmem:$0x2C58] =	vst v63  }
0x70: {  	_ =	swait.ge [sflag:s22], $0x280  }
0x71: {  	[sflag:s22] =	ssyncset.done $0x0  }
0x72: {  	[sflag:s22] =	ssyncadd.s32 $0xFFFFFD80  }
0x73: {  	[spmem:s15] =	stream.linear.scatter [tilespmem:s21], [sflag:$0x1], $0x280, $0x38;
	[tilespmem:$0x2C58] =	vst v63  }
0x74: {  	_ =	swait.ge [sflag:s22], $0x280  }
0x75: {  	[sflag:s22] =	ssyncset.done $0x0  }
0x76: {  	[sflag:s22] =	ssyncadd.s32 $0xFFFFFD80  }
0x77: {  	[spmem:s16] =	stream.linear.scatter [tilespmem:s21], [sflag:$0x1], $0x280, $0x38;
	[tilespmem:$0x2C58] =	vst v63  }
0x78: {  	_ =	swait.ge [sflag:s22], $0x280  }
0x79: {  	[sflag:s22] =	ssyncset.done $0x0  }
0x7a: {  	[sflag:s22] =	ssyncadd.s32 $0xFFFFFD80  }
0x7b: {  	[spmem:s17] =	stream.linear.scatter [tilespmem:s21], [sflag:$0x1], $0x200, $0x38;
	[tilespmem:$0x2C58] =	vst v63  }
0x7c: {  	_ =	swait.ge [sflag:s22], $0x200  }
0x7d: {  	[sflag:s22] =	ssyncset.done $0x0  }
0x7e: {  	[sflag:s22] =	ssyncadd.s32 $0xFFFFFE00  }
.LBB2_3:
0x7f: {  	s26 =	simm.s32 $0x0  }
0x80: {  	[tilespmem:s23], [sflag:$0x1] =	stream.linear.gather [hbm4b:s18+s26], $0x2710, $0x38;
	[tilespmem:$0x2C58] =	vst v63  }
0x81: {  	_ =	swait.ge [sflag:s22], $0x2710  }
0x82: {  	[sflag:s22] =	ssyncset.done $0x0  }
0x83: {  	[sflag:s22] =	ssyncadd.s32 $0xFFFFD8F0  }
0x84: {  	s31 =	simm.s32 $0x50;
	[bflag:$0x0] =	sbarrier.arrive $0xFFFF  }
0x85: {  	[spmem:s1] =	stream.indirect.scatter.add.f32 [tilespmem:s2], [sflag:$0x1], $0x1, s31, s23, $0xb8;
	[tilespmem:$0x2C58] =	vst v63  }
0x86: {  	s26 =	simm.s32 $0x140;
	_ =	swait.ge [sflag:s22], $0x50  }
.LBB2_4:
0x87: {  	s28 =	sshra.s32 s26, $0x2;
	[sflag:s22] =	ssyncset.done $0x0;
	p1 =	sne.s32 s26, $0x9B00  }
.Ltmp1:
0x88: {  	s28 =	sadd.s32 $0x50, s28;
	[sflag:s22] =	ssyncadd.s32 $0xFFFFFFB0;
	(pc) =	sbr.rel @p1 .LBB2_4-.Ltmp1, $3  }
0x89: {  	[spmem:s1] =	stream.indirect.scatter.add.f32 [tilespmem:s2], [sflag:$0x1], $0x1, s28, s23, $0xb8;
	[tilespmem:$0x2C58] =	vst v63  }
0x8a: {  	s26 =	sadd.s32 $0x140, s26;
	_ =	sdelay $0x1  }
0x8b: {  	_ =	swait.ge [sflag:s22], $0x50  }
0x8c: {  	[sflag:s22] =	ssyncset.done $0x0  }
0x8d: {  	s25 =	sadd.s32 $0x1, s25;
	[sflag:s22] =	ssyncadd.s32 $0xFFFFFFB0  }
0x8e: {  	s26 =	simm.s32 @!p0 $0x1C01;
	p1 =	sne.s32 s25, s20;
	[bflag:$0x0] =	sbarrier.arrive $0xFFFF  }
0x8f: {  	[hbm:s19], [sflag:s26] =	dma.local @!p0 [spmem:s24], $0x4E2  }
.Ltmp2:
0x90: {  	_ = 	snop;
	(pc) =	sbr.rel @p1 .LBB2_1-.Ltmp2, $4  }
0x91: {  	s26 =	simm.s32 @!p0 $0x1  }
0x92: {  	_ =	swait.ge @!p0 [sflag:s26], $0x4E2  }
0x93: {  	[sflag:s26] =	ssyncset.done @!p0 $0x0  }
0x94: {  	[sflag:s26] =	ssyncadd.s32 @!p0 $0xFFFFFB1E  }
0x95: {  	_ =	sfence.sel $0x180000  }
0x96: {  	[bflag:$0x0] =	sbarrier.arrive $0xFFFF  }
0x97: {  	_ =	strace $0x90000047  }
0x98: {  	s0 =	sadd.s32 @!p0 $0x100000, s0;
	[bflag:$0x2] =	sbarrier.arrive $0xFFFF  }
0x99: {  	[sflag:s0] =	ssyncadd.tile.s32 @!p0 $0x1;
	_ =	shalt  }
.Lfunc_end2:
_tile_overlayer_lowered:
.L_overlay_start_2:
0x9a: {  	(tag) =	ssettag $0x2  }
0x9b: {  	s0 =	rddreg [dreg:$0x0];
	s2 =	stileid.u32  }
0x9c: {  	s1 =	rddreg [dreg:$0x1];
	p0 =	sne.s32 s2, $0x0  }
0x9d: {  	s3 =	rddreg [dreg:$0x2];
	[bflag:$0x3] =	sbarrier.arrive $0xFFFF;
	s2 =	simm.s32 @!p0 $0x1C01  }
0x9e: {  	[timem:s3], [sflag:s2] =	dma.local @!p0 [hbm:s0], s1  }
0x9f: {  	s0 =	simm.s32 @!p0 $0x1  }
0xa0: {  	_ =	swait.ge @!p0 [sflag:s0], s1  }
0xa1: {  	s1 =	ssub.s32 @!p0 $0x0, s1;
	[sflag:s0] =	ssyncset.done @!p0 $0x0  }
0xa2: {  	[sflag:s0] =	ssyncadd.s32 @!p0 s1  }
0xa3: {  	[bflag:$0x3] =	sbarrier.arrive $0xFFFF  }
0xa4: {  	_ =	shalt  }

// kernel: kernel.13.cloned.1.call-start
scs
__scs_entry_jumppad:
0x0: {  	(pc) =	sbr.rel $0x88, $3  }
0x1: {  	(tag) =	ssettag $0x0;
	lr =	simm.s32 $0x1  }
0x2: {  	[smem:$0x3F99] =	sst lr;
	_ =	strace $0xD0000000  }
0x3: {  	_ = 	snop  }
0x4: {  	_ = 	snop  }
0x5: {  	_ = 	snop  }
0x6: {  	_ = 	snop  }
0x7: {  	_ = 	snop  }
__scs_overlays_trampoline_lowered:
0x8: {  	[smem:$0x3FA8] =	sst s0  }
0x9: {  	[smem:$0x3FA9] =	sst s1  }
0xa: {  	[smem:$0x3FAA] =	sst s2  }
0xb: {  	[smem:$0x3FAB] =	sst s3  }
0xc: {  	[smem:$0x3FAC] =	sst s4  }
0xd: {  	[smem:$0x3FAD] =	sst s5  }
0xe: {  	[smem:$0x3FAE] =	sst s6  }
0xf: {  	[smem:$0x3FAF] =	sst s7  }
0x10: {  	[smem:$0x3FB0] =	sst s8  }
0x11: {  	[smem:$0x3FB1] =	sst s9;
	s0 =	simm.s32 @!p0 $0x0  }
0x12: {  	s1 =	sld [smem:$0x3F97];
	s0 =	simm.s32 @p0 $0x1  }
0x13: {  	[smem:$0x3FB2] =	sst s0;
	s0 =	simm.s32 @!p1 $0x0  }
0x14: {  	s2 =	sld [smem:$0x3F96];
	s0 =	simm.s32 @p1 $0x1  }
0x15: {  	[smem:$0x3FB3] =	sst s0;
	s0 =	simm.s32 @!p2 $0x0  }
0x16: {  	s3 =	sld [smem:$0x3FDB];
	s0 =	simm.s32 @p2 $0x1  }
0x17: {  	s4 =	simm.s32 $0x1BF5;
	[smem:$0x3FB5] =	sst s0  }
0x18: {  	s0 =	sld [smem:$0x3F98];
	_ =	swait.ge [sflag:s4], $0x0  }
0x19: {  	s7 =	sld [smem:$0x3F99]  }
0x1a: {  	s8 =	sadd.s32 $0xFFFFE003, lr  }
0x1b: {  	s9 =	sadd.s32 $0xFFFFFEF7, lr;
	s5 =	simm.s32 $0xFFFFFFFF;
	p2 =	slt.u32 s8, $0xFFFFF086  }
0x1c: {  	p1 =	slt.u32 s9, $0xF7A;
	s5 =	simm.s32 @!p2 $0x0  }
0x1d: {  	s5 =	simm.s32 @p1 $0x1;
	p0 =	seq.s32 s7, s2  }
0x1e: {  	s7 =	smul.u32 @!p0 $0xF7A, s2;
	p2 =	seq.s32 @!p0 s5, $0x0  }
0x1f: {  	s9 =	smul.u32 $0xF7A, s1;
	s8 =	simm.s32 @!p0 $0x1BF5;
	p2 =	por !p2, p0  }
0x20: {  	[sflag:s8] =	ssyncset.s32 @!p0 $0xFFFFF086;
	s6 =	sadd.s32 @!p0 s3, s7;
	s7 =	simm.s32 @!p0 $0x108  }
0x21: {  	s3 =	sadd.s32 s3, s9;
	s6 =	sadd.s32 @!p0 $0x88, s6;
	s7 =	simm.s32 @p2 $0x1082  }
0x22: {  	[simem:s7], [sflag:s8] =	dma.local @!p0 [hbm:s6], $0xF7A  }
0x23: {  	s9 =	sor.u32 $0xD0000000, s2;
	s6 =	simm.s32 $0x108;
	_ =	swait.ge @!p0 [sflag:s8], $0x0  }
0x24: {  	s3 =	sadd.s32 $0x88, s3;
	s6 =	simm.s32 @!p1 $0x1082;
	[sflag:s4] =	ssyncset.s32 $0xFFFFF086  }
0x25: {  	[simem:s6], [sflag:s4] =	dma.local [hbm:s3], $0xF7A  }
0x26: {  	[smem:$0x3F99] =	sst s1;
	(tag) =	ssettag s2;
	_ =	strace s9  }
0x27: {  	s1 =	sld [smem:$0x3FA9]  }
0x28: {  	s2 =	sld [smem:$0x3FAA]  }
0x29: {  	s4 =	sld [smem:$0x3FAC]  }
0x2a: {  	p0 =	seq.s32 s5, $0x0;
	s5 =	sld [smem:$0x3FAD]  }
0x2b: {  	s6 =	sld [smem:$0x3FAE]  }
0x2c: {  	s7 =	sld [smem:$0x3FAF]  }
0x2d: {  	s3 =	simm.s32 $0x108;
	s8 =	sld [smem:$0x3FB0]  }
0x2e: {  	s3 =	simm.s32 @!p0 $0x1082;
	s9 =	sld [smem:$0x3FB1]  }
0x2f: {  	lr =	sadd.s32 s0, s3;
	s0 =	sld [smem:$0x3FA8]  }
0x30: {  	s3 =	sld [smem:$0x3FAB]  }
0x31: {  	[smem:$0x3FB4] =	sst s10  }
0x32: {  	s10 =	sld [smem:$0x3FB2];
	_ =	sdelay $0x3  }
0x33: {  	p0 =	seq.s32 s10, $0x1;
	s10 =	sld [smem:$0x3FB4];
	_ =	sdelay $0x3  }
0x34: {  	[smem:$0x3FB4] =	sst s10  }
0x35: {  	s10 =	sld [smem:$0x3FB3];
	_ =	sdelay $0x3  }
0x36: {  	p1 =	seq.s32 s10, $0x1;
	s10 =	sld [smem:$0x3FB4];
	_ =	sdelay $0x3  }
0x37: {  	[smem:$0x3FB4] =	sst s10  }
0x38: {  	s10 =	sld [smem:$0x3FB5]  }
0x39: {  	_ = 	snop;
	(pc) =	sbr.ind lr, $3  }
0x3a: {  	_ = 	snop  }
0x3b: {  	_ = 	snop  }
0x3c: {  	p2 =	seq.s32 s10, $0x1;
	s10 =	sld [smem:$0x3FB4]  }
0x3d: {  	_ =	shalt  }
0x3e: {  	_ =	shalt  }
0x3f: {  	_ =	shalt  }
0x40: {  	_ =	shalt  }
0x41: {  	_ =	shalt  }
0x42: {  	_ =	shalt  }
0x43: {  	_ =	shalt  }
0x44: {  	_ =	shalt  }
0x45: {  	_ =	shalt  }
0x46: {  	_ =	shalt  }
0x47: {  	_ =	shalt  }
0x48: {  	_ =	shalt  }
0x49: {  	_ =	shalt  }
0x4a: {  	_ =	shalt  }
0x4b: {  	_ =	shalt  }
0x4c: {  	_ =	shalt  }
0x4d: {  	_ =	shalt  }
0x4e: {  	_ =	shalt  }
0x4f: {  	_ =	shalt  }
0x50: {  	_ =	shalt  }
0x51: {  	_ =	shalt  }
0x52: {  	_ =	shalt  }
0x53: {  	_ =	shalt  }
0x54: {  	_ =	shalt  }
0x55: {  	_ =	shalt  }
0x56: {  	_ =	shalt  }
0x57: {  	_ =	shalt  }
0x58: {  	_ =	shalt  }
0x59: {  	_ =	shalt  }
0x5a: {  	_ =	shalt  }
0x5b: {  	_ =	shalt  }
0x5c: {  	_ =	shalt  }
0x5d: {  	_ =	shalt  }
0x5e: {  	_ =	shalt  }
0x5f: {  	_ =	shalt  }
0x60: {  	_ =	shalt  }
0x61: {  	_ =	shalt  }
0x62: {  	_ =	shalt  }
0x63: {  	_ =	shalt  }
0x64: {  	_ =	shalt  }
0x65: {  	_ =	shalt  }
0x66: {  	_ =	shalt  }
0x67: {  	_ =	shalt  }
0x68: {  	_ =	shalt  }
0x69: {  	_ =	shalt  }
0x6a: {  	_ =	shalt  }
0x6b: {  	_ =	shalt  }
0x6c: {  	_ =	shalt  }
0x6d: {  	_ =	shalt  }
0x6e: {  	_ =	shalt  }
0x6f: {  	_ =	shalt  }
0x70: {  	_ =	shalt  }
0x71: {  	_ =	shalt  }
0x72: {  	_ =	shalt  }
0x73: {  	_ =	shalt  }
0x74: {  	_ =	shalt  }
0x75: {  	_ =	shalt  }
0x76: {  	_ =	shalt  }
0x77: {  	_ =	shalt  }
0x78: {  	_ =	shalt  }
0x79: {  	_ =	shalt  }
0x7a: {  	_ =	shalt  }
0x7b: {  	_ =	shalt  }
0x7c: {  	_ =	shalt  }
0x7d: {  	_ =	shalt  }
0x7e: {  	_ =	shalt  }
0x7f: {  	_ =	shalt  }
0x80: {  	_ =	shalt  }
0x81: {  	_ =	shalt  }
0x82: {  	_ =	shalt  }
0x83: {  	_ =	shalt  }
0x84: {  	_ =	shalt  }
0x85: {  	_ =	shalt  }
0x86: {  	_ =	shalt  }
0x87: {  	_ =	shalt  }
.Lfunc_end0:
.L_simem_size_0:
called_computation.1_lowered:
.L_overlay_start_0:
0x88: {  	s2 =	sld [smem:$0x3FD9]  }
0x89: {  	s3 =	sld [smem:$0x3FFE];
	_ =	sdelay $0x1  }
0x8a: {  	s1 =	srdreg.scid  }
0x8b: {  	s0 =	sand.u32 $0x1, s1  }
0x8c: {  	s17 =	sshll.u32 s0, $0xA;
	s2 =	sadd.s32 s3, s2  }
0x8d: {  	s2 =	sadd.s32 s2, s17  }
0x8e: {  	[smem:$0x3FC0] =	sst s2  }
0x8f: {  	_ = 	snop  }
0x90: {  	s2 =	sld [smem:$0x3FD0];
	(tm) =	ssettm $0x1  }
0x91: {  	s18 =	sld [smem:$0x3FFB];
	_ =	sdelay $0x3  }
0x92: {  	_ =	strace s18  }
0x93: {  	s3 =	sld [smem:$0x3FFC];
	_ =	sdelay $0x3  }
0x94: {  	_ =	strace s3  }
0x95: {  	s3 =	sld [smem:$0x3FFD];
	_ =	sdelay $0x3  }
0x96: {  	_ =	strace s3  }
0x97: {  	_ =	strace $0x8FFFFFFF  }
0x98: {  	s19 =	sld [smem:$0x3FDB];
	_ =	sdelay $0x1  }
0x99: {  	s4 =	simm.s32 $_scs_section_size  }
0x9a: {  	s5 =	simm.s32 $_size__tile_overlayer_lowered;
	s6 =	simm.s32 $_tile_overlayer_lowered  }
0x9b: {  	s22 =	simm.s32 $0x1BFF;
	s21 =	sshll.u32 s6, $0x1;
	s3 =	sadd.s32 s4, s19  }
0x9c: {  	s7 =	simm.s32 $0x0;
	s20 =	sshll.u32 s5, $0x1;
	s5 =	sadd.s32 s21, s3  }
0x9d: {  	[timem:s7], [sflag:s22] =	dma.local [hbm:s5], s20  }
0x9e: {  	_ =	swait.ge [sflag:s22], s20  }
0x9f: {  	s4 =	ssub.s32 $0x0, s20;
	[sflag:s22] =	ssyncset.done $0x0  }
0xa0: {  	[sflag:s22] =	ssyncadd.s32 s4;
	_ =	sdelay $0x1  }
0xa1: {  	s23 =	simm.s32 $0x1B8B  }
0xa2: {  	_ =	swait.ge [sflag:s23], $0x1  }
0xa3: {  	[sflag:s23] =	ssyncset.done $0x0  }
0xa4: {  	s25 =	simm.s32 $0x1B8E;
	s24 =	sld [smem:$0x3FFE];
	[sflag:s23] =	ssyncadd.s32 $0xFFFFFFFF  }
0xa5: {  	s26 =	simm.s32 $execute0_lowered;
	[smem:$0x3FD2] =	sst s25  }
0xa6: {  	s5 =	sshll.u32 s26, $0x1;
	_ =	strace $0x80000049;
	[dreg:$0x1] =	wrdreg $0xFFFFFFFF  }
0xa7: {  	s28 =	simm.s32 $_size_execute0_lowered;
	s3 =	sadd.s32 s3, s5;
	[dreg:$0x0] =	wrdreg $0x0  }
0xa8: {  	s5 =	sshll.u32 s28, $0x1;
	[dreg:$0x2] =	wrdreg s3  }
0xa9: {  	[dreg:$0x3] =	wrdreg s5  }
0xaa: {  	[dreg:$0x4] =	wrdreg $0xC0  }
0xab: {  	_ =	task [dreg:s7], $0x5FFFF  }
0xac: {  	[dreg:$0x1] =	wrdreg $0xFFFFFFFF  }
0xad: {  	[dreg:$0x0] =	wrdreg $0x60  }
0xae: {  	[dreg:$0x2] =	wrdreg s24  }
0xaf: {  	[dreg:$0x3] =	wrdreg s2  }
0xb0: {  	[dreg:$0x4] =	wrdreg $0x9E200  }
0xb1: {  	[dreg:$0x5] =	wrdreg $0x9  }
0xb2: {  	_ =	task.clear_ibuf [dreg:s7], $0x6FFFF;
	_ =	strace $0x90000049  }
0xb3: {  	s29 =	simm.s32 $0x9;
	_ =	strace $0x8000004B  }
0xb4: {  	_ =	swait.ge [sflag:s29], $0x1  }
0xb5: {  	[sflag:s29] =	ssyncadd.s32 $0xFFFFFFFF  }
0xb6: {  	_ =	strace $0x9000004B  }
0xb7: {  	_ =	sfence  }
0xb8: {  	s30 =	sld [smem:$0x0];
	_ =	sdelay $0x2  }
0xb9: {  	s31 =	sshll.u32 s1, $0xD;
	s1 =	sshrl.u32 s1, $0x2  }
0xba: {  	s3 =	sand.u32 $0x4000, s31;
	s1 =	sadd.s32 s1, s30  }
0xbb: {  	s0 =	sor.u32 s3, s0;
	s1 =	sshll.u32 s1, $0x11  }
0xbc: {  	s0 =	sor.u32 s1, s0  }
0xbd: {  	s0 =	sadd.s32 $0x8F2B, s0  }
0xbe: {  	[sflag:s0] =	ssyncadd.remote.s32 $0x1  }
0xbf: {  	_ =	sfence.sel $0xFFFF  }
0xc0: {  	[dreg:$0x0] =	wrdreg $0xFFFFFFFF;
	(pc) =	sbr.abs _section_cstart, $3  }
0xc1: {  	[dreg:$0x1] =	wrdreg $0xFFFFFFFF  }
0xc2: {  	_ =	task.clear_ibuf [dreg:s7], $0x2FFFF;
	_ =	strace $0x9FFFFFFF  }
0xc3: {  	(tm) =	ssettm $0x7FFFFFFF  }
tec
execute0_lowered:
.L_overlay_start_1:
0x0: {  	(tag) =	ssettag $0x1  }
0x1: {  	s0 =	rddreg [dreg:$0x0]  }
0x2: {  	s2 =	rddreg [dreg:$0x1]  }
0x3: {  	s1 =	rddreg [dreg:$0x2]  }
0x4: {  	s3 =	simm.s32 $0x0;
	s4 =	srdreg.scid;
	s8 =	stileid.u32  }
0x5: {  	s28 =	simm.s32 $0x50;
	s29 =	simm.s32 $0x7620;
	s30 =	simm.s32 $0x1  }
0x6: {  	s31 =	simm.s32 $0x2;
	[smem:$0x7FF] =	sst s3;
	s10 =	sand.u32 $0x1, s4  }
0x7: {  	s4 =	sadd.s32 $0x2C00, s0;
	s13 =	smul.u32 $0x13C00, s8;
	s0 =	sadd.s32 $0x29E00, s0  }
0x8: {  	_ =	strace $0x8000004A;
	s5 =	ssub.s32 $0x2, s10;
	s7 =	sshll.u32 s10, $0x4  }
0x9: {  	s22 =	smul.u32 $0x13C000, s10;
	s6 =	sshrl.u32 s5, $0x1;
	s11 =	sor.u32 s8, s7  }
0xa: {  	s15 =	sadd.s32 $0x2800, s13;
	s17 =	sadd.s32 $0x5000, s13;
	s18 =	sadd.s32 $0x7800, s13  }
0xb: {  	s19 =	sadd.s32 $0xA000, s13;
	s20 =	sadd.s32 $0xC800, s13;
	s21 =	sadd.s32 $0xF000, s13  }
0xc: {  	s23 =	sadd.s32 $0x11800, s13;
	s14 =	ssub.s32 s5, s6;
	s5 =	sadd.s32 s13, s1  }
0xd: {  	s6 =	sadd.s32 s15, s1;
	s7 =	sadd.s32 s17, s1;
	s8 =	sadd.s32 s18, s1  }
0xe: {  	s9 =	sadd.s32 s19, s1;
	s16 =	smul.u32 $0x2710, s11;
	s10 =	sadd.s32 s20, s1  }
0xf: {  	s11 =	sadd.s32 s21, s1;
	s12 =	sadd.s32 s23, s1;
	s24 =	sadd.s32 s13, s22  }
0x10: {  	s25 =	sadd.s32 s22, s15;
	s17 =	sadd.s32 s22, s17;
	s18 =	sadd.s32 s22, s18  }
0x11: {  	s19 =	sadd.s32 s22, s19;
	s24 =	sshrl.u32 s24, $0x3;
	s18 =	sshrl.u32 s18, $0x3  }
0x12: {  	s19 =	sshrl.u32 s19, $0x3;
	s16 =	sshrl.u32 s16, $0x3;
	s18 =	sadd.s32 s0, s18  }
0x13: {  	s19 =	sadd.s32 s0, s19;
	s13 =	sadd.s32 s2, s16;
	s2 =	sadd.s32 s0, s24  }
0x14: {  	s16 =	sshrl.u32 s25, $0x3;
	s24 =	sadd.s32 s22, s20;
	s25 =	sadd.s32 s22, s21  }
0x15: {  	s22 =	sadd.s32 s22, s23;
	s23 =	smax.u32 s14, $0x1;
	s26 =	sadd.s32 $0x9C40, s13  }
0x16: {  	[dreg:$0x5] =	wrdreg s2;
	s16 =	sadd.s32 s0, s16;
	s2 =	sshrl.u32 s17, $0x3  }
0x17: {  	s21 =	sshrl.u32 s25, $0x3;
	s25 =	simm.s32 $0x5;
	[dreg:$0x4] =	wrdreg s26  }
0x18: {  	s17 =	sadd.s32 s0, s2;
	s2 =	sshrl.u32 s24, $0x3;
	s21 =	sadd.s32 s0, s21  }
0x19: {  	s26 =	sshrl.u32 s22, $0x3;
	s24 =	simm.s32 $0x4E20;
	s20 =	sadd.s32 s0, s2  }
0x1a: {  	v0 =	vimm.f32 $0.0e+00;
	s22 =	sadd.s32 s0, s26;
	s0 =	simm.s32 $0x3;
	s2 =	simm.s32 $0x4  }
.LBB2_1:
0x1b: {  	s26 =	simm.s32 $0x70;
	s14 =	simm.s32 $0x3C0  }
.LBB2_2:
0x1c: {  	p0 =	sne.s32 s14, $0x9FC0;
	[tilespmem:s26+$0x4E20] =	vst v0  }
0x1d: {  	[tilespmem:s26+$0x4DB0] =	vst v0  }
0x1e: {  	[tilespmem:s26+$0x4DC0] =	vst v0  }
.Ltmp0:
0x1f: {  	[tilespmem:s26+$0x4DD0] =	vst v0;
	(pc) =	sbr.rel @p0 .LBB2_2-.Ltmp0, $4  }
0x20: {  	[tilespmem:s26+$0x4DE0] =	vst v0  }
0x21: {  	[tilespmem:s26+$0x4DF0] =	vst v0  }
0x22: {  	[tilespmem:s26+$0x4E00] =	vst v0  }
0x23: {  	[tilespmem:s26+$0x4E10] =	vst v0;
	s26 =	sshra.s32 s14, $0x2;
	s14 =	sadd.s32 $0x200, s14  }
0x24: {  	[tilespmem:s26+$0x4E20] =	vst v0  }
0x25: {  	[tilespmem:s26+$0x4DB0] =	vst v0  }
0x26: {  	[tilespmem:s26+$0x4DC0] =	vst v0  }
0x27: {  	[tilespmem:s26+$0x4DD0] =	vst v0  }
0x28: {  	[tilespmem:s26+$0x4DE0] =	vst v0  }
0x29: {  	[tilespmem:s26+$0x4DF0] =	vst v0  }
0x2a: {  	[tilespmem:s26+$0x4E00] =	vst v0  }
0x2b: {  	[tilespmem:s26+$0x4E10] =	vst v0  }
0x2c: {  	[spmem:s5] =	stream.linear.scatter [tilespmem:s24], [sflag:$0x5], $0x2800, $0x38;
	[tilespmem:$0x1DA20] =	vst v63  }
0x2d: {  	_ =	swait.ge [sflag:s25], $0x2800  }
0x2e: {  	[sflag:s25] =	ssyncset.done $0x0  }
0x2f: {  	[sflag:s25] =	ssyncadd.s32 $0xFFFFD800  }
0x30: {  	[spmem:s6] =	stream.linear.scatter [tilespmem:s24], [sflag:$0x5], $0x2800, $0x38;
	[tilespmem:$0x1DA20] =	vst v63  }
0x31: {  	_ =	swait.ge [sflag:s25], $0x2800  }
0x32: {  	[sflag:s25] =	ssyncset.done $0x0  }
0x33: {  	[sflag:s25] =	ssyncadd.s32 $0xFFFFD800  }
0x34: {  	[spmem:s7] =	stream.linear.scatter [tilespmem:s24], [sflag:$0x5], $0x2800, $0x38;
	[tilespmem:$0x1DA20] =	vst v63  }
0x35: {  	_ =	swait.ge [sflag:s25], $0x2800  }
0x36: {  	[sflag:s25] =	ssyncset.done $0x0  }
0x37: {  	[sflag:s25] =	ssyncadd.s32 $0xFFFFD800  }
0x38: {  	[spmem:s8] =	stream.linear.scatter [tilespmem:s24], [sflag:$0x5], $0x2800, $0x38;
	[tilespmem:$0x1DA20] =	vst v63  }
0x39: {  	_ =	swait.ge [sflag:s25], $0x2800  }
0x3a: {  	[sflag:s25] =	ssyncset.done $0x0  }
0x3b: {  	[sflag:s25] =	ssyncadd.s32 $0xFFFFD800  }
0x3c: {  	[spmem:s9] =	stream.linear.scatter [tilespmem:s24], [sflag:$0x5], $0x2800, $0x38;
	[tilespmem:$0x1DA20] =	vst v63  }
0x3d: {  	_ =	swait.ge [sflag:s25], $0x2800  }
0x3e: {  	[sflag:s25] =	ssyncset.done $0x0  }
0x3f: {  	[sflag:s25] =	ssyncadd.s32 $0xFFFFD800  }
0x40: {  	[spmem:s10] =	stream.linear.scatter [tilespmem:s24], [sflag:$0x5], $0x2800, $0x38;
	[tilespmem:$0x1DA20] =	vst v63  }
0x41: {  	_ =	swait.ge [sflag:s25], $0x2800  }
0x42: {  	[sflag:s25] =	ssyncset.done $0x0  }
0x43: {  	[sflag:s25] =	ssyncadd.s32 $0xFFFFD800  }
0x44: {  	[spmem:s11] =	stream.linear.scatter [tilespmem:s24], [sflag:$0x5], $0x2800, $0x38;
	[tilespmem:$0x1DA20] =	vst v63  }
0x45: {  	_ =	swait.ge [sflag:s25], $0x2800  }
0x46: {  	[sflag:s25] =	ssyncset.done $0x0  }
0x47: {  	[sflag:s25] =	ssyncadd.s32 $0xFFFFD800  }
0x48: {  	[spmem:s12] =	stream.linear.scatter [tilespmem:s24], [sflag:$0x5], $0x2400, $0x38;
	[tilespmem:$0x1DA20] =	vst v63  }
0x49: {  	_ =	swait.ge [sflag:s25], $0x2400  }
0x4a: {  	[sflag:s25] =	ssyncset.done $0x0  }
0x4b: {  	s14 =	simm.s32 $0x0;
	[sflag:s25] =	ssyncadd.s32 $0xFFFFDC00  }
0x4c: {  	[tilespmem:s14], [sflag:$0x5] =	stream.linear.gather [hbm4b:s13+s14], $0x2710, $0x38;
	[tilespmem:$0x1DA20] =	vst v63  }
0x4d: {  	_ =	swait.ge [sflag:s25], $0x2710  }
0x4e: {  	[sflag:s25] =	ssyncset.done $0x0  }
0x4f: {  	s26 =	simm.s32 $0x2710;
	s15 =	rddreg [dreg:$0x4];
	[sflag:s25] =	ssyncadd.s32 $0xFFFFD8F0  }
0x50: {  	[tilespmem:s26], [sflag:$0x5] =	stream.linear.gather [hbm4b:s15+s14], $0x2710, $0x38;
	[tilespmem:$0x1DA20] =	vst v63  }
0x51: {  	_ =	swait.ge [sflag:s25], $0x2710  }
0x52: {  	[sflag:s25] =	ssyncset.done $0x0  }
0x53: {  	[sflag:s25] =	ssyncadd.s32 $0xFFFFD8F0  }
0x54: {  	[bflag:$0x0] =	sbarrier.arrive $0xFFFF  }
0x55: {  	[tilespmem:s24], [sflag:$0x1] =	stream.indirect.gather [hbm4b:s4+s28], $0x80, s14, s28, $0xb8;
	[tilespmem:$0x1DA20] =	vst v63  }
0x56: {  	_ = 	snop  }
0x57: {  	[tilespmem:s29], [sflag:$0x2] =	stream.indirect.gather [hbm4b:s4+s28], $0x80, s28, s28, $0xb8;
	[tilespmem:$0x1DA20] =	vst v63  }
0x58: {  	_ =	swait.ge [sflag:s30], $0x2800  }
0x59: {  	[sflag:s30] =	ssyncset.done $0x0  }
0x5a: {  	s26 =	simm.s32 $0x2710;
	[sflag:s30] =	ssyncadd.s32 $0xFFFFD800  }
0x5b: {  	[spmem:s1] =	stream.indirect.scatter.add.f32 [tilespmem:s24], [sflag:$0x3], $0x80, s26, s28, $0xb8;
	[tilespmem:$0x1DA20] =	vst v63  }
0x5c: {  	_ =	swait.ge [sflag:s31], $0x2800  }
0x5d: {  	[sflag:s31] =	ssyncset.done $0x0  }
0x5e: {  	s15 =	simm.s32 $0x2760;
	[sflag:s31] =	ssyncadd.s32 $0xFFFFD800  }
0x5f: {  	[spmem:s1] =	stream.indirect.scatter.add.f32 [tilespmem:s29], [sflag:$0x4], $0x80, s15, s28, $0xb8;
	[tilespmem:$0x1DA20] =	vst v63  }
0x60: {  	_ =	swait.ge [sflag:s0], $0x2800  }
0x61: {  	[sflag:s0] =	ssyncset.done $0x0  }
0x62: {  	s26 =	simm.s32 $0xA0;
	[sflag:s0] =	ssyncadd.s32 $0xFFFFD800  }
0x63: {  	[tilespmem:s24], [sflag:$0x1] =	stream.indirect.gather [hbm4b:s4+s28], $0x80, s26, s28, $0xb8;
	[tilespmem:$0x1DA20] =	vst v63  }
0x64: {  	_ =	swait.ge [sflag:s2], $0x2800  }
0x65: {  	[sflag:s2] =	ssyncset.done $0x0  }
0x66: {  	s14 =	simm.s32 $0xF0;
	s26 =	simm.s32 $0x280;
	[sflag:s2] =	ssyncadd.s32 $0xFFFFD800  }
.LBB2_4:
0x67: {  	[tilespmem:s29], [sflag:$0x2] =	stream.indirect.gather [hbm4b:s4+s28], $0x80, s14, s28, $0xb8;
	[tilespmem:$0x1DA20] =	vst v63  }
0x68: {  	s14 =	smov.u32 s26  }
0x69: {  	p0 =	sne.s32 s26, $0x9600;
	s26 =	sadd.s32 $0x280, s26;
	_ =	swait.ge [sflag:s30], $0x2800  }
0x6a: {  	s14 =	sshra.s32 s14, $0x2;
	[sflag:s30] =	ssyncset.done $0x0  }
0x6b: {  	s15 =	sadd.s32 $0x2710, s14;
	[sflag:s30] =	ssyncadd.s32 $0xFFFFD800  }
0x6c: {  	[spmem:s1] =	stream.indirect.scatter.add.f32 [tilespmem:s24], [sflag:$0x3], $0x80, s15, s28, $0xb8;
	[tilespmem:$0x1DA20] =	vst v63  }
0x6d: {  	_ =	swait.ge [sflag:s31], $0x2800  }
0x6e: {  	[sflag:s31] =	ssyncset.done $0x0  }
0x6f: {  	s15 =	sadd.s32 $0x2760, s14;
	[sflag:s31] =	ssyncadd.s32 $0xFFFFD800  }
0x70: {  	[spmem:s1] =	stream.indirect.scatter.add.f32 [tilespmem:s29], [sflag:$0x4], $0x80, s15, s28, $0xb8;
	[tilespmem:$0x1DA20] =	vst v63  }
0x71: {  	_ =	swait.ge [sflag:s0], $0x2800  }
0x72: {  	[sflag:s0] =	ssyncset.done $0x0  }
.Ltmp1:
0x73: {  	s15 =	sadd.s32 $0xA0, s14;
	[sflag:s0] =	ssyncadd.s32 $0xFFFFD800;
	(pc) =	sbr.rel @p0 .LBB2_4-.Ltmp1, $4  }
0x74: {  	[tilespmem:s24], [sflag:$0x1] =	stream.indirect.gather [hbm4b:s4+s28], $0x80, s15, s28, $0xb8;
	[tilespmem:$0x1DA20] =	vst v63  }
0x75: {  	_ =	swait.ge [sflag:s2], $0x2800  }
0x76: {  	[sflag:s2] =	ssyncset.done $0x0  }
0x77: {  	s14 =	sadd.s32 $0xF0, s14;
	[sflag:s2] =	ssyncadd.s32 $0xFFFFD800  }
0x78: {  	[tilespmem:s29], [sflag:$0x2] =	stream.indirect.gather [hbm4b:s4+s28], $0x80, s14, s28, $0xb8;
	[tilespmem:$0x1DA20] =	vst v63  }
0x79: {  	_ =	swait.ge [sflag:s30], $0x2800  }
0x7a: {  	[sflag:s30] =	ssyncset.done $0x0  }
0x7b: {  	s15 =	simm.s32 $0x4D30;
	[sflag:s30] =	ssyncadd.s32 $0xFFFFD800  }
0x7c: {  	[spmem:s1] =	stream.indirect.scatter.add.f32 [tilespmem:s24], [sflag:$0x3], $0x80, s15, s28, $0xb8;
	[tilespmem:$0x1DA20] =	vst v63  }
0x7d: {  	_ =	swait.ge [sflag:s31], $0x2800  }
0x7e: {  	[sflag:s31] =	ssyncset.done $0x0  }
0x7f: {  	s26 =	simm.s32 $0x4D80;
	[sflag:s31] =	ssyncadd.s32 $0xFFFFD800  }
0x80: {  	[spmem:s1] =	stream.indirect.scatter.add.f32 [tilespmem:s29], [sflag:$0x4], $0x80, s26, s28, $0xb8;
	[tilespmem:$0x1DA20] =	vst v63  }
0x81: {  	_ =	swait.ge [sflag:s0], $0x2800  }
0x82: {  	[sflag:s0] =	ssyncset.done $0x0  }
0x83: {  	s15 =	simm.s32 $0x26C0;
	[sflag:s0] =	ssyncadd.s32 $0xFFFFD800  }
0x84: {  	[tilespmem:s24], [sflag:$0x1] =	stream.indirect.gather [hbm4b:s4+s28], $0x80, s15, s28, $0xb8;
	[tilespmem:$0x1DA20] =	vst v63  }
0x85: {  	_ =	swait.ge [sflag:s2], $0x2800  }
0x86: {  	[sflag:s2] =	ssyncset.done $0x0  }
0x87: {  	[sflag:s2] =	ssyncadd.s32 $0xFFFFD800  }
0x88: {  	_ =	swait.ge [sflag:s30], $0x2800  }
0x89: {  	[sflag:s30] =	ssyncset.done $0x0  }
0x8a: {  	s26 =	simm.s32 $0x4DD0;
	[sflag:s30] =	ssyncadd.s32 $0xFFFFD800  }
0x8b: {  	[spmem:s1] =	stream.indirect.scatter.add.f32 [tilespmem:s24], [sflag:$0x3], $0x80, s26, s28, $0xb8;
	[tilespmem:$0x1DA20] =	vst v63  }
0x8c: {  	_ =	swait.ge [sflag:s0], $0x2800  }
0x8d: {  	[sflag:s0] =	ssyncset.done $0x0  }
0x8e: {  	s15 =	stileid.u32;
	[sflag:s0] =	ssyncadd.s32 $0xFFFFD800  }
0x8f: {  	s14 =	sshll.u32 s15, $0x6;
	[bflag:$0x0] =	sbarrier.arrive $0xFFFF  }
0x90: {  	s15 =	sshrl.u32 s5, $0x3;
	s14 =	sor.u32 $0x1C05, s14;
	s26 =	rddreg [dreg:$0x5]  }
0x91: {  	[hbm:s26], [sflag:s14] =	dma.local [spmem:s15], $0x500  }
0x92: {  	_ =	swait.ge [sflag:s25], $0x500  }
0x93: {  	[sflag:s25] =	ssyncset.done $0x0  }
0x94: {  	s26 =	sshrl.u32 s6, $0x3;
	[sflag:s25] =	ssyncadd.s32 $0xFFFFFB00  }
0x95: {  	[hbm:s16], [sflag:s14] =	dma.local [spmem:s26], $0x500  }
0x96: {  	_ =	swait.ge [sflag:s25], $0x500  }
0x97: {  	[sflag:s25] =	ssyncset.done $0x0  }
0x98: {  	s26 =	sshrl.u32 s7, $0x3;
	[sflag:s25] =	ssyncadd.s32 $0xFFFFFB00  }
0x99: {  	[hbm:s17], [sflag:s14] =	dma.local [spmem:s26], $0x500  }
0x9a: {  	_ =	swait.ge [sflag:s25], $0x500  }
0x9b: {  	[sflag:s25] =	ssyncset.done $0x0  }
0x9c: {  	s26 =	sshrl.u32 s8, $0x3;
	[sflag:s25] =	ssyncadd.s32 $0xFFFFFB00  }
0x9d: {  	[hbm:s18], [sflag:s14] =	dma.local [spmem:s26], $0x500  }
0x9e: {  	_ =	swait.ge [sflag:s25], $0x500  }
0x9f: {  	[sflag:s25] =	ssyncset.done $0x0  }
0xa0: {  	s26 =	sshrl.u32 s9, $0x3;
	[sflag:s25] =	ssyncadd.s32 $0xFFFFFB00  }
0xa1: {  	[hbm:s19], [sflag:s14] =	dma.local [spmem:s26], $0x500  }
0xa2: {  	_ =	swait.ge [sflag:s25], $0x500  }
0xa3: {  	[sflag:s25] =	ssyncset.done $0x0  }
0xa4: {  	s26 =	sshrl.u32 s10, $0x3;
	[sflag:s25] =	ssyncadd.s32 $0xFFFFFB00  }
0xa5: {  	[hbm:s20], [sflag:s14] =	dma.local [spmem:s26], $0x500  }
0xa6: {  	_ =	swait.ge [sflag:s25], $0x500  }
0xa7: {  	[sflag:s25] =	ssyncset.done $0x0  }
0xa8: {  	s26 =	sshrl.u32 s11, $0x3;
	[sflag:s25] =	ssyncadd.s32 $0xFFFFFB00  }
0xa9: {  	[hbm:s21], [sflag:s14] =	dma.local [spmem:s26], $0x500  }
0xaa: {  	s3 =	sadd.s32 $0x1, s3;
	_ =	swait.ge [sflag:s25], $0x500  }
0xab: {  	p0 =	sne.s32 s3, s23;
	[sflag:s25] =	ssyncset.done $0x0  }
.Ltmp2:
0xac: {  	s26 =	sshrl.u32 s12, $0x3;
	[sflag:s25] =	ssyncadd.s32 $0xFFFFFB00;
	(pc) =	sbr.rel @p0 .LBB2_1-.Ltmp2, $4  }
0xad: {  	[hbm:s22], [sflag:s14] =	dma.local [spmem:s26], $0x480  }
0xae: {  	_ =	swait.ge [sflag:s25], $0x480  }
0xaf: {  	[sflag:s25] =	ssyncset.done $0x0  }
0xb0: {  	[sflag:s25] =	ssyncadd.s32 $0xFFFFFB80  }
0xb1: {  	_ =	sfence.sel $0x180000  }
0xb2: {  	[bflag:$0x0] =	sbarrier.arrive $0xFFFF  }
0xb3: {  	_ =	strace $0x9000004A  }
0xb4: {  	s0 =	stileid.u32;
	[bflag:$0x2] =	sbarrier.arrive $0xFFFF  }
0xb5: {  	p0 =	sne.s32 s0, $0x0;
	s0 =	rddreg [dreg:$0x3]  }
0xb6: {  	s0 =	sadd.s32 @!p0 $0x100000, s0  }
0xb7: {  	[sflag:s0] =	ssyncadd.tile.s32 @!p0 $0x1;
	_ =	shalt  }
.Lfunc_end2:
_tile_overlayer_lowered:
.L_overlay_start_2:
0xb8: {  	(tag) =	ssettag $0x2  }
0xb9: {  	s0 =	rddreg [dreg:$0x0];
	s2 =	stileid.u32  }
0xba: {  	s1 =	rddreg [dreg:$0x1];
	p0 =	sne.s32 s2, $0x0  }
0xbb: {  	s3 =	rddreg [dreg:$0x2];
	[bflag:$0x3] =	sbarrier.arrive $0xFFFF;
	s2 =	simm.s32 @!p0 $0x1C05  }
0xbc: {  	[timem:s3], [sflag:s2] =	dma.local @!p0 [hbm:s0], s1  }
0xbd: {  	s0 =	simm.s32 @!p0 $0x5  }
0xbe: {  	_ =	swait.ge @!p0 [sflag:s0], s1  }
0xbf: {  	s1 =	ssub.s32 @!p0 $0x0, s1;
	[sflag:s0] =	ssyncset.done @!p0 $0x0  }
0xc0: {  	[sflag:s0] =	ssyncadd.s32 @!p0 s1  }
0xc1: {  	[bflag:$0x3] =	sbarrier.arrive $0xFFFF  }
0xc2: {  	_ =	shalt  }

// kernel: kernel.16.cloned.1.call-start
scs
__scs_entry_jumppad:
0x0: {  	(pc) =	sbr.rel $0x88, $3  }
0x1: {  	(tag) =	ssettag $0x0;
	lr =	simm.s32 $0x1  }
0x2: {  	[smem:$0x3F99] =	sst lr;
	_ =	strace $0xD0000000  }
0x3: {  	_ = 	snop  }
0x4: {  	_ = 	snop  }
0x5: {  	_ = 	snop  }
0x6: {  	_ = 	snop  }
0x7: {  	_ = 	snop  }
__scs_overlays_trampoline_lowered:
0x8: {  	[smem:$0x3FA8] =	sst s0  }
0x9: {  	[smem:$0x3FA9] =	sst s1  }
0xa: {  	[smem:$0x3FAA] =	sst s2  }
0xb: {  	[smem:$0x3FAB] =	sst s3  }
0xc: {  	[smem:$0x3FAC] =	sst s4  }
0xd: {  	[smem:$0x3FAD] =	sst s5  }
0xe: {  	[smem:$0x3FAE] =	sst s6  }
0xf: {  	[smem:$0x3FAF] =	sst s7  }
0x10: {  	[smem:$0x3FB0] =	sst s8  }
0x11: {  	[smem:$0x3FB1] =	sst s9;
	s0 =	simm.s32 @!p0 $0x0  }
0x12: {  	s1 =	sld [smem:$0x3F97];
	s0 =	simm.s32 @p0 $0x1  }
0x13: {  	[smem:$0x3FB2] =	sst s0;
	s0 =	simm.s32 @!p1 $0x0  }
0x14: {  	s2 =	sld [smem:$0x3F96];
	s0 =	simm.s32 @p1 $0x1  }
0x15: {  	[smem:$0x3FB3] =	sst s0;
	s0 =	simm.s32 @!p2 $0x0  }
0x16: {  	s3 =	sld [smem:$0x3FDB];
	s0 =	simm.s32 @p2 $0x1  }
0x17: {  	s4 =	simm.s32 $0x1BF5;
	[smem:$0x3FB5] =	sst s0  }
0x18: {  	s0 =	sld [smem:$0x3F98];
	_ =	swait.ge [sflag:s4], $0x0  }
0x19: {  	s7 =	sld [smem:$0x3F99]  }
0x1a: {  	s8 =	sadd.s32 $0xFFFFE003, lr  }
0x1b: {  	s9 =	sadd.s32 $0xFFFFFEF7, lr;
	s5 =	simm.s32 $0xFFFFFFFF;
	p2 =	slt.u32 s8, $0xFFFFF086  }
0x1c: {  	p1 =	slt.u32 s9, $0xF7A;
	s5 =	simm.s32 @!p2 $0x0  }
0x1d: {  	s5 =	simm.s32 @p1 $0x1;
	p0 =	seq.s32 s7, s2  }
0x1e: {  	s7 =	smul.u32 @!p0 $0xF7A, s2;
	p2 =	seq.s32 @!p0 s5, $0x0  }
0x1f: {  	s9 =	smul.u32 $0xF7A, s1;
	s8 =	simm.s32 @!p0 $0x1BF5;
	p2 =	por !p2, p0  }
0x20: {  	[sflag:s8] =	ssyncset.s32 @!p0 $0xFFFFF086;
	s6 =	sadd.s32 @!p0 s3, s7;
	s7 =	simm.s32 @!p0 $0x108  }
0x21: {  	s3 =	sadd.s32 s3, s9;
	s6 =	sadd.s32 @!p0 $0x88, s6;
	s7 =	simm.s32 @p2 $0x1082  }
0x22: {  	[simem:s7], [sflag:s8] =	dma.local @!p0 [hbm:s6], $0xF7A  }
0x23: {  	s9 =	sor.u32 $0xD0000000, s2;
	s6 =	simm.s32 $0x108;
	_ =	swait.ge @!p0 [sflag:s8], $0x0  }
0x24: {  	s3 =	sadd.s32 $0x88, s3;
	s6 =	simm.s32 @!p1 $0x1082;
	[sflag:s4] =	ssyncset.s32 $0xFFFFF086  }
0x25: {  	[simem:s6], [sflag:s4] =	dma.local [hbm:s3], $0xF7A  }
0x26: {  	[smem:$0x3F99] =	sst s1;
	(tag) =	ssettag s2;
	_ =	strace s9  }
0x27: {  	s1 =	sld [smem:$0x3FA9]  }
0x28: {  	s2 =	sld [smem:$0x3FAA]  }
0x29: {  	s4 =	sld [smem:$0x3FAC]  }
0x2a: {  	p0 =	seq.s32 s5, $0x0;
	s5 =	sld [smem:$0x3FAD]  }
0x2b: {  	s6 =	sld [smem:$0x3FAE]  }
0x2c: {  	s7 =	sld [smem:$0x3FAF]  }
0x2d: {  	s3 =	simm.s32 $0x108;
	s8 =	sld [smem:$0x3FB0]  }
0x2e: {  	s3 =	simm.s32 @!p0 $0x1082;
	s9 =	sld [smem:$0x3FB1]  }
0x2f: {  	lr =	sadd.s32 s0, s3;
	s0 =	sld [smem:$0x3FA8]  }
0x30: {  	s3 =	sld [smem:$0x3FAB]  }
0x31: {  	[smem:$0x3FB4] =	sst s10  }
0x32: {  	s10 =	sld [smem:$0x3FB2];
	_ =	sdelay $0x3  }
0x33: {  	p0 =	seq.s32 s10, $0x1;
	s10 =	sld [smem:$0x3FB4];
	_ =	sdelay $0x3  }
0x34: {  	[smem:$0x3FB4] =	sst s10  }
0x35: {  	s10 =	sld [smem:$0x3FB3];
	_ =	sdelay $0x3  }
0x36: {  	p1 =	seq.s32 s10, $0x1;
	s10 =	sld [smem:$0x3FB4];
	_ =	sdelay $0x3  }
0x37: {  	[smem:$0x3FB4] =	sst s10  }
0x38: {  	s10 =	sld [smem:$0x3FB5]  }
0x39: {  	_ = 	snop;
	(pc) =	sbr.ind lr, $3  }
0x3a: {  	_ = 	snop  }
0x3b: {  	_ = 	snop  }
0x3c: {  	p2 =	seq.s32 s10, $0x1;
	s10 =	sld [smem:$0x3FB4]  }
0x3d: {  	_ =	shalt  }
0x3e: {  	_ =	shalt  }
0x3f: {  	_ =	shalt  }
0x40: {  	_ =	shalt  }
0x41: {  	_ =	shalt  }
0x42: {  	_ =	shalt  }
0x43: {  	_ =	shalt  }
0x44: {  	_ =	shalt  }
0x45: {  	_ =	shalt  }
0x46: {  	_ =	shalt  }
0x47: {  	_ =	shalt  }
0x48: {  	_ =	shalt  }
0x49: {  	_ =	shalt  }
0x4a: {  	_ =	shalt  }
0x4b: {  	_ =	shalt  }
0x4c: {  	_ =	shalt  }
0x4d: {  	_ =	shalt  }
0x4e: {  	_ =	shalt  }
0x4f: {  	_ =	shalt  }
0x50: {  	_ =	shalt  }
0x51: {  	_ =	shalt  }
0x52: {  	_ =	shalt  }
0x53: {  	_ =	shalt  }
0x54: {  	_ =	shalt  }
0x55: {  	_ =	shalt  }
0x56: {  	_ =	shalt  }
0x57: {  	_ =	shalt  }
0x58: {  	_ =	shalt  }
0x59: {  	_ =	shalt  }
0x5a: {  	_ =	shalt  }
0x5b: {  	_ =	shalt  }
0x5c: {  	_ =	shalt  }
0x5d: {  	_ =	shalt  }
0x5e: {  	_ =	shalt  }
0x5f: {  	_ =	shalt  }
0x60: {  	_ =	shalt  }
0x61: {  	_ =	shalt  }
0x62: {  	_ =	shalt  }
0x63: {  	_ =	shalt  }
0x64: {  	_ =	shalt  }
0x65: {  	_ =	shalt  }
0x66: {  	_ =	shalt  }
0x67: {  	_ =	shalt  }
0x68: {  	_ =	shalt  }
0x69: {  	_ =	shalt  }
0x6a: {  	_ =	shalt  }
0x6b: {  	_ =	shalt  }
0x6c: {  	_ =	shalt  }
0x6d: {  	_ =	shalt  }
0x6e: {  	_ =	shalt  }
0x6f: {  	_ =	shalt  }
0x70: {  	_ =	shalt  }
0x71: {  	_ =	shalt  }
0x72: {  	_ =	shalt  }
0x73: {  	_ =	shalt  }
0x74: {  	_ =	shalt  }
0x75: {  	_ =	shalt  }
0x76: {  	_ =	shalt  }
0x77: {  	_ =	shalt  }
0x78: {  	_ =	shalt  }
0x79: {  	_ =	shalt  }
0x7a: {  	_ =	shalt  }
0x7b: {  	_ =	shalt  }
0x7c: {  	_ =	shalt  }
0x7d: {  	_ =	shalt  }
0x7e: {  	_ =	shalt  }
0x7f: {  	_ =	shalt  }
0x80: {  	_ =	shalt  }
0x81: {  	_ =	shalt  }
0x82: {  	_ =	shalt  }
0x83: {  	_ =	shalt  }
0x84: {  	_ =	shalt  }
0x85: {  	_ =	shalt  }
0x86: {  	_ =	shalt  }
0x87: {  	_ =	shalt  }
.Lfunc_end0:
.L_simem_size_0:
called_computation.2_lowered:
.L_overlay_start_0:
0x88: {  	s2 =	sld [smem:$0x3FD9]  }
0x89: {  	s3 =	sld [smem:$0x3FFE];
	_ =	sdelay $0x1  }
0x8a: {  	s1 =	srdreg.scid  }
0x8b: {  	s0 =	sand.u32 $0x1, s1  }
0x8c: {  	s17 =	sshll.u32 s0, $0xA;
	s2 =	sadd.s32 s3, s2  }
0x8d: {  	s2 =	sadd.s32 s2, s17  }
0x8e: {  	[smem:$0x3FC0] =	sst s2  }
0x8f: {  	_ = 	snop  }
0x90: {  	s2 =	sld [smem:$0x3FD0];
	(tm) =	ssettm $0x1  }
0x91: {  	s18 =	sld [smem:$0x3FFB];
	_ =	sdelay $0x3  }
0x92: {  	_ =	strace s18  }
0x93: {  	s3 =	sld [smem:$0x3FFC];
	_ =	sdelay $0x3  }
0x94: {  	_ =	strace s3  }
0x95: {  	s3 =	sld [smem:$0x3FFD];
	_ =	sdelay $0x3  }
0x96: {  	_ =	strace s3  }
0x97: {  	_ =	strace $0x8FFFFFFF  }
0x98: {  	s19 =	sld [smem:$0x3FDB];
	_ =	sdelay $0x1  }
0x99: {  	s4 =	simm.s32 $_scs_section_size  }
0x9a: {  	s5 =	simm.s32 $_size__tile_overlayer_lowered;
	s6 =	simm.s32 $_tile_overlayer_lowered  }
0x9b: {  	s22 =	simm.s32 $0x1BFF;
	s21 =	sshll.u32 s6, $0x1;
	s3 =	sadd.s32 s4, s19  }
0x9c: {  	s7 =	simm.s32 $0x0;
	s20 =	sshll.u32 s5, $0x1;
	s5 =	sadd.s32 s21, s3  }
0x9d: {  	[timem:s7], [sflag:s22] =	dma.local [hbm:s5], s20  }
0x9e: {  	_ =	swait.ge [sflag:s22], s20  }
0x9f: {  	s4 =	ssub.s32 $0x0, s20;
	[sflag:s22] =	ssyncset.done $0x0  }
0xa0: {  	[sflag:s22] =	ssyncadd.s32 s4;
	_ =	sdelay $0x1  }
0xa1: {  	s23 =	simm.s32 $0x1B8B  }
0xa2: {  	_ =	swait.ge [sflag:s23], $0x1  }
0xa3: {  	[sflag:s23] =	ssyncset.done $0x0  }
0xa4: {  	s25 =	simm.s32 $0x1B8E;
	s24 =	sld [smem:$0x3FFE];
	[sflag:s23] =	ssyncadd.s32 $0xFFFFFFFF  }
0xa5: {  	s26 =	simm.s32 $execute0_lowered;
	[smem:$0x3FD2] =	sst s25  }
0xa6: {  	s5 =	sshll.u32 s26, $0x1;
	_ =	strace $0x8000004C;
	[dreg:$0x1] =	wrdreg $0xFFFFFFFF  }
0xa7: {  	s28 =	simm.s32 $_size_execute0_lowered;
	s3 =	sadd.s32 s3, s5;
	[dreg:$0x0] =	wrdreg $0x0  }
0xa8: {  	s5 =	sshll.u32 s28, $0x1;
	[dreg:$0x2] =	wrdreg s3  }
0xa9: {  	[dreg:$0x3] =	wrdreg s5  }
0xaa: {  	[dreg:$0x4] =	wrdreg $0xC0  }
0xab: {  	_ =	task [dreg:s7], $0x5FFFF  }
0xac: {  	[dreg:$0x1] =	wrdreg $0xFFFFFFFF  }
0xad: {  	[dreg:$0x0] =	wrdreg $0x60  }
0xae: {  	[dreg:$0x2] =	wrdreg s24  }
0xaf: {  	[dreg:$0x3] =	wrdreg s2  }
0xb0: {  	[dreg:$0x4] =	wrdreg $0x9E200  }
0xb1: {  	[dreg:$0x5] =	wrdreg $0x9  }
0xb2: {  	_ =	task.clear_ibuf [dreg:s7], $0x6FFFF;
	_ =	strace $0x9000004C  }
0xb3: {  	s29 =	simm.s32 $0x9;
	_ =	strace $0x8000004E  }
0xb4: {  	_ =	swait.ge [sflag:s29], $0x1  }
0xb5: {  	[sflag:s29] =	ssyncadd.s32 $0xFFFFFFFF  }
0xb6: {  	_ =	strace $0x9000004E  }
0xb7: {  	_ =	sfence  }
0xb8: {  	s30 =	sld [smem:$0x0];
	_ =	sdelay $0x2  }
0xb9: {  	s31 =	sshll.u32 s1, $0xD;
	s1 =	sshrl.u32 s1, $0x2  }
0xba: {  	s3 =	sand.u32 $0x4000, s31;
	s1 =	sadd.s32 s1, s30  }
0xbb: {  	s0 =	sor.u32 s3, s0;
	s1 =	sshll.u32 s1, $0x11  }
0xbc: {  	s0 =	sor.u32 s1, s0  }
0xbd: {  	s0 =	sadd.s32 $0x8F2B, s0  }
0xbe: {  	[sflag:s0] =	ssyncadd.remote.s32 $0x1  }
0xbf: {  	_ =	sfence.sel $0xFFFF  }
0xc0: {  	[dreg:$0x0] =	wrdreg $0xFFFFFFFF;
	(pc) =	sbr.abs _section_cstart, $3  }
0xc1: {  	[dreg:$0x1] =	wrdreg $0xFFFFFFFF  }
0xc2: {  	_ =	task.clear_ibuf [dreg:s7], $0x2FFFF;
	_ =	strace $0x9FFFFFFF  }
0xc3: {  	(tm) =	ssettm $0x7FFFFFFF  }
tec
execute0_lowered:
.L_overlay_start_1:
0x0: {  	(tag) =	ssettag $0x1  }
0x1: {  	s0 =	rddreg [dreg:$0x0]  }
0x2: {  	s2 =	rddreg [dreg:$0x1]  }
0x3: {  	s1 =	rddreg [dreg:$0x2]  }
0x4: {  	s3 =	simm.s32 $0x0;
	s4 =	srdreg.scid;
	s8 =	stileid.u32  }
0x5: {  	s28 =	simm.s32 $0x50;
	s29 =	simm.s32 $0x7620;
	s30 =	simm.s32 $0x1  }
0x6: {  	s31 =	simm.s32 $0x2;
	[smem:$0x7FF] =	sst s3;
	s10 =	sand.u32 $0x1, s4  }
0x7: {  	s4 =	sadd.s32 $0x2C00, s0;
	s13 =	smul.u32 $0x13C00, s8;
	s0 =	sadd.s32 $0x29E00, s0  }
0x8: {  	_ =	strace $0x8000004D;
	s5 =	ssub.s32 $0x2, s10;
	s7 =	sshll.u32 s10, $0x4  }
0x9: {  	s22 =	smul.u32 $0x13C000, s10;
	s6 =	sshrl.u32 s5, $0x1;
	s11 =	sor.u32 s8, s7  }
0xa: {  	s15 =	sadd.s32 $0x2800, s13;
	s17 =	sadd.s32 $0x5000, s13;
	s18 =	sadd.s32 $0x7800, s13  }
0xb: {  	s19 =	sadd.s32 $0xA000, s13;
	s20 =	sadd.s32 $0xC800, s13;
	s21 =	sadd.s32 $0xF000, s13  }
0xc: {  	s23 =	sadd.s32 $0x11800, s13;
	s14 =	ssub.s32 s5, s6;
	s5 =	sadd.s32 s13, s1  }
0xd: {  	s6 =	sadd.s32 s15, s1;
	s7 =	sadd.s32 s17, s1;
	s8 =	sadd.s32 s18, s1  }
0xe: {  	s9 =	sadd.s32 s19, s1;
	s16 =	smul.u32 $0x2710, s11;
	s10 =	sadd.s32 s20, s1  }
0xf: {  	s11 =	sadd.s32 s21, s1;
	s12 =	sadd.s32 s23, s1;
	s24 =	sadd.s32 s13, s22  }
0x10: {  	s25 =	sadd.s32 s22, s15;
	s17 =	sadd.s32 s22, s17;
	s18 =	sadd.s32 s22, s18  }
0x11: {  	s19 =	sadd.s32 s22, s19;
	s24 =	sshrl.u32 s24, $0x3;
	s18 =	sshrl.u32 s18, $0x3  }
0x12: {  	s19 =	sshrl.u32 s19, $0x3;
	s16 =	sshrl.u32 s16, $0x3;
	s18 =	sadd.s32 s0, s18  }
0x13: {  	s19 =	sadd.s32 s0, s19;
	s13 =	sadd.s32 s2, s16;
	s2 =	sadd.s32 s0, s24  }
0x14: {  	s16 =	sshrl.u32 s25, $0x3;
	s24 =	sadd.s32 s22, s20;
	s25 =	sadd.s32 s22, s21  }
0x15: {  	s22 =	sadd.s32 s22, s23;
	s23 =	smax.u32 s14, $0x1;
	s26 =	sadd.s32 $0x9C40, s13  }
0x16: {  	[dreg:$0x5] =	wrdreg s2;
	s16 =	sadd.s32 s0, s16;
	s2 =	sshrl.u32 s17, $0x3  }
0x17: {  	s21 =	sshrl.u32 s25, $0x3;
	s25 =	simm.s32 $0x5;
	[dreg:$0x4] =	wrdreg s26  }
0x18: {  	s17 =	sadd.s32 s0, s2;
	s2 =	sshrl.u32 s24, $0x3;
	s21 =	sadd.s32 s0, s21  }
0x19: {  	s26 =	sshrl.u32 s22, $0x3;
	s24 =	simm.s32 $0x4E20;
	s20 =	sadd.s32 s0, s2  }
0x1a: {  	v0 =	vimm.f32 $0.0e+00;
	s22 =	sadd.s32 s0, s26;
	s0 =	simm.s32 $0x3;
	s2 =	simm.s32 $0x4  }
.LBB2_1:
0x1b: {  	s26 =	simm.s32 $0x70;
	s14 =	simm.s32 $0x3C0  }
.LBB2_2:
0x1c: {  	p0 =	sne.s32 s14, $0x9FC0;
	[tilespmem:s26+$0x4E20] =	vst v0  }
0x1d: {  	[tilespmem:s26+$0x4DB0] =	vst v0  }
0x1e: {  	[tilespmem:s26+$0x4DC0] =	vst v0  }
.Ltmp0:
0x1f: {  	[tilespmem:s26+$0x4DD0] =	vst v0;
	(pc) =	sbr.rel @p0 .LBB2_2-.Ltmp0, $4  }
0x20: {  	[tilespmem:s26+$0x4DE0] =	vst v0  }
0x21: {  	[tilespmem:s26+$0x4DF0] =	vst v0  }
0x22: {  	[tilespmem:s26+$0x4E00] =	vst v0  }
0x23: {  	[tilespmem:s26+$0x4E10] =	vst v0;
	s26 =	sshra.s32 s14, $0x2;
	s14 =	sadd.s32 $0x200, s14  }
0x24: {  	[tilespmem:s26+$0x4E20] =	vst v0  }
0x25: {  	[tilespmem:s26+$0x4DB0] =	vst v0  }
0x26: {  	[tilespmem:s26+$0x4DC0] =	vst v0  }
0x27: {  	[tilespmem:s26+$0x4DD0] =	vst v0  }
0x28: {  	[tilespmem:s26+$0x4DE0] =	vst v0  }
0x29: {  	[tilespmem:s26+$0x4DF0] =	vst v0  }
0x2a: {  	[tilespmem:s26+$0x4E00] =	vst v0  }
0x2b: {  	[tilespmem:s26+$0x4E10] =	vst v0  }
0x2c: {  	[spmem:s5] =	stream.linear.scatter [tilespmem:s24], [sflag:$0x5], $0x2800, $0x38;
	[tilespmem:$0x1DA20] =	vst v63  }
0x2d: {  	_ =	swait.ge [sflag:s25], $0x2800  }
0x2e: {  	[sflag:s25] =	ssyncset.done $0x0  }
0x2f: {  	[sflag:s25] =	ssyncadd.s32 $0xFFFFD800  }
0x30: {  	[spmem:s6] =	stream.linear.scatter [tilespmem:s24], [sflag:$0x5], $0x2800, $0x38;
	[tilespmem:$0x1DA20] =	vst v63  }
0x31: {  	_ =	swait.ge [sflag:s25], $0x2800  }
0x32: {  	[sflag:s25] =	ssyncset.done $0x0  }
0x33: {  	[sflag:s25] =	ssyncadd.s32 $0xFFFFD800  }
0x34: {  	[spmem:s7] =	stream.linear.scatter [tilespmem:s24], [sflag:$0x5], $0x2800, $0x38;
	[tilespmem:$0x1DA20] =	vst v63  }
0x35: {  	_ =	swait.ge [sflag:s25], $0x2800  }
0x36: {  	[sflag:s25] =	ssyncset.done $0x0  }
0x37: {  	[sflag:s25] =	ssyncadd.s32 $0xFFFFD800  }
0x38: {  	[spmem:s8] =	stream.linear.scatter [tilespmem:s24], [sflag:$0x5], $0x2800, $0x38;
	[tilespmem:$0x1DA20] =	vst v63  }
0x39: {  	_ =	swait.ge [sflag:s25], $0x2800  }
0x3a: {  	[sflag:s25] =	ssyncset.done $0x0  }
0x3b: {  	[sflag:s25] =	ssyncadd.s32 $0xFFFFD800  }
0x3c: {  	[spmem:s9] =	stream.linear.scatter [tilespmem:s24], [sflag:$0x5], $0x2800, $0x38;
	[tilespmem:$0x1DA20] =	vst v63  }
0x3d: {  	_ =	swait.ge [sflag:s25], $0x2800  }
0x3e: {  	[sflag:s25] =	ssyncset.done $0x0  }
0x3f: {  	[sflag:s25] =	ssyncadd.s32 $0xFFFFD800  }
0x40: {  	[spmem:s10] =	stream.linear.scatter [tilespmem:s24], [sflag:$0x5], $0x2800, $0x38;
	[tilespmem:$0x1DA20] =	vst v63  }
0x41: {  	_ =	swait.ge [sflag:s25], $0x2800  }
0x42: {  	[sflag:s25] =	ssyncset.done $0x0  }
0x43: {  	[sflag:s25] =	ssyncadd.s32 $0xFFFFD800  }
0x44: {  	[spmem:s11] =	stream.linear.scatter [tilespmem:s24], [sflag:$0x5], $0x2800, $0x38;
	[tilespmem:$0x1DA20] =	vst v63  }
0x45: {  	_ =	swait.ge [sflag:s25], $0x2800  }
0x46: {  	[sflag:s25] =	ssyncset.done $0x0  }
0x47: {  	[sflag:s25] =	ssyncadd.s32 $0xFFFFD800  }
0x48: {  	[spmem:s12] =	stream.linear.scatter [tilespmem:s24], [sflag:$0x5], $0x2400, $0x38;
	[tilespmem:$0x1DA20] =	vst v63  }
0x49: {  	_ =	swait.ge [sflag:s25], $0x2400  }
0x4a: {  	[sflag:s25] =	ssyncset.done $0x0  }
0x4b: {  	s14 =	simm.s32 $0x0;
	[sflag:s25] =	ssyncadd.s32 $0xFFFFDC00  }
0x4c: {  	[tilespmem:s14], [sflag:$0x5] =	stream.linear.gather [hbm4b:s13+s14], $0x2710, $0x38;
	[tilespmem:$0x1DA20] =	vst v63  }
0x4d: {  	_ =	swait.ge [sflag:s25], $0x2710  }
0x4e: {  	[sflag:s25] =	ssyncset.done $0x0  }
0x4f: {  	s26 =	simm.s32 $0x2710;
	s15 =	rddreg [dreg:$0x4];
	[sflag:s25] =	ssyncadd.s32 $0xFFFFD8F0  }
0x50: {  	[tilespmem:s26], [sflag:$0x5] =	stream.linear.gather [hbm4b:s15+s14], $0x2710, $0x38;
	[tilespmem:$0x1DA20] =	vst v63  }
0x51: {  	_ =	swait.ge [sflag:s25], $0x2710  }
0x52: {  	[sflag:s25] =	ssyncset.done $0x0  }
0x53: {  	[sflag:s25] =	ssyncadd.s32 $0xFFFFD8F0  }
0x54: {  	[bflag:$0x0] =	sbarrier.arrive $0xFFFF  }
0x55: {  	[tilespmem:s24], [sflag:$0x1] =	stream.indirect.gather [hbm4b:s4+s28], $0x80, s14, s28, $0xb8;
	[tilespmem:$0x1DA20] =	vst v63  }
0x56: {  	_ = 	snop  }
0x57: {  	[tilespmem:s29], [sflag:$0x2] =	stream.indirect.gather [hbm4b:s4+s28], $0x80, s28, s28, $0xb8;
	[tilespmem:$0x1DA20] =	vst v63  }
0x58: {  	_ =	swait.ge [sflag:s30], $0x2800  }
0x59: {  	[sflag:s30] =	ssyncset.done $0x0  }
0x5a: {  	s26 =	simm.s32 $0x2710;
	[sflag:s30] =	ssyncadd.s32 $0xFFFFD800  }
0x5b: {  	[spmem:s1] =	stream.indirect.scatter.add.f32 [tilespmem:s24], [sflag:$0x3], $0x80, s26, s28, $0xb8;
	[tilespmem:$0x1DA20] =	vst v63  }
0x5c: {  	_ =	swait.ge [sflag:s31], $0x2800  }
0x5d: {  	[sflag:s31] =	ssyncset.done $0x0  }
0x5e: {  	s15 =	simm.s32 $0x2760;
	[sflag:s31] =	ssyncadd.s32 $0xFFFFD800  }
0x5f: {  	[spmem:s1] =	stream.indirect.scatter.add.f32 [tilespmem:s29], [sflag:$0x4], $0x80, s15, s28, $0xb8;
	[tilespmem:$0x1DA20] =	vst v63  }
0x60: {  	_ =	swait.ge [sflag:s0], $0x2800  }
0x61: {  	[sflag:s0] =	ssyncset.done $0x0  }
0x62: {  	s26 =	simm.s32 $0xA0;
	[sflag:s0] =	ssyncadd.s32 $0xFFFFD800  }
0x63: {  	[tilespmem:s24], [sflag:$0x1] =	stream.indirect.gather [hbm4b:s4+s28], $0x80, s26, s28, $0xb8;
	[tilespmem:$0x1DA20] =	vst v63  }
0x64: {  	_ =	swait.ge [sflag:s2], $0x2800  }
0x65: {  	[sflag:s2] =	ssyncset.done $0x0  }
0x66: {  	s14 =	simm.s32 $0xF0;
	s26 =	simm.s32 $0x280;
	[sflag:s2] =	ssyncadd.s32 $0xFFFFD800  }
.LBB2_4:
0x67: {  	[tilespmem:s29], [sflag:$0x2] =	stream.indirect.gather [hbm4b:s4+s28], $0x80, s14, s28, $0xb8;
	[tilespmem:$0x1DA20] =	vst v63  }
0x68: {  	s14 =	smov.u32 s26  }
0x69: {  	p0 =	sne.s32 s26, $0x9600;
	s26 =	sadd.s32 $0x280, s26;
	_ =	swait.ge [sflag:s30], $0x2800  }
0x6a: {  	s14 =	sshra.s32 s14, $0x2;
	[sflag:s30] =	ssyncset.done $0x0  }
0x6b: {  	s15 =	sadd.s32 $0x2710, s14;
	[sflag:s30] =	ssyncadd.s32 $0xFFFFD800  }
0x6c: {  	[spmem:s1] =	stream.indirect.scatter.add.f32 [tilespmem:s24], [sflag:$0x3], $0x80, s15, s28, $0xb8;
	[tilespmem:$0x1DA20] =	vst v63  }
0x6d: {  	_ =	swait.ge [sflag:s31], $0x2800  }
0x6e: {  	[sflag:s31] =	ssyncset.done $0x0  }
0x6f: {  	s15 =	sadd.s32 $0x2760, s14;
	[sflag:s31] =	ssyncadd.s32 $0xFFFFD800  }
0x70: {  	[spmem:s1] =	stream.indirect.scatter.add.f32 [tilespmem:s29], [sflag:$0x4], $0x80, s15, s28, $0xb8;
	[tilespmem:$0x1DA20] =	vst v63  }
0x71: {  	_ =	swait.ge [sflag:s0], $0x2800  }
0x72: {  	[sflag:s0] =	ssyncset.done $0x0  }
.Ltmp1:
0x73: {  	s15 =	sadd.s32 $0xA0, s14;
	[sflag:s0] =	ssyncadd.s32 $0xFFFFD800;
	(pc) =	sbr.rel @p0 .LBB2_4-.Ltmp1, $4  }
0x74: {  	[tilespmem:s24], [sflag:$0x1] =	stream.indirect.gather [hbm4b:s4+s28], $0x80, s15, s28, $0xb8;
	[tilespmem:$0x1DA20] =	vst v63  }
0x75: {  	_ =	swait.ge [sflag:s2], $0x2800  }
0x76: {  	[sflag:s2] =	ssyncset.done $0x0  }
0x77: {  	s14 =	sadd.s32 $0xF0, s14;
	[sflag:s2] =	ssyncadd.s32 $0xFFFFD800  }
0x78: {  	[tilespmem:s29], [sflag:$0x2] =	stream.indirect.gather [hbm4b:s4+s28], $0x80, s14, s28, $0xb8;
	[tilespmem:$0x1DA20] =	vst v63  }
0x79: {  	_ =	swait.ge [sflag:s30], $0x2800  }
0x7a: {  	[sflag:s30] =	ssyncset.done $0x0  }
0x7b: {  	s15 =	simm.s32 $0x4D30;
	[sflag:s30] =	ssyncadd.s32 $0xFFFFD800  }
0x7c: {  	[spmem:s1] =	stream.indirect.scatter.add.f32 [tilespmem:s24], [sflag:$0x3], $0x80, s15, s28, $0xb8;
	[tilespmem:$0x1DA20] =	vst v63  }
0x7d: {  	_ =	swait.ge [sflag:s31], $0x2800  }
0x7e: {  	[sflag:s31] =	ssyncset.done $0x0  }
0x7f: {  	s26 =	simm.s32 $0x4D80;
	[sflag:s31] =	ssyncadd.s32 $0xFFFFD800  }
0x80: {  	[spmem:s1] =	stream.indirect.scatter.add.f32 [tilespmem:s29], [sflag:$0x4], $0x80, s26, s28, $0xb8;
	[tilespmem:$0x1DA20] =	vst v63  }
0x81: {  	_ =	swait.ge [sflag:s0], $0x2800  }
0x82: {  	[sflag:s0] =	ssyncset.done $0x0  }
0x83: {  	s15 =	simm.s32 $0x26C0;
	[sflag:s0] =	ssyncadd.s32 $0xFFFFD800  }
0x84: {  	[tilespmem:s24], [sflag:$0x1] =	stream.indirect.gather [hbm4b:s4+s28], $0x80, s15, s28, $0xb8;
	[tilespmem:$0x1DA20] =	vst v63  }
0x85: {  	_ =	swait.ge [sflag:s2], $0x2800  }
0x86: {  	[sflag:s2] =	ssyncset.done $0x0  }
0x87: {  	[sflag:s2] =	ssyncadd.s32 $0xFFFFD800  }
0x88: {  	_ =	swait.ge [sflag:s30], $0x2800  }
0x89: {  	[sflag:s30] =	ssyncset.done $0x0  }
0x8a: {  	s26 =	simm.s32 $0x4DD0;
	[sflag:s30] =	ssyncadd.s32 $0xFFFFD800  }
0x8b: {  	[spmem:s1] =	stream.indirect.scatter.add.f32 [tilespmem:s24], [sflag:$0x3], $0x80, s26, s28, $0xb8;
	[tilespmem:$0x1DA20] =	vst v63  }
0x8c: {  	_ =	swait.ge [sflag:s0], $0x2800  }
0x8d: {  	[sflag:s0] =	ssyncset.done $0x0  }
0x8e: {  	s15 =	stileid.u32;
	[sflag:s0] =	ssyncadd.s32 $0xFFFFD800  }
0x8f: {  	s14 =	sshll.u32 s15, $0x6;
	[bflag:$0x0] =	sbarrier.arrive $0xFFFF  }
0x90: {  	s15 =	sshrl.u32 s5, $0x3;
	s14 =	sor.u32 $0x1C05, s14;
	s26 =	rddreg [dreg:$0x5]  }
0x91: {  	[hbm:s26], [sflag:s14] =	dma.local [spmem:s15], $0x500  }
0x92: {  	_ =	swait.ge [sflag:s25], $0x500  }
0x93: {  	[sflag:s25] =	ssyncset.done $0x0  }
0x94: {  	s26 =	sshrl.u32 s6, $0x3;
	[sflag:s25] =	ssyncadd.s32 $0xFFFFFB00  }
0x95: {  	[hbm:s16], [sflag:s14] =	dma.local [spmem:s26], $0x500  }
0x96: {  	_ =	swait.ge [sflag:s25], $0x500  }
0x97: {  	[sflag:s25] =	ssyncset.done $0x0  }
0x98: {  	s26 =	sshrl.u32 s7, $0x3;
	[sflag:s25] =	ssyncadd.s32 $0xFFFFFB00  }
0x99: {  	[hbm:s17], [sflag:s14] =	dma.local [spmem:s26], $0x500  }
0x9a: {  	_ =	swait.ge [sflag:s25], $0x500  }
0x9b: {  	[sflag:s25] =	ssyncset.done $0x0  }
0x9c: {  	s26 =	sshrl.u32 s8, $0x3;
	[sflag:s25] =	ssyncadd.s32 $0xFFFFFB00  }
0x9d: {  	[hbm:s18], [sflag:s14] =	dma.local [spmem:s26], $0x500  }
0x9e: {  	_ =	swait.ge [sflag:s25], $0x500  }
0x9f: {  	[sflag:s25] =	ssyncset.done $0x0  }
0xa0: {  	s26 =	sshrl.u32 s9, $0x3;
	[sflag:s25] =	ssyncadd.s32 $0xFFFFFB00  }
0xa1: {  	[hbm:s19], [sflag:s14] =	dma.local [spmem:s26], $0x500  }
0xa2: {  	_ =	swait.ge [sflag:s25], $0x500  }
0xa3: {  	[sflag:s25] =	ssyncset.done $0x0  }
0xa4: {  	s26 =	sshrl.u32 s10, $0x3;
	[sflag:s25] =	ssyncadd.s32 $0xFFFFFB00  }
0xa5: {  	[hbm:s20], [sflag:s14] =	dma.local [spmem:s26], $0x500  }
0xa6: {  	_ =	swait.ge [sflag:s25], $0x500  }
0xa7: {  	[sflag:s25] =	ssyncset.done $0x0  }
0xa8: {  	s26 =	sshrl.u32 s11, $0x3;
	[sflag:s25] =	ssyncadd.s32 $0xFFFFFB00  }
0xa9: {  	[hbm:s21], [sflag:s14] =	dma.local [spmem:s26], $0x500  }
0xaa: {  	s3 =	sadd.s32 $0x1, s3;
	_ =	swait.ge [sflag:s25], $0x500  }
0xab: {  	p0 =	sne.s32 s3, s23;
	[sflag:s25] =	ssyncset.done $0x0  }
.Ltmp2:
0xac: {  	s26 =	sshrl.u32 s12, $0x3;
	[sflag:s25] =	ssyncadd.s32 $0xFFFFFB00;
	(pc) =	sbr.rel @p0 .LBB2_1-.Ltmp2, $4  }
0xad: {  	[hbm:s22], [sflag:s14] =	dma.local [spmem:s26], $0x480  }
0xae: {  	_ =	swait.ge [sflag:s25], $0x480  }
0xaf: {  	[sflag:s25] =	ssyncset.done $0x0  }
0xb0: {  	[sflag:s25] =	ssyncadd.s32 $0xFFFFFB80  }
0xb1: {  	_ =	sfence.sel $0x180000  }
0xb2: {  	[bflag:$0x0] =	sbarrier.arrive $0xFFFF  }
0xb3: {  	_ =	strace $0x9000004D  }
0xb4: {  	s0 =	stileid.u32;
	[bflag:$0x2] =	sbarrier.arrive $0xFFFF  }
0xb5: {  	p0 =	sne.s32 s0, $0x0;
	s0 =	rddreg [dreg:$0x3]  }
0xb6: {  	s0 =	sadd.s32 @!p0 $0x100000, s0  }
0xb7: {  	[sflag:s0] =	ssyncadd.tile.s32 @!p0 $0x1;
	_ =	shalt  }
.Lfunc_end2:
_tile_overlayer_lowered:
.L_overlay_start_2:
0xb8: {  	(tag) =	ssettag $0x2  }
0xb9: {  	s0 =	rddreg [dreg:$0x0];
	s2 =	stileid.u32  }
0xba: {  	s1 =	rddreg [dreg:$0x1];
	p0 =	sne.s32 s2, $0x0  }
0xbb: {  	s3 =	rddreg [dreg:$0x2];
	[bflag:$0x3] =	sbarrier.arrive $0xFFFF;
	s2 =	simm.s32 @!p0 $0x1C05  }
0xbc: {  	[timem:s3], [sflag:s2] =	dma.local @!p0 [hbm:s0], s1  }
0xbd: {  	s0 =	simm.s32 @!p0 $0x5  }
0xbe: {  	_ =	swait.ge @!p0 [sflag:s0], s1  }
0xbf: {  	s1 =	ssub.s32 @!p0 $0x0, s1;
	[sflag:s0] =	ssyncset.done @!p0 $0x0  }
0xc0: {  	[sflag:s0] =	ssyncadd.s32 @!p0 s1  }
0xc1: {  	[bflag:$0x3] =	sbarrier.arrive $0xFFFF  }
0xc2: {  	_ =	shalt  }

// kernel: kernel.19.cloned.1.call-start
scs
__scs_entry_jumppad:
0x0: {  	(pc) =	sbr.rel $0x88, $3  }
0x1: {  	(tag) =	ssettag $0x0;
	lr =	simm.s32 $0x1  }
0x2: {  	[smem:$0x3F99] =	sst lr;
	_ =	strace $0xD0000000  }
0x3: {  	_ = 	snop  }
0x4: {  	_ = 	snop  }
0x5: {  	_ = 	snop  }
0x6: {  	_ = 	snop  }
0x7: {  	_ = 	snop  }
__scs_overlays_trampoline_lowered:
0x8: {  	[smem:$0x3FA8] =	sst s0  }
0x9: {  	[smem:$0x3FA9] =	sst s1  }
0xa: {  	[smem:$0x3FAA] =	sst s2  }
0xb: {  	[smem:$0x3FAB] =	sst s3  }
0xc: {  	[smem:$0x3FAC] =	sst s4  }
0xd: {  	[smem:$0x3FAD] =	sst s5  }
0xe: {  	[smem:$0x3FAE] =	sst s6  }
0xf: {  	[smem:$0x3FAF] =	sst s7  }
0x10: {  	[smem:$0x3FB0] =	sst s8  }
0x11: {  	[smem:$0x3FB1] =	sst s9;
	s0 =	simm.s32 @!p0 $0x0  }
0x12: {  	s1 =	sld [smem:$0x3F97];
	s0 =	simm.s32 @p0 $0x1  }
0x13: {  	[smem:$0x3FB2] =	sst s0;
	s0 =	simm.s32 @!p1 $0x0  }
0x14: {  	s2 =	sld [smem:$0x3F96];
	s0 =	simm.s32 @p1 $0x1  }
0x15: {  	[smem:$0x3FB3] =	sst s0;
	s0 =	simm.s32 @!p2 $0x0  }
0x16: {  	s3 =	sld [smem:$0x3FDB];
	s0 =	simm.s32 @p2 $0x1  }
0x17: {  	s4 =	simm.s32 $0x1BF5;
	[smem:$0x3FB5] =	sst s0  }
0x18: {  	s0 =	sld [smem:$0x3F98];
	_ =	swait.ge [sflag:s4], $0x0  }
0x19: {  	s7 =	sld [smem:$0x3F99]  }
0x1a: {  	s8 =	sadd.s32 $0xFFFFE003, lr  }
0x1b: {  	s9 =	sadd.s32 $0xFFFFFEF7, lr;
	s5 =	simm.s32 $0xFFFFFFFF;
	p2 =	slt.u32 s8, $0xFFFFF086  }
0x1c: {  	p1 =	slt.u32 s9, $0xF7A;
	s5 =	simm.s32 @!p2 $0x0  }
0x1d: {  	s5 =	simm.s32 @p1 $0x1;
	p0 =	seq.s32 s7, s2  }
0x1e: {  	s7 =	smul.u32 @!p0 $0xF7A, s2;
	p2 =	seq.s32 @!p0 s5, $0x0  }
0x1f: {  	s9 =	smul.u32 $0xF7A, s1;
	s8 =	simm.s32 @!p0 $0x1BF5;
	p2 =	por !p2, p0  }
0x20: {  	[sflag:s8] =	ssyncset.s32 @!p0 $0xFFFFF086;
	s6 =	sadd.s32 @!p0 s3, s7;
	s7 =	simm.s32 @!p0 $0x108  }
0x21: {  	s3 =	sadd.s32 s3, s9;
	s6 =	sadd.s32 @!p0 $0x88, s6;
	s7 =	simm.s32 @p2 $0x1082  }
0x22: {  	[simem:s7], [sflag:s8] =	dma.local @!p0 [hbm:s6], $0xF7A  }
0x23: {  	s9 =	sor.u32 $0xD0000000, s2;
	s6 =	simm.s32 $0x108;
	_ =	swait.ge @!p0 [sflag:s8], $0x0  }
0x24: {  	s3 =	sadd.s32 $0x88, s3;
	s6 =	simm.s32 @!p1 $0x1082;
	[sflag:s4] =	ssyncset.s32 $0xFFFFF086  }
0x25: {  	[simem:s6], [sflag:s4] =	dma.local [hbm:s3], $0xF7A  }
0x26: {  	[smem:$0x3F99] =	sst s1;
	(tag) =	ssettag s2;
	_ =	strace s9  }
0x27: {  	s1 =	sld [smem:$0x3FA9]  }
0x28: {  	s2 =	sld [smem:$0x3FAA]  }
0x29: {  	s4 =	sld [smem:$0x3FAC]  }
0x2a: {  	p0 =	seq.s32 s5, $0x0;
	s5 =	sld [smem:$0x3FAD]  }
0x2b: {  	s6 =	sld [smem:$0x3FAE]  }
0x2c: {  	s7 =	sld [smem:$0x3FAF]  }
0x2d: {  	s3 =	simm.s32 $0x108;
	s8 =	sld [smem:$0x3FB0]  }
0x2e: {  	s3 =	simm.s32 @!p0 $0x1082;
	s9 =	sld [smem:$0x3FB1]  }
0x2f: {  	lr =	sadd.s32 s0, s3;
	s0 =	sld [smem:$0x3FA8]  }
0x30: {  	s3 =	sld [smem:$0x3FAB]  }
0x31: {  	[smem:$0x3FB4] =	sst s10  }
0x32: {  	s10 =	sld [smem:$0x3FB2];
	_ =	sdelay $0x3  }
0x33: {  	p0 =	seq.s32 s10, $0x1;
	s10 =	sld [smem:$0x3FB4];
	_ =	sdelay $0x3  }
0x34: {  	[smem:$0x3FB4] =	sst s10  }
0x35: {  	s10 =	sld [smem:$0x3FB3];
	_ =	sdelay $0x3  }
0x36: {  	p1 =	seq.s32 s10, $0x1;
	s10 =	sld [smem:$0x3FB4];
	_ =	sdelay $0x3  }
0x37: {  	[smem:$0x3FB4] =	sst s10  }
0x38: {  	s10 =	sld [smem:$0x3FB5]  }
0x39: {  	_ = 	snop;
	(pc) =	sbr.ind lr, $3  }
0x3a: {  	_ = 	snop  }
0x3b: {  	_ = 	snop  }
0x3c: {  	p2 =	seq.s32 s10, $0x1;
	s10 =	sld [smem:$0x3FB4]  }
0x3d: {  	_ =	shalt  }
0x3e: {  	_ =	shalt  }
0x3f: {  	_ =	shalt  }
0x40: {  	_ =	shalt  }
0x41: {  	_ =	shalt  }
0x42: {  	_ =	shalt  }
0x43: {  	_ =	shalt  }
0x44: {  	_ =	shalt  }
0x45: {  	_ =	shalt  }
0x46: {  	_ =	shalt  }
0x47: {  	_ =	shalt  }
0x48: {  	_ =	shalt  }
0x49: {  	_ =	shalt  }
0x4a: {  	_ =	shalt  }
0x4b: {  	_ =	shalt  }
0x4c: {  	_ =	shalt  }
0x4d: {  	_ =	shalt  }
0x4e: {  	_ =	shalt  }
0x4f: {  	_ =	shalt  }
0x50: {  	_ =	shalt  }
0x51: {  	_ =	shalt  }
0x52: {  	_ =	shalt  }
0x53: {  	_ =	shalt  }
0x54: {  	_ =	shalt  }
0x55: {  	_ =	shalt  }
0x56: {  	_ =	shalt  }
0x57: {  	_ =	shalt  }
0x58: {  	_ =	shalt  }
0x59: {  	_ =	shalt  }
0x5a: {  	_ =	shalt  }
0x5b: {  	_ =	shalt  }
0x5c: {  	_ =	shalt  }
0x5d: {  	_ =	shalt  }
0x5e: {  	_ =	shalt  }
0x5f: {  	_ =	shalt  }
0x60: {  	_ =	shalt  }
0x61: {  	_ =	shalt  }
0x62: {  	_ =	shalt  }
0x63: {  	_ =	shalt  }
0x64: {  	_ =	shalt  }
0x65: {  	_ =	shalt  }
0x66: {  	_ =	shalt  }
0x67: {  	_ =	shalt  }
0x68: {  	_ =	shalt  }
0x69: {  	_ =	shalt  }
0x6a: {  	_ =	shalt  }
0x6b: {  	_ =	shalt  }
0x6c: {  	_ =	shalt  }
0x6d: {  	_ =	shalt  }
0x6e: {  	_ =	shalt  }
0x6f: {  	_ =	shalt  }
0x70: {  	_ =	shalt  }
0x71: {  	_ =	shalt  }
0x72: {  	_ =	shalt  }
0x73: {  	_ =	shalt  }
0x74: {  	_ =	shalt  }
0x75: {  	_ =	shalt  }
0x76: {  	_ =	shalt  }
0x77: {  	_ =	shalt  }
0x78: {  	_ =	shalt  }
0x79: {  	_ =	shalt  }
0x7a: {  	_ =	shalt  }
0x7b: {  	_ =	shalt  }
0x7c: {  	_ =	shalt  }
0x7d: {  	_ =	shalt  }
0x7e: {  	_ =	shalt  }
0x7f: {  	_ =	shalt  }
0x80: {  	_ =	shalt  }
0x81: {  	_ =	shalt  }
0x82: {  	_ =	shalt  }
0x83: {  	_ =	shalt  }
0x84: {  	_ =	shalt  }
0x85: {  	_ =	shalt  }
0x86: {  	_ =	shalt  }
0x87: {  	_ =	shalt  }
.Lfunc_end0:
.L_simem_size_0:
called_computation.3_lowered:
.L_overlay_start_0:
0x88: {  	s2 =	sld [smem:$0x3FD9]  }
0x89: {  	s3 =	sld [smem:$0x3FFE];
	_ =	sdelay $0x1  }
0x8a: {  	s1 =	srdreg.scid  }
0x8b: {  	s0 =	sand.u32 $0x1, s1  }
0x8c: {  	s17 =	sshll.u32 s0, $0xA;
	s2 =	sadd.s32 s3, s2  }
0x8d: {  	s2 =	sadd.s32 s2, s17  }
0x8e: {  	[smem:$0x3FC0] =	sst s2  }
0x8f: {  	_ = 	snop  }
0x90: {  	s2 =	sld [smem:$0x3FD0];
	(tm) =	ssettm $0x1  }
0x91: {  	s18 =	sld [smem:$0x3FFB];
	_ =	sdelay $0x3  }
0x92: {  	_ =	strace s18  }
0x93: {  	s3 =	sld [smem:$0x3FFC];
	_ =	sdelay $0x3  }
0x94: {  	_ =	strace s3  }
0x95: {  	s3 =	sld [smem:$0x3FFD];
	_ =	sdelay $0x3  }
0x96: {  	_ =	strace s3  }
0x97: {  	_ =	strace $0x8FFFFFFF  }
0x98: {  	s19 =	sld [smem:$0x3FDB];
	_ =	sdelay $0x1  }
0x99: {  	s4 =	simm.s32 $_scs_section_size  }
0x9a: {  	s5 =	simm.s32 $_size__tile_overlayer_lowered;
	s6 =	simm.s32 $_tile_overlayer_lowered  }
0x9b: {  	s22 =	simm.s32 $0x1BFF;
	s21 =	sshll.u32 s6, $0x1;
	s3 =	sadd.s32 s4, s19  }
0x9c: {  	s7 =	simm.s32 $0x0;
	s20 =	sshll.u32 s5, $0x1;
	s5 =	sadd.s32 s21, s3  }
0x9d: {  	[timem:s7], [sflag:s22] =	dma.local [hbm:s5], s20  }
0x9e: {  	_ =	swait.ge [sflag:s22], s20  }
0x9f: {  	s4 =	ssub.s32 $0x0, s20;
	[sflag:s22] =	ssyncset.done $0x0  }
0xa0: {  	[sflag:s22] =	ssyncadd.s32 s4;
	_ =	sdelay $0x1  }
0xa1: {  	s23 =	simm.s32 $0x1B8B  }
0xa2: {  	_ =	swait.ge [sflag:s23], $0x1  }
0xa3: {  	[sflag:s23] =	ssyncset.done $0x0  }
0xa4: {  	s25 =	simm.s32 $0x1B8E;
	s24 =	sld [smem:$0x3FFE];
	[sflag:s23] =	ssyncadd.s32 $0xFFFFFFFF  }
0xa5: {  	s26 =	simm.s32 $execute0_lowered;
	[smem:$0x3FD2] =	sst s25  }
0xa6: {  	s5 =	sshll.u32 s26, $0x1;
	_ =	strace $0x8000004F;
	[dreg:$0x1] =	wrdreg $0xFFFFFFFF  }
0xa7: {  	s28 =	simm.s32 $_size_execute0_lowered;
	s3 =	sadd.s32 s3, s5;
	[dreg:$0x0] =	wrdreg $0x0  }
0xa8: {  	s5 =	sshll.u32 s28, $0x1;
	[dreg:$0x2] =	wrdreg s3  }
0xa9: {  	[dreg:$0x3] =	wrdreg s5  }
0xaa: {  	[dreg:$0x4] =	wrdreg $0xC0  }
0xab: {  	_ =	task [dreg:s7], $0x5FFFF  }
0xac: {  	[dreg:$0x1] =	wrdreg $0xFFFFFFFF  }
0xad: {  	[dreg:$0x0] =	wrdreg $0x60  }
0xae: {  	[dreg:$0x2] =	wrdreg s24  }
0xaf: {  	[dreg:$0x3] =	wrdreg s2  }
0xb0: {  	[dreg:$0x4] =	wrdreg $0x76200  }
0xb1: {  	[dreg:$0x5] =	wrdreg $0x9  }
0xb2: {  	_ =	task.clear_ibuf [dreg:s7], $0x6FFFF;
	_ =	strace $0x9000004F  }
0xb3: {  	s29 =	simm.s32 $0x9;
	_ =	strace $0x80000051  }
0xb4: {  	_ =	swait.ge [sflag:s29], $0x1  }
0xb5: {  	[sflag:s29] =	ssyncadd.s32 $0xFFFFFFFF  }
0xb6: {  	_ =	strace $0x90000051  }
0xb7: {  	_ =	sfence  }
0xb8: {  	s30 =	sld [smem:$0x0];
	_ =	sdelay $0x2  }
0xb9: {  	s31 =	sshll.u32 s1, $0xD;
	s1 =	sshrl.u32 s1, $0x2  }
0xba: {  	s3 =	sand.u32 $0x4000, s31;
	s1 =	sadd.s32 s1, s30  }
0xbb: {  	s0 =	sor.u32 s3, s0;
	s1 =	sshll.u32 s1, $0x11  }
0xbc: {  	s0 =	sor.u32 s1, s0  }
0xbd: {  	s0 =	sadd.s32 $0x8F2B, s0  }
0xbe: {  	[sflag:s0] =	ssyncadd.remote.s32 $0x1  }
0xbf: {  	_ =	sfence.sel $0xFFFF  }
0xc0: {  	[dreg:$0x0] =	wrdreg $0xFFFFFFFF;
	(pc) =	sbr.abs _section_cstart, $3  }
0xc1: {  	[dreg:$0x1] =	wrdreg $0xFFFFFFFF  }
0xc2: {  	_ =	task.clear_ibuf [dreg:s7], $0x2FFFF;
	_ =	strace $0x9FFFFFFF  }
0xc3: {  	(tm) =	ssettm $0x7FFFFFFF  }
tec
execute0_lowered:
.L_overlay_start_1:
0x0: {  	(tag) =	ssettag $0x1  }
0x1: {  	s0 =	rddreg [dreg:$0x0]  }
0x2: {  	s2 =	rddreg [dreg:$0x1]  }
0x3: {  	s1 =	rddreg [dreg:$0x2]  }
0x4: {  	s3 =	simm.s32 $0x0;
	s4 =	srdreg.scid;
	s8 =	stileid.u32  }
0x5: {  	s28 =	simm.s32 $0x50;
	s29 =	simm.s32 $0x6220;
	s30 =	simm.s32 $0x1  }
0x6: {  	s31 =	simm.s32 $0x2;
	[smem:$0x7FF] =	sst s3;
	s10 =	sand.u32 $0x1, s4  }
0x7: {  	s4 =	sadd.s32 $0x2C00, s0;
	s13 =	smul.u32 $0x9E00, s8;
	s0 =	sadd.s32 $0x16600, s0  }
0x8: {  	_ =	strace $0x80000050;
	s5 =	ssub.s32 $0x2, s10;
	s7 =	sshll.u32 s10, $0x4  }
0x9: {  	s22 =	smul.u32 $0x9E000, s10;
	s6 =	sshrl.u32 s5, $0x1;
	s11 =	sor.u32 s8, s7  }
0xa: {  	s15 =	sadd.s32 $0x1400, s13;
	s17 =	sadd.s32 $0x2800, s13;
	s18 =	sadd.s32 $0x3C00, s13  }
0xb: {  	s19 =	sadd.s32 $0x5000, s13;
	s20 =	sadd.s32 $0x6400, s13;
	s21 =	sadd.s32 $0x7800, s13  }
0xc: {  	s23 =	sadd.s32 $0x8C00, s13;
	s14 =	ssub.s32 s5, s6;
	s5 =	sadd.s32 s13, s1  }
0xd: {  	s6 =	sadd.s32 s15, s1;
	s7 =	sadd.s32 s17, s1;
	s8 =	sadd.s32 s18, s1  }
0xe: {  	s9 =	sadd.s32 s19, s1;
	s16 =	smul.u32 $0x2710, s11;
	s10 =	sadd.s32 s20, s1  }
0xf: {  	s11 =	sadd.s32 s21, s1;
	s12 =	sadd.s32 s23, s1;
	s24 =	sadd.s32 s13, s22  }
0x10: {  	s25 =	sadd.s32 s22, s15;
	s17 =	sadd.s32 s22, s17;
	s18 =	sadd.s32 s22, s18  }
0x11: {  	s19 =	sadd.s32 s22, s19;
	s24 =	sshrl.u32 s24, $0x3;
	s18 =	sshrl.u32 s18, $0x3  }
0x12: {  	s19 =	sshrl.u32 s19, $0x3;
	s16 =	sshrl.u32 s16, $0x3;
	s18 =	sadd.s32 s0, s18  }
0x13: {  	s19 =	sadd.s32 s0, s19;
	s13 =	sadd.s32 s2, s16;
	s2 =	sadd.s32 s0, s24  }
0x14: {  	s16 =	sshrl.u32 s25, $0x3;
	s24 =	sadd.s32 s22, s20;
	s25 =	sadd.s32 s22, s21  }
0x15: {  	s22 =	sadd.s32 s22, s23;
	s23 =	smax.u32 s14, $0x1;
	s26 =	sadd.s32 $0x9C40, s13  }
0x16: {  	[dreg:$0x5] =	wrdreg s2;
	s16 =	sadd.s32 s0, s16;
	s2 =	sshrl.u32 s17, $0x3  }
0x17: {  	s21 =	sshrl.u32 s25, $0x3;
	s25 =	simm.s32 $0x5;
	[dreg:$0x4] =	wrdreg s26  }
0x18: {  	s17 =	sadd.s32 s0, s2;
	s2 =	sshrl.u32 s24, $0x3;
	s21 =	sadd.s32 s0, s21  }
0x19: {  	s26 =	sshrl.u32 s22, $0x3;
	s24 =	simm.s32 $0x4E20;
	s20 =	sadd.s32 s0, s2  }
0x1a: {  	v0 =	vimm.f32 $0.0e+00;
	s22 =	sadd.s32 s0, s26;
	s0 =	simm.s32 $0x3;
	s2 =	simm.s32 $0x4  }
.LBB2_1:
0x1b: {  	s14 =	simm.s32 $0x100;
	s26 =	simm.s32 $0x0  }
.LBB2_2:
0x1c: {  	p0 =	sne.s32 s14, $0x4F00;
	[tilespmem:s26+$0x4E50] =	vst v0;
	s15 =	smov.u32 s14;
	s14 =	sadd.s32 $0x100, s14  }
.Ltmp0:
0x1d: {  	[tilespmem:s26+$0x4E40] =	vst v0;
	(pc) =	sbr.rel @p0 .LBB2_2-.Ltmp0, $3  }
0x1e: {  	[tilespmem:s26+$0x4E20] =	vst v0  }
0x1f: {  	[tilespmem:s26+$0x4E30] =	vst v0;
	_ =	sdelay $0x1  }
0x20: {  	s26 =	sshra.s32 s15, $0x2  }
0x21: {  	[tilespmem:s26+$0x4E50] =	vst v0  }
0x22: {  	[tilespmem:s26+$0x4E40] =	vst v0  }
0x23: {  	[tilespmem:s26+$0x4E20] =	vst v0  }
0x24: {  	[tilespmem:s26+$0x4E30] =	vst v0  }
0x25: {  	[spmem:s5] =	stream.linear.scatter [tilespmem:s24], [sflag:$0x5], $0x1400, $0x38;
	[tilespmem:$0x11420] =	vst v63  }
0x26: {  	_ =	swait.ge [sflag:s25], $0x1400  }
0x27: {  	[sflag:s25] =	ssyncset.done $0x0  }
0x28: {  	[sflag:s25] =	ssyncadd.s32 $0xFFFFEC00  }
0x29: {  	[spmem:s6] =	stream.linear.scatter [tilespmem:s24], [sflag:$0x5], $0x1400, $0x38;
	[tilespmem:$0x11420] =	vst v63  }
0x2a: {  	_ =	swait.ge [sflag:s25], $0x1400  }
0x2b: {  	[sflag:s25] =	ssyncset.done $0x0  }
0x2c: {  	[sflag:s25] =	ssyncadd.s32 $0xFFFFEC00  }
0x2d: {  	[spmem:s7] =	stream.linear.scatter [tilespmem:s24], [sflag:$0x5], $0x1400, $0x38;
	[tilespmem:$0x11420] =	vst v63  }
0x2e: {  	_ =	swait.ge [sflag:s25], $0x1400  }
0x2f: {  	[sflag:s25] =	ssyncset.done $0x0  }
0x30: {  	[sflag:s25] =	ssyncadd.s32 $0xFFFFEC00  }
0x31: {  	[spmem:s8] =	stream.linear.scatter [tilespmem:s24], [sflag:$0x5], $0x1400, $0x38;
	[tilespmem:$0x11420] =	vst v63  }
0x32: {  	_ =	swait.ge [sflag:s25], $0x1400  }
0x33: {  	[sflag:s25] =	ssyncset.done $0x0  }
0x34: {  	[sflag:s25] =	ssyncadd.s32 $0xFFFFEC00  }
0x35: {  	[spmem:s9] =	stream.linear.scatter [tilespmem:s24], [sflag:$0x5], $0x1400, $0x38;
	[tilespmem:$0x11420] =	vst v63  }
0x36: {  	_ =	swait.ge [sflag:s25], $0x1400  }
0x37: {  	[sflag:s25] =	ssyncset.done $0x0  }
0x38: {  	[sflag:s25] =	ssyncadd.s32 $0xFFFFEC00  }
0x39: {  	[spmem:s10] =	stream.linear.scatter [tilespmem:s24], [sflag:$0x5], $0x1400, $0x38;
	[tilespmem:$0x11420] =	vst v63  }
0x3a: {  	_ =	swait.ge [sflag:s25], $0x1400  }
0x3b: {  	[sflag:s25] =	ssyncset.done $0x0  }
0x3c: {  	[sflag:s25] =	ssyncadd.s32 $0xFFFFEC00  }
0x3d: {  	[spmem:s11] =	stream.linear.scatter [tilespmem:s24], [sflag:$0x5], $0x1400, $0x38;
	[tilespmem:$0x11420] =	vst v63  }
0x3e: {  	_ =	swait.ge [sflag:s25], $0x1400  }
0x3f: {  	[sflag:s25] =	ssyncset.done $0x0  }
0x40: {  	[sflag:s25] =	ssyncadd.s32 $0xFFFFEC00  }
0x41: {  	[spmem:s12] =	stream.linear.scatter [tilespmem:s24], [sflag:$0x5], $0x1200, $0x38;
	[tilespmem:$0x11420] =	vst v63  }
0x42: {  	_ =	swait.ge [sflag:s25], $0x1200  }
0x43: {  	[sflag:s25] =	ssyncset.done $0x0  }
0x44: {  	s14 =	simm.s32 $0x0;
	[sflag:s25] =	ssyncadd.s32 $0xFFFFEE00  }
0x45: {  	[tilespmem:s14], [sflag:$0x5] =	stream.linear.gather [hbm4b:s13+s14], $0x2710, $0x38;
	[tilespmem:$0x11420] =	vst v63  }
0x46: {  	_ =	swait.ge [sflag:s25], $0x2710  }
0x47: {  	[sflag:s25] =	ssyncset.done $0x0  }
0x48: {  	s26 =	simm.s32 $0x2710;
	s15 =	rddreg [dreg:$0x4];
	[sflag:s25] =	ssyncadd.s32 $0xFFFFD8F0  }
0x49: {  	[tilespmem:s26], [sflag:$0x5] =	stream.linear.gather [hbm4b:s15+s14], $0x2710, $0x38;
	[tilespmem:$0x11420] =	vst v63  }
0x4a: {  	_ =	swait.ge [sflag:s25], $0x2710  }
0x4b: {  	[sflag:s25] =	ssyncset.done $0x0  }
0x4c: {  	[sflag:s25] =	ssyncadd.s32 $0xFFFFD8F0  }
0x4d: {  	[bflag:$0x0] =	sbarrier.arrive $0xFFFF  }
0x4e: {  	[tilespmem:s24], [sflag:$0x1] =	stream.indirect.gather [hbm4b:s4+s28], $0x40, s14, s28, $0xb8;
	[tilespmem:$0x11420] =	vst v63  }
0x4f: {  	_ = 	snop  }
0x50: {  	[tilespmem:s29], [sflag:$0x2] =	stream.indirect.gather [hbm4b:s4+s28], $0x40, s28, s28, $0xb8;
	[tilespmem:$0x11420] =	vst v63  }
0x51: {  	_ =	swait.ge [sflag:s30], $0x1400  }
0x52: {  	[sflag:s30] =	ssyncset.done $0x0  }
0x53: {  	s26 =	simm.s32 $0x2710;
	[sflag:s30] =	ssyncadd.s32 $0xFFFFEC00  }
0x54: {  	[spmem:s1] =	stream.indirect.scatter.add.f32 [tilespmem:s24], [sflag:$0x3], $0x40, s26, s28, $0xb8;
	[tilespmem:$0x11420] =	vst v63  }
0x55: {  	_ =	swait.ge [sflag:s31], $0x1400  }
0x56: {  	[sflag:s31] =	ssyncset.done $0x0  }
0x57: {  	s15 =	simm.s32 $0x2760;
	[sflag:s31] =	ssyncadd.s32 $0xFFFFEC00  }
0x58: {  	[spmem:s1] =	stream.indirect.scatter.add.f32 [tilespmem:s29], [sflag:$0x4], $0x40, s15, s28, $0xb8;
	[tilespmem:$0x11420] =	vst v63  }
0x59: {  	_ =	swait.ge [sflag:s0], $0x1400  }
0x5a: {  	[sflag:s0] =	ssyncset.done $0x0  }
0x5b: {  	s26 =	simm.s32 $0xA0;
	[sflag:s0] =	ssyncadd.s32 $0xFFFFEC00  }
0x5c: {  	[tilespmem:s24], [sflag:$0x1] =	stream.indirect.gather [hbm4b:s4+s28], $0x40, s26, s28, $0xb8;
	[tilespmem:$0x11420] =	vst v63  }
0x5d: {  	_ =	swait.ge [sflag:s2], $0x1400  }
0x5e: {  	[sflag:s2] =	ssyncset.done $0x0  }
0x5f: {  	s14 =	simm.s32 $0xF0;
	s26 =	simm.s32 $0x280;
	[sflag:s2] =	ssyncadd.s32 $0xFFFFEC00  }
.LBB2_4:
0x60: {  	[tilespmem:s29], [sflag:$0x2] =	stream.indirect.gather [hbm4b:s4+s28], $0x40, s14, s28, $0xb8;
	[tilespmem:$0x11420] =	vst v63  }
0x61: {  	s14 =	smov.u32 s26  }
0x62: {  	p0 =	sne.s32 s26, $0x9600;
	s26 =	sadd.s32 $0x280, s26;
	_ =	swait.ge [sflag:s30], $0x1400  }
0x63: {  	s14 =	sshra.s32 s14, $0x2;
	[sflag:s30] =	ssyncset.done $0x0  }
0x64: {  	s15 =	sadd.s32 $0x2710, s14;
	[sflag:s30] =	ssyncadd.s32 $0xFFFFEC00  }
0x65: {  	[spmem:s1] =	stream.indirect.scatter.add.f32 [tilespmem:s24], [sflag:$0x3], $0x40, s15, s28, $0xb8;
	[tilespmem:$0x11420] =	vst v63  }
0x66: {  	_ =	swait.ge [sflag:s31], $0x1400  }
0x67: {  	[sflag:s31] =	ssyncset.done $0x0  }
0x68: {  	s15 =	sadd.s32 $0x2760, s14;
	[sflag:s31] =	ssyncadd.s32 $0xFFFFEC00  }
0x69: {  	[spmem:s1] =	stream.indirect.scatter.add.f32 [tilespmem:s29], [sflag:$0x4], $0x40, s15, s28, $0xb8;
	[tilespmem:$0x11420] =	vst v63  }
0x6a: {  	_ =	swait.ge [sflag:s0], $0x1400  }
0x6b: {  	[sflag:s0] =	ssyncset.done $0x0  }
.Ltmp1:
0x6c: {  	s15 =	sadd.s32 $0xA0, s14;
	[sflag:s0] =	ssyncadd.s32 $0xFFFFEC00;
	(pc) =	sbr.rel @p0 .LBB2_4-.Ltmp1, $4  }
0x6d: {  	[tilespmem:s24], [sflag:$0x1] =	stream.indirect.gather [hbm4b:s4+s28], $0x40, s15, s28, $0xb8;
	[tilespmem:$0x11420] =	vst v63  }
0x6e: {  	_ =	swait.ge [sflag:s2], $0x1400  }
0x6f: {  	[sflag:s2] =	ssyncset.done $0x0  }
0x70: {  	s14 =	sadd.s32 $0xF0, s14;
	[sflag:s2] =	ssyncadd.s32 $0xFFFFEC00  }
0x71: {  	[tilespmem:s29], [sflag:$0x2] =	stream.indirect.gather [hbm4b:s4+s28], $0x40, s14, s28, $0xb8;
	[tilespmem:$0x11420] =	vst v63  }
0x72: {  	_ =	swait.ge [sflag:s30], $0x1400  }
0x73: {  	[sflag:s30] =	ssyncset.done $0x0  }
0x74: {  	s15 =	simm.s32 $0x4D30;
	[sflag:s30] =	ssyncadd.s32 $0xFFFFEC00  }
0x75: {  	[spmem:s1] =	stream.indirect.scatter.add.f32 [tilespmem:s24], [sflag:$0x3], $0x40, s15, s28, $0xb8;
	[tilespmem:$0x11420] =	vst v63  }
0x76: {  	_ =	swait.ge [sflag:s31], $0x1400  }
0x77: {  	[sflag:s31] =	ssyncset.done $0x0  }
0x78: {  	s26 =	simm.s32 $0x4D80;
	[sflag:s31] =	ssyncadd.s32 $0xFFFFEC00  }
0x79: {  	[spmem:s1] =	stream.indirect.scatter.add.f32 [tilespmem:s29], [sflag:$0x4], $0x40, s26, s28, $0xb8;
	[tilespmem:$0x11420] =	vst v63  }
0x7a: {  	_ =	swait.ge [sflag:s0], $0x1400  }
0x7b: {  	[sflag:s0] =	ssyncset.done $0x0  }
0x7c: {  	s15 =	simm.s32 $0x26C0;
	[sflag:s0] =	ssyncadd.s32 $0xFFFFEC00  }
0x7d: {  	[tilespmem:s24], [sflag:$0x1] =	stream.indirect.gather [hbm4b:s4+s28], $0x40, s15, s28, $0xb8;
	[tilespmem:$0x11420] =	vst v63  }
0x7e: {  	_ =	swait.ge [sflag:s2], $0x1400  }
0x7f: {  	[sflag:s2] =	ssyncset.done $0x0  }
0x80: {  	[sflag:s2] =	ssyncadd.s32 $0xFFFFEC00  }
0x81: {  	_ =	swait.ge [sflag:s30], $0x1400  }
0x82: {  	[sflag:s30] =	ssyncset.done $0x0  }
0x83: {  	s26 =	simm.s32 $0x4DD0;
	[sflag:s30] =	ssyncadd.s32 $0xFFFFEC00  }
0x84: {  	[spmem:s1] =	stream.indirect.scatter.add.f32 [tilespmem:s24], [sflag:$0x3], $0x40, s26, s28, $0xb8;
	[tilespmem:$0x11420] =	vst v63  }
0x85: {  	_ =	swait.ge [sflag:s0], $0x1400  }
0x86: {  	[sflag:s0] =	ssyncset.done $0x0  }
0x87: {  	s15 =	stileid.u32;
	[sflag:s0] =	ssyncadd.s32 $0xFFFFEC00  }
0x88: {  	s14 =	sshll.u32 s15, $0x6;
	[bflag:$0x0] =	sbarrier.arrive $0xFFFF  }
0x89: {  	s15 =	sshrl.u32 s5, $0x3;
	s14 =	sor.u32 $0x1C05, s14;
	s26 =	rddreg [dreg:$0x5]  }
0x8a: {  	[hbm:s26], [sflag:s14] =	dma.local [spmem:s15], $0x280  }
0x8b: {  	_ =	swait.ge [sflag:s25], $0x280  }
0x8c: {  	[sflag:s25] =	ssyncset.done $0x0  }
0x8d: {  	s26 =	sshrl.u32 s6, $0x3;
	[sflag:s25] =	ssyncadd.s32 $0xFFFFFD80  }
0x8e: {  	[hbm:s16], [sflag:s14] =	dma.local [spmem:s26], $0x280  }
0x8f: {  	_ =	swait.ge [sflag:s25], $0x280  }
0x90: {  	[sflag:s25] =	ssyncset.done $0x0  }
0x91: {  	s26 =	sshrl.u32 s7, $0x3;
	[sflag:s25] =	ssyncadd.s32 $0xFFFFFD80  }
0x92: {  	[hbm:s17], [sflag:s14] =	dma.local [spmem:s26], $0x280  }
0x93: {  	_ =	swait.ge [sflag:s25], $0x280  }
0x94: {  	[sflag:s25] =	ssyncset.done $0x0  }
0x95: {  	s26 =	sshrl.u32 s8, $0x3;
	[sflag:s25] =	ssyncadd.s32 $0xFFFFFD80  }
0x96: {  	[hbm:s18], [sflag:s14] =	dma.local [spmem:s26], $0x280  }
0x97: {  	_ =	swait.ge [sflag:s25], $0x280  }
0x98: {  	[sflag:s25] =	ssyncset.done $0x0  }
0x99: {  	s26 =	sshrl.u32 s9, $0x3;
	[sflag:s25] =	ssyncadd.s32 $0xFFFFFD80  }
0x9a: {  	[hbm:s19], [sflag:s14] =	dma.local [spmem:s26], $0x280  }
0x9b: {  	_ =	swait.ge [sflag:s25], $0x280  }
0x9c: {  	[sflag:s25] =	ssyncset.done $0x0  }
0x9d: {  	s26 =	sshrl.u32 s10, $0x3;
	[sflag:s25] =	ssyncadd.s32 $0xFFFFFD80  }
0x9e: {  	[hbm:s20], [sflag:s14] =	dma.local [spmem:s26], $0x280  }
0x9f: {  	_ =	swait.ge [sflag:s25], $0x280  }
0xa0: {  	[sflag:s25] =	ssyncset.done $0x0  }
0xa1: {  	s26 =	sshrl.u32 s11, $0x3;
	[sflag:s25] =	ssyncadd.s32 $0xFFFFFD80  }
0xa2: {  	[hbm:s21], [sflag:s14] =	dma.local [spmem:s26], $0x280  }
0xa3: {  	s3 =	sadd.s32 $0x1, s3;
	_ =	swait.ge [sflag:s25], $0x280  }
0xa4: {  	p0 =	sne.s32 s3, s23;
	[sflag:s25] =	ssyncset.done $0x0  }
.Ltmp2:
0xa5: {  	s26 =	sshrl.u32 s12, $0x3;
	[sflag:s25] =	ssyncadd.s32 $0xFFFFFD80;
	(pc) =	sbr.rel @p0 .LBB2_1-.Ltmp2, $4  }
0xa6: {  	[hbm:s22], [sflag:s14] =	dma.local [spmem:s26], $0x240  }
0xa7: {  	_ =	swait.ge [sflag:s25], $0x240  }
0xa8: {  	[sflag:s25] =	ssyncset.done $0x0  }
0xa9: {  	[sflag:s25] =	ssyncadd.s32 $0xFFFFFDC0  }
0xaa: {  	_ =	sfence.sel $0x180000  }
0xab: {  	[bflag:$0x0] =	sbarrier.arrive $0xFFFF  }
0xac: {  	_ =	strace $0x90000050  }
0xad: {  	s0 =	stileid.u32;
	[bflag:$0x2] =	sbarrier.arrive $0xFFFF  }
0xae: {  	p0 =	sne.s32 s0, $0x0;
	s0 =	rddreg [dreg:$0x3]  }
0xaf: {  	s0 =	sadd.s32 @!p0 $0x100000, s0  }
0xb0: {  	[sflag:s0] =	ssyncadd.tile.s32 @!p0 $0x1;
	_ =	shalt  }
.Lfunc_end2:
_tile_overlayer_lowered:
.L_overlay_start_2:
0xb1: {  	(tag) =	ssettag $0x2  }
0xb2: {  	s0 =	rddreg [dreg:$0x0];
	s2 =	stileid.u32  }
0xb3: {  	s1 =	rddreg [dreg:$0x1];
	p0 =	sne.s32 s2, $0x0  }
0xb4: {  	s3 =	rddreg [dreg:$0x2];
	[bflag:$0x3] =	sbarrier.arrive $0xFFFF;
	s2 =	simm.s32 @!p0 $0x1C05  }
0xb5: {  	[timem:s3], [sflag:s2] =	dma.local @!p0 [hbm:s0], s1  }
0xb6: {  	s0 =	simm.s32 @!p0 $0x5  }
0xb7: {  	_ =	swait.ge @!p0 [sflag:s0], s1  }
0xb8: {  	s1 =	ssub.s32 @!p0 $0x0, s1;
	[sflag:s0] =	ssyncset.done @!p0 $0x0  }
0xb9: {  	[sflag:s0] =	ssyncadd.s32 @!p0 s1  }
0xba: {  	[bflag:$0x3] =	sbarrier.arrive $0xFFFF  }
0xbb: {  	_ =	shalt  }

</sc_bundles>
